<compile_context>
chip_gen: v7x
topology: tpu7x:2x2x1
jax: 0.10.2.dev20260603
libtpu: 0.0.44.dev20260713+nightly
codegen_flags: <defaults>
</compile_context>

<pallas_src>
import functools
import jax
import jax.numpy as jnp
from jax import lax
from jax.experimental import pallas as pl
from jax.experimental.pallas import tpu as pltpu
from jax.experimental.pallas import tpu_sc as plsc

B, N = 1024, 128
D = 128
ROWS = B * N
NW = 32
ROWS_PER_W = ROWS // NW
C = 256
BPC = C // N
NCHUNK = ROWS_PER_W // C
CPG = 8 // BPC
NGROUP = NCHUNK // CPG
GROUPS = C // 16

_mesh = plsc.VectorSubcoreMesh(core_axis_name="c", subcore_axis_name="s")


@functools.partial(
    pl.kernel,
    out_type=jax.ShapeDtypeStruct((ROWS, D), jnp.float32),
    mesh=_mesh,
    scratch_types=[
        pltpu.VMEM((2, 8, 128), jnp.int32),
        pltpu.VMEM((2, C, D), jnp.float32),
        pltpu.VMEM((2, 3, 8, N), jnp.float32),
        pltpu.VMEM_SHARED((119, 128), jnp.float32),
        pltpu.SemaphoreType.DMA,
        pltpu.SemaphoreType.DMA,
        pltpu.SemaphoreType.DMA,
        pltpu.SemaphoreType.DMA,
    ],
    compiler_params=pltpu.CompilerParams(needs_layout_passes=False),
)
def _sc_encode(
    tbl_hbm, h_hbm, pos_hbm, out_hbm, idx_v, rows_v, pos_v, tbl_sh, g0, g1, o0, o1
):
    wid = lax.axis_index("s") * 2 + lax.axis_index("c")
    gsem = (g0, g1)
    osem = (o0, o1)

    @pl.when(lax.axis_index("s") == 0)
    def _stage():
        pltpu.sync_copy(tbl_hbm, tbl_sh)

    plsc.subcore_barrier()

    lane = jax.lax.broadcasted_iota(jnp.int32, (16,), 0)
    colvec = [lane * 0 + c for c in range(3)]

    def gather_descs(g, p):
        q = (g // CPG) % 2
        boff = (g % CPG) * BPC
        return [
            pltpu.make_async_copy(
                tbl_sh.at[idx_v.at[q, boff + j]],
                rows_v.at[p, pl.ds(j * 128, 128)],
                gsem[p],
            )
            for j in range(BPC)
        ]

    def out_desc(g, p):
        base = wid * ROWS_PER_W + g * C
        return pltpu.make_async_copy(
            rows_v.at[p], out_hbm.at[pl.ds(base, C)], osem[p]
        )

    def load_chunk(g, p):
        if g % CPG == 0:
            q = (g // CPG) % 2
            brow = wid * (ROWS_PER_W // N) + (g // CPG) * 8
            pltpu.sync_copy(h_hbm.at[pl.ds(brow, 8)], idx_v.at[q])
            for c in range(3):
                pltpu.sync_copy(pos_hbm.at[c, pl.ds(brow, 8)], pos_v.at[q, c])
        for d in gather_descs(g, p):
            d.start()

    def merge(g, p):
        q = (g // CPG) % 2
        boff = (g % CPG) * BPC

        def body(gr, carry):
            lb = boff + gr // 8
            off = (gr % 8) * 16
            rvec = lane + gr * 16
            for c in range(3):
                vals = pos_v[q, c, lb, pl.ds(off, 16)]
                plsc.store_scatter(rows_v.at[p], [rvec, colvec[c]], vals)
            return carry

        lax.fori_loop(0, GROUPS, body, 0)

    load_chunk(0, 0)
    for g in range(NCHUNK):
        p = g % 2
        for d in gather_descs(g, p):
            d.wait()
        if g + 1 < NCHUNK:
            if g >= 1:
                out_desc(g - 1, 1 - p).wait()
            load_chunk(g + 1, 1 - p)
        merge(g, p)
        out_desc(g, p).start()
    out_desc(NCHUNK - 1, (NCHUNK - 1) % 2).wait()


def kernel(pos, h, adj, embedding):
    emb0 = embedding.at[0].set(0.0)
    tbl = jnp.concatenate(
        [jnp.zeros((emb0.shape[0], 3), jnp.float32), emb0], axis=1
    )
    out = _sc_encode(tbl, h, jnp.transpose(pos, (2, 0, 1)))
    return out.reshape(B, N, D)

# --- scband reference (transcript-rebuilt; emitter-appended) ---
"""Pipeline reference for scband-encoder-3118146257435 (READ-ONLY COPY).

The authoritative reference and input builder live on the scoring server;
editing this copy changes nothing except your own understanding.
"""

import jax, jax.numpy as jnp
import numpy as np

MAX_Z = 119
FEAT_DIM = 128
N_ATOM_EMBED = FEAT_DIM - 3  # Euclidean manifold => feat_dim - 3
B, N = 1024, 128

def setup_inputs(seed: int = 0) -> dict:
    key = jax.random.key(seed)
    k1, k2, k3, k4 = jax.random.split(key, 4)
    pos = jax.random.normal(k1, (B, N, 3), dtype=jnp.float32)
    h = jax.random.randint(k2, (B, N), 0, MAX_Z, dtype=jnp.int32)
    adj = jax.random.uniform(k3, (B, N, N), dtype=jnp.float32)
    embedding = jax.random.normal(k4, (MAX_Z, N_ATOM_EMBED), dtype=jnp.float32) * 0.02
    return {"pos": pos, "h": h, "adj": adj, "embedding": embedding}

def reference(pos, h, adj, embedding):
    # nn.Embedding with padding_idx=0: row 0 is pinned to zeros
    table = embedding.at[0].set(0.0)
    emb = jnp.take(table, h, axis=0)              # [B, N, 125] gather (embedding lookup)
    hcat = jnp.concatenate([pos, emb], axis=2)    # [B, N, 128]
    # manifold == 'Euclidean' => no Hyperboloid zero-column prepend.
    # encode(): abstract in this class (self.layers undefined); treated as identity.
    # adj is accepted (part of the forward signature) but unused by the abstract base.
    return hcat

if __name__ == "__main__":
    import jax
    _d = setup_inputs()
    print(jax.jit(kernel)(*tuple(_d.values())))

</pallas_src>

<mosaic_0001>
#map = affine_map<(d0, d1) -> (0, 0)>
#map1 = affine_map<(d0, d1) -> (0, 0, 0)>
module attributes {stable_mosaic.version = 14 : i64} {
  func.func @_sc_encode(%arg0: i32, %arg1: i32, %arg2: memref<119x128xf32, #tpu.memory_space<hbm>>, %arg3: memref<1024x128xi32, #tpu.memory_space<hbm>>, %arg4: memref<3x1024x128xf32, #tpu.memory_space<hbm>>, %arg5: memref<131072x128xf32, #tpu.memory_space<hbm>>, %arg6: memref<2x8x128xi32, #tpu.memory_space<vmem>>, %arg7: memref<2x256x128xf32, #tpu.memory_space<vmem>>, %arg8: memref<2x3x8x128xf32, #tpu.memory_space<vmem>>, %arg9: memref<119x128xf32, #tpu.memory_space<vmem_shared>>, %arg10: memref<!tpu.dma_semaphore, #tpu.memory_space<semaphore_mem>>, %arg11: memref<!tpu.dma_semaphore, #tpu.memory_space<semaphore_mem>>, %arg12: memref<!tpu.dma_semaphore, #tpu.memory_space<semaphore_mem>>, %arg13: memref<!tpu.dma_semaphore, #tpu.memory_space<semaphore_mem>>) attributes {dimension_semantics = [#tpu.dimension_semantics<core_parallel>, #tpu.dimension_semantics<subcore_parallel>], iteration_bounds = array<i64: 2, 16>, scalar_prefetch = 0 : i64, scratch_operands = 8 : i64, tpu.core_type = #tpu.core_type<sc_vector_subcore>, window_params = [{transform_indices = #map}, {transform_indices = #map}, {transform_indices = #map1}, {transform_indices = #map}]} {
    %mul3A = arith.constant 2 : i32
    %mul3A_0 = arith.muli %arg1, %mul3A : i32
    %add3A = arith.addi %mul3A_0, %arg0 : i32
    %eq3A = arith.constant 0 : i32
    %eq3A_1 = arith.cmpi eq, %arg1, %eq3A : i32
    %convert_element_type3A = arith.extui %eq3A_1 : i1 to i32
    %cond3A = arith.constant 0 : i32
    %cond3A_2 = arith.cmpi ne, %convert_element_type3A, %cond3A : i32
    scf.if %cond3A_2 {
      "tpu.region"() ({
        %run_scoped3A_1528 = tpu.sem_alloc : memref<!tpu.dma_semaphore, #tpu.memory_space<semaphore_mem>>
        tpu.enqueue_dma source(%arg2 : memref<119x128xf32, #tpu.memory_space<hbm>>) target(%arg9 : memref<119x128xf32, #tpu.memory_space<vmem_shared>>) target_semaphore(%run_scoped3A_1528 : memref<!tpu.dma_semaphore, #tpu.memory_space<semaphore_mem>>)
        tpu.wait_dma2 semaphore(%run_scoped3A_1528 : memref<!tpu.dma_semaphore, #tpu.memory_space<semaphore_mem>>) src(%arg2 : memref<119x128xf32, #tpu.memory_space<hbm>>) dst(%arg9 : memref<119x128xf32, #tpu.memory_space<vmem_shared>>)
        tpu.yield
      }) : () -> ()
    } else {
    }
    %barrier3A = arith.constant 0 : index
    tpu.barrier barrier_id(%barrier3A)
    %iota3A = tpu.iota {dimensions = array<i32: 0>} : vector<16xi32>
    %mul3A_3 = arith.constant 0 : i32
    %mul3A_4 = vector.broadcast %mul3A_3 : i32 to vector<16xi32>
    %mul3A_5 = arith.muli %iota3A, %mul3A_4 : vector<16xi32>
    %add3A_6 = arith.constant 0 : i32
    %add3A_7 = vector.broadcast %add3A_6 : i32 to vector<16xi32>
    %add3A_8 = arith.addi %mul3A_5, %add3A_7 : vector<16xi32>
    %mul3A_9 = arith.constant 0 : i32
    %mul3A_10 = vector.broadcast %mul3A_9 : i32 to vector<16xi32>
    %mul3A_11 = arith.muli %iota3A, %mul3A_10 : vector<16xi32>
    %add3A_12 = arith.constant 1 : i32
    %add3A_13 = vector.broadcast %add3A_12 : i32 to vector<16xi32>
    %add3A_14 = arith.addi %mul3A_11, %add3A_13 : vector<16xi32>
    %mul3A_15 = arith.constant 0 : i32
    %mul3A_16 = vector.broadcast %mul3A_15 : i32 to vector<16xi32>
    %mul3A_17 = arith.muli %iota3A, %mul3A_16 : vector<16xi32>
    %add3A_18 = arith.constant 2 : i32
    %add3A_19 = vector.broadcast %add3A_18 : i32 to vector<16xi32>
    %add3A_20 = arith.addi %mul3A_17, %add3A_19 : vector<16xi32>
    %mul3A_21 = arith.constant 32 : i32
    %mul3A_22 = arith.muli %add3A, %mul3A_21 : i32
    %add3A_23 = arith.constant 0 : i32
    %add3A_24 = arith.addi %mul3A_22, %add3A_23 : i32
    %run_scoped3A = arith.constant 0 : i32
    "tpu.region"() ({
      %run_scoped3A_1528 = tpu.sem_alloc : memref<!tpu.dma_semaphore, #tpu.memory_space<semaphore_mem>>
      %dma_start3A_1529 = arith.constant 0 : i32
      %dma_start3A_1530 = arith.constant 0 : i32
      %dma_start3A_1531 = tpu.memref_slice %arg6[%run_scoped3A, %dma_start3A_1529, %dma_start3A_1530] : memref<2x8x128xi32, #tpu.memory_space<vmem>> -> memref<1x8x128xi32, #tpu.memory_space<vmem>>
      %dma_start3A_1532 = tpu.memref_squeeze %dma_start3A_1531 : memref<1x8x128xi32, #tpu.memory_space<vmem>> -> memref<8x128xi32, #tpu.memory_space<vmem>>
      %dma_start3A_1533 = arith.constant 0 : i32
      %dma_start3A_1534 = tpu.memref_slice %arg3[%add3A_24, %dma_start3A_1533] : memref<1024x128xi32, #tpu.memory_space<hbm>> -> memref<8x128xi32, #tpu.memory_space<hbm>>
      %dma_start3A_1535 = arith.constant 0 : i32
      %dma_start3A_1536 = arith.constant 0 : i32
      %dma_start3A_1537 = tpu.memref_slice %arg6[%run_scoped3A, %dma_start3A_1535, %dma_start3A_1536] : memref<2x8x128xi32, #tpu.memory_space<vmem>> -> memref<1x8x128xi32, #tpu.memory_space<vmem>>
      %dma_start3A_1538 = tpu.memref_squeeze %dma_start3A_1537 : memref<1x8x128xi32, #tpu.memory_space<vmem>> -> memref<8x128xi32, #tpu.memory_space<vmem>>
      %dma_start3A_1539 = arith.constant 0 : i32
      %dma_start3A_1540 = tpu.memref_slice %arg3[%add3A_24, %dma_start3A_1539] : memref<1024x128xi32, #tpu.memory_space<hbm>> -> memref<8x128xi32, #tpu.memory_space<hbm>>
      tpu.enqueue_dma source(%dma_start3A_1540 : memref<8x128xi32, #tpu.memory_space<hbm>>) target(%dma_start3A_1538 : memref<8x128xi32, #tpu.memory_space<vmem>>) target_semaphore(%run_scoped3A_1528 : memref<!tpu.dma_semaphore, #tpu.memory_space<semaphore_mem>>)
      %dma_wait3A_1541 = arith.constant 0 : i32
      %dma_wait3A_1542 = arith.constant 0 : i32
      %dma_wait3A_1543 = tpu.memref_slice %arg6[%run_scoped3A, %dma_wait3A_1541, %dma_wait3A_1542] : memref<2x8x128xi32, #tpu.memory_space<vmem>> -> memref<1x8x128xi32, #tpu.memory_space<vmem>>
      %dma_wait3A_1544 = tpu.memref_squeeze %dma_wait3A_1543 : memref<1x8x128xi32, #tpu.memory_space<vmem>> -> memref<8x128xi32, #tpu.memory_space<vmem>>
      %dma_wait3A_1545 = arith.constant 0 : i32
      %dma_wait3A_1546 = tpu.memref_slice %arg3[%add3A_24, %dma_wait3A_1545] : memref<1024x128xi32, #tpu.memory_space<hbm>> -> memref<8x128xi32, #tpu.memory_space<hbm>>
      %dma_wait3A_1547 = arith.constant 0 : i32
      %dma_wait3A_1548 = arith.constant 0 : i32
      %dma_wait3A_1549 = tpu.memref_slice %arg6[%run_scoped3A, %dma_wait3A_1547, %dma_wait3A_1548] : memref<2x8x128xi32, #tpu.memory_space<vmem>> -> memref<1x8x128xi32, #tpu.memory_space<vmem>>
      %dma_wait3A_1550 = tpu.memref_squeeze %dma_wait3A_1549 : memref<1x8x128xi32, #tpu.memory_space<vmem>> -> memref<8x128xi32, #tpu.memory_space<vmem>>
      %dma_wait3A_1551 = arith.constant 0 : i32
      %dma_wait3A_1552 = tpu.memref_slice %arg3[%add3A_24, %dma_wait3A_1551] : memref<1024x128xi32, #tpu.memory_space<hbm>> -> memref<8x128xi32, #tpu.memory_space<hbm>>
      tpu.wait_dma2 semaphore(%run_scoped3A_1528 : memref<!tpu.dma_semaphore, #tpu.memory_space<semaphore_mem>>) src(%dma_wait3A_1552 : memref<8x128xi32, #tpu.memory_space<hbm>>) dst(%dma_wait3A_1550 : memref<8x128xi32, #tpu.memory_space<vmem>>)
      tpu.yield
    }) : () -> ()
    %run_scoped3A_25 = arith.constant 0 : i32
    %run_scoped3A_26 = arith.constant 0 : i32
    %run_scoped3A_27 = arith.constant 0 : i32
    "tpu.region"() ({
      %run_scoped3A_1528 = tpu.sem_alloc : memref<!tpu.dma_semaphore, #tpu.memory_space<semaphore_mem>>
      %dma_start3A_1529 = arith.constant 0 : i32
      %dma_start3A_1530 = arith.constant 0 : i32
      %dma_start3A_1531 = tpu.memref_slice %arg8[%run_scoped3A_26, %run_scoped3A_27, %dma_start3A_1529, %dma_start3A_1530] : memref<2x3x8x128xf32, #tpu.memory_space<vmem>> -> memref<1x1x8x128xf32, #tpu.memory_space<vmem>>
      %dma_start3A_1532 = tpu.memref_squeeze %dma_start3A_1531 : memref<1x1x8x128xf32, #tpu.memory_space<vmem>> -> memref<8x128xf32, #tpu.memory_space<vmem>>
      %dma_start3A_1533 = arith.constant 0 : i32
      %dma_start3A_1534 = tpu.memref_slice %arg4[%run_scoped3A_25, %add3A_24, %dma_start3A_1533] : memref<3x1024x128xf32, #tpu.memory_space<hbm>> -> memref<1x8x128xf32, #tpu.memory_space<hbm>>
      %dma_start3A_1535 = tpu.memref_squeeze %dma_start3A_1534 : memref<1x8x128xf32, #tpu.memory_space<hbm>> -> memref<8x128xf32, #tpu.memory_space<hbm>>
      %dma_start3A_1536 = arith.constant 0 : i32
      %dma_start3A_1537 = arith.constant 0 : i32
      %dma_start3A_1538 = tpu.memref_slice %arg8[%run_scoped3A_26, %run_scoped3A_27, %dma_start3A_1536, %dma_start3A_1537] : memref<2x3x8x128xf32, #tpu.memory_space<vmem>> -> memref<1x1x8x128xf32, #tpu.memory_space<vmem>>
      %dma_start3A_1539 = tpu.memref_squeeze %dma_start3A_1538 : memref<1x1x8x128xf32, #tpu.memory_space<vmem>> -> memref<8x128xf32, #tpu.memory_space<vmem>>
      %dma_start3A_1540 = arith.constant 0 : i32
      %dma_start3A_1541 = tpu.memref_slice %arg4[%run_scoped3A_25, %add3A_24, %dma_start3A_1540] : memref<3x1024x128xf32, #tpu.memory_space<hbm>> -> memref<1x8x128xf32, #tpu.memory_space<hbm>>
      %dma_start3A_1542 = tpu.memref_squeeze %dma_start3A_1541 : memref<1x8x128xf32, #tpu.memory_space<hbm>> -> memref<8x128xf32, #tpu.memory_space<hbm>>
      tpu.enqueue_dma source(%dma_start3A_1542 : memref<8x128xf32, #tpu.memory_space<hbm>>) target(%dma_start3A_1539 : memref<8x128xf32, #tpu.memory_space<vmem>>) target_semaphore(%run_scoped3A_1528 : memref<!tpu.dma_semaphore, #tpu.memory_space<semaphore_mem>>)
      %dma_wait3A_1543 = arith.constant 0 : i32
      %dma_wait3A_1544 = arith.constant 0 : i32
      %dma_wait3A_1545 = tpu.memref_slice %arg8[%run_scoped3A_26, %run_scoped3A_27, %dma_wait3A_1543, %dma_wait3A_1544] : memref<2x3x8x128xf32, #tpu.memory_space<vmem>> -> memref<1x1x8x128xf32, #tpu.memory_space<vmem>>
      %dma_wait3A_1546 = tpu.memref_squeeze %dma_wait3A_1545 : memref<1x1x8x128xf32, #tpu.memory_space<vmem>> -> memref<8x128xf32, #tpu.memory_space<vmem>>
      %dma_wait3A_1547 = arith.constant 0 : i32
      %dma_wait3A_1548 = tpu.memref_slice %arg4[%run_scoped3A_25, %add3A_24, %dma_wait3A_1547] : memref<3x1024x128xf32, #tpu.memory_space<hbm>> -> memref<1x8x128xf32, #tpu.memory_space<hbm>>
      %dma_wait3A_1549 = tpu.memref_squeeze %dma_wait3A_1548 : memref<1x8x128xf32, #tpu.memory_space<hbm>> -> memref<8x128xf32, #tpu.memory_space<hbm>>
      %dma_wait3A_1550 = arith.constant 0 : i32
      %dma_wait3A_1551 = arith.constant 0 : i32
      %dma_wait3A_1552 = tpu.memref_slice %arg8[%run_scoped3A_26, %run_scoped3A_27, %dma_wait3A_1550, %dma_wait3A_1551] : memref<2x3x8x128xf32, #tpu.memory_space<vmem>> -> memref<1x1x8x128xf32, #tpu.memory_space<vmem>>
      %dma_wait3A_1553 = tpu.memref_squeeze %dma_wait3A_1552 : memref<1x1x8x128xf32, #tpu.memory_space<vmem>> -> memref<8x128xf32, #tpu.memory_space<vmem>>
      %dma_wait3A_1554 = arith.constant 0 : i32
      %dma_wait3A_1555 = tpu.memref_slice %arg4[%run_scoped3A_25, %add3A_24, %dma_wait3A_1554] : memref<3x1024x128xf32, #tpu.memory_space<hbm>> -> memref<1x8x128xf32, #tpu.memory_space<hbm>>
      %dma_wait3A_1556 = tpu.memref_squeeze %dma_wait3A_1555 : memref<1x8x128xf32, #tpu.memory_space<hbm>> -> memref<8x128xf32, #tpu.memory_space<hbm>>
      tpu.wait_dma2 semaphore(%run_scoped3A_1528 : memref<!tpu.dma_semaphore, #tpu.memory_space<semaphore_mem>>) src(%dma_wait3A_1556 : memref<8x128xf32, #tpu.memory_space<hbm>>) dst(%dma_wait3A_1553 : memref<8x128xf32, #tpu.memory_space<vmem>>)
      tpu.yield
    }) : () -> ()
    %run_scoped3A_28 = arith.constant 1 : i32
    %run_scoped3A_29 = arith.constant 0 : i32
    %run_scoped3A_30 = arith.constant 1 : i32
    "tpu.region"() ({
      %run_scoped3A_1528 = tpu.sem_alloc : memref<!tpu.dma_semaphore, #tpu.memory_space<semaphore_mem>>
      %dma_start3A_1529 = arith.constant 0 : i32
      %dma_start3A_1530 = arith.constant 0 : i32
      %dma_start3A_1531 = tpu.memref_slice %arg8[%run_scoped3A_29, %run_scoped3A_30, %dma_start3A_1529, %dma_start3A_1530] : memref<2x3x8x128xf32, #tpu.memory_space<vmem>> -> memref<1x1x8x128xf32, #tpu.memory_space<vmem>>
      %dma_start3A_1532 = tpu.memref_squeeze %dma_start3A_1531 : memref<1x1x8x128xf32, #tpu.memory_space<vmem>> -> memref<8x128xf32, #tpu.memory_space<vmem>>
      %dma_start3A_1533 = arith.constant 0 : i32
      %dma_start3A_1534 = tpu.memref_slice %arg4[%run_scoped3A_28, %add3A_24, %dma_start3A_1533] : memref<3x1024x128xf32, #tpu.memory_space<hbm>> -> memref<1x8x128xf32, #tpu.memory_space<hbm>>
      %dma_start3A_1535 = tpu.memref_squeeze %dma_start3A_1534 : memref<1x8x128xf32, #tpu.memory_space<hbm>> -> memref<8x128xf32, #tpu.memory_space<hbm>>
      %dma_start3A_1536 = arith.constant 0 : i32
      %dma_start3A_1537 = arith.constant 0 : i32
      %dma_start3A_1538 = tpu.memref_slice %arg8[%run_scoped3A_29, %run_scoped3A_30, %dma_start3A_1536, %dma_start3A_1537] : memref<2x3x8x128xf32, #tpu.memory_space<vmem>> -> memref<1x1x8x128xf32, #tpu.memory_space<vmem>>
      %dma_start3A_1539 = tpu.memref_squeeze %dma_start3A_1538 : memref<1x1x8x128xf32, #tpu.memory_space<vmem>> -> memref<8x128xf32, #tpu.memory_space<vmem>>
      %dma_start3A_1540 = arith.constant 0 : i32
      %dma_start3A_1541 = tpu.memref_slice %arg4[%run_scoped3A_28, %add3A_24, %dma_start3A_1540] : memref<3x1024x128xf32, #tpu.memory_space<hbm>> -> memref<1x8x128xf32, #tpu.memory_space<hbm>>
      %dma_start3A_1542 = tpu.memref_squeeze %dma_start3A_1541 : memref<1x8x128xf32, #tpu.memory_space<hbm>> -> memref<8x128xf32, #tpu.memory_space<hbm>>
      tpu.enqueue_dma source(%dma_start3A_1542 : memref<8x128xf32, #tpu.memory_space<hbm>>) target(%dma_start3A_1539 : memref<8x128xf32, #tpu.memory_space<vmem>>) target_semaphore(%run_scoped3A_1528 : memref<!tpu.dma_semaphore, #tpu.memory_space<semaphore_mem>>)
      %dma_wait3A_1543 = arith.constant 0 : i32
      %dma_wait3A_1544 = arith.constant 0 : i32
      %dma_wait3A_1545 = tpu.memref_slice %arg8[%run_scoped3A_29, %run_scoped3A_30, %dma_wait3A_1543, %dma_wait3A_1544] : memref<2x3x8x128xf32, #tpu.memory_space<vmem>> -> memref<1x1x8x128xf32, #tpu.memory_space<vmem>>
      %dma_wait3A_1546 = tpu.memref_squeeze %dma_wait3A_1545 : memref<1x1x8x128xf32, #tpu.memory_space<vmem>> -> memref<8x128xf32, #tpu.memory_space<vmem>>
      %dma_wait3A_1547 = arith.constant 0 : i32
      %dma_wait3A_1548 = tpu.memref_slice %arg4[%run_scoped3A_28, %add3A_24, %dma_wait3A_1547] : memref<3x1024x128xf32, #tpu.memory_space<hbm>> -> memref<1x8x128xf32, #tpu.memory_space<hbm>>
      %dma_wait3A_1549 = tpu.memref_squeeze %dma_wait3A_1548 : memref<1x8x128xf32, #tpu.memory_space<hbm>> -> memref<8x128xf32, #tpu.memory_space<hbm>>
      %dma_wait3A_1550 = arith.constant 0 : i32
      %dma_wait3A_1551 = arith.constant 0 : i32
      %dma_wait3A_1552 = tpu.memref_slice %arg8[%run_scoped3A_29, %run_scoped3A_30, %dma_wait3A_1550, %dma_wait3A_1551] : memref<2x3x8x128xf32, #tpu.memory_space<vmem>> -> memref<1x1x8x128xf32, #tpu.memory_space<vmem>>
      %dma_wait3A_1553 = tpu.memref_squeeze %dma_wait3A_1552 : memref<1x1x8x128xf32, #tpu.memory_space<vmem>> -> memref<8x128xf32, #tpu.memory_space<vmem>>
      %dma_wait3A_1554 = arith.constant 0 : i32
      %dma_wait3A_1555 = tpu.memref_slice %arg4[%run_scoped3A_28, %add3A_24, %dma_wait3A_1554] : memref<3x1024x128xf32, #tpu.memory_space<hbm>> -> memref<1x8x128xf32, #tpu.memory_space<hbm>>
      %dma_wait3A_1556 = tpu.memref_squeeze %dma_wait3A_1555 : memref<1x8x128xf32, #tpu.memory_space<hbm>> -> memref<8x128xf32, #tpu.memory_space<hbm>>
      tpu.wait_dma2 semaphore(%run_scoped3A_1528 : memref<!tpu.dma_semaphore, #tpu.memory_space<semaphore_mem>>) src(%dma_wait3A_1556 : memref<8x128xf32, #tpu.memory_space<hbm>>) dst(%dma_wait3A_1553 : memref<8x128xf32, #tpu.memory_space<vmem>>)
      tpu.yield
    }) : () -> ()
    %run_scoped3A_31 = arith.constant 2 : i32
    %run_scoped3A_32 = arith.constant 0 : i32
    %run_scoped3A_33 = arith.constant 2 : i32
    "tpu.region"() ({
      %run_scoped3A_1528 = tpu.sem_alloc : memref<!tpu.dma_semaphore, #tpu.memory_space<semaphore_mem>>
      %dma_start3A_1529 = arith.constant 0 : i32
      %dma_start3A_1530 = arith.constant 0 : i32
      %dma_start3A_1531 = tpu.memref_slice %arg8[%run_scoped3A_32, %run_scoped3A_33, %dma_start3A_1529, %dma_start3A_1530] : memref<2x3x8x128xf32, #tpu.memory_space<vmem>> -> memref<1x1x8x128xf32, #tpu.memory_space<vmem>>
      %dma_start3A_1532 = tpu.memref_squeeze %dma_start3A_1531 : memref<1x1x8x128xf32, #tpu.memory_space<vmem>> -> memref<8x128xf32, #tpu.memory_space<vmem>>
      %dma_start3A_1533 = arith.constant 0 : i32
      %dma_start3A_1534 = tpu.memref_slice %arg4[%run_scoped3A_31, %add3A_24, %dma_start3A_1533] : memref<3x1024x128xf32, #tpu.memory_space<hbm>> -> memref<1x8x128xf32, #tpu.memory_space<hbm>>
      %dma_start3A_1535 = tpu.memref_squeeze %dma_start3A_1534 : memref<1x8x128xf32, #tpu.memory_space<hbm>> -> memref<8x128xf32, #tpu.memory_space<hbm>>
      %dma_start3A_1536 = arith.constant 0 : i32
      %dma_start3A_1537 = arith.constant 0 : i32
      %dma_start3A_1538 = tpu.memref_slice %arg8[%run_scoped3A_32, %run_scoped3A_33, %dma_start3A_1536, %dma_start3A_1537] : memref<2x3x8x128xf32, #tpu.memory_space<vmem>> -> memref<1x1x8x128xf32, #tpu.memory_space<vmem>>
      %dma_start3A_1539 = tpu.memref_squeeze %dma_start3A_1538 : memref<1x1x8x128xf32, #tpu.memory_space<vmem>> -> memref<8x128xf32, #tpu.memory_space<vmem>>
      %dma_start3A_1540 = arith.constant 0 : i32
      %dma_start3A_1541 = tpu.memref_slice %arg4[%run_scoped3A_31, %add3A_24, %dma_start3A_1540] : memref<3x1024x128xf32, #tpu.memory_space<hbm>> -> memref<1x8x128xf32, #tpu.memory_space<hbm>>
      %dma_start3A_1542 = tpu.memref_squeeze %dma_start3A_1541 : memref<1x8x128xf32, #tpu.memory_space<hbm>> -> memref<8x128xf32, #tpu.memory_space<hbm>>
      tpu.enqueue_dma source(%dma_start3A_1542 : memref<8x128xf32, #tpu.memory_space<hbm>>) target(%dma_start3A_1539 : memref<8x128xf32, #tpu.memory_space<vmem>>) target_semaphore(%run_scoped3A_1528 : memref<!tpu.dma_semaphore, #tpu.memory_space<semaphore_mem>>)
      %dma_wait3A_1543 = arith.constant 0 : i32
      %dma_wait3A_1544 = arith.constant 0 : i32
      %dma_wait3A_1545 = tpu.memref_slice %arg8[%run_scoped3A_32, %run_scoped3A_33, %dma_wait3A_1543, %dma_wait3A_1544] : memref<2x3x8x128xf32, #tpu.memory_space<vmem>> -> memref<1x1x8x128xf32, #tpu.memory_space<vmem>>
      %dma_wait3A_1546 = tpu.memref_squeeze %dma_wait3A_1545 : memref<1x1x8x128xf32, #tpu.memory_space<vmem>> -> memref<8x128xf32, #tpu.memory_space<vmem>>
      %dma_wait3A_1547 = arith.constant 0 : i32
      %dma_wait3A_1548 = tpu.memref_slice %arg4[%run_scoped3A_31, %add3A_24, %dma_wait3A_1547] : memref<3x1024x128xf32, #tpu.memory_space<hbm>> -> memref<1x8x128xf32, #tpu.memory_space<hbm>>
      %dma_wait3A_1549 = tpu.memref_squeeze %dma_wait3A_1548 : memref<1x8x128xf32, #tpu.memory_space<hbm>> -> memref<8x128xf32, #tpu.memory_space<hbm>>
      %dma_wait3A_1550 = arith.constant 0 : i32
      %dma_wait3A_1551 = arith.constant 0 : i32
      %dma_wait3A_1552 = tpu.memref_slice %arg8[%run_scoped3A_32, %run_scoped3A_33, %dma_wait3A_1550, %dma_wait3A_1551] : memref<2x3x8x128xf32, #tpu.memory_space<vmem>> -> memref<1x1x8x128xf32, #tpu.memory_space<vmem>>
      %dma_wait3A_1553 = tpu.memref_squeeze %dma_wait3A_1552 : memref<1x1x8x128xf32, #tpu.memory_space<vmem>> -> memref<8x128xf32, #tpu.memory_space<vmem>>
      %dma_wait3A_1554 = arith.constant 0 : i32
      %dma_wait3A_1555 = tpu.memref_slice %arg4[%run_scoped3A_31, %add3A_24, %dma_wait3A_1554] : memref<3x1024x128xf32, #tpu.memory_space<hbm>> -> memref<1x8x128xf32, #tpu.memory_space<hbm>>
      %dma_wait3A_1556 = tpu.memref_squeeze %dma_wait3A_1555 : memref<1x8x128xf32, #tpu.memory_space<hbm>> -> memref<8x128xf32, #tpu.memory_space<hbm>>
      tpu.wait_dma2 semaphore(%run_scoped3A_1528 : memref<!tpu.dma_semaphore, #tpu.memory_space<semaphore_mem>>) src(%dma_wait3A_1556 : memref<8x128xf32, #tpu.memory_space<hbm>>) dst(%dma_wait3A_1553 : memref<8x128xf32, #tpu.memory_space<vmem>>)
      tpu.yield
    }) : () -> ()
    %dma_start3A = arith.constant 0 : i32
    %dma_start3A_34 = arith.constant 0 : i32
    %dma_start3A_35 = arith.constant 0 : i32
    %dma_start3A_36 = arith.constant 0 : i32
    %dma_start3A_37 = arith.constant 0 : i32
    %dma_start3A_38 = tpu.memref_slice %arg7[%dma_start3A_35, %dma_start3A_36, %dma_start3A_37] : memref<2x256x128xf32, #tpu.memory_space<vmem>> -> memref<1x128x128xf32, #tpu.memory_space<vmem>>
    %dma_start3A_39 = tpu.memref_squeeze %dma_start3A_38 : memref<1x128x128xf32, #tpu.memory_space<vmem>> -> memref<128x128xf32, #tpu.memory_space<vmem>>
    %dma_start3A_40 = arith.constant 0 : i32
    %dma_start3A_41 = tpu.memref_slice %arg6[%dma_start3A, %dma_start3A_34, %dma_start3A_40] : memref<2x8x128xi32, #tpu.memory_space<vmem>> -> memref<1x1x128xi32, #tpu.memory_space<vmem>>
    %dma_start3A_42 = tpu.memref_squeeze %dma_start3A_41 : memref<1x1x128xi32, #tpu.memory_space<vmem>> -> memref<128xi32, #tpu.memory_space<vmem>>
    %dma_start3A_43 = arith.constant 0 : i32
    %dma_start3A_44 = arith.constant 0 : i32
    %dma_start3A_45 = tpu.memref_slice %arg9[%dma_start3A_43, %dma_start3A_44] : memref<119x128xf32, #tpu.memory_space<vmem_shared>> -> memref<119x128xf32, #tpu.memory_space<vmem_shared>>
    tpu.enqueue_indirect_dma source(%dma_start3A_45 : memref<119x128xf32, #tpu.memory_space<vmem_shared>>) target(%dma_start3A_39 : memref<128x128xf32, #tpu.memory_space<vmem>>) offsets(%dma_start3A_42 : memref<128xi32, #tpu.memory_space<vmem>>) semaphore(%arg10 : memref<!tpu.dma_semaphore, #tpu.memory_space<semaphore_mem>>)
    %dma_start3A_46 = arith.constant 0 : i32
    %dma_start3A_47 = arith.constant 1 : i32
    %dma_start3A_48 = arith.constant 0 : i32
    %dma_start3A_49 = arith.constant 128 : i32
    %dma_start3A_50 = arith.constant 0 : i32
    %dma_start3A_51 = tpu.memref_slice %arg7[%dma_start3A_48, %dma_start3A_49, %dma_start3A_50] : memref<2x256x128xf32, #tpu.memory_space<vmem>> -> memref<1x128x128xf32, #tpu.memory_space<vmem>>
    %dma_start3A_52 = tpu.memref_squeeze %dma_start3A_51 : memref<1x128x128xf32, #tpu.memory_space<vmem>> -> memref<128x128xf32, #tpu.memory_space<vmem>>
    %dma_start3A_53 = arith.constant 0 : i32
    %dma_start3A_54 = tpu.memref_slice %arg6[%dma_start3A_46, %dma_start3A_47, %dma_start3A_53] : memref<2x8x128xi32, #tpu.memory_space<vmem>> -> memref<1x1x128xi32, #tpu.memory_space<vmem>>
    %dma_start3A_55 = tpu.memref_squeeze %dma_start3A_54 : memref<1x1x128xi32, #tpu.memory_space<vmem>> -> memref<128xi32, #tpu.memory_space<vmem>>
    %dma_start3A_56 = arith.constant 0 : i32
    %dma_start3A_57 = arith.constant 0 : i32
    %dma_start3A_58 = tpu.memref_slice %arg9[%dma_start3A_56, %dma_start3A_57] : memref<119x128xf32, #tpu.memory_space<vmem_shared>> -> memref<119x128xf32, #tpu.memory_space<vmem_shared>>
    tpu.enqueue_indirect_dma source(%dma_start3A_58 : memref<119x128xf32, #tpu.memory_space<vmem_shared>>) target(%dma_start3A_52 : memref<128x128xf32, #tpu.memory_space<vmem>>) offsets(%dma_start3A_55 : memref<128xi32, #tpu.memory_space<vmem>>) semaphore(%arg10 : memref<!tpu.dma_semaphore, #tpu.memory_space<semaphore_mem>>)
    %dma_wait3A = arith.constant 0 : i32
    %dma_wait3A_59 = arith.constant 0 : i32
    %dma_wait3A_60 = arith.constant 0 : i32
    %dma_wait3A_61 = arith.constant 0 : i32
    %dma_wait3A_62 = arith.constant 0 : i32
    %dma_wait3A_63 = tpu.memref_slice %arg7[%dma_wait3A_60, %dma_wait3A_61, %dma_wait3A_62] : memref<2x256x128xf32, #tpu.memory_space<vmem>> -> memref<1x128x128xf32, #tpu.memory_space<vmem>>
    %dma_wait3A_64 = tpu.memref_squeeze %dma_wait3A_63 : memref<1x128x128xf32, #tpu.memory_space<vmem>> -> memref<128x128xf32, #tpu.memory_space<vmem>>
    %dma_wait3A_65 = arith.constant 0 : i32
    %dma_wait3A_66 = tpu.memref_slice %arg6[%dma_wait3A, %dma_wait3A_59, %dma_wait3A_65] : memref<2x8x128xi32, #tpu.memory_space<vmem>> -> memref<1x1x128xi32, #tpu.memory_space<vmem>>
    %dma_wait3A_67 = tpu.memref_squeeze %dma_wait3A_66 : memref<1x1x128xi32, #tpu.memory_space<vmem>> -> memref<128xi32, #tpu.memory_space<vmem>>
    %dma_wait3A_68 = arith.constant 0 : i32
    %dma_wait3A_69 = arith.constant 0 : i32
    %dma_wait3A_70 = tpu.memref_slice %arg9[%dma_wait3A_68, %dma_wait3A_69] : memref<119x128xf32, #tpu.memory_space<vmem_shared>> -> memref<119x128xf32, #tpu.memory_space<vmem_shared>>
    tpu.wait_indirect_dma semaphore(%arg10 : memref<!tpu.dma_semaphore, #tpu.memory_space<semaphore_mem>>) src(%dma_wait3A_70 : memref<119x128xf32, #tpu.memory_space<vmem_shared>>) dst(%dma_wait3A_64 : memref<128x128xf32, #tpu.memory_space<vmem>>)
    %dma_wait3A_71 = arith.constant 0 : i32
    %dma_wait3A_72 = arith.constant 1 : i32
    %dma_wait3A_73 = arith.constant 0 : i32
    %dma_wait3A_74 = arith.constant 128 : i32
    %dma_wait3A_75 = arith.constant 0 : i32
    %dma_wait3A_76 = tpu.memref_slice %arg7[%dma_wait3A_73, %dma_wait3A_74, %dma_wait3A_75] : memref<2x256x128xf32, #tpu.memory_space<vmem>> -> memref<1x128x128xf32, #tpu.memory_space<vmem>>
    %dma_wait3A_77 = tpu.memref_squeeze %dma_wait3A_76 : memref<1x128x128xf32, #tpu.memory_space<vmem>> -> memref<128x128xf32, #tpu.memory_space<vmem>>
    %dma_wait3A_78 = arith.constant 0 : i32
    %dma_wait3A_79 = tpu.memref_slice %arg6[%dma_wait3A_71, %dma_wait3A_72, %dma_wait3A_78] : memref<2x8x128xi32, #tpu.memory_space<vmem>> -> memref<1x1x128xi32, #tpu.memory_space<vmem>>
    %dma_wait3A_80 = tpu.memref_squeeze %dma_wait3A_79 : memref<1x1x128xi32, #tpu.memory_space<vmem>> -> memref<128xi32, #tpu.memory_space<vmem>>
    %dma_wait3A_81 = arith.constant 0 : i32
    %dma_wait3A_82 = arith.constant 0 : i32
    %dma_wait3A_83 = tpu.memref_slice %arg9[%dma_wait3A_81, %dma_wait3A_82] : memref<119x128xf32, #tpu.memory_space<vmem_shared>> -> memref<119x128xf32, #tpu.memory_space<vmem_shared>>
    tpu.wait_indirect_dma semaphore(%arg10 : memref<!tpu.dma_semaphore, #tpu.memory_space<semaphore_mem>>) src(%dma_wait3A_83 : memref<119x128xf32, #tpu.memory_space<vmem_shared>>) dst(%dma_wait3A_77 : memref<128x128xf32, #tpu.memory_space<vmem>>)
    %dma_start3A_84 = arith.constant 0 : i32
    %dma_start3A_85 = arith.constant 2 : i32
    %dma_start3A_86 = arith.constant 1 : i32
    %dma_start3A_87 = arith.constant 0 : i32
    %dma_start3A_88 = arith.constant 0 : i32
    %dma_start3A_89 = tpu.memref_slice %arg7[%dma_start3A_86, %dma_start3A_87, %dma_start3A_88] : memref<2x256x128xf32, #tpu.memory_space<vmem>> -> memref<1x128x128xf32, #tpu.memory_space<vmem>>
    %dma_start3A_90 = tpu.memref_squeeze %dma_start3A_89 : memref<1x128x128xf32, #tpu.memory_space<vmem>> -> memref<128x128xf32, #tpu.memory_space<vmem>>
    %dma_start3A_91 = arith.constant 0 : i32
    %dma_start3A_92 = tpu.memref_slice %arg6[%dma_start3A_84, %dma_start3A_85, %dma_start3A_91] : memref<2x8x128xi32, #tpu.memory_space<vmem>> -> memref<1x1x128xi32, #tpu.memory_space<vmem>>
    %dma_start3A_93 = tpu.memref_squeeze %dma_start3A_92 : memref<1x1x128xi32, #tpu.memory_space<vmem>> -> memref<128xi32, #tpu.memory_space<vmem>>
    %dma_start3A_94 = arith.constant 0 : i32
    %dma_start3A_95 = arith.constant 0 : i32
    %dma_start3A_96 = tpu.memref_slice %arg9[%dma_start3A_94, %dma_start3A_95] : memref<119x128xf32, #tpu.memory_space<vmem_shared>> -> memref<119x128xf32, #tpu.memory_space<vmem_shared>>
    tpu.enqueue_indirect_dma source(%dma_start3A_96 : memref<119x128xf32, #tpu.memory_space<vmem_shared>>) target(%dma_start3A_90 : memref<128x128xf32, #tpu.memory_space<vmem>>) offsets(%dma_start3A_93 : memref<128xi32, #tpu.memory_space<vmem>>) semaphore(%arg11 : memref<!tpu.dma_semaphore, #tpu.memory_space<semaphore_mem>>)
    %dma_start3A_97 = arith.constant 0 : i32
    %dma_start3A_98 = arith.constant 3 : i32
    %dma_start3A_99 = arith.constant 1 : i32
    %dma_start3A_100 = arith.constant 128 : i32
    %dma_start3A_101 = arith.constant 0 : i32
    %dma_start3A_102 = tpu.memref_slice %arg7[%dma_start3A_99, %dma_start3A_100, %dma_start3A_101] : memref<2x256x128xf32, #tpu.memory_space<vmem>> -> memref<1x128x128xf32, #tpu.memory_space<vmem>>
    %dma_start3A_103 = tpu.memref_squeeze %dma_start3A_102 : memref<1x128x128xf32, #tpu.memory_space<vmem>> -> memref<128x128xf32, #tpu.memory_space<vmem>>
    %dma_start3A_104 = arith.constant 0 : i32
    %dma_start3A_105 = tpu.memref_slice %arg6[%dma_start3A_97, %dma_start3A_98, %dma_start3A_104] : memref<2x8x128xi32, #tpu.memory_space<vmem>> -> memref<1x1x128xi32, #tpu.memory_space<vmem>>
    %dma_start3A_106 = tpu.memref_squeeze %dma_start3A_105 : memref<1x1x128xi32, #tpu.memory_space<vmem>> -> memref<128xi32, #tpu.memory_space<vmem>>
    %dma_start3A_107 = arith.constant 0 : i32
    %dma_start3A_108 = arith.constant 0 : i32
    %dma_start3A_109 = tpu.memref_slice %arg9[%dma_start3A_107, %dma_start3A_108] : memref<119x128xf32, #tpu.memory_space<vmem_shared>> -> memref<119x128xf32, #tpu.memory_space<vmem_shared>>
    tpu.enqueue_indirect_dma source(%dma_start3A_109 : memref<119x128xf32, #tpu.memory_space<vmem_shared>>) target(%dma_start3A_103 : memref<128x128xf32, #tpu.memory_space<vmem>>) offsets(%dma_start3A_106 : memref<128xi32, #tpu.memory_space<vmem>>) semaphore(%arg11 : memref<!tpu.dma_semaphore, #tpu.memory_space<semaphore_mem>>)
    %scan3A = arith.constant 0 : i32
    %scan3A_110 = arith.constant 0 : i32
    %scan3A_111 = arith.constant 16 : i32
    %scan3A_112 = arith.addi %scan3A_110, %scan3A_111 : i32
    %scan3A_113 = arith.constant 1 : i32
    scf.for %scan3A_1528 = %scan3A_110 to %scan3A_112 step %scan3A_113  : i32 {
      %jit3A = arith.constant 8 : i32
      %div3A = arith.divsi %scan3A_1528, %jit3A : i32
      %sign3A = arith.constant 0 : i32
      %sign3A_1529 = arith.cmpi sgt, %scan3A_1528, %sign3A : i32
      %sign3A_1530 = arith.extui %sign3A_1529 : i1 to i32
      %sign3A_1531 = arith.constant 0 : i32
      %sign3A_1532 = arith.cmpi slt, %scan3A_1528, %sign3A_1531 : i32
      %sign3A_1533 = arith.extui %sign3A_1532 : i1 to i32
      %sign3A_1534 = arith.subi %sign3A_1530, %sign3A_1533 : i32
      %sign3A_1535 = arith.constant 0 : i32
      %sign3A_1536 = arith.cmpi sgt, %jit3A, %sign3A_1535 : i32
      %sign3A_1537 = arith.extui %sign3A_1536 : i1 to i32
      %sign3A_1538 = arith.constant 0 : i32
      %sign3A_1539 = arith.cmpi slt, %jit3A, %sign3A_1538 : i32
      %sign3A_1540 = arith.extui %sign3A_1539 : i1 to i32
      %sign3A_1541 = arith.subi %sign3A_1537, %sign3A_1540 : i32
      %ne3A = arith.cmpi ne, %sign3A_1534, %sign3A_1541 : i32
      %rem3A = arith.remsi %scan3A_1528, %jit3A : i32
      %ne3A_1542 = arith.constant 0 : i32
      %ne3A_1543 = arith.cmpi ne, %rem3A, %ne3A_1542 : i32
      %and3A = arith.andi %ne3A, %ne3A_1543 : i1
      %sub3A = arith.constant 1 : i32
      %sub3A_1544 = arith.subi %div3A, %sub3A : i32
      %select_n3A = arith.select %and3A, %sub3A_1544, %div3A : i32
      %add3A_1545 = arith.constant 0 : i32
      %add3A_1546 = arith.addi %add3A_1545, %select_n3A : i32
      %jit3A_1547 = arith.constant 8 : i32
      %eq3A_1548 = arith.constant 0 : i32
      %eq3A_1549 = arith.cmpi eq, %jit3A_1547, %eq3A_1548 : i32
      %jit3A_1550 = arith.constant 1 : i32
      %select_n3A_1551 = arith.select %eq3A_1549, %jit3A_1550, %jit3A_1547 : i32
      %rem3A_1552 = arith.remsi %scan3A_1528, %select_n3A_1551 : i32
      %ne3A_1553 = arith.constant 0 : i32
      %ne3A_1554 = arith.cmpi ne, %rem3A_1552, %ne3A_1553 : i32
      %lt3A = arith.constant 0 : i32
      %lt3A_1555 = arith.cmpi slt, %rem3A_1552, %lt3A : i32
      %lt3A_1556 = arith.constant 0 : i32
      %lt3A_1557 = arith.cmpi slt, %select_n3A_1551, %lt3A_1556 : i32
      %ne3A_1558 = arith.xori %lt3A_1555, %lt3A_1557 : i1
      %and3A_1559 = arith.andi %ne3A_1558, %ne3A_1554 : i1
      %add3A_1560 = arith.addi %rem3A_1552, %select_n3A_1551 : i32
      %select_n3A_1561 = arith.select %and3A_1559, %add3A_1560, %rem3A_1552 : i32
      %mul3A_1562 = arith.constant 16 : i32
      %mul3A_1563 = arith.muli %select_n3A_1561, %mul3A_1562 : i32
      %mul3A_1564 = arith.constant 16 : i32
      %mul3A_1565 = arith.muli %scan3A_1528, %mul3A_1564 : i32
      %add3A_1566 = vector.broadcast %mul3A_1565 : i32 to vector<16xi32>
      %add3A_1567 = arith.addi %iota3A, %add3A_1566 : vector<16xi32>
      %get3A = arith.constant 0 : i32
      %get3A_1568 = arith.constant 0 : i32
      %get3A_1569 = arith.index_cast %get3A : i32 to index
      %get3A_1570 = arith.index_cast %get3A_1568 : i32 to index
      %get3A_1571 = arith.index_cast %add3A_1546 : i32 to index
      %get3A_1572 = arith.index_cast %mul3A_1563 : i32 to index
      %get3A_1573 = tpu.vector_load %arg8[%get3A_1569, %get3A_1570, %get3A_1571, %get3A_1572] {strides = array<i32>} : memref<2x3x8x128xf32, #tpu.memory_space<vmem>>, vector<16xf32>,
      %scatter3A = arith.constant 0 : i32
      %scatter3A_1574 = arith.constant 0 : i32
      %scatter3A_1575 = arith.constant 0 : i32
      %scatter3A_1576 = tpu.memref_slice %arg7[%scatter3A, %scatter3A_1574, %scatter3A_1575] : memref<2x256x128xf32, #tpu.memory_space<vmem>> -> memref<1x256x128xf32, #tpu.memory_space<vmem>>
      %scatter3A_1577 = tpu.memref_squeeze %scatter3A_1576 : memref<1x256x128xf32, #tpu.memory_space<vmem>> -> memref<256x128xf32, #tpu.memory_space<vmem>>
      tpu.vector_store_idx %scatter3A_1577[%add3A_1567, %add3A_8], %get3A_1573 : memref<256x128xf32, #tpu.memory_space<vmem>>[vector<16xi32>, vector<16xi32>], vector<16xf32>,
      %get3A_1578 = arith.constant 0 : i32
      %get3A_1579 = arith.constant 1 : i32
      %get3A_1580 = arith.index_cast %get3A_1578 : i32 to index
      %get3A_1581 = arith.index_cast %get3A_1579 : i32 to index
      %get3A_1582 = arith.index_cast %add3A_1546 : i32 to index
      %get3A_1583 = arith.index_cast %mul3A_1563 : i32 to index
      %get3A_1584 = tpu.vector_load %arg8[%get3A_1580, %get3A_1581, %get3A_1582, %get3A_1583] {strides = array<i32>} : memref<2x3x8x128xf32, #tpu.memory_space<vmem>>, vector<16xf32>,
      %scatter3A_1585 = arith.constant 0 : i32
      %scatter3A_1586 = arith.constant 0 : i32
      %scatter3A_1587 = arith.constant 0 : i32
      %scatter3A_1588 = tpu.memref_slice %arg7[%scatter3A_1585, %scatter3A_1586, %scatter3A_1587] : memref<2x256x128xf32, #tpu.memory_space<vmem>> -> memref<1x256x128xf32, #tpu.memory_space<vmem>>
      %scatter3A_1589 = tpu.memref_squeeze %scatter3A_1588 : memref<1x256x128xf32, #tpu.memory_space<vmem>> -> memref<256x128xf32, #tpu.memory_space<vmem>>
      tpu.vector_store_idx %scatter3A_1589[%add3A_1567, %add3A_14], %get3A_1584 : memref<256x128xf32, #tpu.memory_space<vmem>>[vector<16xi32>, vector<16xi32>], vector<16xf32>,
      %get3A_1590 = arith.constant 0 : i32
      %get3A_1591 = arith.constant 2 : i32
      %get3A_1592 = arith.index_cast %get3A_1590 : i32 to index
      %get3A_1593 = arith.index_cast %get3A_1591 : i32 to index
      %get3A_1594 = arith.index_cast %add3A_1546 : i32 to index
      %get3A_1595 = arith.index_cast %mul3A_1563 : i32 to index
      %get3A_1596 = tpu.vector_load %arg8[%get3A_1592, %get3A_1593, %get3A_1594, %get3A_1595] {strides = array<i32>} : memref<2x3x8x128xf32, #tpu.memory_space<vmem>>, vector<16xf32>,
      %scatter3A_1597 = arith.constant 0 : i32
      %scatter3A_1598 = arith.constant 0 : i32
      %scatter3A_1599 = arith.constant 0 : i32
      %scatter3A_1600 = tpu.memref_slice %arg7[%scatter3A_1597, %scatter3A_1598, %scatter3A_1599] : memref<2x256x128xf32, #tpu.memory_space<vmem>> -> memref<1x256x128xf32, #tpu.memory_space<vmem>>
      %scatter3A_1601 = tpu.memref_squeeze %scatter3A_1600 : memref<1x256x128xf32, #tpu.memory_space<vmem>> -> memref<256x128xf32, #tpu.memory_space<vmem>>
      tpu.vector_store_idx %scatter3A_1601[%add3A_1567, %add3A_20], %get3A_1596 : memref<256x128xf32, #tpu.memory_space<vmem>>[vector<16xi32>, vector<16xi32>], vector<16xf32>,
    }
    %scan3A_114 = arith.constant 16 : i32
    %mul3A_115 = arith.constant 4096 : i32
    %mul3A_116 = arith.muli %add3A, %mul3A_115 : i32
    %add3A_117 = arith.constant 0 : i32
    %add3A_118 = arith.addi %mul3A_116, %add3A_117 : i32
    %dma_start3A_119 = arith.constant 0 : i32
    %dma_start3A_120 = arith.constant 0 : i32
    %dma_start3A_121 = arith.constant 0 : i32
    %dma_start3A_122 = tpu.memref_slice %arg7[%dma_start3A_119, %dma_start3A_120, %dma_start3A_121] : memref<2x256x128xf32, #tpu.memory_space<vmem>> -> memref<1x256x128xf32, #tpu.memory_space<vmem>>
    %dma_start3A_123 = tpu.memref_squeeze %dma_start3A_122 : memref<1x256x128xf32, #tpu.memory_space<vmem>> -> memref<256x128xf32, #tpu.memory_space<vmem>>
    %dma_start3A_124 = arith.constant 0 : i32
    %dma_start3A_125 = tpu.memref_slice %arg5[%add3A_118, %dma_start3A_124] : memref<131072x128xf32, #tpu.memory_space<hbm>> -> memref<256x128xf32, #tpu.memory_space<hbm>>
    %dma_start3A_126 = arith.constant 0 : i32
    %dma_start3A_127 = tpu.memref_slice %arg5[%add3A_118, %dma_start3A_126] : memref<131072x128xf32, #tpu.memory_space<hbm>> -> memref<256x128xf32, #tpu.memory_space<hbm>>
    %dma_start3A_128 = arith.constant 0 : i32
    %dma_start3A_129 = arith.constant 0 : i32
    %dma_start3A_130 = tpu.memref_slice %arg7[%dma_start3A_119, %dma_start3A_128, %dma_start3A_129] : memref<2x256x128xf32, #tpu.memory_space<vmem>> -> memref<1x256x128xf32, #tpu.memory_space<vmem>>
    %dma_start3A_131 = tpu.memref_squeeze %dma_start3A_130 : memref<1x256x128xf32, #tpu.memory_space<vmem>> -> memref<256x128xf32, #tpu.memory_space<vmem>>
    tpu.enqueue_dma source(%dma_start3A_131 : memref<256x128xf32, #tpu.memory_space<vmem>>) target(%dma_start3A_127 : memref<256x128xf32, #tpu.memory_space<hbm>>) target_semaphore(%arg12 : memref<!tpu.dma_semaphore, #tpu.memory_space<semaphore_mem>>)
    %dma_wait3A_132 = arith.constant 0 : i32
    %dma_wait3A_133 = arith.constant 2 : i32
    %dma_wait3A_134 = arith.constant 1 : i32
    %dma_wait3A_135 = arith.constant 0 : i32
    %dma_wait3A_136 = arith.constant 0 : i32
    %dma_wait3A_137 = tpu.memref_slice %arg7[%dma_wait3A_134, %dma_wait3A_135, %dma_wait3A_136] : memref<2x256x128xf32, #tpu.memory_space<vmem>> -> memref<1x128x128xf32, #tpu.memory_space<vmem>>
    %dma_wait3A_138 = tpu.memref_squeeze %dma_wait3A_137 : memref<1x128x128xf32, #tpu.memory_space<vmem>> -> memref<128x128xf32, #tpu.memory_space<vmem>>
    %dma_wait3A_139 = arith.constant 0 : i32
    %dma_wait3A_140 = tpu.memref_slice %arg6[%dma_wait3A_132, %dma_wait3A_133, %dma_wait3A_139] : memref<2x8x128xi32, #tpu.memory_space<vmem>> -> memref<1x1x128xi32, #tpu.memory_space<vmem>>
    %dma_wait3A_141 = tpu.memref_squeeze %dma_wait3A_140 : memref<1x1x128xi32, #tpu.memory_space<vmem>> -> memref<128xi32, #tpu.memory_space<vmem>>
    %dma_wait3A_142 = arith.constant 0 : i32
    %dma_wait3A_143 = arith.constant 0 : i32
    %dma_wait3A_144 = tpu.memref_slice %arg9[%dma_wait3A_142, %dma_wait3A_143] : memref<119x128xf32, #tpu.memory_space<vmem_shared>> -> memref<119x128xf32, #tpu.memory_space<vmem_shared>>
    tpu.wait_indirect_dma semaphore(%arg11 : memref<!tpu.dma_semaphore, #tpu.memory_space<semaphore_mem>>) src(%dma_wait3A_144 : memref<119x128xf32, #tpu.memory_space<vmem_shared>>) dst(%dma_wait3A_138 : memref<128x128xf32, #tpu.memory_space<vmem>>)
    %dma_wait3A_145 = arith.constant 0 : i32
    %dma_wait3A_146 = arith.constant 3 : i32
    %dma_wait3A_147 = arith.constant 1 : i32
    %dma_wait3A_148 = arith.constant 128 : i32
    %dma_wait3A_149 = arith.constant 0 : i32
    %dma_wait3A_150 = tpu.memref_slice %arg7[%dma_wait3A_147, %dma_wait3A_148, %dma_wait3A_149] : memref<2x256x128xf32, #tpu.memory_space<vmem>> -> memref<1x128x128xf32, #tpu.memory_space<vmem>>
    %dma_wait3A_151 = tpu.memref_squeeze %dma_wait3A_150 : memref<1x128x128xf32, #tpu.memory_space<vmem>> -> memref<128x128xf32, #tpu.memory_space<vmem>>
    %dma_wait3A_152 = arith.constant 0 : i32
    %dma_wait3A_153 = tpu.memref_slice %arg6[%dma_wait3A_145, %dma_wait3A_146, %dma_wait3A_152] : memref<2x8x128xi32, #tpu.memory_space<vmem>> -> memref<1x1x128xi32, #tpu.memory_space<vmem>>
    %dma_wait3A_154 = tpu.memref_squeeze %dma_wait3A_153 : memref<1x1x128xi32, #tpu.memory_space<vmem>> -> memref<128xi32, #tpu.memory_space<vmem>>
    %dma_wait3A_155 = arith.constant 0 : i32
    %dma_wait3A_156 = arith.constant 0 : i32
    %dma_wait3A_157 = tpu.memref_slice %arg9[%dma_wait3A_155, %dma_wait3A_156] : memref<119x128xf32, #tpu.memory_space<vmem_shared>> -> memref<119x128xf32, #tpu.memory_space<vmem_shared>>
    tpu.wait_indirect_dma semaphore(%arg11 : memref<!tpu.dma_semaphore, #tpu.memory_space<semaphore_mem>>) src(%dma_wait3A_157 : memref<119x128xf32, #tpu.memory_space<vmem_shared>>) dst(%dma_wait3A_151 : memref<128x128xf32, #tpu.memory_space<vmem>>)
    %mul3A_158 = arith.constant 4096 : i32
    %mul3A_159 = arith.muli %add3A, %mul3A_158 : i32
    %add3A_160 = arith.constant 0 : i32
    %add3A_161 = arith.addi %mul3A_159, %add3A_160 : i32
    %dma_wait3A_162 = arith.constant 0 : i32
    %dma_wait3A_163 = arith.constant 0 : i32
    %dma_wait3A_164 = arith.constant 0 : i32
    %dma_wait3A_165 = tpu.memref_slice %arg7[%dma_wait3A_162, %dma_wait3A_163, %dma_wait3A_164] : memref<2x256x128xf32, #tpu.memory_space<vmem>> -> memref<1x256x128xf32, #tpu.memory_space<vmem>>
    %dma_wait3A_166 = tpu.memref_squeeze %dma_wait3A_165 : memref<1x256x128xf32, #tpu.memory_space<vmem>> -> memref<256x128xf32, #tpu.memory_space<vmem>>
    %dma_wait3A_167 = arith.constant 0 : i32
    %dma_wait3A_168 = tpu.memref_slice %arg5[%add3A_161, %dma_wait3A_167] : memref<131072x128xf32, #tpu.memory_space<hbm>> -> memref<256x128xf32, #tpu.memory_space<hbm>>
    %dma_wait3A_169 = arith.constant 0 : i32
    %dma_wait3A_170 = tpu.memref_slice %arg5[%add3A_161, %dma_wait3A_169] : memref<131072x128xf32, #tpu.memory_space<hbm>> -> memref<256x128xf32, #tpu.memory_space<hbm>>
    %dma_wait3A_171 = arith.constant 0 : i32
    %dma_wait3A_172 = arith.constant 0 : i32
    %dma_wait3A_173 = tpu.memref_slice %arg7[%dma_wait3A_162, %dma_wait3A_171, %dma_wait3A_172] : memref<2x256x128xf32, #tpu.memory_space<vmem>> -> memref<1x256x128xf32, #tpu.memory_space<vmem>>
    %dma_wait3A_174 = tpu.memref_squeeze %dma_wait3A_173 : memref<1x256x128xf32, #tpu.memory_space<vmem>> -> memref<256x128xf32, #tpu.memory_space<vmem>>
    tpu.wait_dma2 semaphore(%arg12 : memref<!tpu.dma_semaphore, #tpu.memory_space<semaphore_mem>>) src(%dma_wait3A_174 : memref<256x128xf32, #tpu.memory_space<vmem>>) dst(%dma_wait3A_170 : memref<256x128xf32, #tpu.memory_space<hbm>>)
    %dma_start3A_175 = arith.constant 0 : i32
    %dma_start3A_176 = arith.constant 4 : i32
    %dma_start3A_177 = arith.constant 0 : i32
    %dma_start3A_178 = arith.constant 0 : i32
    %dma_start3A_179 = arith.constant 0 : i32
    %dma_start3A_180 = tpu.memref_slice %arg7[%dma_start3A_177, %dma_start3A_178, %dma_start3A_179] : memref<2x256x128xf32, #tpu.memory_space<vmem>> -> memref<1x128x128xf32, #tpu.memory_space<vmem>>
    %dma_start3A_181 = tpu.memref_squeeze %dma_start3A_180 : memref<1x128x128xf32, #tpu.memory_space<vmem>> -> memref<128x128xf32, #tpu.memory_space<vmem>>
    %dma_start3A_182 = arith.constant 0 : i32
    %dma_start3A_183 = tpu.memref_slice %arg6[%dma_start3A_175, %dma_start3A_176, %dma_start3A_182] : memref<2x8x128xi32, #tpu.memory_space<vmem>> -> memref<1x1x128xi32, #tpu.memory_space<vmem>>
    %dma_start3A_184 = tpu.memref_squeeze %dma_start3A_183 : memref<1x1x128xi32, #tpu.memory_space<vmem>> -> memref<128xi32, #tpu.memory_space<vmem>>
    %dma_start3A_185 = arith.constant 0 : i32
    %dma_start3A_186 = arith.constant 0 : i32
    %dma_start3A_187 = tpu.memref_slice %arg9[%dma_start3A_185, %dma_start3A_186] : memref<119x128xf32, #tpu.memory_space<vmem_shared>> -> memref<119x128xf32, #tpu.memory_space<vmem_shared>>
    tpu.enqueue_indirect_dma source(%dma_start3A_187 : memref<119x128xf32, #tpu.memory_space<vmem_shared>>) target(%dma_start3A_181 : memref<128x128xf32, #tpu.memory_space<vmem>>) offsets(%dma_start3A_184 : memref<128xi32, #tpu.memory_space<vmem>>) semaphore(%arg10 : memref<!tpu.dma_semaphore, #tpu.memory_space<semaphore_mem>>)
    %dma_start3A_188 = arith.constant 0 : i32
    %dma_start3A_189 = arith.constant 5 : i32
    %dma_start3A_190 = arith.constant 0 : i32
    %dma_start3A_191 = arith.constant 128 : i32
    %dma_start3A_192 = arith.constant 0 : i32
    %dma_start3A_193 = tpu.memref_slice %arg7[%dma_start3A_190, %dma_start3A_191, %dma_start3A_192] : memref<2x256x128xf32, #tpu.memory_space<vmem>> -> memref<1x128x128xf32, #tpu.memory_space<vmem>>
    %dma_start3A_194 = tpu.memref_squeeze %dma_start3A_193 : memref<1x128x128xf32, #tpu.memory_space<vmem>> -> memref<128x128xf32, #tpu.memory_space<vmem>>
    %dma_start3A_195 = arith.constant 0 : i32
    %dma_start3A_196 = tpu.memref_slice %arg6[%dma_start3A_188, %dma_start3A_189, %dma_start3A_195] : memref<2x8x128xi32, #tpu.memory_space<vmem>> -> memref<1x1x128xi32, #tpu.memory_space<vmem>>
    %dma_start3A_197 = tpu.memref_squeeze %dma_start3A_196 : memref<1x1x128xi32, #tpu.memory_space<vmem>> -> memref<128xi32, #tpu.memory_space<vmem>>
    %dma_start3A_198 = arith.constant 0 : i32
    %dma_start3A_199 = arith.constant 0 : i32
    %dma_start3A_200 = tpu.memref_slice %arg9[%dma_start3A_198, %dma_start3A_199] : memref<119x128xf32, #tpu.memory_space<vmem_shared>> -> memref<119x128xf32, #tpu.memory_space<vmem_shared>>
    tpu.enqueue_indirect_dma source(%dma_start3A_200 : memref<119x128xf32, #tpu.memory_space<vmem_shared>>) target(%dma_start3A_194 : memref<128x128xf32, #tpu.memory_space<vmem>>) offsets(%dma_start3A_197 : memref<128xi32, #tpu.memory_space<vmem>>) semaphore(%arg10 : memref<!tpu.dma_semaphore, #tpu.memory_space<semaphore_mem>>)
    %scan3A_201 = arith.constant 0 : i32
    %scan3A_202 = arith.constant 0 : i32
    %scan3A_203 = arith.constant 16 : i32
    %scan3A_204 = arith.addi %scan3A_202, %scan3A_203 : i32
    %scan3A_205 = arith.constant 1 : i32
    scf.for %scan3A_1528 = %scan3A_202 to %scan3A_204 step %scan3A_205  : i32 {
      %jit3A = arith.constant 8 : i32
      %div3A = arith.divsi %scan3A_1528, %jit3A : i32
      %sign3A = arith.constant 0 : i32
      %sign3A_1529 = arith.cmpi sgt, %scan3A_1528, %sign3A : i32
      %sign3A_1530 = arith.extui %sign3A_1529 : i1 to i32
      %sign3A_1531 = arith.constant 0 : i32
      %sign3A_1532 = arith.cmpi slt, %scan3A_1528, %sign3A_1531 : i32
      %sign3A_1533 = arith.extui %sign3A_1532 : i1 to i32
      %sign3A_1534 = arith.subi %sign3A_1530, %sign3A_1533 : i32
      %sign3A_1535 = arith.constant 0 : i32
      %sign3A_1536 = arith.cmpi sgt, %jit3A, %sign3A_1535 : i32
      %sign3A_1537 = arith.extui %sign3A_1536 : i1 to i32
      %sign3A_1538 = arith.constant 0 : i32
      %sign3A_1539 = arith.cmpi slt, %jit3A, %sign3A_1538 : i32
      %sign3A_1540 = arith.extui %sign3A_1539 : i1 to i32
      %sign3A_1541 = arith.subi %sign3A_1537, %sign3A_1540 : i32
      %ne3A = arith.cmpi ne, %sign3A_1534, %sign3A_1541 : i32
      %rem3A = arith.remsi %scan3A_1528, %jit3A : i32
      %ne3A_1542 = arith.constant 0 : i32
      %ne3A_1543 = arith.cmpi ne, %rem3A, %ne3A_1542 : i32
      %and3A = arith.andi %ne3A, %ne3A_1543 : i1
      %sub3A = arith.constant 1 : i32
      %sub3A_1544 = arith.subi %div3A, %sub3A : i32
      %select_n3A = arith.select %and3A, %sub3A_1544, %div3A : i32
      %add3A_1545 = arith.constant 2 : i32
      %add3A_1546 = arith.addi %add3A_1545, %select_n3A : i32
      %jit3A_1547 = arith.constant 8 : i32
      %eq3A_1548 = arith.constant 0 : i32
      %eq3A_1549 = arith.cmpi eq, %jit3A_1547, %eq3A_1548 : i32
      %jit3A_1550 = arith.constant 1 : i32
      %select_n3A_1551 = arith.select %eq3A_1549, %jit3A_1550, %jit3A_1547 : i32
      %rem3A_1552 = arith.remsi %scan3A_1528, %select_n3A_1551 : i32
      %ne3A_1553 = arith.constant 0 : i32
      %ne3A_1554 = arith.cmpi ne, %rem3A_1552, %ne3A_1553 : i32
      %lt3A = arith.constant 0 : i32
      %lt3A_1555 = arith.cmpi slt, %rem3A_1552, %lt3A : i32
      %lt3A_1556 = arith.constant 0 : i32
      %lt3A_1557 = arith.cmpi slt, %select_n3A_1551, %lt3A_1556 : i32
      %ne3A_1558 = arith.xori %lt3A_1555, %lt3A_1557 : i1
      %and3A_1559 = arith.andi %ne3A_1558, %ne3A_1554 : i1
      %add3A_1560 = arith.addi %rem3A_1552, %select_n3A_1551 : i32
      %select_n3A_1561 = arith.select %and3A_1559, %add3A_1560, %rem3A_1552 : i32
      %mul3A_1562 = arith.constant 16 : i32
      %mul3A_1563 = arith.muli %select_n3A_1561, %mul3A_1562 : i32
      %mul3A_1564 = arith.constant 16 : i32
      %mul3A_1565 = arith.muli %scan3A_1528, %mul3A_1564 : i32
      %add3A_1566 = vector.broadcast %mul3A_1565 : i32 to vector<16xi32>
      %add3A_1567 = arith.addi %iota3A, %add3A_1566 : vector<16xi32>
      %get3A = arith.constant 0 : i32
      %get3A_1568 = arith.constant 0 : i32
      %get3A_1569 = arith.index_cast %get3A : i32 to index
      %get3A_1570 = arith.index_cast %get3A_1568 : i32 to index
      %get3A_1571 = arith.index_cast %add3A_1546 : i32 to index
      %get3A_1572 = arith.index_cast %mul3A_1563 : i32 to index
      %get3A_1573 = tpu.vector_load %arg8[%get3A_1569, %get3A_1570, %get3A_1571, %get3A_1572] {strides = array<i32>} : memref<2x3x8x128xf32, #tpu.memory_space<vmem>>, vector<16xf32>,
      %scatter3A = arith.constant 1 : i32
      %scatter3A_1574 = arith.constant 0 : i32
      %scatter3A_1575 = arith.constant 0 : i32
      %scatter3A_1576 = tpu.memref_slice %arg7[%scatter3A, %scatter3A_1574, %scatter3A_1575] : memref<2x256x128xf32, #tpu.memory_space<vmem>> -> memref<1x256x128xf32, #tpu.memory_space<vmem>>
      %scatter3A_1577 = tpu.memref_squeeze %scatter3A_1576 : memref<1x256x128xf32, #tpu.memory_space<vmem>> -> memref<256x128xf32, #tpu.memory_space<vmem>>
      tpu.vector_store_idx %scatter3A_1577[%add3A_1567, %add3A_8], %get3A_1573 : memref<256x128xf32, #tpu.memory_space<vmem>>[vector<16xi32>, vector<16xi32>], vector<16xf32>,
      %get3A_1578 = arith.constant 0 : i32
      %get3A_1579 = arith.constant 1 : i32
      %get3A_1580 = arith.index_cast %get3A_1578 : i32 to index
      %get3A_1581 = arith.index_cast %get3A_1579 : i32 to index
      %get3A_1582 = arith.index_cast %add3A_1546 : i32 to index
      %get3A_1583 = arith.index_cast %mul3A_1563 : i32 to index
      %get3A_1584 = tpu.vector_load %arg8[%get3A_1580, %get3A_1581, %get3A_1582, %get3A_1583] {strides = array<i32>} : memref<2x3x8x128xf32, #tpu.memory_space<vmem>>, vector<16xf32>,
      %scatter3A_1585 = arith.constant 1 : i32
      %scatter3A_1586 = arith.constant 0 : i32
      %scatter3A_1587 = arith.constant 0 : i32
      %scatter3A_1588 = tpu.memref_slice %arg7[%scatter3A_1585, %scatter3A_1586, %scatter3A_1587] : memref<2x256x128xf32, #tpu.memory_space<vmem>> -> memref<1x256x128xf32, #tpu.memory_space<vmem>>
      %scatter3A_1589 = tpu.memref_squeeze %scatter3A_1588 : memref<1x256x128xf32, #tpu.memory_space<vmem>> -> memref<256x128xf32, #tpu.memory_space<vmem>>
      tpu.vector_store_idx %scatter3A_1589[%add3A_1567, %add3A_14], %get3A_1584 : memref<256x128xf32, #tpu.memory_space<vmem>>[vector<16xi32>, vector<16xi32>], vector<16xf32>,
      %get3A_1590 = arith.constant 0 : i32
      %get3A_1591 = arith.constant 2 : i32
      %get3A_1592 = arith.index_cast %get3A_1590 : i32 to index
      %get3A_1593 = arith.index_cast %get3A_1591 : i32 to index
      %get3A_1594 = arith.index_cast %add3A_1546 : i32 to index
      %get3A_1595 = arith.index_cast %mul3A_1563 : i32 to index
      %get3A_1596 = tpu.vector_load %arg8[%get3A_1592, %get3A_1593, %get3A_1594, %get3A_1595] {strides = array<i32>} : memref<2x3x8x128xf32, #tpu.memory_space<vmem>>, vector<16xf32>,
      %scatter3A_1597 = arith.constant 1 : i32
      %scatter3A_1598 = arith.constant 0 : i32
      %scatter3A_1599 = arith.constant 0 : i32
      %scatter3A_1600 = tpu.memref_slice %arg7[%scatter3A_1597, %scatter3A_1598, %scatter3A_1599] : memref<2x256x128xf32, #tpu.memory_space<vmem>> -> memref<1x256x128xf32, #tpu.memory_space<vmem>>
      %scatter3A_1601 = tpu.memref_squeeze %scatter3A_1600 : memref<1x256x128xf32, #tpu.memory_space<vmem>> -> memref<256x128xf32, #tpu.memory_space<vmem>>
      tpu.vector_store_idx %scatter3A_1601[%add3A_1567, %add3A_20], %get3A_1596 : memref<256x128xf32, #tpu.memory_space<vmem>>[vector<16xi32>, vector<16xi32>], vector<16xf32>,
    }
    %scan3A_206 = arith.constant 16 : i32
    %mul3A_207 = arith.constant 4096 : i32
    %mul3A_208 = arith.muli %add3A, %mul3A_207 : i32
    %add3A_209 = arith.constant 256 : i32
    %add3A_210 = arith.addi %mul3A_208, %add3A_209 : i32
    %dma_start3A_211 = arith.constant 1 : i32
    %dma_start3A_212 = arith.constant 0 : i32
    %dma_start3A_213 = arith.constant 0 : i32
    %dma_start3A_214 = tpu.memref_slice %arg7[%dma_start3A_211, %dma_start3A_212, %dma_start3A_213] : memref<2x256x128xf32, #tpu.memory_space<vmem>> -> memref<1x256x128xf32, #tpu.memory_space<vmem>>
    %dma_start3A_215 = tpu.memref_squeeze %dma_start3A_214 : memref<1x256x128xf32, #tpu.memory_space<vmem>> -> memref<256x128xf32, #tpu.memory_space<vmem>>
    %dma_start3A_216 = arith.constant 0 : i32
    %dma_start3A_217 = tpu.memref_slice %arg5[%add3A_210, %dma_start3A_216] : memref<131072x128xf32, #tpu.memory_space<hbm>> -> memref<256x128xf32, #tpu.memory_space<hbm>>
    %dma_start3A_218 = arith.constant 0 : i32
    %dma_start3A_219 = tpu.memref_slice %arg5[%add3A_210, %dma_start3A_218] : memref<131072x128xf32, #tpu.memory_space<hbm>> -> memref<256x128xf32, #tpu.memory_space<hbm>>
    %dma_start3A_220 = arith.constant 0 : i32
    %dma_start3A_221 = arith.constant 0 : i32
    %dma_start3A_222 = tpu.memref_slice %arg7[%dma_start3A_211, %dma_start3A_220, %dma_start3A_221] : memref<2x256x128xf32, #tpu.memory_space<vmem>> -> memref<1x256x128xf32, #tpu.memory_space<vmem>>
    %dma_start3A_223 = tpu.memref_squeeze %dma_start3A_222 : memref<1x256x128xf32, #tpu.memory_space<vmem>> -> memref<256x128xf32, #tpu.memory_space<vmem>>
    tpu.enqueue_dma source(%dma_start3A_223 : memref<256x128xf32, #tpu.memory_space<vmem>>) target(%dma_start3A_219 : memref<256x128xf32, #tpu.memory_space<hbm>>) target_semaphore(%arg13 : memref<!tpu.dma_semaphore, #tpu.memory_space<semaphore_mem>>)
    %dma_wait3A_224 = arith.constant 0 : i32
    %dma_wait3A_225 = arith.constant 4 : i32
    %dma_wait3A_226 = arith.constant 0 : i32
    %dma_wait3A_227 = arith.constant 0 : i32
    %dma_wait3A_228 = arith.constant 0 : i32
    %dma_wait3A_229 = tpu.memref_slice %arg7[%dma_wait3A_226, %dma_wait3A_227, %dma_wait3A_228] : memref<2x256x128xf32, #tpu.memory_space<vmem>> -> memref<1x128x128xf32, #tpu.memory_space<vmem>>
    %dma_wait3A_230 = tpu.memref_squeeze %dma_wait3A_229 : memref<1x128x128xf32, #tpu.memory_space<vmem>> -> memref<128x128xf32, #tpu.memory_space<vmem>>
    %dma_wait3A_231 = arith.constant 0 : i32
    %dma_wait3A_232 = tpu.memref_slice %arg6[%dma_wait3A_224, %dma_wait3A_225, %dma_wait3A_231] : memref<2x8x128xi32, #tpu.memory_space<vmem>> -> memref<1x1x128xi32, #tpu.memory_space<vmem>>
    %dma_wait3A_233 = tpu.memref_squeeze %dma_wait3A_232 : memref<1x1x128xi32, #tpu.memory_space<vmem>> -> memref<128xi32, #tpu.memory_space<vmem>>
    %dma_wait3A_234 = arith.constant 0 : i32
    %dma_wait3A_235 = arith.constant 0 : i32
    %dma_wait3A_236 = tpu.memref_slice %arg9[%dma_wait3A_234, %dma_wait3A_235] : memref<119x128xf32, #tpu.memory_space<vmem_shared>> -> memref<119x128xf32, #tpu.memory_space<vmem_shared>>
    tpu.wait_indirect_dma semaphore(%arg10 : memref<!tpu.dma_semaphore, #tpu.memory_space<semaphore_mem>>) src(%dma_wait3A_236 : memref<119x128xf32, #tpu.memory_space<vmem_shared>>) dst(%dma_wait3A_230 : memref<128x128xf32, #tpu.memory_space<vmem>>)
    %dma_wait3A_237 = arith.constant 0 : i32
    %dma_wait3A_238 = arith.constant 5 : i32
    %dma_wait3A_239 = arith.constant 0 : i32
    %dma_wait3A_240 = arith.constant 128 : i32
    %dma_wait3A_241 = arith.constant 0 : i32
    %dma_wait3A_242 = tpu.memref_slice %arg7[%dma_wait3A_239, %dma_wait3A_240, %dma_wait3A_241] : memref<2x256x128xf32, #tpu.memory_space<vmem>> -> memref<1x128x128xf32, #tpu.memory_space<vmem>>
    %dma_wait3A_243 = tpu.memref_squeeze %dma_wait3A_242 : memref<1x128x128xf32, #tpu.memory_space<vmem>> -> memref<128x128xf32, #tpu.memory_space<vmem>>
    %dma_wait3A_244 = arith.constant 0 : i32
    %dma_wait3A_245 = tpu.memref_slice %arg6[%dma_wait3A_237, %dma_wait3A_238, %dma_wait3A_244] : memref<2x8x128xi32, #tpu.memory_space<vmem>> -> memref<1x1x128xi32, #tpu.memory_space<vmem>>
    %dma_wait3A_246 = tpu.memref_squeeze %dma_wait3A_245 : memref<1x1x128xi32, #tpu.memory_space<vmem>> -> memref<128xi32, #tpu.memory_space<vmem>>
    %dma_wait3A_247 = arith.constant 0 : i32
    %dma_wait3A_248 = arith.constant 0 : i32
    %dma_wait3A_249 = tpu.memref_slice %arg9[%dma_wait3A_247, %dma_wait3A_248] : memref<119x128xf32, #tpu.memory_space<vmem_shared>> -> memref<119x128xf32, #tpu.memory_space<vmem_shared>>
    tpu.wait_indirect_dma semaphore(%arg10 : memref<!tpu.dma_semaphore, #tpu.memory_space<semaphore_mem>>) src(%dma_wait3A_249 : memref<119x128xf32, #tpu.memory_space<vmem_shared>>) dst(%dma_wait3A_243 : memref<128x128xf32, #tpu.memory_space<vmem>>)
    %mul3A_250 = arith.constant 4096 : i32
    %mul3A_251 = arith.muli %add3A, %mul3A_250 : i32
    %add3A_252 = arith.constant 256 : i32
    %add3A_253 = arith.addi %mul3A_251, %add3A_252 : i32
    %dma_wait3A_254 = arith.constant 1 : i32
    %dma_wait3A_255 = arith.constant 0 : i32
    %dma_wait3A_256 = arith.constant 0 : i32
    %dma_wait3A_257 = tpu.memref_slice %arg7[%dma_wait3A_254, %dma_wait3A_255, %dma_wait3A_256] : memref<2x256x128xf32, #tpu.memory_space<vmem>> -> memref<1x256x128xf32, #tpu.memory_space<vmem>>
    %dma_wait3A_258 = tpu.memref_squeeze %dma_wait3A_257 : memref<1x256x128xf32, #tpu.memory_space<vmem>> -> memref<256x128xf32, #tpu.memory_space<vmem>>
    %dma_wait3A_259 = arith.constant 0 : i32
    %dma_wait3A_260 = tpu.memref_slice %arg5[%add3A_253, %dma_wait3A_259] : memref<131072x128xf32, #tpu.memory_space<hbm>> -> memref<256x128xf32, #tpu.memory_space<hbm>>
    %dma_wait3A_261 = arith.constant 0 : i32
    %dma_wait3A_262 = tpu.memref_slice %arg5[%add3A_253, %dma_wait3A_261] : memref<131072x128xf32, #tpu.memory_space<hbm>> -> memref<256x128xf32, #tpu.memory_space<hbm>>
    %dma_wait3A_263 = arith.constant 0 : i32
    %dma_wait3A_264 = arith.constant 0 : i32
    %dma_wait3A_265 = tpu.memref_slice %arg7[%dma_wait3A_254, %dma_wait3A_263, %dma_wait3A_264] : memref<2x256x128xf32, #tpu.memory_space<vmem>> -> memref<1x256x128xf32, #tpu.memory_space<vmem>>
    %dma_wait3A_266 = tpu.memref_squeeze %dma_wait3A_265 : memref<1x256x128xf32, #tpu.memory_space<vmem>> -> memref<256x128xf32, #tpu.memory_space<vmem>>
    tpu.wait_dma2 semaphore(%arg13 : memref<!tpu.dma_semaphore, #tpu.memory_space<semaphore_mem>>) src(%dma_wait3A_266 : memref<256x128xf32, #tpu.memory_space<vmem>>) dst(%dma_wait3A_262 : memref<256x128xf32, #tpu.memory_space<hbm>>)
    %dma_start3A_267 = arith.constant 0 : i32
    %dma_start3A_268 = arith.constant 6 : i32
    %dma_start3A_269 = arith.constant 1 : i32
    %dma_start3A_270 = arith.constant 0 : i32
    %dma_start3A_271 = arith.constant 0 : i32
    %dma_start3A_272 = tpu.memref_slice %arg7[%dma_start3A_269, %dma_start3A_270, %dma_start3A_271] : memref<2x256x128xf32, #tpu.memory_space<vmem>> -> memref<1x128x128xf32, #tpu.memory_space<vmem>>
    %dma_start3A_273 = tpu.memref_squeeze %dma_start3A_272 : memref<1x128x128xf32, #tpu.memory_space<vmem>> -> memref<128x128xf32, #tpu.memory_space<vmem>>
    %dma_start3A_274 = arith.constant 0 : i32
    %dma_start3A_275 = tpu.memref_slice %arg6[%dma_start3A_267, %dma_start3A_268, %dma_start3A_274] : memref<2x8x128xi32, #tpu.memory_space<vmem>> -> memref<1x1x128xi32, #tpu.memory_space<vmem>>
    %dma_start3A_276 = tpu.memref_squeeze %dma_start3A_275 : memref<1x1x128xi32, #tpu.memory_space<vmem>> -> memref<128xi32, #tpu.memory_space<vmem>>
    %dma_start3A_277 = arith.constant 0 : i32
    %dma_start3A_278 = arith.constant 0 : i32
    %dma_start3A_279 = tpu.memref_slice %arg9[%dma_start3A_277, %dma_start3A_278] : memref<119x128xf32, #tpu.memory_space<vmem_shared>> -> memref<119x128xf32, #tpu.memory_space<vmem_shared>>
    tpu.enqueue_indirect_dma source(%dma_start3A_279 : memref<119x128xf32, #tpu.memory_space<vmem_shared>>) target(%dma_start3A_273 : memref<128x128xf32, #tpu.memory_space<vmem>>) offsets(%dma_start3A_276 : memref<128xi32, #tpu.memory_space<vmem>>) semaphore(%arg11 : memref<!tpu.dma_semaphore, #tpu.memory_space<semaphore_mem>>)
    %dma_start3A_280 = arith.constant 0 : i32
    %dma_start3A_281 = arith.constant 7 : i32
    %dma_start3A_282 = arith.constant 1 : i32
    %dma_start3A_283 = arith.constant 128 : i32
    %dma_start3A_284 = arith.constant 0 : i32
    %dma_start3A_285 = tpu.memref_slice %arg7[%dma_start3A_282, %dma_start3A_283, %dma_start3A_284] : memref<2x256x128xf32, #tpu.memory_space<vmem>> -> memref<1x128x128xf32, #tpu.memory_space<vmem>>
    %dma_start3A_286 = tpu.memref_squeeze %dma_start3A_285 : memref<1x128x128xf32, #tpu.memory_space<vmem>> -> memref<128x128xf32, #tpu.memory_space<vmem>>
    %dma_start3A_287 = arith.constant 0 : i32
    %dma_start3A_288 = tpu.memref_slice %arg6[%dma_start3A_280, %dma_start3A_281, %dma_start3A_287] : memref<2x8x128xi32, #tpu.memory_space<vmem>> -> memref<1x1x128xi32, #tpu.memory_space<vmem>>
    %dma_start3A_289 = tpu.memref_squeeze %dma_start3A_288 : memref<1x1x128xi32, #tpu.memory_space<vmem>> -> memref<128xi32, #tpu.memory_space<vmem>>
    %dma_start3A_290 = arith.constant 0 : i32
    %dma_start3A_291 = arith.constant 0 : i32
    %dma_start3A_292 = tpu.memref_slice %arg9[%dma_start3A_290, %dma_start3A_291] : memref<119x128xf32, #tpu.memory_space<vmem_shared>> -> memref<119x128xf32, #tpu.memory_space<vmem_shared>>
    tpu.enqueue_indirect_dma source(%dma_start3A_292 : memref<119x128xf32, #tpu.memory_space<vmem_shared>>) target(%dma_start3A_286 : memref<128x128xf32, #tpu.memory_space<vmem>>) offsets(%dma_start3A_289 : memref<128xi32, #tpu.memory_space<vmem>>) semaphore(%arg11 : memref<!tpu.dma_semaphore, #tpu.memory_space<semaphore_mem>>)
    %scan3A_293 = arith.constant 0 : i32
    %scan3A_294 = arith.constant 0 : i32
    %scan3A_295 = arith.constant 16 : i32
    %scan3A_296 = arith.addi %scan3A_294, %scan3A_295 : i32
    %scan3A_297 = arith.constant 1 : i32
    scf.for %scan3A_1528 = %scan3A_294 to %scan3A_296 step %scan3A_297  : i32 {
      %jit3A = arith.constant 8 : i32
      %div3A = arith.divsi %scan3A_1528, %jit3A : i32
      %sign3A = arith.constant 0 : i32
      %sign3A_1529 = arith.cmpi sgt, %scan3A_1528, %sign3A : i32
      %sign3A_1530 = arith.extui %sign3A_1529 : i1 to i32
      %sign3A_1531 = arith.constant 0 : i32
      %sign3A_1532 = arith.cmpi slt, %scan3A_1528, %sign3A_1531 : i32
      %sign3A_1533 = arith.extui %sign3A_1532 : i1 to i32
      %sign3A_1534 = arith.subi %sign3A_1530, %sign3A_1533 : i32
      %sign3A_1535 = arith.constant 0 : i32
      %sign3A_1536 = arith.cmpi sgt, %jit3A, %sign3A_1535 : i32
      %sign3A_1537 = arith.extui %sign3A_1536 : i1 to i32
      %sign3A_1538 = arith.constant 0 : i32
      %sign3A_1539 = arith.cmpi slt, %jit3A, %sign3A_1538 : i32
      %sign3A_1540 = arith.extui %sign3A_1539 : i1 to i32
      %sign3A_1541 = arith.subi %sign3A_1537, %sign3A_1540 : i32
      %ne3A = arith.cmpi ne, %sign3A_1534, %sign3A_1541 : i32
      %rem3A = arith.remsi %scan3A_1528, %jit3A : i32
      %ne3A_1542 = arith.constant 0 : i32
      %ne3A_1543 = arith.cmpi ne, %rem3A, %ne3A_1542 : i32
      %and3A = arith.andi %ne3A, %ne3A_1543 : i1
      %sub3A = arith.constant 1 : i32
      %sub3A_1544 = arith.subi %div3A, %sub3A : i32
      %select_n3A = arith.select %and3A, %sub3A_1544, %div3A : i32
      %add3A_1545 = arith.constant 4 : i32
      %add3A_1546 = arith.addi %add3A_1545, %select_n3A : i32
      %jit3A_1547 = arith.constant 8 : i32
      %eq3A_1548 = arith.constant 0 : i32
      %eq3A_1549 = arith.cmpi eq, %jit3A_1547, %eq3A_1548 : i32
      %jit3A_1550 = arith.constant 1 : i32
      %select_n3A_1551 = arith.select %eq3A_1549, %jit3A_1550, %jit3A_1547 : i32
      %rem3A_1552 = arith.remsi %scan3A_1528, %select_n3A_1551 : i32
      %ne3A_1553 = arith.constant 0 : i32
      %ne3A_1554 = arith.cmpi ne, %rem3A_1552, %ne3A_1553 : i32
      %lt3A = arith.constant 0 : i32
      %lt3A_1555 = arith.cmpi slt, %rem3A_1552, %lt3A : i32
      %lt3A_1556 = arith.constant 0 : i32
      %lt3A_1557 = arith.cmpi slt, %select_n3A_1551, %lt3A_1556 : i32
      %ne3A_1558 = arith.xori %lt3A_1555, %lt3A_1557 : i1
      %and3A_1559 = arith.andi %ne3A_1558, %ne3A_1554 : i1
      %add3A_1560 = arith.addi %rem3A_1552, %select_n3A_1551 : i32
      %select_n3A_1561 = arith.select %and3A_1559, %add3A_1560, %rem3A_1552 : i32
      %mul3A_1562 = arith.constant 16 : i32
      %mul3A_1563 = arith.muli %select_n3A_1561, %mul3A_1562 : i32
      %mul3A_1564 = arith.constant 16 : i32
      %mul3A_1565 = arith.muli %scan3A_1528, %mul3A_1564 : i32
      %add3A_1566 = vector.broadcast %mul3A_1565 : i32 to vector<16xi32>
      %add3A_1567 = arith.addi %iota3A, %add3A_1566 : vector<16xi32>
      %get3A = arith.constant 0 : i32
      %get3A_1568 = arith.constant 0 : i32
      %get3A_1569 = arith.index_cast %get3A : i32 to index
      %get3A_1570 = arith.index_cast %get3A_1568 : i32 to index
      %get3A_1571 = arith.index_cast %add3A_1546 : i32 to index
      %get3A_1572 = arith.index_cast %mul3A_1563 : i32 to index
      %get3A_1573 = tpu.vector_load %arg8[%get3A_1569, %get3A_1570, %get3A_1571, %get3A_1572] {strides = array<i32>} : memref<2x3x8x128xf32, #tpu.memory_space<vmem>>, vector<16xf32>,
      %scatter3A = arith.constant 0 : i32
      %scatter3A_1574 = arith.constant 0 : i32
      %scatter3A_1575 = arith.constant 0 : i32
      %scatter3A_1576 = tpu.memref_slice %arg7[%scatter3A, %scatter3A_1574, %scatter3A_1575] : memref<2x256x128xf32, #tpu.memory_space<vmem>> -> memref<1x256x128xf32, #tpu.memory_space<vmem>>
      %scatter3A_1577 = tpu.memref_squeeze %scatter3A_1576 : memref<1x256x128xf32, #tpu.memory_space<vmem>> -> memref<256x128xf32, #tpu.memory_space<vmem>>
      tpu.vector_store_idx %scatter3A_1577[%add3A_1567, %add3A_8], %get3A_1573 : memref<256x128xf32, #tpu.memory_space<vmem>>[vector<16xi32>, vector<16xi32>], vector<16xf32>,
      %get3A_1578 = arith.constant 0 : i32
      %get3A_1579 = arith.constant 1 : i32
      %get3A_1580 = arith.index_cast %get3A_1578 : i32 to index
      %get3A_1581 = arith.index_cast %get3A_1579 : i32 to index
      %get3A_1582 = arith.index_cast %add3A_1546 : i32 to index
      %get3A_1583 = arith.index_cast %mul3A_1563 : i32 to index
      %get3A_1584 = tpu.vector_load %arg8[%get3A_1580, %get3A_1581, %get3A_1582, %get3A_1583] {strides = array<i32>} : memref<2x3x8x128xf32, #tpu.memory_space<vmem>>, vector<16xf32>,
      %scatter3A_1585 = arith.constant 0 : i32
      %scatter3A_1586 = arith.constant 0 : i32
      %scatter3A_1587 = arith.constant 0 : i32
      %scatter3A_1588 = tpu.memref_slice %arg7[%scatter3A_1585, %scatter3A_1586, %scatter3A_1587] : memref<2x256x128xf32, #tpu.memory_space<vmem>> -> memref<1x256x128xf32, #tpu.memory_space<vmem>>
      %scatter3A_1589 = tpu.memref_squeeze %scatter3A_1588 : memref<1x256x128xf32, #tpu.memory_space<vmem>> -> memref<256x128xf32, #tpu.memory_space<vmem>>
      tpu.vector_store_idx %scatter3A_1589[%add3A_1567, %add3A_14], %get3A_1584 : memref<256x128xf32, #tpu.memory_space<vmem>>[vector<16xi32>, vector<16xi32>], vector<16xf32>,
      %get3A_1590 = arith.constant 0 : i32
      %get3A_1591 = arith.constant 2 : i32
      %get3A_1592 = arith.index_cast %get3A_1590 : i32 to index
      %get3A_1593 = arith.index_cast %get3A_1591 : i32 to index
      %get3A_1594 = arith.index_cast %add3A_1546 : i32 to index
      %get3A_1595 = arith.index_cast %mul3A_1563 : i32 to index
      %get3A_1596 = tpu.vector_load %arg8[%get3A_1592, %get3A_1593, %get3A_1594, %get3A_1595] {strides = array<i32>} : memref<2x3x8x128xf32, #tpu.memory_space<vmem>>, vector<16xf32>,
      %scatter3A_1597 = arith.constant 0 : i32
      %scatter3A_1598 = arith.constant 0 : i32
      %scatter3A_1599 = arith.constant 0 : i32
      %scatter3A_1600 = tpu.memref_slice %arg7[%scatter3A_1597, %scatter3A_1598, %scatter3A_1599] : memref<2x256x128xf32, #tpu.memory_space<vmem>> -> memref<1x256x128xf32, #tpu.memory_space<vmem>>
      %scatter3A_1601 = tpu.memref_squeeze %scatter3A_1600 : memref<1x256x128xf32, #tpu.memory_space<vmem>> -> memref<256x128xf32, #tpu.memory_space<vmem>>
      tpu.vector_store_idx %scatter3A_1601[%add3A_1567, %add3A_20], %get3A_1596 : memref<256x128xf32, #tpu.memory_space<vmem>>[vector<16xi32>, vector<16xi32>], vector<16xf32>,
    }
    %scan3A_298 = arith.constant 16 : i32
    %mul3A_299 = arith.constant 4096 : i32
    %mul3A_300 = arith.muli %add3A, %mul3A_299 : i32
    %add3A_301 = arith.constant 512 : i32
    %add3A_302 = arith.addi %mul3A_300, %add3A_301 : i32
    %dma_start3A_303 = arith.constant 0 : i32
    %dma_start3A_304 = arith.constant 0 : i32
    %dma_start3A_305 = arith.constant 0 : i32
    %dma_start3A_306 = tpu.memref_slice %arg7[%dma_start3A_303, %dma_start3A_304, %dma_start3A_305] : memref<2x256x128xf32, #tpu.memory_space<vmem>> -> memref<1x256x128xf32, #tpu.memory_space<vmem>>
    %dma_start3A_307 = tpu.memref_squeeze %dma_start3A_306 : memref<1x256x128xf32, #tpu.memory_space<vmem>> -> memref<256x128xf32, #tpu.memory_space<vmem>>
    %dma_start3A_308 = arith.constant 0 : i32
    %dma_start3A_309 = tpu.memref_slice %arg5[%add3A_302, %dma_start3A_308] : memref<131072x128xf32, #tpu.memory_space<hbm>> -> memref<256x128xf32, #tpu.memory_space<hbm>>
    %dma_start3A_310 = arith.constant 0 : i32
    %dma_start3A_311 = tpu.memref_slice %arg5[%add3A_302, %dma_start3A_310] : memref<131072x128xf32, #tpu.memory_space<hbm>> -> memref<256x128xf32, #tpu.memory_space<hbm>>
    %dma_start3A_312 = arith.constant 0 : i32
    %dma_start3A_313 = arith.constant 0 : i32
    %dma_start3A_314 = tpu.memref_slice %arg7[%dma_start3A_303, %dma_start3A_312, %dma_start3A_313] : memref<2x256x128xf32, #tpu.memory_space<vmem>> -> memref<1x256x128xf32, #tpu.memory_space<vmem>>
    %dma_start3A_315 = tpu.memref_squeeze %dma_start3A_314 : memref<1x256x128xf32, #tpu.memory_space<vmem>> -> memref<256x128xf32, #tpu.memory_space<vmem>>
    tpu.enqueue_dma source(%dma_start3A_315 : memref<256x128xf32, #tpu.memory_space<vmem>>) target(%dma_start3A_311 : memref<256x128xf32, #tpu.memory_space<hbm>>) target_semaphore(%arg12 : memref<!tpu.dma_semaphore, #tpu.memory_space<semaphore_mem>>)
    %dma_wait3A_316 = arith.constant 0 : i32
    %dma_wait3A_317 = arith.constant 6 : i32
    %dma_wait3A_318 = arith.constant 1 : i32
    %dma_wait3A_319 = arith.constant 0 : i32
    %dma_wait3A_320 = arith.constant 0 : i32
    %dma_wait3A_321 = tpu.memref_slice %arg7[%dma_wait3A_318, %dma_wait3A_319, %dma_wait3A_320] : memref<2x256x128xf32, #tpu.memory_space<vmem>> -> memref<1x128x128xf32, #tpu.memory_space<vmem>>
    %dma_wait3A_322 = tpu.memref_squeeze %dma_wait3A_321 : memref<1x128x128xf32, #tpu.memory_space<vmem>> -> memref<128x128xf32, #tpu.memory_space<vmem>>
    %dma_wait3A_323 = arith.constant 0 : i32
    %dma_wait3A_324 = tpu.memref_slice %arg6[%dma_wait3A_316, %dma_wait3A_317, %dma_wait3A_323] : memref<2x8x128xi32, #tpu.memory_space<vmem>> -> memref<1x1x128xi32, #tpu.memory_space<vmem>>
    %dma_wait3A_325 = tpu.memref_squeeze %dma_wait3A_324 : memref<1x1x128xi32, #tpu.memory_space<vmem>> -> memref<128xi32, #tpu.memory_space<vmem>>
    %dma_wait3A_326 = arith.constant 0 : i32
    %dma_wait3A_327 = arith.constant 0 : i32
    %dma_wait3A_328 = tpu.memref_slice %arg9[%dma_wait3A_326, %dma_wait3A_327] : memref<119x128xf32, #tpu.memory_space<vmem_shared>> -> memref<119x128xf32, #tpu.memory_space<vmem_shared>>
    tpu.wait_indirect_dma semaphore(%arg11 : memref<!tpu.dma_semaphore, #tpu.memory_space<semaphore_mem>>) src(%dma_wait3A_328 : memref<119x128xf32, #tpu.memory_space<vmem_shared>>) dst(%dma_wait3A_322 : memref<128x128xf32, #tpu.memory_space<vmem>>)
    %dma_wait3A_329 = arith.constant 0 : i32
    %dma_wait3A_330 = arith.constant 7 : i32
    %dma_wait3A_331 = arith.constant 1 : i32
    %dma_wait3A_332 = arith.constant 128 : i32
    %dma_wait3A_333 = arith.constant 0 : i32
    %dma_wait3A_334 = tpu.memref_slice %arg7[%dma_wait3A_331, %dma_wait3A_332, %dma_wait3A_333] : memref<2x256x128xf32, #tpu.memory_space<vmem>> -> memref<1x128x128xf32, #tpu.memory_space<vmem>>
    %dma_wait3A_335 = tpu.memref_squeeze %dma_wait3A_334 : memref<1x128x128xf32, #tpu.memory_space<vmem>> -> memref<128x128xf32, #tpu.memory_space<vmem>>
    %dma_wait3A_336 = arith.constant 0 : i32
    %dma_wait3A_337 = tpu.memref_slice %arg6[%dma_wait3A_329, %dma_wait3A_330, %dma_wait3A_336] : memref<2x8x128xi32, #tpu.memory_space<vmem>> -> memref<1x1x128xi32, #tpu.memory_space<vmem>>
    %dma_wait3A_338 = tpu.memref_squeeze %dma_wait3A_337 : memref<1x1x128xi32, #tpu.memory_space<vmem>> -> memref<128xi32, #tpu.memory_space<vmem>>
    %dma_wait3A_339 = arith.constant 0 : i32
    %dma_wait3A_340 = arith.constant 0 : i32
    %dma_wait3A_341 = tpu.memref_slice %arg9[%dma_wait3A_339, %dma_wait3A_340] : memref<119x128xf32, #tpu.memory_space<vmem_shared>> -> memref<119x128xf32, #tpu.memory_space<vmem_shared>>
    tpu.wait_indirect_dma semaphore(%arg11 : memref<!tpu.dma_semaphore, #tpu.memory_space<semaphore_mem>>) src(%dma_wait3A_341 : memref<119x128xf32, #tpu.memory_space<vmem_shared>>) dst(%dma_wait3A_335 : memref<128x128xf32, #tpu.memory_space<vmem>>)
    %mul3A_342 = arith.constant 4096 : i32
    %mul3A_343 = arith.muli %add3A, %mul3A_342 : i32
    %add3A_344 = arith.constant 512 : i32
    %add3A_345 = arith.addi %mul3A_343, %add3A_344 : i32
    %dma_wait3A_346 = arith.constant 0 : i32
    %dma_wait3A_347 = arith.constant 0 : i32
    %dma_wait3A_348 = arith.constant 0 : i32
    %dma_wait3A_349 = tpu.memref_slice %arg7[%dma_wait3A_346, %dma_wait3A_347, %dma_wait3A_348] : memref<2x256x128xf32, #tpu.memory_space<vmem>> -> memref<1x256x128xf32, #tpu.memory_space<vmem>>
    %dma_wait3A_350 = tpu.memref_squeeze %dma_wait3A_349 : memref<1x256x128xf32, #tpu.memory_space<vmem>> -> memref<256x128xf32, #tpu.memory_space<vmem>>
    %dma_wait3A_351 = arith.constant 0 : i32
    %dma_wait3A_352 = tpu.memref_slice %arg5[%add3A_345, %dma_wait3A_351] : memref<131072x128xf32, #tpu.memory_space<hbm>> -> memref<256x128xf32, #tpu.memory_space<hbm>>
    %dma_wait3A_353 = arith.constant 0 : i32
    %dma_wait3A_354 = tpu.memref_slice %arg5[%add3A_345, %dma_wait3A_353] : memref<131072x128xf32, #tpu.memory_space<hbm>> -> memref<256x128xf32, #tpu.memory_space<hbm>>
    %dma_wait3A_355 = arith.constant 0 : i32
    %dma_wait3A_356 = arith.constant 0 : i32
    %dma_wait3A_357 = tpu.memref_slice %arg7[%dma_wait3A_346, %dma_wait3A_355, %dma_wait3A_356] : memref<2x256x128xf32, #tpu.memory_space<vmem>> -> memref<1x256x128xf32, #tpu.memory_space<vmem>>
    %dma_wait3A_358 = tpu.memref_squeeze %dma_wait3A_357 : memref<1x256x128xf32, #tpu.memory_space<vmem>> -> memref<256x128xf32, #tpu.memory_space<vmem>>
    tpu.wait_dma2 semaphore(%arg12 : memref<!tpu.dma_semaphore, #tpu.memory_space<semaphore_mem>>) src(%dma_wait3A_358 : memref<256x128xf32, #tpu.memory_space<vmem>>) dst(%dma_wait3A_354 : memref<256x128xf32, #tpu.memory_space<hbm>>)
    %mul3A_359 = arith.constant 32 : i32
    %mul3A_360 = arith.muli %add3A, %mul3A_359 : i32
    %add3A_361 = arith.constant 8 : i32
    %add3A_362 = arith.addi %mul3A_360, %add3A_361 : i32
    %run_scoped3A_363 = arith.constant 1 : i32
    "tpu.region"() ({
      %run_scoped3A_1528 = tpu.sem_alloc : memref<!tpu.dma_semaphore, #tpu.memory_space<semaphore_mem>>
      %dma_start3A_1529 = arith.constant 0 : i32
      %dma_start3A_1530 = arith.constant 0 : i32
      %dma_start3A_1531 = tpu.memref_slice %arg6[%run_scoped3A_363, %dma_start3A_1529, %dma_start3A_1530] : memref<2x8x128xi32, #tpu.memory_space<vmem>> -> memref<1x8x128xi32, #tpu.memory_space<vmem>>
      %dma_start3A_1532 = tpu.memref_squeeze %dma_start3A_1531 : memref<1x8x128xi32, #tpu.memory_space<vmem>> -> memref<8x128xi32, #tpu.memory_space<vmem>>
      %dma_start3A_1533 = arith.constant 0 : i32
      %dma_start3A_1534 = tpu.memref_slice %arg3[%add3A_362, %dma_start3A_1533] : memref<1024x128xi32, #tpu.memory_space<hbm>> -> memref<8x128xi32, #tpu.memory_space<hbm>>
      %dma_start3A_1535 = arith.constant 0 : i32
      %dma_start3A_1536 = arith.constant 0 : i32
      %dma_start3A_1537 = tpu.memref_slice %arg6[%run_scoped3A_363, %dma_start3A_1535, %dma_start3A_1536] : memref<2x8x128xi32, #tpu.memory_space<vmem>> -> memref<1x8x128xi32, #tpu.memory_space<vmem>>
      %dma_start3A_1538 = tpu.memref_squeeze %dma_start3A_1537 : memref<1x8x128xi32, #tpu.memory_space<vmem>> -> memref<8x128xi32, #tpu.memory_space<vmem>>
      %dma_start3A_1539 = arith.constant 0 : i32
      %dma_start3A_1540 = tpu.memref_slice %arg3[%add3A_362, %dma_start3A_1539] : memref<1024x128xi32, #tpu.memory_space<hbm>> -> memref<8x128xi32, #tpu.memory_space<hbm>>
      tpu.enqueue_dma source(%dma_start3A_1540 : memref<8x128xi32, #tpu.memory_space<hbm>>) target(%dma_start3A_1538 : memref<8x128xi32, #tpu.memory_space<vmem>>) target_semaphore(%run_scoped3A_1528 : memref<!tpu.dma_semaphore, #tpu.memory_space<semaphore_mem>>)
      %dma_wait3A_1541 = arith.constant 0 : i32
      %dma_wait3A_1542 = arith.constant 0 : i32
      %dma_wait3A_1543 = tpu.memref_slice %arg6[%run_scoped3A_363, %dma_wait3A_1541, %dma_wait3A_1542] : memref<2x8x128xi32, #tpu.memory_space<vmem>> -> memref<1x8x128xi32, #tpu.memory_space<vmem>>
      %dma_wait3A_1544 = tpu.memref_squeeze %dma_wait3A_1543 : memref<1x8x128xi32, #tpu.memory_space<vmem>> -> memref<8x128xi32, #tpu.memory_space<vmem>>
      %dma_wait3A_1545 = arith.constant 0 : i32
      %dma_wait3A_1546 = tpu.memref_slice %arg3[%add3A_362, %dma_wait3A_1545] : memref<1024x128xi32, #tpu.memory_space<hbm>> -> memref<8x128xi32, #tpu.memory_space<hbm>>
      %dma_wait3A_1547 = arith.constant 0 : i32
      %dma_wait3A_1548 = arith.constant 0 : i32
      %dma_wait3A_1549 = tpu.memref_slice %arg6[%run_scoped3A_363, %dma_wait3A_1547, %dma_wait3A_1548] : memref<2x8x128xi32, #tpu.memory_space<vmem>> -> memref<1x8x128xi32, #tpu.memory_space<vmem>>
      %dma_wait3A_1550 = tpu.memref_squeeze %dma_wait3A_1549 : memref<1x8x128xi32, #tpu.memory_space<vmem>> -> memref<8x128xi32, #tpu.memory_space<vmem>>
      %dma_wait3A_1551 = arith.constant 0 : i32
      %dma_wait3A_1552 = tpu.memref_slice %arg3[%add3A_362, %dma_wait3A_1551] : memref<1024x128xi32, #tpu.memory_space<hbm>> -> memref<8x128xi32, #tpu.memory_space<hbm>>
      tpu.wait_dma2 semaphore(%run_scoped3A_1528 : memref<!tpu.dma_semaphore, #tpu.memory_space<semaphore_mem>>) src(%dma_wait3A_1552 : memref<8x128xi32, #tpu.memory_space<hbm>>) dst(%dma_wait3A_1550 : memref<8x128xi32, #tpu.memory_space<vmem>>)
      tpu.yield
    }) : () -> ()
    %run_scoped3A_364 = arith.constant 0 : i32
    %run_scoped3A_365 = arith.constant 1 : i32
    %run_scoped3A_366 = arith.constant 0 : i32
    "tpu.region"() ({
      %run_scoped3A_1528 = tpu.sem_alloc : memref<!tpu.dma_semaphore, #tpu.memory_space<semaphore_mem>>
      %dma_start3A_1529 = arith.constant 0 : i32
      %dma_start3A_1530 = arith.constant 0 : i32
      %dma_start3A_1531 = tpu.memref_slice %arg8[%run_scoped3A_365, %run_scoped3A_366, %dma_start3A_1529, %dma_start3A_1530] : memref<2x3x8x128xf32, #tpu.memory_space<vmem>> -> memref<1x1x8x128xf32, #tpu.memory_space<vmem>>
      %dma_start3A_1532 = tpu.memref_squeeze %dma_start3A_1531 : memref<1x1x8x128xf32, #tpu.memory_space<vmem>> -> memref<8x128xf32, #tpu.memory_space<vmem>>
      %dma_start3A_1533 = arith.constant 0 : i32
      %dma_start3A_1534 = tpu.memref_slice %arg4[%run_scoped3A_364, %add3A_362, %dma_start3A_1533] : memref<3x1024x128xf32, #tpu.memory_space<hbm>> -> memref<1x8x128xf32, #tpu.memory_space<hbm>>
      %dma_start3A_1535 = tpu.memref_squeeze %dma_start3A_1534 : memref<1x8x128xf32, #tpu.memory_space<hbm>> -> memref<8x128xf32, #tpu.memory_space<hbm>>
      %dma_start3A_1536 = arith.constant 0 : i32
      %dma_start3A_1537 = arith.constant 0 : i32
      %dma_start3A_1538 = tpu.memref_slice %arg8[%run_scoped3A_365, %run_scoped3A_366, %dma_start3A_1536, %dma_start3A_1537] : memref<2x3x8x128xf32, #tpu.memory_space<vmem>> -> memref<1x1x8x128xf32, #tpu.memory_space<vmem>>
      %dma_start3A_1539 = tpu.memref_squeeze %dma_start3A_1538 : memref<1x1x8x128xf32, #tpu.memory_space<vmem>> -> memref<8x128xf32, #tpu.memory_space<vmem>>
      %dma_start3A_1540 = arith.constant 0 : i32
      %dma_start3A_1541 = tpu.memref_slice %arg4[%run_scoped3A_364, %add3A_362, %dma_start3A_1540] : memref<3x1024x128xf32, #tpu.memory_space<hbm>> -> memref<1x8x128xf32, #tpu.memory_space<hbm>>
      %dma_start3A_1542 = tpu.memref_squeeze %dma_start3A_1541 : memref<1x8x128xf32, #tpu.memory_space<hbm>> -> memref<8x128xf32, #tpu.memory_space<hbm>>
      tpu.enqueue_dma source(%dma_start3A_1542 : memref<8x128xf32, #tpu.memory_space<hbm>>) target(%dma_start3A_1539 : memref<8x128xf32, #tpu.memory_space<vmem>>) target_semaphore(%run_scoped3A_1528 : memref<!tpu.dma_semaphore, #tpu.memory_space<semaphore_mem>>)
      %dma_wait3A_1543 = arith.constant 0 : i32
      %dma_wait3A_1544 = arith.constant 0 : i32
      %dma_wait3A_1545 = tpu.memref_slice %arg8[%run_scoped3A_365, %run_scoped3A_366, %dma_wait3A_1543, %dma_wait3A_1544] : memref<2x3x8x128xf32, #tpu.memory_space<vmem>> -> memref<1x1x8x128xf32, #tpu.memory_space<vmem>>
      %dma_wait3A_1546 = tpu.memref_squeeze %dma_wait3A_1545 : memref<1x1x8x128xf32, #tpu.memory_space<vmem>> -> memref<8x128xf32, #tpu.memory_space<vmem>>
      %dma_wait3A_1547 = arith.constant 0 : i32
      %dma_wait3A_1548 = tpu.memref_slice %arg4[%run_scoped3A_364, %add3A_362, %dma_wait3A_1547] : memref<3x1024x128xf32, #tpu.memory_space<hbm>> -> memref<1x8x128xf32, #tpu.memory_space<hbm>>
      %dma_wait3A_1549 = tpu.memref_squeeze %dma_wait3A_1548 : memref<1x8x128xf32, #tpu.memory_space<hbm>> -> memref<8x128xf32, #tpu.memory_space<hbm>>
      %dma_wait3A_1550 = arith.constant 0 : i32
      %dma_wait3A_1551 = arith.constant 0 : i32
      %dma_wait3A_1552 = tpu.memref_slice %arg8[%run_scoped3A_365, %run_scoped3A_366, %dma_wait3A_1550, %dma_wait3A_1551] : memref<2x3x8x128xf32, #tpu.memory_space<vmem>> -> memref<1x1x8x128xf32, #tpu.memory_space<vmem>>
      %dma_wait3A_1553 = tpu.memref_squeeze %dma_wait3A_1552 : memref<1x1x8x128xf32, #tpu.memory_space<vmem>> -> memref<8x128xf32, #tpu.memory_space<vmem>>
      %dma_wait3A_1554 = arith.constant 0 : i32
      %dma_wait3A_1555 = tpu.memref_slice %arg4[%run_scoped3A_364, %add3A_362, %dma_wait3A_1554] : memref<3x1024x128xf32, #tpu.memory_space<hbm>> -> memref<1x8x128xf32, #tpu.memory_space<hbm>>
      %dma_wait3A_1556 = tpu.memref_squeeze %dma_wait3A_1555 : memref<1x8x128xf32, #tpu.memory_space<hbm>> -> memref<8x128xf32, #tpu.memory_space<hbm>>
      tpu.wait_dma2 semaphore(%run_scoped3A_1528 : memref<!tpu.dma_semaphore, #tpu.memory_space<semaphore_mem>>) src(%dma_wait3A_1556 : memref<8x128xf32, #tpu.memory_space<hbm>>) dst(%dma_wait3A_1553 : memref<8x128xf32, #tpu.memory_space<vmem>>)
      tpu.yield
    }) : () -> ()
    %run_scoped3A_367 = arith.constant 1 : i32
    %run_scoped3A_368 = arith.constant 1 : i32
    %run_scoped3A_369 = arith.constant 1 : i32
    "tpu.region"() ({
      %run_scoped3A_1528 = tpu.sem_alloc : memref<!tpu.dma_semaphore, #tpu.memory_space<semaphore_mem>>
      %dma_start3A_1529 = arith.constant 0 : i32
      %dma_start3A_1530 = arith.constant 0 : i32
      %dma_start3A_1531 = tpu.memref_slice %arg8[%run_scoped3A_368, %run_scoped3A_369, %dma_start3A_1529, %dma_start3A_1530] : memref<2x3x8x128xf32, #tpu.memory_space<vmem>> -> memref<1x1x8x128xf32, #tpu.memory_space<vmem>>
      %dma_start3A_1532 = tpu.memref_squeeze %dma_start3A_1531 : memref<1x1x8x128xf32, #tpu.memory_space<vmem>> -> memref<8x128xf32, #tpu.memory_space<vmem>>
      %dma_start3A_1533 = arith.constant 0 : i32
      %dma_start3A_1534 = tpu.memref_slice %arg4[%run_scoped3A_367, %add3A_362, %dma_start3A_1533] : memref<3x1024x128xf32, #tpu.memory_space<hbm>> -> memref<1x8x128xf32, #tpu.memory_space<hbm>>
      %dma_start3A_1535 = tpu.memref_squeeze %dma_start3A_1534 : memref<1x8x128xf32, #tpu.memory_space<hbm>> -> memref<8x128xf32, #tpu.memory_space<hbm>>
      %dma_start3A_1536 = arith.constant 0 : i32
      %dma_start3A_1537 = arith.constant 0 : i32
      %dma_start3A_1538 = tpu.memref_slice %arg8[%run_scoped3A_368, %run_scoped3A_369, %dma_start3A_1536, %dma_start3A_1537] : memref<2x3x8x128xf32, #tpu.memory_space<vmem>> -> memref<1x1x8x128xf32, #tpu.memory_space<vmem>>
      %dma_start3A_1539 = tpu.memref_squeeze %dma_start3A_1538 : memref<1x1x8x128xf32, #tpu.memory_space<vmem>> -> memref<8x128xf32, #tpu.memory_space<vmem>>
      %dma_start3A_1540 = arith.constant 0 : i32
      %dma_start3A_1541 = tpu.memref_slice %arg4[%run_scoped3A_367, %add3A_362, %dma_start3A_1540] : memref<3x1024x128xf32, #tpu.memory_space<hbm>> -> memref<1x8x128xf32, #tpu.memory_space<hbm>>
      %dma_start3A_1542 = tpu.memref_squeeze %dma_start3A_1541 : memref<1x8x128xf32, #tpu.memory_space<hbm>> -> memref<8x128xf32, #tpu.memory_space<hbm>>
      tpu.enqueue_dma source(%dma_start3A_1542 : memref<8x128xf32, #tpu.memory_space<hbm>>) target(%dma_start3A_1539 : memref<8x128xf32, #tpu.memory_space<vmem>>) target_semaphore(%run_scoped3A_1528 : memref<!tpu.dma_semaphore, #tpu.memory_space<semaphore_mem>>)
      %dma_wait3A_1543 = arith.constant 0 : i32
      %dma_wait3A_1544 = arith.constant 0 : i32
      %dma_wait3A_1545 = tpu.memref_slice %arg8[%run_scoped3A_368, %run_scoped3A_369, %dma_wait3A_1543, %dma_wait3A_1544] : memref<2x3x8x128xf32, #tpu.memory_space<vmem>> -> memref<1x1x8x128xf32, #tpu.memory_space<vmem>>
      %dma_wait3A_1546 = tpu.memref_squeeze %dma_wait3A_1545 : memref<1x1x8x128xf32, #tpu.memory_space<vmem>> -> memref<8x128xf32, #tpu.memory_space<vmem>>
      %dma_wait3A_1547 = arith.constant 0 : i32
      %dma_wait3A_1548 = tpu.memref_slice %arg4[%run_scoped3A_367, %add3A_362, %dma_wait3A_1547] : memref<3x1024x128xf32, #tpu.memory_space<hbm>> -> memref<1x8x128xf32, #tpu.memory_space<hbm>>
      %dma_wait3A_1549 = tpu.memref_squeeze %dma_wait3A_1548 : memref<1x8x128xf32, #tpu.memory_space<hbm>> -> memref<8x128xf32, #tpu.memory_space<hbm>>
      %dma_wait3A_1550 = arith.constant 0 : i32
      %dma_wait3A_1551 = arith.constant 0 : i32
      %dma_wait3A_1552 = tpu.memref_slice %arg8[%run_scoped3A_368, %run_scoped3A_369, %dma_wait3A_1550, %dma_wait3A_1551] : memref<2x3x8x128xf32, #tpu.memory_space<vmem>> -> memref<1x1x8x128xf32, #tpu.memory_space<vmem>>
      %dma_wait3A_1553 = tpu.memref_squeeze %dma_wait3A_1552 : memref<1x1x8x128xf32, #tpu.memory_space<vmem>> -> memref<8x128xf32, #tpu.memory_space<vmem>>
      %dma_wait3A_1554 = arith.constant 0 : i32
      %dma_wait3A_1555 = tpu.memref_slice %arg4[%run_scoped3A_367, %add3A_362, %dma_wait3A_1554] : memref<3x1024x128xf32, #tpu.memory_space<hbm>> -> memref<1x8x128xf32, #tpu.memory_space<hbm>>
      %dma_wait3A_1556 = tpu.memref_squeeze %dma_wait3A_1555 : memref<1x8x128xf32, #tpu.memory_space<hbm>> -> memref<8x128xf32, #tpu.memory_space<hbm>>
      tpu.wait_dma2 semaphore(%run_scoped3A_1528 : memref<!tpu.dma_semaphore, #tpu.memory_space<semaphore_mem>>) src(%dma_wait3A_1556 : memref<8x128xf32, #tpu.memory_space<hbm>>) dst(%dma_wait3A_1553 : memref<8x128xf32, #tpu.memory_space<vmem>>)
      tpu.yield
    }) : () -> ()
    %run_scoped3A_370 = arith.constant 2 : i32
    %run_scoped3A_371 = arith.constant 1 : i32
    %run_scoped3A_372 = arith.constant 2 : i32
    "tpu.region"() ({
      %run_scoped3A_1528 = tpu.sem_alloc : memref<!tpu.dma_semaphore, #tpu.memory_space<semaphore_mem>>
      %dma_start3A_1529 = arith.constant 0 : i32
      %dma_start3A_1530 = arith.constant 0 : i32
      %dma_start3A_1531 = tpu.memref_slice %arg8[%run_scoped3A_371, %run_scoped3A_372, %dma_start3A_1529, %dma_start3A_1530] : memref<2x3x8x128xf32, #tpu.memory_space<vmem>> -> memref<1x1x8x128xf32, #tpu.memory_space<vmem>>
      %dma_start3A_1532 = tpu.memref_squeeze %dma_start3A_1531 : memref<1x1x8x128xf32, #tpu.memory_space<vmem>> -> memref<8x128xf32, #tpu.memory_space<vmem>>
      %dma_start3A_1533 = arith.constant 0 : i32
      %dma_start3A_1534 = tpu.memref_slice %arg4[%run_scoped3A_370, %add3A_362, %dma_start3A_1533] : memref<3x1024x128xf32, #tpu.memory_space<hbm>> -> memref<1x8x128xf32, #tpu.memory_space<hbm>>
      %dma_start3A_1535 = tpu.memref_squeeze %dma_start3A_1534 : memref<1x8x128xf32, #tpu.memory_space<hbm>> -> memref<8x128xf32, #tpu.memory_space<hbm>>
      %dma_start3A_1536 = arith.constant 0 : i32
      %dma_start3A_1537 = arith.constant 0 : i32
      %dma_start3A_1538 = tpu.memref_slice %arg8[%run_scoped3A_371, %run_scoped3A_372, %dma_start3A_1536, %dma_start3A_1537] : memref<2x3x8x128xf32, #tpu.memory_space<vmem>> -> memref<1x1x8x128xf32, #tpu.memory_space<vmem>>
      %dma_start3A_1539 = tpu.memref_squeeze %dma_start3A_1538 : memref<1x1x8x128xf32, #tpu.memory_space<vmem>> -> memref<8x128xf32, #tpu.memory_space<vmem>>
      %dma_start3A_1540 = arith.constant 0 : i32
      %dma_start3A_1541 = tpu.memref_slice %arg4[%run_scoped3A_370, %add3A_362, %dma_start3A_1540] : memref<3x1024x128xf32, #tpu.memory_space<hbm>> -> memref<1x8x128xf32, #tpu.memory_space<hbm>>
      %dma_start3A_1542 = tpu.memref_squeeze %dma_start3A_1541 : memref<1x8x128xf32, #tpu.memory_space<hbm>> -> memref<8x128xf32, #tpu.memory_space<hbm>>
      tpu.enqueue_dma source(%dma_start3A_1542 : memref<8x128xf32, #tpu.memory_space<hbm>>) target(%dma_start3A_1539 : memref<8x128xf32, #tpu.memory_space<vmem>>) target_semaphore(%run_scoped3A_1528 : memref<!tpu.dma_semaphore, #tpu.memory_space<semaphore_mem>>)
      %dma_wait3A_1543 = arith.constant 0 : i32
      %dma_wait3A_1544 = arith.constant 0 : i32
      %dma_wait3A_1545 = tpu.memref_slice %arg8[%run_scoped3A_371, %run_scoped3A_372, %dma_wait3A_1543, %dma_wait3A_1544] : memref<2x3x8x128xf32, #tpu.memory_space<vmem>> -> memref<1x1x8x128xf32, #tpu.memory_space<vmem>>
      %dma_wait3A_1546 = tpu.memref_squeeze %dma_wait3A_1545 : memref<1x1x8x128xf32, #tpu.memory_space<vmem>> -> memref<8x128xf32, #tpu.memory_space<vmem>>
      %dma_wait3A_1547 = arith.constant 0 : i32
      %dma_wait3A_1548 = tpu.memref_slice %arg4[%run_scoped3A_370, %add3A_362, %dma_wait3A_1547] : memref<3x1024x128xf32, #tpu.memory_space<hbm>> -> memref<1x8x128xf32, #tpu.memory_space<hbm>>
      %dma_wait3A_1549 = tpu.memref_squeeze %dma_wait3A_1548 : memref<1x8x128xf32, #tpu.memory_space<hbm>> -> memref<8x128xf32, #tpu.memory_space<hbm>>
      %dma_wait3A_1550 = arith.constant 0 : i32
      %dma_wait3A_1551 = arith.constant 0 : i32
      %dma_wait3A_1552 = tpu.memref_slice %arg8[%run_scoped3A_371, %run_scoped3A_372, %dma_wait3A_1550, %dma_wait3A_1551] : memref<2x3x8x128xf32, #tpu.memory_space<vmem>> -> memref<1x1x8x128xf32, #tpu.memory_space<vmem>>
      %dma_wait3A_1553 = tpu.memref_squeeze %dma_wait3A_1552 : memref<1x1x8x128xf32, #tpu.memory_space<vmem>> -> memref<8x128xf32, #tpu.memory_space<vmem>>
      %dma_wait3A_1554 = arith.constant 0 : i32
      %dma_wait3A_1555 = tpu.memref_slice %arg4[%run_scoped3A_370, %add3A_362, %dma_wait3A_1554] : memref<3x1024x128xf32, #tpu.memory_space<hbm>> -> memref<1x8x128xf32, #tpu.memory_space<hbm>>
      %dma_wait3A_1556 = tpu.memref_squeeze %dma_wait3A_1555 : memref<1x8x128xf32, #tpu.memory_space<hbm>> -> memref<8x128xf32, #tpu.memory_space<hbm>>
      tpu.wait_dma2 semaphore(%run_scoped3A_1528 : memref<!tpu.dma_semaphore, #tpu.memory_space<semaphore_mem>>) src(%dma_wait3A_1556 : memref<8x128xf32, #tpu.memory_space<hbm>>) dst(%dma_wait3A_1553 : memref<8x128xf32, #tpu.memory_space<vmem>>)
      tpu.yield
    }) : () -> ()
    %dma_start3A_373 = arith.constant 1 : i32
    %dma_start3A_374 = arith.constant 0 : i32
    %dma_start3A_375 = arith.constant 0 : i32
    %dma_start3A_376 = arith.constant 0 : i32
    %dma_start3A_377 = arith.constant 0 : i32
    %dma_start3A_378 = tpu.memref_slice %arg7[%dma_start3A_375, %dma_start3A_376, %dma_start3A_377] : memref<2x256x128xf32, #tpu.memory_space<vmem>> -> memref<1x128x128xf32, #tpu.memory_space<vmem>>
    %dma_start3A_379 = tpu.memref_squeeze %dma_start3A_378 : memref<1x128x128xf32, #tpu.memory_space<vmem>> -> memref<128x128xf32, #tpu.memory_space<vmem>>
    %dma_start3A_380 = arith.constant 0 : i32
    %dma_start3A_381 = tpu.memref_slice %arg6[%dma_start3A_373, %dma_start3A_374, %dma_start3A_380] : memref<2x8x128xi32, #tpu.memory_space<vmem>> -> memref<1x1x128xi32, #tpu.memory_space<vmem>>
    %dma_start3A_382 = tpu.memref_squeeze %dma_start3A_381 : memref<1x1x128xi32, #tpu.memory_space<vmem>> -> memref<128xi32, #tpu.memory_space<vmem>>
    %dma_start3A_383 = arith.constant 0 : i32
    %dma_start3A_384 = arith.constant 0 : i32
    %dma_start3A_385 = tpu.memref_slice %arg9[%dma_start3A_383, %dma_start3A_384] : memref<119x128xf32, #tpu.memory_space<vmem_shared>> -> memref<119x128xf32, #tpu.memory_space<vmem_shared>>
    tpu.enqueue_indirect_dma source(%dma_start3A_385 : memref<119x128xf32, #tpu.memory_space<vmem_shared>>) target(%dma_start3A_379 : memref<128x128xf32, #tpu.memory_space<vmem>>) offsets(%dma_start3A_382 : memref<128xi32, #tpu.memory_space<vmem>>) semaphore(%arg10 : memref<!tpu.dma_semaphore, #tpu.memory_space<semaphore_mem>>)
    %dma_start3A_386 = arith.constant 1 : i32
    %dma_start3A_387 = arith.constant 1 : i32
    %dma_start3A_388 = arith.constant 0 : i32
    %dma_start3A_389 = arith.constant 128 : i32
    %dma_start3A_390 = arith.constant 0 : i32
    %dma_start3A_391 = tpu.memref_slice %arg7[%dma_start3A_388, %dma_start3A_389, %dma_start3A_390] : memref<2x256x128xf32, #tpu.memory_space<vmem>> -> memref<1x128x128xf32, #tpu.memory_space<vmem>>
    %dma_start3A_392 = tpu.memref_squeeze %dma_start3A_391 : memref<1x128x128xf32, #tpu.memory_space<vmem>> -> memref<128x128xf32, #tpu.memory_space<vmem>>
    %dma_start3A_393 = arith.constant 0 : i32
    %dma_start3A_394 = tpu.memref_slice %arg6[%dma_start3A_386, %dma_start3A_387, %dma_start3A_393] : memref<2x8x128xi32, #tpu.memory_space<vmem>> -> memref<1x1x128xi32, #tpu.memory_space<vmem>>
    %dma_start3A_395 = tpu.memref_squeeze %dma_start3A_394 : memref<1x1x128xi32, #tpu.memory_space<vmem>> -> memref<128xi32, #tpu.memory_space<vmem>>
    %dma_start3A_396 = arith.constant 0 : i32
    %dma_start3A_397 = arith.constant 0 : i32
    %dma_start3A_398 = tpu.memref_slice %arg9[%dma_start3A_396, %dma_start3A_397] : memref<119x128xf32, #tpu.memory_space<vmem_shared>> -> memref<119x128xf32, #tpu.memory_space<vmem_shared>>
    tpu.enqueue_indirect_dma source(%dma_start3A_398 : memref<119x128xf32, #tpu.memory_space<vmem_shared>>) target(%dma_start3A_392 : memref<128x128xf32, #tpu.memory_space<vmem>>) offsets(%dma_start3A_395 : memref<128xi32, #tpu.memory_space<vmem>>) semaphore(%arg10 : memref<!tpu.dma_semaphore, #tpu.memory_space<semaphore_mem>>)
    %scan3A_399 = arith.constant 0 : i32
    %scan3A_400 = arith.constant 0 : i32
    %scan3A_401 = arith.constant 16 : i32
    %scan3A_402 = arith.addi %scan3A_400, %scan3A_401 : i32
    %scan3A_403 = arith.constant 1 : i32
    scf.for %scan3A_1528 = %scan3A_400 to %scan3A_402 step %scan3A_403  : i32 {
      %jit3A = arith.constant 8 : i32
      %div3A = arith.divsi %scan3A_1528, %jit3A : i32
      %sign3A = arith.constant 0 : i32
      %sign3A_1529 = arith.cmpi sgt, %scan3A_1528, %sign3A : i32
      %sign3A_1530 = arith.extui %sign3A_1529 : i1 to i32
      %sign3A_1531 = arith.constant 0 : i32
      %sign3A_1532 = arith.cmpi slt, %scan3A_1528, %sign3A_1531 : i32
      %sign3A_1533 = arith.extui %sign3A_1532 : i1 to i32
      %sign3A_1534 = arith.subi %sign3A_1530, %sign3A_1533 : i32
      %sign3A_1535 = arith.constant 0 : i32
      %sign3A_1536 = arith.cmpi sgt, %jit3A, %sign3A_1535 : i32
      %sign3A_1537 = arith.extui %sign3A_1536 : i1 to i32
      %sign3A_1538 = arith.constant 0 : i32
      %sign3A_1539 = arith.cmpi slt, %jit3A, %sign3A_1538 : i32
      %sign3A_1540 = arith.extui %sign3A_1539 : i1 to i32
      %sign3A_1541 = arith.subi %sign3A_1537, %sign3A_1540 : i32
      %ne3A = arith.cmpi ne, %sign3A_1534, %sign3A_1541 : i32
      %rem3A = arith.remsi %scan3A_1528, %jit3A : i32
      %ne3A_1542 = arith.constant 0 : i32
      %ne3A_1543 = arith.cmpi ne, %rem3A, %ne3A_1542 : i32
      %and3A = arith.andi %ne3A, %ne3A_1543 : i1
      %sub3A = arith.constant 1 : i32
      %sub3A_1544 = arith.subi %div3A, %sub3A : i32
      %select_n3A = arith.select %and3A, %sub3A_1544, %div3A : i32
      %add3A_1545 = arith.constant 6 : i32
      %add3A_1546 = arith.addi %add3A_1545, %select_n3A : i32
      %jit3A_1547 = arith.constant 8 : i32
      %eq3A_1548 = arith.constant 0 : i32
      %eq3A_1549 = arith.cmpi eq, %jit3A_1547, %eq3A_1548 : i32
      %jit3A_1550 = arith.constant 1 : i32
      %select_n3A_1551 = arith.select %eq3A_1549, %jit3A_1550, %jit3A_1547 : i32
      %rem3A_1552 = arith.remsi %scan3A_1528, %select_n3A_1551 : i32
      %ne3A_1553 = arith.constant 0 : i32
      %ne3A_1554 = arith.cmpi ne, %rem3A_1552, %ne3A_1553 : i32
      %lt3A = arith.constant 0 : i32
      %lt3A_1555 = arith.cmpi slt, %rem3A_1552, %lt3A : i32
      %lt3A_1556 = arith.constant 0 : i32
      %lt3A_1557 = arith.cmpi slt, %select_n3A_1551, %lt3A_1556 : i32
      %ne3A_1558 = arith.xori %lt3A_1555, %lt3A_1557 : i1
      %and3A_1559 = arith.andi %ne3A_1558, %ne3A_1554 : i1
      %add3A_1560 = arith.addi %rem3A_1552, %select_n3A_1551 : i32
      %select_n3A_1561 = arith.select %and3A_1559, %add3A_1560, %rem3A_1552 : i32
      %mul3A_1562 = arith.constant 16 : i32
      %mul3A_1563 = arith.muli %select_n3A_1561, %mul3A_1562 : i32
      %mul3A_1564 = arith.constant 16 : i32
      %mul3A_1565 = arith.muli %scan3A_1528, %mul3A_1564 : i32
      %add3A_1566 = vector.broadcast %mul3A_1565 : i32 to vector<16xi32>
      %add3A_1567 = arith.addi %iota3A, %add3A_1566 : vector<16xi32>
      %get3A = arith.constant 0 : i32
      %get3A_1568 = arith.constant 0 : i32
      %get3A_1569 = arith.index_cast %get3A : i32 to index
      %get3A_1570 = arith.index_cast %get3A_1568 : i32 to index
      %get3A_1571 = arith.index_cast %add3A_1546 : i32 to index
      %get3A_1572 = arith.index_cast %mul3A_1563 : i32 to index
      %get3A_1573 = tpu.vector_load %arg8[%get3A_1569, %get3A_1570, %get3A_1571, %get3A_1572] {strides = array<i32>} : memref<2x3x8x128xf32, #tpu.memory_space<vmem>>, vector<16xf32>,
      %scatter3A = arith.constant 1 : i32
      %scatter3A_1574 = arith.constant 0 : i32
      %scatter3A_1575 = arith.constant 0 : i32
      %scatter3A_1576 = tpu.memref_slice %arg7[%scatter3A, %scatter3A_1574, %scatter3A_1575] : memref<2x256x128xf32, #tpu.memory_space<vmem>> -> memref<1x256x128xf32, #tpu.memory_space<vmem>>
      %scatter3A_1577 = tpu.memref_squeeze %scatter3A_1576 : memref<1x256x128xf32, #tpu.memory_space<vmem>> -> memref<256x128xf32, #tpu.memory_space<vmem>>
      tpu.vector_store_idx %scatter3A_1577[%add3A_1567, %add3A_8], %get3A_1573 : memref<256x128xf32, #tpu.memory_space<vmem>>[vector<16xi32>, vector<16xi32>], vector<16xf32>,
      %get3A_1578 = arith.constant 0 : i32
      %get3A_1579 = arith.constant 1 : i32
      %get3A_1580 = arith.index_cast %get3A_1578 : i32 to index
      %get3A_1581 = arith.index_cast %get3A_1579 : i32 to index
      %get3A_1582 = arith.index_cast %add3A_1546 : i32 to index
      %get3A_1583 = arith.index_cast %mul3A_1563 : i32 to index
      %get3A_1584 = tpu.vector_load %arg8[%get3A_1580, %get3A_1581, %get3A_1582, %get3A_1583] {strides = array<i32>} : memref<2x3x8x128xf32, #tpu.memory_space<vmem>>, vector<16xf32>,
      %scatter3A_1585 = arith.constant 1 : i32
      %scatter3A_1586 = arith.constant 0 : i32
      %scatter3A_1587 = arith.constant 0 : i32
      %scatter3A_1588 = tpu.memref_slice %arg7[%scatter3A_1585, %scatter3A_1586, %scatter3A_1587] : memref<2x256x128xf32, #tpu.memory_space<vmem>> -> memref<1x256x128xf32, #tpu.memory_space<vmem>>
      %scatter3A_1589 = tpu.memref_squeeze %scatter3A_1588 : memref<1x256x128xf32, #tpu.memory_space<vmem>> -> memref<256x128xf32, #tpu.memory_space<vmem>>
      tpu.vector_store_idx %scatter3A_1589[%add3A_1567, %add3A_14], %get3A_1584 : memref<256x128xf32, #tpu.memory_space<vmem>>[vector<16xi32>, vector<16xi32>], vector<16xf32>,
      %get3A_1590 = arith.constant 0 : i32
      %get3A_1591 = arith.constant 2 : i32
      %get3A_1592 = arith.index_cast %get3A_1590 : i32 to index
      %get3A_1593 = arith.index_cast %get3A_1591 : i32 to index
      %get3A_1594 = arith.index_cast %add3A_1546 : i32 to index
      %get3A_1595 = arith.index_cast %mul3A_1563 : i32 to index
      %get3A_1596 = tpu.vector_load %arg8[%get3A_1592, %get3A_1593, %get3A_1594, %get3A_1595] {strides = array<i32>} : memref<2x3x8x128xf32, #tpu.memory_space<vmem>>, vector<16xf32>,
      %scatter3A_1597 = arith.constant 1 : i32
      %scatter3A_1598 = arith.constant 0 : i32
      %scatter3A_1599 = arith.constant 0 : i32
      %scatter3A_1600 = tpu.memref_slice %arg7[%scatter3A_1597, %scatter3A_1598, %scatter3A_1599] : memref<2x256x128xf32, #tpu.memory_space<vmem>> -> memref<1x256x128xf32, #tpu.memory_space<vmem>>
      %scatter3A_1601 = tpu.memref_squeeze %scatter3A_1600 : memref<1x256x128xf32, #tpu.memory_space<vmem>> -> memref<256x128xf32, #tpu.memory_space<vmem>>
      tpu.vector_store_idx %scatter3A_1601[%add3A_1567, %add3A_20], %get3A_1596 : memref<256x128xf32, #tpu.memory_space<vmem>>[vector<16xi32>, vector<16xi32>], vector<16xf32>,
    }
    %scan3A_404 = arith.constant 16 : i32
    %mul3A_405 = arith.constant 4096 : i32
    %mul3A_406 = arith.muli %add3A, %mul3A_405 : i32
    %add3A_407 = arith.constant 768 : i32
    %add3A_408 = arith.addi %mul3A_406, %add3A_407 : i32
    %dma_start3A_409 = arith.constant 1 : i32
    %dma_start3A_410 = arith.constant 0 : i32
    %dma_start3A_411 = arith.constant 0 : i32
    %dma_start3A_412 = tpu.memref_slice %arg7[%dma_start3A_409, %dma_start3A_410, %dma_start3A_411] : memref<2x256x128xf32, #tpu.memory_space<vmem>> -> memref<1x256x128xf32, #tpu.memory_space<vmem>>
    %dma_start3A_413 = tpu.memref_squeeze %dma_start3A_412 : memref<1x256x128xf32, #tpu.memory_space<vmem>> -> memref<256x128xf32, #tpu.memory_space<vmem>>
    %dma_start3A_414 = arith.constant 0 : i32
    %dma_start3A_415 = tpu.memref_slice %arg5[%add3A_408, %dma_start3A_414] : memref<131072x128xf32, #tpu.memory_space<hbm>> -> memref<256x128xf32, #tpu.memory_space<hbm>>
    %dma_start3A_416 = arith.constant 0 : i32
    %dma_start3A_417 = tpu.memref_slice %arg5[%add3A_408, %dma_start3A_416] : memref<131072x128xf32, #tpu.memory_space<hbm>> -> memref<256x128xf32, #tpu.memory_space<hbm>>
    %dma_start3A_418 = arith.constant 0 : i32
    %dma_start3A_419 = arith.constant 0 : i32
    %dma_start3A_420 = tpu.memref_slice %arg7[%dma_start3A_409, %dma_start3A_418, %dma_start3A_419] : memref<2x256x128xf32, #tpu.memory_space<vmem>> -> memref<1x256x128xf32, #tpu.memory_space<vmem>>
    %dma_start3A_421 = tpu.memref_squeeze %dma_start3A_420 : memref<1x256x128xf32, #tpu.memory_space<vmem>> -> memref<256x128xf32, #tpu.memory_space<vmem>>
    tpu.enqueue_dma source(%dma_start3A_421 : memref<256x128xf32, #tpu.memory_space<vmem>>) target(%dma_start3A_417 : memref<256x128xf32, #tpu.memory_space<hbm>>) target_semaphore(%arg13 : memref<!tpu.dma_semaphore, #tpu.memory_space<semaphore_mem>>)
    %dma_wait3A_422 = arith.constant 1 : i32
    %dma_wait3A_423 = arith.constant 0 : i32
    %dma_wait3A_424 = arith.constant 0 : i32
    %dma_wait3A_425 = arith.constant 0 : i32
    %dma_wait3A_426 = arith.constant 0 : i32
    %dma_wait3A_427 = tpu.memref_slice %arg7[%dma_wait3A_424, %dma_wait3A_425, %dma_wait3A_426] : memref<2x256x128xf32, #tpu.memory_space<vmem>> -> memref<1x128x128xf32, #tpu.memory_space<vmem>>
    %dma_wait3A_428 = tpu.memref_squeeze %dma_wait3A_427 : memref<1x128x128xf32, #tpu.memory_space<vmem>> -> memref<128x128xf32, #tpu.memory_space<vmem>>
    %dma_wait3A_429 = arith.constant 0 : i32
    %dma_wait3A_430 = tpu.memref_slice %arg6[%dma_wait3A_422, %dma_wait3A_423, %dma_wait3A_429] : memref<2x8x128xi32, #tpu.memory_space<vmem>> -> memref<1x1x128xi32, #tpu.memory_space<vmem>>
    %dma_wait3A_431 = tpu.memref_squeeze %dma_wait3A_430 : memref<1x1x128xi32, #tpu.memory_space<vmem>> -> memref<128xi32, #tpu.memory_space<vmem>>
    %dma_wait3A_432 = arith.constant 0 : i32
    %dma_wait3A_433 = arith.constant 0 : i32
    %dma_wait3A_434 = tpu.memref_slice %arg9[%dma_wait3A_432, %dma_wait3A_433] : memref<119x128xf32, #tpu.memory_space<vmem_shared>> -> memref<119x128xf32, #tpu.memory_space<vmem_shared>>
    tpu.wait_indirect_dma semaphore(%arg10 : memref<!tpu.dma_semaphore, #tpu.memory_space<semaphore_mem>>) src(%dma_wait3A_434 : memref<119x128xf32, #tpu.memory_space<vmem_shared>>) dst(%dma_wait3A_428 : memref<128x128xf32, #tpu.memory_space<vmem>>)
    %dma_wait3A_435 = arith.constant 1 : i32
    %dma_wait3A_436 = arith.constant 1 : i32
    %dma_wait3A_437 = arith.constant 0 : i32
    %dma_wait3A_438 = arith.constant 128 : i32
    %dma_wait3A_439 = arith.constant 0 : i32
    %dma_wait3A_440 = tpu.memref_slice %arg7[%dma_wait3A_437, %dma_wait3A_438, %dma_wait3A_439] : memref<2x256x128xf32, #tpu.memory_space<vmem>> -> memref<1x128x128xf32, #tpu.memory_space<vmem>>
    %dma_wait3A_441 = tpu.memref_squeeze %dma_wait3A_440 : memref<1x128x128xf32, #tpu.memory_space<vmem>> -> memref<128x128xf32, #tpu.memory_space<vmem>>
    %dma_wait3A_442 = arith.constant 0 : i32
    %dma_wait3A_443 = tpu.memref_slice %arg6[%dma_wait3A_435, %dma_wait3A_436, %dma_wait3A_442] : memref<2x8x128xi32, #tpu.memory_space<vmem>> -> memref<1x1x128xi32, #tpu.memory_space<vmem>>
    %dma_wait3A_444 = tpu.memref_squeeze %dma_wait3A_443 : memref<1x1x128xi32, #tpu.memory_space<vmem>> -> memref<128xi32, #tpu.memory_space<vmem>>
    %dma_wait3A_445 = arith.constant 0 : i32
    %dma_wait3A_446 = arith.constant 0 : i32
    %dma_wait3A_447 = tpu.memref_slice %arg9[%dma_wait3A_445, %dma_wait3A_446] : memref<119x128xf32, #tpu.memory_space<vmem_shared>> -> memref<119x128xf32, #tpu.memory_space<vmem_shared>>
    tpu.wait_indirect_dma semaphore(%arg10 : memref<!tpu.dma_semaphore, #tpu.memory_space<semaphore_mem>>) src(%dma_wait3A_447 : memref<119x128xf32, #tpu.memory_space<vmem_shared>>) dst(%dma_wait3A_441 : memref<128x128xf32, #tpu.memory_space<vmem>>)
    %mul3A_448 = arith.constant 4096 : i32
    %mul3A_449 = arith.muli %add3A, %mul3A_448 : i32
    %add3A_450 = arith.constant 768 : i32
    %add3A_451 = arith.addi %mul3A_449, %add3A_450 : i32
    %dma_wait3A_452 = arith.constant 1 : i32
    %dma_wait3A_453 = arith.constant 0 : i32
    %dma_wait3A_454 = arith.constant 0 : i32
    %dma_wait3A_455 = tpu.memref_slice %arg7[%dma_wait3A_452, %dma_wait3A_453, %dma_wait3A_454] : memref<2x256x128xf32, #tpu.memory_space<vmem>> -> memref<1x256x128xf32, #tpu.memory_space<vmem>>
    %dma_wait3A_456 = tpu.memref_squeeze %dma_wait3A_455 : memref<1x256x128xf32, #tpu.memory_space<vmem>> -> memref<256x128xf32, #tpu.memory_space<vmem>>
    %dma_wait3A_457 = arith.constant 0 : i32
    %dma_wait3A_458 = tpu.memref_slice %arg5[%add3A_451, %dma_wait3A_457] : memref<131072x128xf32, #tpu.memory_space<hbm>> -> memref<256x128xf32, #tpu.memory_space<hbm>>
    %dma_wait3A_459 = arith.constant 0 : i32
    %dma_wait3A_460 = tpu.memref_slice %arg5[%add3A_451, %dma_wait3A_459] : memref<131072x128xf32, #tpu.memory_space<hbm>> -> memref<256x128xf32, #tpu.memory_space<hbm>>
    %dma_wait3A_461 = arith.constant 0 : i32
    %dma_wait3A_462 = arith.constant 0 : i32
    %dma_wait3A_463 = tpu.memref_slice %arg7[%dma_wait3A_452, %dma_wait3A_461, %dma_wait3A_462] : memref<2x256x128xf32, #tpu.memory_space<vmem>> -> memref<1x256x128xf32, #tpu.memory_space<vmem>>
    %dma_wait3A_464 = tpu.memref_squeeze %dma_wait3A_463 : memref<1x256x128xf32, #tpu.memory_space<vmem>> -> memref<256x128xf32, #tpu.memory_space<vmem>>
    tpu.wait_dma2 semaphore(%arg13 : memref<!tpu.dma_semaphore, #tpu.memory_space<semaphore_mem>>) src(%dma_wait3A_464 : memref<256x128xf32, #tpu.memory_space<vmem>>) dst(%dma_wait3A_460 : memref<256x128xf32, #tpu.memory_space<hbm>>)
    %dma_start3A_465 = arith.constant 1 : i32
    %dma_start3A_466 = arith.constant 2 : i32
    %dma_start3A_467 = arith.constant 1 : i32
    %dma_start3A_468 = arith.constant 0 : i32
    %dma_start3A_469 = arith.constant 0 : i32
    %dma_start3A_470 = tpu.memref_slice %arg7[%dma_start3A_467, %dma_start3A_468, %dma_start3A_469] : memref<2x256x128xf32, #tpu.memory_space<vmem>> -> memref<1x128x128xf32, #tpu.memory_space<vmem>>
    %dma_start3A_471 = tpu.memref_squeeze %dma_start3A_470 : memref<1x128x128xf32, #tpu.memory_space<vmem>> -> memref<128x128xf32, #tpu.memory_space<vmem>>
    %dma_start3A_472 = arith.constant 0 : i32
    %dma_start3A_473 = tpu.memref_slice %arg6[%dma_start3A_465, %dma_start3A_466, %dma_start3A_472] : memref<2x8x128xi32, #tpu.memory_space<vmem>> -> memref<1x1x128xi32, #tpu.memory_space<vmem>>
    %dma_start3A_474 = tpu.memref_squeeze %dma_start3A_473 : memref<1x1x128xi32, #tpu.memory_space<vmem>> -> memref<128xi32, #tpu.memory_space<vmem>>
    %dma_start3A_475 = arith.constant 0 : i32
    %dma_start3A_476 = arith.constant 0 : i32
    %dma_start3A_477 = tpu.memref_slice %arg9[%dma_start3A_475, %dma_start3A_476] : memref<119x128xf32, #tpu.memory_space<vmem_shared>> -> memref<119x128xf32, #tpu.memory_space<vmem_shared>>
    tpu.enqueue_indirect_dma source(%dma_start3A_477 : memref<119x128xf32, #tpu.memory_space<vmem_shared>>) target(%dma_start3A_471 : memref<128x128xf32, #tpu.memory_space<vmem>>) offsets(%dma_start3A_474 : memref<128xi32, #tpu.memory_space<vmem>>) semaphore(%arg11 : memref<!tpu.dma_semaphore, #tpu.memory_space<semaphore_mem>>)
    %dma_start3A_478 = arith.constant 1 : i32
    %dma_start3A_479 = arith.constant 3 : i32
    %dma_start3A_480 = arith.constant 1 : i32
    %dma_start3A_481 = arith.constant 128 : i32
    %dma_start3A_482 = arith.constant 0 : i32
    %dma_start3A_483 = tpu.memref_slice %arg7[%dma_start3A_480, %dma_start3A_481, %dma_start3A_482] : memref<2x256x128xf32, #tpu.memory_space<vmem>> -> memref<1x128x128xf32, #tpu.memory_space<vmem>>
    %dma_start3A_484 = tpu.memref_squeeze %dma_start3A_483 : memref<1x128x128xf32, #tpu.memory_space<vmem>> -> memref<128x128xf32, #tpu.memory_space<vmem>>
    %dma_start3A_485 = arith.constant 0 : i32
    %dma_start3A_486 = tpu.memref_slice %arg6[%dma_start3A_478, %dma_start3A_479, %dma_start3A_485] : memref<2x8x128xi32, #tpu.memory_space<vmem>> -> memref<1x1x128xi32, #tpu.memory_space<vmem>>
    %dma_start3A_487 = tpu.memref_squeeze %dma_start3A_486 : memref<1x1x128xi32, #tpu.memory_space<vmem>> -> memref<128xi32, #tpu.memory_space<vmem>>
    %dma_start3A_488 = arith.constant 0 : i32
    %dma_start3A_489 = arith.constant 0 : i32
    %dma_start3A_490 = tpu.memref_slice %arg9[%dma_start3A_488, %dma_start3A_489] : memref<119x128xf32, #tpu.memory_space<vmem_shared>> -> memref<119x128xf32, #tpu.memory_space<vmem_shared>>
    tpu.enqueue_indirect_dma source(%dma_start3A_490 : memref<119x128xf32, #tpu.memory_space<vmem_shared>>) target(%dma_start3A_484 : memref<128x128xf32, #tpu.memory_space<vmem>>) offsets(%dma_start3A_487 : memref<128xi32, #tpu.memory_space<vmem>>) semaphore(%arg11 : memref<!tpu.dma_semaphore, #tpu.memory_space<semaphore_mem>>)
    %scan3A_491 = arith.constant 0 : i32
    %scan3A_492 = arith.constant 0 : i32
    %scan3A_493 = arith.constant 16 : i32
    %scan3A_494 = arith.addi %scan3A_492, %scan3A_493 : i32
    %scan3A_495 = arith.constant 1 : i32
    scf.for %scan3A_1528 = %scan3A_492 to %scan3A_494 step %scan3A_495  : i32 {
      %jit3A = arith.constant 8 : i32
      %div3A = arith.divsi %scan3A_1528, %jit3A : i32
      %sign3A = arith.constant 0 : i32
      %sign3A_1529 = arith.cmpi sgt, %scan3A_1528, %sign3A : i32
      %sign3A_1530 = arith.extui %sign3A_1529 : i1 to i32
      %sign3A_1531 = arith.constant 0 : i32
      %sign3A_1532 = arith.cmpi slt, %scan3A_1528, %sign3A_1531 : i32
      %sign3A_1533 = arith.extui %sign3A_1532 : i1 to i32
      %sign3A_1534 = arith.subi %sign3A_1530, %sign3A_1533 : i32
      %sign3A_1535 = arith.constant 0 : i32
      %sign3A_1536 = arith.cmpi sgt, %jit3A, %sign3A_1535 : i32
      %sign3A_1537 = arith.extui %sign3A_1536 : i1 to i32
      %sign3A_1538 = arith.constant 0 : i32
      %sign3A_1539 = arith.cmpi slt, %jit3A, %sign3A_1538 : i32
      %sign3A_1540 = arith.extui %sign3A_1539 : i1 to i32
      %sign3A_1541 = arith.subi %sign3A_1537, %sign3A_1540 : i32
      %ne3A = arith.cmpi ne, %sign3A_1534, %sign3A_1541 : i32
      %rem3A = arith.remsi %scan3A_1528, %jit3A : i32
      %ne3A_1542 = arith.constant 0 : i32
      %ne3A_1543 = arith.cmpi ne, %rem3A, %ne3A_1542 : i32
      %and3A = arith.andi %ne3A, %ne3A_1543 : i1
      %sub3A = arith.constant 1 : i32
      %sub3A_1544 = arith.subi %div3A, %sub3A : i32
      %select_n3A = arith.select %and3A, %sub3A_1544, %div3A : i32
      %add3A_1545 = arith.constant 0 : i32
      %add3A_1546 = arith.addi %add3A_1545, %select_n3A : i32
      %jit3A_1547 = arith.constant 8 : i32
      %eq3A_1548 = arith.constant 0 : i32
      %eq3A_1549 = arith.cmpi eq, %jit3A_1547, %eq3A_1548 : i32
      %jit3A_1550 = arith.constant 1 : i32
      %select_n3A_1551 = arith.select %eq3A_1549, %jit3A_1550, %jit3A_1547 : i32
      %rem3A_1552 = arith.remsi %scan3A_1528, %select_n3A_1551 : i32
      %ne3A_1553 = arith.constant 0 : i32
      %ne3A_1554 = arith.cmpi ne, %rem3A_1552, %ne3A_1553 : i32
      %lt3A = arith.constant 0 : i32
      %lt3A_1555 = arith.cmpi slt, %rem3A_1552, %lt3A : i32
      %lt3A_1556 = arith.constant 0 : i32
      %lt3A_1557 = arith.cmpi slt, %select_n3A_1551, %lt3A_1556 : i32
      %ne3A_1558 = arith.xori %lt3A_1555, %lt3A_1557 : i1
      %and3A_1559 = arith.andi %ne3A_1558, %ne3A_1554 : i1
      %add3A_1560 = arith.addi %rem3A_1552, %select_n3A_1551 : i32
      %select_n3A_1561 = arith.select %and3A_1559, %add3A_1560, %rem3A_1552 : i32
      %mul3A_1562 = arith.constant 16 : i32
      %mul3A_1563 = arith.muli %select_n3A_1561, %mul3A_1562 : i32
      %mul3A_1564 = arith.constant 16 : i32
      %mul3A_1565 = arith.muli %scan3A_1528, %mul3A_1564 : i32
      %add3A_1566 = vector.broadcast %mul3A_1565 : i32 to vector<16xi32>
      %add3A_1567 = arith.addi %iota3A, %add3A_1566 : vector<16xi32>
      %get3A = arith.constant 1 : i32
      %get3A_1568 = arith.constant 0 : i32
      %get3A_1569 = arith.index_cast %get3A : i32 to index
      %get3A_1570 = arith.index_cast %get3A_1568 : i32 to index
      %get3A_1571 = arith.index_cast %add3A_1546 : i32 to index
      %get3A_1572 = arith.index_cast %mul3A_1563 : i32 to index
      %get3A_1573 = tpu.vector_load %arg8[%get3A_1569, %get3A_1570, %get3A_1571, %get3A_1572] {strides = array<i32>} : memref<2x3x8x128xf32, #tpu.memory_space<vmem>>, vector<16xf32>,
      %scatter3A = arith.constant 0 : i32
      %scatter3A_1574 = arith.constant 0 : i32
      %scatter3A_1575 = arith.constant 0 : i32
      %scatter3A_1576 = tpu.memref_slice %arg7[%scatter3A, %scatter3A_1574, %scatter3A_1575] : memref<2x256x128xf32, #tpu.memory_space<vmem>> -> memref<1x256x128xf32, #tpu.memory_space<vmem>>
      %scatter3A_1577 = tpu.memref_squeeze %scatter3A_1576 : memref<1x256x128xf32, #tpu.memory_space<vmem>> -> memref<256x128xf32, #tpu.memory_space<vmem>>
      tpu.vector_store_idx %scatter3A_1577[%add3A_1567, %add3A_8], %get3A_1573 : memref<256x128xf32, #tpu.memory_space<vmem>>[vector<16xi32>, vector<16xi32>], vector<16xf32>,
      %get3A_1578 = arith.constant 1 : i32
      %get3A_1579 = arith.constant 1 : i32
      %get3A_1580 = arith.index_cast %get3A_1578 : i32 to index
      %get3A_1581 = arith.index_cast %get3A_1579 : i32 to index
      %get3A_1582 = arith.index_cast %add3A_1546 : i32 to index
      %get3A_1583 = arith.index_cast %mul3A_1563 : i32 to index
      %get3A_1584 = tpu.vector_load %arg8[%get3A_1580, %get3A_1581, %get3A_1582, %get3A_1583] {strides = array<i32>} : memref<2x3x8x128xf32, #tpu.memory_space<vmem>>, vector<16xf32>,
      %scatter3A_1585 = arith.constant 0 : i32
      %scatter3A_1586 = arith.constant 0 : i32
      %scatter3A_1587 = arith.constant 0 : i32
      %scatter3A_1588 = tpu.memref_slice %arg7[%scatter3A_1585, %scatter3A_1586, %scatter3A_1587] : memref<2x256x128xf32, #tpu.memory_space<vmem>> -> memref<1x256x128xf32, #tpu.memory_space<vmem>>
      %scatter3A_1589 = tpu.memref_squeeze %scatter3A_1588 : memref<1x256x128xf32, #tpu.memory_space<vmem>> -> memref<256x128xf32, #tpu.memory_space<vmem>>
      tpu.vector_store_idx %scatter3A_1589[%add3A_1567, %add3A_14], %get3A_1584 : memref<256x128xf32, #tpu.memory_space<vmem>>[vector<16xi32>, vector<16xi32>], vector<16xf32>,
      %get3A_1590 = arith.constant 1 : i32
      %get3A_1591 = arith.constant 2 : i32
      %get3A_1592 = arith.index_cast %get3A_1590 : i32 to index
      %get3A_1593 = arith.index_cast %get3A_1591 : i32 to index
      %get3A_1594 = arith.index_cast %add3A_1546 : i32 to index
      %get3A_1595 = arith.index_cast %mul3A_1563 : i32 to index
      %get3A_1596 = tpu.vector_load %arg8[%get3A_1592, %get3A_1593, %get3A_1594, %get3A_1595] {strides = array<i32>} : memref<2x3x8x128xf32, #tpu.memory_space<vmem>>, vector<16xf32>,
      %scatter3A_1597 = arith.constant 0 : i32
      %scatter3A_1598 = arith.constant 0 : i32
      %scatter3A_1599 = arith.constant 0 : i32
      %scatter3A_1600 = tpu.memref_slice %arg7[%scatter3A_1597, %scatter3A_1598, %scatter3A_1599] : memref<2x256x128xf32, #tpu.memory_space<vmem>> -> memref<1x256x128xf32, #tpu.memory_space<vmem>>
      %scatter3A_1601 = tpu.memref_squeeze %scatter3A_1600 : memref<1x256x128xf32, #tpu.memory_space<vmem>> -> memref<256x128xf32, #tpu.memory_space<vmem>>
      tpu.vector_store_idx %scatter3A_1601[%add3A_1567, %add3A_20], %get3A_1596 : memref<256x128xf32, #tpu.memory_space<vmem>>[vector<16xi32>, vector<16xi32>], vector<16xf32>,
    }
    %scan3A_496 = arith.constant 16 : i32
    %mul3A_497 = arith.constant 4096 : i32
    %mul3A_498 = arith.muli %add3A, %mul3A_497 : i32
    %add3A_499 = arith.constant 1024 : i32
    %add3A_500 = arith.addi %mul3A_498, %add3A_499 : i32
    %dma_start3A_501 = arith.constant 0 : i32
    %dma_start3A_502 = arith.constant 0 : i32
    %dma_start3A_503 = arith.constant 0 : i32
    %dma_start3A_504 = tpu.memref_slice %arg7[%dma_start3A_501, %dma_start3A_502, %dma_start3A_503] : memref<2x256x128xf32, #tpu.memory_space<vmem>> -> memref<1x256x128xf32, #tpu.memory_space<vmem>>
    %dma_start3A_505 = tpu.memref_squeeze %dma_start3A_504 : memref<1x256x128xf32, #tpu.memory_space<vmem>> -> memref<256x128xf32, #tpu.memory_space<vmem>>
    %dma_start3A_506 = arith.constant 0 : i32
    %dma_start3A_507 = tpu.memref_slice %arg5[%add3A_500, %dma_start3A_506] : memref<131072x128xf32, #tpu.memory_space<hbm>> -> memref<256x128xf32, #tpu.memory_space<hbm>>
    %dma_start3A_508 = arith.constant 0 : i32
    %dma_start3A_509 = tpu.memref_slice %arg5[%add3A_500, %dma_start3A_508] : memref<131072x128xf32, #tpu.memory_space<hbm>> -> memref<256x128xf32, #tpu.memory_space<hbm>>
    %dma_start3A_510 = arith.constant 0 : i32
    %dma_start3A_511 = arith.constant 0 : i32
    %dma_start3A_512 = tpu.memref_slice %arg7[%dma_start3A_501, %dma_start3A_510, %dma_start3A_511] : memref<2x256x128xf32, #tpu.memory_space<vmem>> -> memref<1x256x128xf32, #tpu.memory_space<vmem>>
    %dma_start3A_513 = tpu.memref_squeeze %dma_start3A_512 : memref<1x256x128xf32, #tpu.memory_space<vmem>> -> memref<256x128xf32, #tpu.memory_space<vmem>>
    tpu.enqueue_dma source(%dma_start3A_513 : memref<256x128xf32, #tpu.memory_space<vmem>>) target(%dma_start3A_509 : memref<256x128xf32, #tpu.memory_space<hbm>>) target_semaphore(%arg12 : memref<!tpu.dma_semaphore, #tpu.memory_space<semaphore_mem>>)
    %dma_wait3A_514 = arith.constant 1 : i32
    %dma_wait3A_515 = arith.constant 2 : i32
    %dma_wait3A_516 = arith.constant 1 : i32
    %dma_wait3A_517 = arith.constant 0 : i32
    %dma_wait3A_518 = arith.constant 0 : i32
    %dma_wait3A_519 = tpu.memref_slice %arg7[%dma_wait3A_516, %dma_wait3A_517, %dma_wait3A_518] : memref<2x256x128xf32, #tpu.memory_space<vmem>> -> memref<1x128x128xf32, #tpu.memory_space<vmem>>
    %dma_wait3A_520 = tpu.memref_squeeze %dma_wait3A_519 : memref<1x128x128xf32, #tpu.memory_space<vmem>> -> memref<128x128xf32, #tpu.memory_space<vmem>>
    %dma_wait3A_521 = arith.constant 0 : i32
    %dma_wait3A_522 = tpu.memref_slice %arg6[%dma_wait3A_514, %dma_wait3A_515, %dma_wait3A_521] : memref<2x8x128xi32, #tpu.memory_space<vmem>> -> memref<1x1x128xi32, #tpu.memory_space<vmem>>
    %dma_wait3A_523 = tpu.memref_squeeze %dma_wait3A_522 : memref<1x1x128xi32, #tpu.memory_space<vmem>> -> memref<128xi32, #tpu.memory_space<vmem>>
    %dma_wait3A_524 = arith.constant 0 : i32
    %dma_wait3A_525 = arith.constant 0 : i32
    %dma_wait3A_526 = tpu.memref_slice %arg9[%dma_wait3A_524, %dma_wait3A_525] : memref<119x128xf32, #tpu.memory_space<vmem_shared>> -> memref<119x128xf32, #tpu.memory_space<vmem_shared>>
    tpu.wait_indirect_dma semaphore(%arg11 : memref<!tpu.dma_semaphore, #tpu.memory_space<semaphore_mem>>) src(%dma_wait3A_526 : memref<119x128xf32, #tpu.memory_space<vmem_shared>>) dst(%dma_wait3A_520 : memref<128x128xf32, #tpu.memory_space<vmem>>)
    %dma_wait3A_527 = arith.constant 1 : i32
    %dma_wait3A_528 = arith.constant 3 : i32
    %dma_wait3A_529 = arith.constant 1 : i32
    %dma_wait3A_530 = arith.constant 128 : i32
    %dma_wait3A_531 = arith.constant 0 : i32
    %dma_wait3A_532 = tpu.memref_slice %arg7[%dma_wait3A_529, %dma_wait3A_530, %dma_wait3A_531] : memref<2x256x128xf32, #tpu.memory_space<vmem>> -> memref<1x128x128xf32, #tpu.memory_space<vmem>>
    %dma_wait3A_533 = tpu.memref_squeeze %dma_wait3A_532 : memref<1x128x128xf32, #tpu.memory_space<vmem>> -> memref<128x128xf32, #tpu.memory_space<vmem>>
    %dma_wait3A_534 = arith.constant 0 : i32
    %dma_wait3A_535 = tpu.memref_slice %arg6[%dma_wait3A_527, %dma_wait3A_528, %dma_wait3A_534] : memref<2x8x128xi32, #tpu.memory_space<vmem>> -> memref<1x1x128xi32, #tpu.memory_space<vmem>>
    %dma_wait3A_536 = tpu.memref_squeeze %dma_wait3A_535 : memref<1x1x128xi32, #tpu.memory_space<vmem>> -> memref<128xi32, #tpu.memory_space<vmem>>
    %dma_wait3A_537 = arith.constant 0 : i32
    %dma_wait3A_538 = arith.constant 0 : i32
    %dma_wait3A_539 = tpu.memref_slice %arg9[%dma_wait3A_537, %dma_wait3A_538] : memref<119x128xf32, #tpu.memory_space<vmem_shared>> -> memref<119x128xf32, #tpu.memory_space<vmem_shared>>
    tpu.wait_indirect_dma semaphore(%arg11 : memref<!tpu.dma_semaphore, #tpu.memory_space<semaphore_mem>>) src(%dma_wait3A_539 : memref<119x128xf32, #tpu.memory_space<vmem_shared>>) dst(%dma_wait3A_533 : memref<128x128xf32, #tpu.memory_space<vmem>>)
    %mul3A_540 = arith.constant 4096 : i32
    %mul3A_541 = arith.muli %add3A, %mul3A_540 : i32
    %add3A_542 = arith.constant 1024 : i32
    %add3A_543 = arith.addi %mul3A_541, %add3A_542 : i32
    %dma_wait3A_544 = arith.constant 0 : i32
    %dma_wait3A_545 = arith.constant 0 : i32
    %dma_wait3A_546 = arith.constant 0 : i32
    %dma_wait3A_547 = tpu.memref_slice %arg7[%dma_wait3A_544, %dma_wait3A_545, %dma_wait3A_546] : memref<2x256x128xf32, #tpu.memory_space<vmem>> -> memref<1x256x128xf32, #tpu.memory_space<vmem>>
    %dma_wait3A_548 = tpu.memref_squeeze %dma_wait3A_547 : memref<1x256x128xf32, #tpu.memory_space<vmem>> -> memref<256x128xf32, #tpu.memory_space<vmem>>
    %dma_wait3A_549 = arith.constant 0 : i32
    %dma_wait3A_550 = tpu.memref_slice %arg5[%add3A_543, %dma_wait3A_549] : memref<131072x128xf32, #tpu.memory_space<hbm>> -> memref<256x128xf32, #tpu.memory_space<hbm>>
    %dma_wait3A_551 = arith.constant 0 : i32
    %dma_wait3A_552 = tpu.memref_slice %arg5[%add3A_543, %dma_wait3A_551] : memref<131072x128xf32, #tpu.memory_space<hbm>> -> memref<256x128xf32, #tpu.memory_space<hbm>>
    %dma_wait3A_553 = arith.constant 0 : i32
    %dma_wait3A_554 = arith.constant 0 : i32
    %dma_wait3A_555 = tpu.memref_slice %arg7[%dma_wait3A_544, %dma_wait3A_553, %dma_wait3A_554] : memref<2x256x128xf32, #tpu.memory_space<vmem>> -> memref<1x256x128xf32, #tpu.memory_space<vmem>>
    %dma_wait3A_556 = tpu.memref_squeeze %dma_wait3A_555 : memref<1x256x128xf32, #tpu.memory_space<vmem>> -> memref<256x128xf32, #tpu.memory_space<vmem>>
    tpu.wait_dma2 semaphore(%arg12 : memref<!tpu.dma_semaphore, #tpu.memory_space<semaphore_mem>>) src(%dma_wait3A_556 : memref<256x128xf32, #tpu.memory_space<vmem>>) dst(%dma_wait3A_552 : memref<256x128xf32, #tpu.memory_space<hbm>>)
    %dma_start3A_557 = arith.constant 1 : i32
    %dma_start3A_558 = arith.constant 4 : i32
    %dma_start3A_559 = arith.constant 0 : i32
    %dma_start3A_560 = arith.constant 0 : i32
    %dma_start3A_561 = arith.constant 0 : i32
    %dma_start3A_562 = tpu.memref_slice %arg7[%dma_start3A_559, %dma_start3A_560, %dma_start3A_561] : memref<2x256x128xf32, #tpu.memory_space<vmem>> -> memref<1x128x128xf32, #tpu.memory_space<vmem>>
    %dma_start3A_563 = tpu.memref_squeeze %dma_start3A_562 : memref<1x128x128xf32, #tpu.memory_space<vmem>> -> memref<128x128xf32, #tpu.memory_space<vmem>>
    %dma_start3A_564 = arith.constant 0 : i32
    %dma_start3A_565 = tpu.memref_slice %arg6[%dma_start3A_557, %dma_start3A_558, %dma_start3A_564] : memref<2x8x128xi32, #tpu.memory_space<vmem>> -> memref<1x1x128xi32, #tpu.memory_space<vmem>>
    %dma_start3A_566 = tpu.memref_squeeze %dma_start3A_565 : memref<1x1x128xi32, #tpu.memory_space<vmem>> -> memref<128xi32, #tpu.memory_space<vmem>>
    %dma_start3A_567 = arith.constant 0 : i32
    %dma_start3A_568 = arith.constant 0 : i32
    %dma_start3A_569 = tpu.memref_slice %arg9[%dma_start3A_567, %dma_start3A_568] : memref<119x128xf32, #tpu.memory_space<vmem_shared>> -> memref<119x128xf32, #tpu.memory_space<vmem_shared>>
    tpu.enqueue_indirect_dma source(%dma_start3A_569 : memref<119x128xf32, #tpu.memory_space<vmem_shared>>) target(%dma_start3A_563 : memref<128x128xf32, #tpu.memory_space<vmem>>) offsets(%dma_start3A_566 : memref<128xi32, #tpu.memory_space<vmem>>) semaphore(%arg10 : memref<!tpu.dma_semaphore, #tpu.memory_space<semaphore_mem>>)
    %dma_start3A_570 = arith.constant 1 : i32
    %dma_start3A_571 = arith.constant 5 : i32
    %dma_start3A_572 = arith.constant 0 : i32
    %dma_start3A_573 = arith.constant 128 : i32
    %dma_start3A_574 = arith.constant 0 : i32
    %dma_start3A_575 = tpu.memref_slice %arg7[%dma_start3A_572, %dma_start3A_573, %dma_start3A_574] : memref<2x256x128xf32, #tpu.memory_space<vmem>> -> memref<1x128x128xf32, #tpu.memory_space<vmem>>
    %dma_start3A_576 = tpu.memref_squeeze %dma_start3A_575 : memref<1x128x128xf32, #tpu.memory_space<vmem>> -> memref<128x128xf32, #tpu.memory_space<vmem>>
    %dma_start3A_577 = arith.constant 0 : i32
    %dma_start3A_578 = tpu.memref_slice %arg6[%dma_start3A_570, %dma_start3A_571, %dma_start3A_577] : memref<2x8x128xi32, #tpu.memory_space<vmem>> -> memref<1x1x128xi32, #tpu.memory_space<vmem>>
    %dma_start3A_579 = tpu.memref_squeeze %dma_start3A_578 : memref<1x1x128xi32, #tpu.memory_space<vmem>> -> memref<128xi32, #tpu.memory_space<vmem>>
    %dma_start3A_580 = arith.constant 0 : i32
    %dma_start3A_581 = arith.constant 0 : i32
    %dma_start3A_582 = tpu.memref_slice %arg9[%dma_start3A_580, %dma_start3A_581] : memref<119x128xf32, #tpu.memory_space<vmem_shared>> -> memref<119x128xf32, #tpu.memory_space<vmem_shared>>
    tpu.enqueue_indirect_dma source(%dma_start3A_582 : memref<119x128xf32, #tpu.memory_space<vmem_shared>>) target(%dma_start3A_576 : memref<128x128xf32, #tpu.memory_space<vmem>>) offsets(%dma_start3A_579 : memref<128xi32, #tpu.memory_space<vmem>>) semaphore(%arg10 : memref<!tpu.dma_semaphore, #tpu.memory_space<semaphore_mem>>)
    %scan3A_583 = arith.constant 0 : i32
    %scan3A_584 = arith.constant 0 : i32
    %scan3A_585 = arith.constant 16 : i32
    %scan3A_586 = arith.addi %scan3A_584, %scan3A_585 : i32
    %scan3A_587 = arith.constant 1 : i32
    scf.for %scan3A_1528 = %scan3A_584 to %scan3A_586 step %scan3A_587  : i32 {
      %jit3A = arith.constant 8 : i32
      %div3A = arith.divsi %scan3A_1528, %jit3A : i32
      %sign3A = arith.constant 0 : i32
      %sign3A_1529 = arith.cmpi sgt, %scan3A_1528, %sign3A : i32
      %sign3A_1530 = arith.extui %sign3A_1529 : i1 to i32
      %sign3A_1531 = arith.constant 0 : i32
      %sign3A_1532 = arith.cmpi slt, %scan3A_1528, %sign3A_1531 : i32
      %sign3A_1533 = arith.extui %sign3A_1532 : i1 to i32
      %sign3A_1534 = arith.subi %sign3A_1530, %sign3A_1533 : i32
      %sign3A_1535 = arith.constant 0 : i32
      %sign3A_1536 = arith.cmpi sgt, %jit3A, %sign3A_1535 : i32
      %sign3A_1537 = arith.extui %sign3A_1536 : i1 to i32
      %sign3A_1538 = arith.constant 0 : i32
      %sign3A_1539 = arith.cmpi slt, %jit3A, %sign3A_1538 : i32
      %sign3A_1540 = arith.extui %sign3A_1539 : i1 to i32
      %sign3A_1541 = arith.subi %sign3A_1537, %sign3A_1540 : i32
      %ne3A = arith.cmpi ne, %sign3A_1534, %sign3A_1541 : i32
      %rem3A = arith.remsi %scan3A_1528, %jit3A : i32
      %ne3A_1542 = arith.constant 0 : i32
      %ne3A_1543 = arith.cmpi ne, %rem3A, %ne3A_1542 : i32
      %and3A = arith.andi %ne3A, %ne3A_1543 : i1
      %sub3A = arith.constant 1 : i32
      %sub3A_1544 = arith.subi %div3A, %sub3A : i32
      %select_n3A = arith.select %and3A, %sub3A_1544, %div3A : i32
      %add3A_1545 = arith.constant 2 : i32
      %add3A_1546 = arith.addi %add3A_1545, %select_n3A : i32
      %jit3A_1547 = arith.constant 8 : i32
      %eq3A_1548 = arith.constant 0 : i32
      %eq3A_1549 = arith.cmpi eq, %jit3A_1547, %eq3A_1548 : i32
      %jit3A_1550 = arith.constant 1 : i32
      %select_n3A_1551 = arith.select %eq3A_1549, %jit3A_1550, %jit3A_1547 : i32
      %rem3A_1552 = arith.remsi %scan3A_1528, %select_n3A_1551 : i32
      %ne3A_1553 = arith.constant 0 : i32
      %ne3A_1554 = arith.cmpi ne, %rem3A_1552, %ne3A_1553 : i32
      %lt3A = arith.constant 0 : i32
      %lt3A_1555 = arith.cmpi slt, %rem3A_1552, %lt3A : i32
      %lt3A_1556 = arith.constant 0 : i32
      %lt3A_1557 = arith.cmpi slt, %select_n3A_1551, %lt3A_1556 : i32
      %ne3A_1558 = arith.xori %lt3A_1555, %lt3A_1557 : i1
      %and3A_1559 = arith.andi %ne3A_1558, %ne3A_1554 : i1
      %add3A_1560 = arith.addi %rem3A_1552, %select_n3A_1551 : i32
      %select_n3A_1561 = arith.select %and3A_1559, %add3A_1560, %rem3A_1552 : i32
      %mul3A_1562 = arith.constant 16 : i32
      %mul3A_1563 = arith.muli %select_n3A_1561, %mul3A_1562 : i32
      %mul3A_1564 = arith.constant 16 : i32
      %mul3A_1565 = arith.muli %scan3A_1528, %mul3A_1564 : i32
      %add3A_1566 = vector.broadcast %mul3A_1565 : i32 to vector<16xi32>
      %add3A_1567 = arith.addi %iota3A, %add3A_1566 : vector<16xi32>
      %get3A = arith.constant 1 : i32
      %get3A_1568 = arith.constant 0 : i32
      %get3A_1569 = arith.index_cast %get3A : i32 to index
      %get3A_1570 = arith.index_cast %get3A_1568 : i32 to index
      %get3A_1571 = arith.index_cast %add3A_1546 : i32 to index
      %get3A_1572 = arith.index_cast %mul3A_1563 : i32 to index
      %get3A_1573 = tpu.vector_load %arg8[%get3A_1569, %get3A_1570, %get3A_1571, %get3A_1572] {strides = array<i32>} : memref<2x3x8x128xf32, #tpu.memory_space<vmem>>, vector<16xf32>,
      %scatter3A = arith.constant 1 : i32
      %scatter3A_1574 = arith.constant 0 : i32
      %scatter3A_1575 = arith.constant 0 : i32
      %scatter3A_1576 = tpu.memref_slice %arg7[%scatter3A, %scatter3A_1574, %scatter3A_1575] : memref<2x256x128xf32, #tpu.memory_space<vmem>> -> memref<1x256x128xf32, #tpu.memory_space<vmem>>
      %scatter3A_1577 = tpu.memref_squeeze %scatter3A_1576 : memref<1x256x128xf32, #tpu.memory_space<vmem>> -> memref<256x128xf32, #tpu.memory_space<vmem>>
      tpu.vector_store_idx %scatter3A_1577[%add3A_1567, %add3A_8], %get3A_1573 : memref<256x128xf32, #tpu.memory_space<vmem>>[vector<16xi32>, vector<16xi32>], vector<16xf32>,
      %get3A_1578 = arith.constant 1 : i32
      %get3A_1579 = arith.constant 1 : i32
      %get3A_1580 = arith.index_cast %get3A_1578 : i32 to index
      %get3A_1581 = arith.index_cast %get3A_1579 : i32 to index
      %get3A_1582 = arith.index_cast %add3A_1546 : i32 to index
      %get3A_1583 = arith.index_cast %mul3A_1563 : i32 to index
      %get3A_1584 = tpu.vector_load %arg8[%get3A_1580, %get3A_1581, %get3A_1582, %get3A_1583] {strides = array<i32>} : memref<2x3x8x128xf32, #tpu.memory_space<vmem>>, vector<16xf32>,
      %scatter3A_1585 = arith.constant 1 : i32
      %scatter3A_1586 = arith.constant 0 : i32
      %scatter3A_1587 = arith.constant 0 : i32
      %scatter3A_1588 = tpu.memref_slice %arg7[%scatter3A_1585, %scatter3A_1586, %scatter3A_1587] : memref<2x256x128xf32, #tpu.memory_space<vmem>> -> memref<1x256x128xf32, #tpu.memory_space<vmem>>
      %scatter3A_1589 = tpu.memref_squeeze %scatter3A_1588 : memref<1x256x128xf32, #tpu.memory_space<vmem>> -> memref<256x128xf32, #tpu.memory_space<vmem>>
      tpu.vector_store_idx %scatter3A_1589[%add3A_1567, %add3A_14], %get3A_1584 : memref<256x128xf32, #tpu.memory_space<vmem>>[vector<16xi32>, vector<16xi32>], vector<16xf32>,
      %get3A_1590 = arith.constant 1 : i32
      %get3A_1591 = arith.constant 2 : i32
      %get3A_1592 = arith.index_cast %get3A_1590 : i32 to index
      %get3A_1593 = arith.index_cast %get3A_1591 : i32 to index
      %get3A_1594 = arith.index_cast %add3A_1546 : i32 to index
      %get3A_1595 = arith.index_cast %mul3A_1563 : i32 to index
      %get3A_1596 = tpu.vector_load %arg8[%get3A_1592, %get3A_1593, %get3A_1594, %get3A_1595] {strides = array<i32>} : memref<2x3x8x128xf32, #tpu.memory_space<vmem>>, vector<16xf32>,
      %scatter3A_1597 = arith.constant 1 : i32
      %scatter3A_1598 = arith.constant 0 : i32
      %scatter3A_1599 = arith.constant 0 : i32
      %scatter3A_1600 = tpu.memref_slice %arg7[%scatter3A_1597, %scatter3A_1598, %scatter3A_1599] : memref<2x256x128xf32, #tpu.memory_space<vmem>> -> memref<1x256x128xf32, #tpu.memory_space<vmem>>
      %scatter3A_1601 = tpu.memref_squeeze %scatter3A_1600 : memref<1x256x128xf32, #tpu.memory_space<vmem>> -> memref<256x128xf32, #tpu.memory_space<vmem>>
      tpu.vector_store_idx %scatter3A_1601[%add3A_1567, %add3A_20], %get3A_1596 : memref<256x128xf32, #tpu.memory_space<vmem>>[vector<16xi32>, vector<16xi32>], vector<16xf32>,
    }
    %scan3A_588 = arith.constant 16 : i32
    %mul3A_589 = arith.constant 4096 : i32
    %mul3A_590 = arith.muli %add3A, %mul3A_589 : i32
    %add3A_591 = arith.constant 1280 : i32
    %add3A_592 = arith.addi %mul3A_590, %add3A_591 : i32
    %dma_start3A_593 = arith.constant 1 : i32
    %dma_start3A_594 = arith.constant 0 : i32
    %dma_start3A_595 = arith.constant 0 : i32
    %dma_start3A_596 = tpu.memref_slice %arg7[%dma_start3A_593, %dma_start3A_594, %dma_start3A_595] : memref<2x256x128xf32, #tpu.memory_space<vmem>> -> memref<1x256x128xf32, #tpu.memory_space<vmem>>
    %dma_start3A_597 = tpu.memref_squeeze %dma_start3A_596 : memref<1x256x128xf32, #tpu.memory_space<vmem>> -> memref<256x128xf32, #tpu.memory_space<vmem>>
    %dma_start3A_598 = arith.constant 0 : i32
    %dma_start3A_599 = tpu.memref_slice %arg5[%add3A_592, %dma_start3A_598] : memref<131072x128xf32, #tpu.memory_space<hbm>> -> memref<256x128xf32, #tpu.memory_space<hbm>>
    %dma_start3A_600 = arith.constant 0 : i32
    %dma_start3A_601 = tpu.memref_slice %arg5[%add3A_592, %dma_start3A_600] : memref<131072x128xf32, #tpu.memory_space<hbm>> -> memref<256x128xf32, #tpu.memory_space<hbm>>
    %dma_start3A_602 = arith.constant 0 : i32
    %dma_start3A_603 = arith.constant 0 : i32
    %dma_start3A_604 = tpu.memref_slice %arg7[%dma_start3A_593, %dma_start3A_602, %dma_start3A_603] : memref<2x256x128xf32, #tpu.memory_space<vmem>> -> memref<1x256x128xf32, #tpu.memory_space<vmem>>
    %dma_start3A_605 = tpu.memref_squeeze %dma_start3A_604 : memref<1x256x128xf32, #tpu.memory_space<vmem>> -> memref<256x128xf32, #tpu.memory_space<vmem>>
    tpu.enqueue_dma source(%dma_start3A_605 : memref<256x128xf32, #tpu.memory_space<vmem>>) target(%dma_start3A_601 : memref<256x128xf32, #tpu.memory_space<hbm>>) target_semaphore(%arg13 : memref<!tpu.dma_semaphore, #tpu.memory_space<semaphore_mem>>)
    %dma_wait3A_606 = arith.constant 1 : i32
    %dma_wait3A_607 = arith.constant 4 : i32
    %dma_wait3A_608 = arith.constant 0 : i32
    %dma_wait3A_609 = arith.constant 0 : i32
    %dma_wait3A_610 = arith.constant 0 : i32
    %dma_wait3A_611 = tpu.memref_slice %arg7[%dma_wait3A_608, %dma_wait3A_609, %dma_wait3A_610] : memref<2x256x128xf32, #tpu.memory_space<vmem>> -> memref<1x128x128xf32, #tpu.memory_space<vmem>>
    %dma_wait3A_612 = tpu.memref_squeeze %dma_wait3A_611 : memref<1x128x128xf32, #tpu.memory_space<vmem>> -> memref<128x128xf32, #tpu.memory_space<vmem>>
    %dma_wait3A_613 = arith.constant 0 : i32
    %dma_wait3A_614 = tpu.memref_slice %arg6[%dma_wait3A_606, %dma_wait3A_607, %dma_wait3A_613] : memref<2x8x128xi32, #tpu.memory_space<vmem>> -> memref<1x1x128xi32, #tpu.memory_space<vmem>>
    %dma_wait3A_615 = tpu.memref_squeeze %dma_wait3A_614 : memref<1x1x128xi32, #tpu.memory_space<vmem>> -> memref<128xi32, #tpu.memory_space<vmem>>
    %dma_wait3A_616 = arith.constant 0 : i32
    %dma_wait3A_617 = arith.constant 0 : i32
    %dma_wait3A_618 = tpu.memref_slice %arg9[%dma_wait3A_616, %dma_wait3A_617] : memref<119x128xf32, #tpu.memory_space<vmem_shared>> -> memref<119x128xf32, #tpu.memory_space<vmem_shared>>
    tpu.wait_indirect_dma semaphore(%arg10 : memref<!tpu.dma_semaphore, #tpu.memory_space<semaphore_mem>>) src(%dma_wait3A_618 : memref<119x128xf32, #tpu.memory_space<vmem_shared>>) dst(%dma_wait3A_612 : memref<128x128xf32, #tpu.memory_space<vmem>>)
    %dma_wait3A_619 = arith.constant 1 : i32
    %dma_wait3A_620 = arith.constant 5 : i32
    %dma_wait3A_621 = arith.constant 0 : i32
    %dma_wait3A_622 = arith.constant 128 : i32
    %dma_wait3A_623 = arith.constant 0 : i32
    %dma_wait3A_624 = tpu.memref_slice %arg7[%dma_wait3A_621, %dma_wait3A_622, %dma_wait3A_623] : memref<2x256x128xf32, #tpu.memory_space<vmem>> -> memref<1x128x128xf32, #tpu.memory_space<vmem>>
    %dma_wait3A_625 = tpu.memref_squeeze %dma_wait3A_624 : memref<1x128x128xf32, #tpu.memory_space<vmem>> -> memref<128x128xf32, #tpu.memory_space<vmem>>
    %dma_wait3A_626 = arith.constant 0 : i32
    %dma_wait3A_627 = tpu.memref_slice %arg6[%dma_wait3A_619, %dma_wait3A_620, %dma_wait3A_626] : memref<2x8x128xi32, #tpu.memory_space<vmem>> -> memref<1x1x128xi32, #tpu.memory_space<vmem>>
    %dma_wait3A_628 = tpu.memref_squeeze %dma_wait3A_627 : memref<1x1x128xi32, #tpu.memory_space<vmem>> -> memref<128xi32, #tpu.memory_space<vmem>>
    %dma_wait3A_629 = arith.constant 0 : i32
    %dma_wait3A_630 = arith.constant 0 : i32
    %dma_wait3A_631 = tpu.memref_slice %arg9[%dma_wait3A_629, %dma_wait3A_630] : memref<119x128xf32, #tpu.memory_space<vmem_shared>> -> memref<119x128xf32, #tpu.memory_space<vmem_shared>>
    tpu.wait_indirect_dma semaphore(%arg10 : memref<!tpu.dma_semaphore, #tpu.memory_space<semaphore_mem>>) src(%dma_wait3A_631 : memref<119x128xf32, #tpu.memory_space<vmem_shared>>) dst(%dma_wait3A_625 : memref<128x128xf32, #tpu.memory_space<vmem>>)
    %mul3A_632 = arith.constant 4096 : i32
    %mul3A_633 = arith.muli %add3A, %mul3A_632 : i32
    %add3A_634 = arith.constant 1280 : i32
    %add3A_635 = arith.addi %mul3A_633, %add3A_634 : i32
    %dma_wait3A_636 = arith.constant 1 : i32
    %dma_wait3A_637 = arith.constant 0 : i32
    %dma_wait3A_638 = arith.constant 0 : i32
    %dma_wait3A_639 = tpu.memref_slice %arg7[%dma_wait3A_636, %dma_wait3A_637, %dma_wait3A_638] : memref<2x256x128xf32, #tpu.memory_space<vmem>> -> memref<1x256x128xf32, #tpu.memory_space<vmem>>
    %dma_wait3A_640 = tpu.memref_squeeze %dma_wait3A_639 : memref<1x256x128xf32, #tpu.memory_space<vmem>> -> memref<256x128xf32, #tpu.memory_space<vmem>>
    %dma_wait3A_641 = arith.constant 0 : i32
    %dma_wait3A_642 = tpu.memref_slice %arg5[%add3A_635, %dma_wait3A_641] : memref<131072x128xf32, #tpu.memory_space<hbm>> -> memref<256x128xf32, #tpu.memory_space<hbm>>
    %dma_wait3A_643 = arith.constant 0 : i32
    %dma_wait3A_644 = tpu.memref_slice %arg5[%add3A_635, %dma_wait3A_643] : memref<131072x128xf32, #tpu.memory_space<hbm>> -> memref<256x128xf32, #tpu.memory_space<hbm>>
    %dma_wait3A_645 = arith.constant 0 : i32
    %dma_wait3A_646 = arith.constant 0 : i32
    %dma_wait3A_647 = tpu.memref_slice %arg7[%dma_wait3A_636, %dma_wait3A_645, %dma_wait3A_646] : memref<2x256x128xf32, #tpu.memory_space<vmem>> -> memref<1x256x128xf32, #tpu.memory_space<vmem>>
    %dma_wait3A_648 = tpu.memref_squeeze %dma_wait3A_647 : memref<1x256x128xf32, #tpu.memory_space<vmem>> -> memref<256x128xf32, #tpu.memory_space<vmem>>
    tpu.wait_dma2 semaphore(%arg13 : memref<!tpu.dma_semaphore, #tpu.memory_space<semaphore_mem>>) src(%dma_wait3A_648 : memref<256x128xf32, #tpu.memory_space<vmem>>) dst(%dma_wait3A_644 : memref<256x128xf32, #tpu.memory_space<hbm>>)
    %dma_start3A_649 = arith.constant 1 : i32
    %dma_start3A_650 = arith.constant 6 : i32
    %dma_start3A_651 = arith.constant 1 : i32
    %dma_start3A_652 = arith.constant 0 : i32
    %dma_start3A_653 = arith.constant 0 : i32
    %dma_start3A_654 = tpu.memref_slice %arg7[%dma_start3A_651, %dma_start3A_652, %dma_start3A_653] : memref<2x256x128xf32, #tpu.memory_space<vmem>> -> memref<1x128x128xf32, #tpu.memory_space<vmem>>
    %dma_start3A_655 = tpu.memref_squeeze %dma_start3A_654 : memref<1x128x128xf32, #tpu.memory_space<vmem>> -> memref<128x128xf32, #tpu.memory_space<vmem>>
    %dma_start3A_656 = arith.constant 0 : i32
    %dma_start3A_657 = tpu.memref_slice %arg6[%dma_start3A_649, %dma_start3A_650, %dma_start3A_656] : memref<2x8x128xi32, #tpu.memory_space<vmem>> -> memref<1x1x128xi32, #tpu.memory_space<vmem>>
    %dma_start3A_658 = tpu.memref_squeeze %dma_start3A_657 : memref<1x1x128xi32, #tpu.memory_space<vmem>> -> memref<128xi32, #tpu.memory_space<vmem>>
    %dma_start3A_659 = arith.constant 0 : i32
    %dma_start3A_660 = arith.constant 0 : i32
    %dma_start3A_661 = tpu.memref_slice %arg9[%dma_start3A_659, %dma_start3A_660] : memref<119x128xf32, #tpu.memory_space<vmem_shared>> -> memref<119x128xf32, #tpu.memory_space<vmem_shared>>
    tpu.enqueue_indirect_dma source(%dma_start3A_661 : memref<119x128xf32, #tpu.memory_space<vmem_shared>>) target(%dma_start3A_655 : memref<128x128xf32, #tpu.memory_space<vmem>>) offsets(%dma_start3A_658 : memref<128xi32, #tpu.memory_space<vmem>>) semaphore(%arg11 : memref<!tpu.dma_semaphore, #tpu.memory_space<semaphore_mem>>)
    %dma_start3A_662 = arith.constant 1 : i32
    %dma_start3A_663 = arith.constant 7 : i32
    %dma_start3A_664 = arith.constant 1 : i32
    %dma_start3A_665 = arith.constant 128 : i32
    %dma_start3A_666 = arith.constant 0 : i32
    %dma_start3A_667 = tpu.memref_slice %arg7[%dma_start3A_664, %dma_start3A_665, %dma_start3A_666] : memref<2x256x128xf32, #tpu.memory_space<vmem>> -> memref<1x128x128xf32, #tpu.memory_space<vmem>>
    %dma_start3A_668 = tpu.memref_squeeze %dma_start3A_667 : memref<1x128x128xf32, #tpu.memory_space<vmem>> -> memref<128x128xf32, #tpu.memory_space<vmem>>
    %dma_start3A_669 = arith.constant 0 : i32
    %dma_start3A_670 = tpu.memref_slice %arg6[%dma_start3A_662, %dma_start3A_663, %dma_start3A_669] : memref<2x8x128xi32, #tpu.memory_space<vmem>> -> memref<1x1x128xi32, #tpu.memory_space<vmem>>
    %dma_start3A_671 = tpu.memref_squeeze %dma_start3A_670 : memref<1x1x128xi32, #tpu.memory_space<vmem>> -> memref<128xi32, #tpu.memory_space<vmem>>
    %dma_start3A_672 = arith.constant 0 : i32
    %dma_start3A_673 = arith.constant 0 : i32
    %dma_start3A_674 = tpu.memref_slice %arg9[%dma_start3A_672, %dma_start3A_673] : memref<119x128xf32, #tpu.memory_space<vmem_shared>> -> memref<119x128xf32, #tpu.memory_space<vmem_shared>>
    tpu.enqueue_indirect_dma source(%dma_start3A_674 : memref<119x128xf32, #tpu.memory_space<vmem_shared>>) target(%dma_start3A_668 : memref<128x128xf32, #tpu.memory_space<vmem>>) offsets(%dma_start3A_671 : memref<128xi32, #tpu.memory_space<vmem>>) semaphore(%arg11 : memref<!tpu.dma_semaphore, #tpu.memory_space<semaphore_mem>>)
    %scan3A_675 = arith.constant 0 : i32
    %scan3A_676 = arith.constant 0 : i32
    %scan3A_677 = arith.constant 16 : i32
    %scan3A_678 = arith.addi %scan3A_676, %scan3A_677 : i32
    %scan3A_679 = arith.constant 1 : i32
    scf.for %scan3A_1528 = %scan3A_676 to %scan3A_678 step %scan3A_679  : i32 {
      %jit3A = arith.constant 8 : i32
      %div3A = arith.divsi %scan3A_1528, %jit3A : i32
      %sign3A = arith.constant 0 : i32
      %sign3A_1529 = arith.cmpi sgt, %scan3A_1528, %sign3A : i32
      %sign3A_1530 = arith.extui %sign3A_1529 : i1 to i32
      %sign3A_1531 = arith.constant 0 : i32
      %sign3A_1532 = arith.cmpi slt, %scan3A_1528, %sign3A_1531 : i32
      %sign3A_1533 = arith.extui %sign3A_1532 : i1 to i32
      %sign3A_1534 = arith.subi %sign3A_1530, %sign3A_1533 : i32
      %sign3A_1535 = arith.constant 0 : i32
      %sign3A_1536 = arith.cmpi sgt, %jit3A, %sign3A_1535 : i32
      %sign3A_1537 = arith.extui %sign3A_1536 : i1 to i32
      %sign3A_1538 = arith.constant 0 : i32
      %sign3A_1539 = arith.cmpi slt, %jit3A, %sign3A_1538 : i32
      %sign3A_1540 = arith.extui %sign3A_1539 : i1 to i32
      %sign3A_1541 = arith.subi %sign3A_1537, %sign3A_1540 : i32
      %ne3A = arith.cmpi ne, %sign3A_1534, %sign3A_1541 : i32
      %rem3A = arith.remsi %scan3A_1528, %jit3A : i32
      %ne3A_1542 = arith.constant 0 : i32
      %ne3A_1543 = arith.cmpi ne, %rem3A, %ne3A_1542 : i32
      %and3A = arith.andi %ne3A, %ne3A_1543 : i1
      %sub3A = arith.constant 1 : i32
      %sub3A_1544 = arith.subi %div3A, %sub3A : i32
      %select_n3A = arith.select %and3A, %sub3A_1544, %div3A : i32
      %add3A_1545 = arith.constant 4 : i32
      %add3A_1546 = arith.addi %add3A_1545, %select_n3A : i32
      %jit3A_1547 = arith.constant 8 : i32
      %eq3A_1548 = arith.constant 0 : i32
      %eq3A_1549 = arith.cmpi eq, %jit3A_1547, %eq3A_1548 : i32
      %jit3A_1550 = arith.constant 1 : i32
      %select_n3A_1551 = arith.select %eq3A_1549, %jit3A_1550, %jit3A_1547 : i32
      %rem3A_1552 = arith.remsi %scan3A_1528, %select_n3A_1551 : i32
      %ne3A_1553 = arith.constant 0 : i32
      %ne3A_1554 = arith.cmpi ne, %rem3A_1552, %ne3A_1553 : i32
      %lt3A = arith.constant 0 : i32
      %lt3A_1555 = arith.cmpi slt, %rem3A_1552, %lt3A : i32
      %lt3A_1556 = arith.constant 0 : i32
      %lt3A_1557 = arith.cmpi slt, %select_n3A_1551, %lt3A_1556 : i32
      %ne3A_1558 = arith.xori %lt3A_1555, %lt3A_1557 : i1
      %and3A_1559 = arith.andi %ne3A_1558, %ne3A_1554 : i1
      %add3A_1560 = arith.addi %rem3A_1552, %select_n3A_1551 : i32
      %select_n3A_1561 = arith.select %and3A_1559, %add3A_1560, %rem3A_1552 : i32
      %mul3A_1562 = arith.constant 16 : i32
      %mul3A_1563 = arith.muli %select_n3A_1561, %mul3A_1562 : i32
      %mul3A_1564 = arith.constant 16 : i32
      %mul3A_1565 = arith.muli %scan3A_1528, %mul3A_1564 : i32
      %add3A_1566 = vector.broadcast %mul3A_1565 : i32 to vector<16xi32>
      %add3A_1567 = arith.addi %iota3A, %add3A_1566 : vector<16xi32>
      %get3A = arith.constant 1 : i32
      %get3A_1568 = arith.constant 0 : i32
      %get3A_1569 = arith.index_cast %get3A : i32 to index
      %get3A_1570 = arith.index_cast %get3A_1568 : i32 to index
      %get3A_1571 = arith.index_cast %add3A_1546 : i32 to index
      %get3A_1572 = arith.index_cast %mul3A_1563 : i32 to index
      %get3A_1573 = tpu.vector_load %arg8[%get3A_1569, %get3A_1570, %get3A_1571, %get3A_1572] {strides = array<i32>} : memref<2x3x8x128xf32, #tpu.memory_space<vmem>>, vector<16xf32>,
      %scatter3A = arith.constant 0 : i32
      %scatter3A_1574 = arith.constant 0 : i32
      %scatter3A_1575 = arith.constant 0 : i32
      %scatter3A_1576 = tpu.memref_slice %arg7[%scatter3A, %scatter3A_1574, %scatter3A_1575] : memref<2x256x128xf32, #tpu.memory_space<vmem>> -> memref<1x256x128xf32, #tpu.memory_space<vmem>>
      %scatter3A_1577 = tpu.memref_squeeze %scatter3A_1576 : memref<1x256x128xf32, #tpu.memory_space<vmem>> -> memref<256x128xf32, #tpu.memory_space<vmem>>
      tpu.vector_store_idx %scatter3A_1577[%add3A_1567, %add3A_8], %get3A_1573 : memref<256x128xf32, #tpu.memory_space<vmem>>[vector<16xi32>, vector<16xi32>], vector<16xf32>,
      %get3A_1578 = arith.constant 1 : i32
      %get3A_1579 = arith.constant 1 : i32
      %get3A_1580 = arith.index_cast %get3A_1578 : i32 to index
      %get3A_1581 = arith.index_cast %get3A_1579 : i32 to index
      %get3A_1582 = arith.index_cast %add3A_1546 : i32 to index
      %get3A_1583 = arith.index_cast %mul3A_1563 : i32 to index
      %get3A_1584 = tpu.vector_load %arg8[%get3A_1580, %get3A_1581, %get3A_1582, %get3A_1583] {strides = array<i32>} : memref<2x3x8x128xf32, #tpu.memory_space<vmem>>, vector<16xf32>,
      %scatter3A_1585 = arith.constant 0 : i32
      %scatter3A_1586 = arith.constant 0 : i32
      %scatter3A_1587 = arith.constant 0 : i32
      %scatter3A_1588 = tpu.memref_slice %arg7[%scatter3A_1585, %scatter3A_1586, %scatter3A_1587] : memref<2x256x128xf32, #tpu.memory_space<vmem>> -> memref<1x256x128xf32, #tpu.memory_space<vmem>>
      %scatter3A_1589 = tpu.memref_squeeze %scatter3A_1588 : memref<1x256x128xf32, #tpu.memory_space<vmem>> -> memref<256x128xf32, #tpu.memory_space<vmem>>
      tpu.vector_store_idx %scatter3A_1589[%add3A_1567, %add3A_14], %get3A_1584 : memref<256x128xf32, #tpu.memory_space<vmem>>[vector<16xi32>, vector<16xi32>], vector<16xf32>,
      %get3A_1590 = arith.constant 1 : i32
      %get3A_1591 = arith.constant 2 : i32
      %get3A_1592 = arith.index_cast %get3A_1590 : i32 to index
      %get3A_1593 = arith.index_cast %get3A_1591 : i32 to index
      %get3A_1594 = arith.index_cast %add3A_1546 : i32 to index
      %get3A_1595 = arith.index_cast %mul3A_1563 : i32 to index
      %get3A_1596 = tpu.vector_load %arg8[%get3A_1592, %get3A_1593, %get3A_1594, %get3A_1595] {strides = array<i32>} : memref<2x3x8x128xf32, #tpu.memory_space<vmem>>, vector<16xf32>,
      %scatter3A_1597 = arith.constant 0 : i32
      %scatter3A_1598 = arith.constant 0 : i32
      %scatter3A_1599 = arith.constant 0 : i32
      %scatter3A_1600 = tpu.memref_slice %arg7[%scatter3A_1597, %scatter3A_1598, %scatter3A_1599] : memref<2x256x128xf32, #tpu.memory_space<vmem>> -> memref<1x256x128xf32, #tpu.memory_space<vmem>>
      %scatter3A_1601 = tpu.memref_squeeze %scatter3A_1600 : memref<1x256x128xf32, #tpu.memory_space<vmem>> -> memref<256x128xf32, #tpu.memory_space<vmem>>
      tpu.vector_store_idx %scatter3A_1601[%add3A_1567, %add3A_20], %get3A_1596 : memref<256x128xf32, #tpu.memory_space<vmem>>[vector<16xi32>, vector<16xi32>], vector<16xf32>,
    }
    %scan3A_680 = arith.constant 16 : i32
    %mul3A_681 = arith.constant 4096 : i32
    %mul3A_682 = arith.muli %add3A, %mul3A_681 : i32
    %add3A_683 = arith.constant 1536 : i32
    %add3A_684 = arith.addi %mul3A_682, %add3A_683 : i32
    %dma_start3A_685 = arith.constant 0 : i32
    %dma_start3A_686 = arith.constant 0 : i32
    %dma_start3A_687 = arith.constant 0 : i32
    %dma_start3A_688 = tpu.memref_slice %arg7[%dma_start3A_685, %dma_start3A_686, %dma_start3A_687] : memref<2x256x128xf32, #tpu.memory_space<vmem>> -> memref<1x256x128xf32, #tpu.memory_space<vmem>>
    %dma_start3A_689 = tpu.memref_squeeze %dma_start3A_688 : memref<1x256x128xf32, #tpu.memory_space<vmem>> -> memref<256x128xf32, #tpu.memory_space<vmem>>
    %dma_start3A_690 = arith.constant 0 : i32
    %dma_start3A_691 = tpu.memref_slice %arg5[%add3A_684, %dma_start3A_690] : memref<131072x128xf32, #tpu.memory_space<hbm>> -> memref<256x128xf32, #tpu.memory_space<hbm>>
    %dma_start3A_692 = arith.constant 0 : i32
    %dma_start3A_693 = tpu.memref_slice %arg5[%add3A_684, %dma_start3A_692] : memref<131072x128xf32, #tpu.memory_space<hbm>> -> memref<256x128xf32, #tpu.memory_space<hbm>>
    %dma_start3A_694 = arith.constant 0 : i32
    %dma_start3A_695 = arith.constant 0 : i32
    %dma_start3A_696 = tpu.memref_slice %arg7[%dma_start3A_685, %dma_start3A_694, %dma_start3A_695] : memref<2x256x128xf32, #tpu.memory_space<vmem>> -> memref<1x256x128xf32, #tpu.memory_space<vmem>>
    %dma_start3A_697 = tpu.memref_squeeze %dma_start3A_696 : memref<1x256x128xf32, #tpu.memory_space<vmem>> -> memref<256x128xf32, #tpu.memory_space<vmem>>
    tpu.enqueue_dma source(%dma_start3A_697 : memref<256x128xf32, #tpu.memory_space<vmem>>) target(%dma_start3A_693 : memref<256x128xf32, #tpu.memory_space<hbm>>) target_semaphore(%arg12 : memref<!tpu.dma_semaphore, #tpu.memory_space<semaphore_mem>>)
    %dma_wait3A_698 = arith.constant 1 : i32
    %dma_wait3A_699 = arith.constant 6 : i32
    %dma_wait3A_700 = arith.constant 1 : i32
    %dma_wait3A_701 = arith.constant 0 : i32
    %dma_wait3A_702 = arith.constant 0 : i32
    %dma_wait3A_703 = tpu.memref_slice %arg7[%dma_wait3A_700, %dma_wait3A_701, %dma_wait3A_702] : memref<2x256x128xf32, #tpu.memory_space<vmem>> -> memref<1x128x128xf32, #tpu.memory_space<vmem>>
    %dma_wait3A_704 = tpu.memref_squeeze %dma_wait3A_703 : memref<1x128x128xf32, #tpu.memory_space<vmem>> -> memref<128x128xf32, #tpu.memory_space<vmem>>
    %dma_wait3A_705 = arith.constant 0 : i32
    %dma_wait3A_706 = tpu.memref_slice %arg6[%dma_wait3A_698, %dma_wait3A_699, %dma_wait3A_705] : memref<2x8x128xi32, #tpu.memory_space<vmem>> -> memref<1x1x128xi32, #tpu.memory_space<vmem>>
    %dma_wait3A_707 = tpu.memref_squeeze %dma_wait3A_706 : memref<1x1x128xi32, #tpu.memory_space<vmem>> -> memref<128xi32, #tpu.memory_space<vmem>>
    %dma_wait3A_708 = arith.constant 0 : i32
    %dma_wait3A_709 = arith.constant 0 : i32
    %dma_wait3A_710 = tpu.memref_slice %arg9[%dma_wait3A_708, %dma_wait3A_709] : memref<119x128xf32, #tpu.memory_space<vmem_shared>> -> memref<119x128xf32, #tpu.memory_space<vmem_shared>>
    tpu.wait_indirect_dma semaphore(%arg11 : memref<!tpu.dma_semaphore, #tpu.memory_space<semaphore_mem>>) src(%dma_wait3A_710 : memref<119x128xf32, #tpu.memory_space<vmem_shared>>) dst(%dma_wait3A_704 : memref<128x128xf32, #tpu.memory_space<vmem>>)
    %dma_wait3A_711 = arith.constant 1 : i32
    %dma_wait3A_712 = arith.constant 7 : i32
    %dma_wait3A_713 = arith.constant 1 : i32
    %dma_wait3A_714 = arith.constant 128 : i32
    %dma_wait3A_715 = arith.constant 0 : i32
    %dma_wait3A_716 = tpu.memref_slice %arg7[%dma_wait3A_713, %dma_wait3A_714, %dma_wait3A_715] : memref<2x256x128xf32, #tpu.memory_space<vmem>> -> memref<1x128x128xf32, #tpu.memory_space<vmem>>
    %dma_wait3A_717 = tpu.memref_squeeze %dma_wait3A_716 : memref<1x128x128xf32, #tpu.memory_space<vmem>> -> memref<128x128xf32, #tpu.memory_space<vmem>>
    %dma_wait3A_718 = arith.constant 0 : i32
    %dma_wait3A_719 = tpu.memref_slice %arg6[%dma_wait3A_711, %dma_wait3A_712, %dma_wait3A_718] : memref<2x8x128xi32, #tpu.memory_space<vmem>> -> memref<1x1x128xi32, #tpu.memory_space<vmem>>
    %dma_wait3A_720 = tpu.memref_squeeze %dma_wait3A_719 : memref<1x1x128xi32, #tpu.memory_space<vmem>> -> memref<128xi32, #tpu.memory_space<vmem>>
    %dma_wait3A_721 = arith.constant 0 : i32
    %dma_wait3A_722 = arith.constant 0 : i32
    %dma_wait3A_723 = tpu.memref_slice %arg9[%dma_wait3A_721, %dma_wait3A_722] : memref<119x128xf32, #tpu.memory_space<vmem_shared>> -> memref<119x128xf32, #tpu.memory_space<vmem_shared>>
    tpu.wait_indirect_dma semaphore(%arg11 : memref<!tpu.dma_semaphore, #tpu.memory_space<semaphore_mem>>) src(%dma_wait3A_723 : memref<119x128xf32, #tpu.memory_space<vmem_shared>>) dst(%dma_wait3A_717 : memref<128x128xf32, #tpu.memory_space<vmem>>)
    %mul3A_724 = arith.constant 4096 : i32
    %mul3A_725 = arith.muli %add3A, %mul3A_724 : i32
    %add3A_726 = arith.constant 1536 : i32
    %add3A_727 = arith.addi %mul3A_725, %add3A_726 : i32
    %dma_wait3A_728 = arith.constant 0 : i32
    %dma_wait3A_729 = arith.constant 0 : i32
    %dma_wait3A_730 = arith.constant 0 : i32
    %dma_wait3A_731 = tpu.memref_slice %arg7[%dma_wait3A_728, %dma_wait3A_729, %dma_wait3A_730] : memref<2x256x128xf32, #tpu.memory_space<vmem>> -> memref<1x256x128xf32, #tpu.memory_space<vmem>>
    %dma_wait3A_732 = tpu.memref_squeeze %dma_wait3A_731 : memref<1x256x128xf32, #tpu.memory_space<vmem>> -> memref<256x128xf32, #tpu.memory_space<vmem>>
    %dma_wait3A_733 = arith.constant 0 : i32
    %dma_wait3A_734 = tpu.memref_slice %arg5[%add3A_727, %dma_wait3A_733] : memref<131072x128xf32, #tpu.memory_space<hbm>> -> memref<256x128xf32, #tpu.memory_space<hbm>>
    %dma_wait3A_735 = arith.constant 0 : i32
    %dma_wait3A_736 = tpu.memref_slice %arg5[%add3A_727, %dma_wait3A_735] : memref<131072x128xf32, #tpu.memory_space<hbm>> -> memref<256x128xf32, #tpu.memory_space<hbm>>
    %dma_wait3A_737 = arith.constant 0 : i32
    %dma_wait3A_738 = arith.constant 0 : i32
    %dma_wait3A_739 = tpu.memref_slice %arg7[%dma_wait3A_728, %dma_wait3A_737, %dma_wait3A_738] : memref<2x256x128xf32, #tpu.memory_space<vmem>> -> memref<1x256x128xf32, #tpu.memory_space<vmem>>
    %dma_wait3A_740 = tpu.memref_squeeze %dma_wait3A_739 : memref<1x256x128xf32, #tpu.memory_space<vmem>> -> memref<256x128xf32, #tpu.memory_space<vmem>>
    tpu.wait_dma2 semaphore(%arg12 : memref<!tpu.dma_semaphore, #tpu.memory_space<semaphore_mem>>) src(%dma_wait3A_740 : memref<256x128xf32, #tpu.memory_space<vmem>>) dst(%dma_wait3A_736 : memref<256x128xf32, #tpu.memory_space<hbm>>)
    %mul3A_741 = arith.constant 32 : i32
    %mul3A_742 = arith.muli %add3A, %mul3A_741 : i32
    %add3A_743 = arith.constant 16 : i32
    %add3A_744 = arith.addi %mul3A_742, %add3A_743 : i32
    %run_scoped3A_745 = arith.constant 0 : i32
    "tpu.region"() ({
      %run_scoped3A_1528 = tpu.sem_alloc : memref<!tpu.dma_semaphore, #tpu.memory_space<semaphore_mem>>
      %dma_start3A_1529 = arith.constant 0 : i32
      %dma_start3A_1530 = arith.constant 0 : i32
      %dma_start3A_1531 = tpu.memref_slice %arg6[%run_scoped3A_745, %dma_start3A_1529, %dma_start3A_1530] : memref<2x8x128xi32, #tpu.memory_space<vmem>> -> memref<1x8x128xi32, #tpu.memory_space<vmem>>
      %dma_start3A_1532 = tpu.memref_squeeze %dma_start3A_1531 : memref<1x8x128xi32, #tpu.memory_space<vmem>> -> memref<8x128xi32, #tpu.memory_space<vmem>>
      %dma_start3A_1533 = arith.constant 0 : i32
      %dma_start3A_1534 = tpu.memref_slice %arg3[%add3A_744, %dma_start3A_1533] : memref<1024x128xi32, #tpu.memory_space<hbm>> -> memref<8x128xi32, #tpu.memory_space<hbm>>
      %dma_start3A_1535 = arith.constant 0 : i32
      %dma_start3A_1536 = arith.constant 0 : i32
      %dma_start3A_1537 = tpu.memref_slice %arg6[%run_scoped3A_745, %dma_start3A_1535, %dma_start3A_1536] : memref<2x8x128xi32, #tpu.memory_space<vmem>> -> memref<1x8x128xi32, #tpu.memory_space<vmem>>
      %dma_start3A_1538 = tpu.memref_squeeze %dma_start3A_1537 : memref<1x8x128xi32, #tpu.memory_space<vmem>> -> memref<8x128xi32, #tpu.memory_space<vmem>>
      %dma_start3A_1539 = arith.constant 0 : i32
      %dma_start3A_1540 = tpu.memref_slice %arg3[%add3A_744, %dma_start3A_1539] : memref<1024x128xi32, #tpu.memory_space<hbm>> -> memref<8x128xi32, #tpu.memory_space<hbm>>
      tpu.enqueue_dma source(%dma_start3A_1540 : memref<8x128xi32, #tpu.memory_space<hbm>>) target(%dma_start3A_1538 : memref<8x128xi32, #tpu.memory_space<vmem>>) target_semaphore(%run_scoped3A_1528 : memref<!tpu.dma_semaphore, #tpu.memory_space<semaphore_mem>>)
      %dma_wait3A_1541 = arith.constant 0 : i32
      %dma_wait3A_1542 = arith.constant 0 : i32
      %dma_wait3A_1543 = tpu.memref_slice %arg6[%run_scoped3A_745, %dma_wait3A_1541, %dma_wait3A_1542] : memref<2x8x128xi32, #tpu.memory_space<vmem>> -> memref<1x8x128xi32, #tpu.memory_space<vmem>>
      %dma_wait3A_1544 = tpu.memref_squeeze %dma_wait3A_1543 : memref<1x8x128xi32, #tpu.memory_space<vmem>> -> memref<8x128xi32, #tpu.memory_space<vmem>>
      %dma_wait3A_1545 = arith.constant 0 : i32
      %dma_wait3A_1546 = tpu.memref_slice %arg3[%add3A_744, %dma_wait3A_1545] : memref<1024x128xi32, #tpu.memory_space<hbm>> -> memref<8x128xi32, #tpu.memory_space<hbm>>
      %dma_wait3A_1547 = arith.constant 0 : i32
      %dma_wait3A_1548 = arith.constant 0 : i32
      %dma_wait3A_1549 = tpu.memref_slice %arg6[%run_scoped3A_745, %dma_wait3A_1547, %dma_wait3A_1548] : memref<2x8x128xi32, #tpu.memory_space<vmem>> -> memref<1x8x128xi32, #tpu.memory_space<vmem>>
      %dma_wait3A_1550 = tpu.memref_squeeze %dma_wait3A_1549 : memref<1x8x128xi32, #tpu.memory_space<vmem>> -> memref<8x128xi32, #tpu.memory_space<vmem>>
      %dma_wait3A_1551 = arith.constant 0 : i32
      %dma_wait3A_1552 = tpu.memref_slice %arg3[%add3A_744, %dma_wait3A_1551] : memref<1024x128xi32, #tpu.memory_space<hbm>> -> memref<8x128xi32, #tpu.memory_space<hbm>>
      tpu.wait_dma2 semaphore(%run_scoped3A_1528 : memref<!tpu.dma_semaphore, #tpu.memory_space<semaphore_mem>>) src(%dma_wait3A_1552 : memref<8x128xi32, #tpu.memory_space<hbm>>) dst(%dma_wait3A_1550 : memref<8x128xi32, #tpu.memory_space<vmem>>)
      tpu.yield
    }) : () -> ()
    %run_scoped3A_746 = arith.constant 0 : i32
    %run_scoped3A_747 = arith.constant 0 : i32
    %run_scoped3A_748 = arith.constant 0 : i32
    "tpu.region"() ({
      %run_scoped3A_1528 = tpu.sem_alloc : memref<!tpu.dma_semaphore, #tpu.memory_space<semaphore_mem>>
      %dma_start3A_1529 = arith.constant 0 : i32
      %dma_start3A_1530 = arith.constant 0 : i32
      %dma_start3A_1531 = tpu.memref_slice %arg8[%run_scoped3A_747, %run_scoped3A_748, %dma_start3A_1529, %dma_start3A_1530] : memref<2x3x8x128xf32, #tpu.memory_space<vmem>> -> memref<1x1x8x128xf32, #tpu.memory_space<vmem>>
      %dma_start3A_1532 = tpu.memref_squeeze %dma_start3A_1531 : memref<1x1x8x128xf32, #tpu.memory_space<vmem>> -> memref<8x128xf32, #tpu.memory_space<vmem>>
      %dma_start3A_1533 = arith.constant 0 : i32
      %dma_start3A_1534 = tpu.memref_slice %arg4[%run_scoped3A_746, %add3A_744, %dma_start3A_1533] : memref<3x1024x128xf32, #tpu.memory_space<hbm>> -> memref<1x8x128xf32, #tpu.memory_space<hbm>>
      %dma_start3A_1535 = tpu.memref_squeeze %dma_start3A_1534 : memref<1x8x128xf32, #tpu.memory_space<hbm>> -> memref<8x128xf32, #tpu.memory_space<hbm>>
      %dma_start3A_1536 = arith.constant 0 : i32
      %dma_start3A_1537 = arith.constant 0 : i32
      %dma_start3A_1538 = tpu.memref_slice %arg8[%run_scoped3A_747, %run_scoped3A_748, %dma_start3A_1536, %dma_start3A_1537] : memref<2x3x8x128xf32, #tpu.memory_space<vmem>> -> memref<1x1x8x128xf32, #tpu.memory_space<vmem>>
      %dma_start3A_1539 = tpu.memref_squeeze %dma_start3A_1538 : memref<1x1x8x128xf32, #tpu.memory_space<vmem>> -> memref<8x128xf32, #tpu.memory_space<vmem>>
      %dma_start3A_1540 = arith.constant 0 : i32
      %dma_start3A_1541 = tpu.memref_slice %arg4[%run_scoped3A_746, %add3A_744, %dma_start3A_1540] : memref<3x1024x128xf32, #tpu.memory_space<hbm>> -> memref<1x8x128xf32, #tpu.memory_space<hbm>>
      %dma_start3A_1542 = tpu.memref_squeeze %dma_start3A_1541 : memref<1x8x128xf32, #tpu.memory_space<hbm>> -> memref<8x128xf32, #tpu.memory_space<hbm>>
      tpu.enqueue_dma source(%dma_start3A_1542 : memref<8x128xf32, #tpu.memory_space<hbm>>) target(%dma_start3A_1539 : memref<8x128xf32, #tpu.memory_space<vmem>>) target_semaphore(%run_scoped3A_1528 : memref<!tpu.dma_semaphore, #tpu.memory_space<semaphore_mem>>)
      %dma_wait3A_1543 = arith.constant 0 : i32
      %dma_wait3A_1544 = arith.constant 0 : i32
      %dma_wait3A_1545 = tpu.memref_slice %arg8[%run_scoped3A_747, %run_scoped3A_748, %dma_wait3A_1543, %dma_wait3A_1544] : memref<2x3x8x128xf32, #tpu.memory_space<vmem>> -> memref<1x1x8x128xf32, #tpu.memory_space<vmem>>
      %dma_wait3A_1546 = tpu.memref_squeeze %dma_wait3A_1545 : memref<1x1x8x128xf32, #tpu.memory_space<vmem>> -> memref<8x128xf32, #tpu.memory_space<vmem>>
      %dma_wait3A_1547 = arith.constant 0 : i32
      %dma_wait3A_1548 = tpu.memref_slice %arg4[%run_scoped3A_746, %add3A_744, %dma_wait3A_1547] : memref<3x1024x128xf32, #tpu.memory_space<hbm>> -> memref<1x8x128xf32, #tpu.memory_space<hbm>>
      %dma_wait3A_1549 = tpu.memref_squeeze %dma_wait3A_1548 : memref<1x8x128xf32, #tpu.memory_space<hbm>> -> memref<8x128xf32, #tpu.memory_space<hbm>>
      %dma_wait3A_1550 = arith.constant 0 : i32
      %dma_wait3A_1551 = arith.constant 0 : i32
      %dma_wait3A_1552 = tpu.memref_slice %arg8[%run_scoped3A_747, %run_scoped3A_748, %dma_wait3A_1550, %dma_wait3A_1551] : memref<2x3x8x128xf32, #tpu.memory_space<vmem>> -> memref<1x1x8x128xf32, #tpu.memory_space<vmem>>
      %dma_wait3A_1553 = tpu.memref_squeeze %dma_wait3A_1552 : memref<1x1x8x128xf32, #tpu.memory_space<vmem>> -> memref<8x128xf32, #tpu.memory_space<vmem>>
      %dma_wait3A_1554 = arith.constant 0 : i32
      %dma_wait3A_1555 = tpu.memref_slice %arg4[%run_scoped3A_746, %add3A_744, %dma_wait3A_1554] : memref<3x1024x128xf32, #tpu.memory_space<hbm>> -> memref<1x8x128xf32, #tpu.memory_space<hbm>>
      %dma_wait3A_1556 = tpu.memref_squeeze %dma_wait3A_1555 : memref<1x8x128xf32, #tpu.memory_space<hbm>> -> memref<8x128xf32, #tpu.memory_space<hbm>>
      tpu.wait_dma2 semaphore(%run_scoped3A_1528 : memref<!tpu.dma_semaphore, #tpu.memory_space<semaphore_mem>>) src(%dma_wait3A_1556 : memref<8x128xf32, #tpu.memory_space<hbm>>) dst(%dma_wait3A_1553 : memref<8x128xf32, #tpu.memory_space<vmem>>)
      tpu.yield
    }) : () -> ()
    %run_scoped3A_749 = arith.constant 1 : i32
    %run_scoped3A_750 = arith.constant 0 : i32
    %run_scoped3A_751 = arith.constant 1 : i32
    "tpu.region"() ({
      %run_scoped3A_1528 = tpu.sem_alloc : memref<!tpu.dma_semaphore, #tpu.memory_space<semaphore_mem>>
      %dma_start3A_1529 = arith.constant 0 : i32
      %dma_start3A_1530 = arith.constant 0 : i32
      %dma_start3A_1531 = tpu.memref_slice %arg8[%run_scoped3A_750, %run_scoped3A_751, %dma_start3A_1529, %dma_start3A_1530] : memref<2x3x8x128xf32, #tpu.memory_space<vmem>> -> memref<1x1x8x128xf32, #tpu.memory_space<vmem>>
      %dma_start3A_1532 = tpu.memref_squeeze %dma_start3A_1531 : memref<1x1x8x128xf32, #tpu.memory_space<vmem>> -> memref<8x128xf32, #tpu.memory_space<vmem>>
      %dma_start3A_1533 = arith.constant 0 : i32
      %dma_start3A_1534 = tpu.memref_slice %arg4[%run_scoped3A_749, %add3A_744, %dma_start3A_1533] : memref<3x1024x128xf32, #tpu.memory_space<hbm>> -> memref<1x8x128xf32, #tpu.memory_space<hbm>>
      %dma_start3A_1535 = tpu.memref_squeeze %dma_start3A_1534 : memref<1x8x128xf32, #tpu.memory_space<hbm>> -> memref<8x128xf32, #tpu.memory_space<hbm>>
      %dma_start3A_1536 = arith.constant 0 : i32
      %dma_start3A_1537 = arith.constant 0 : i32
      %dma_start3A_1538 = tpu.memref_slice %arg8[%run_scoped3A_750, %run_scoped3A_751, %dma_start3A_1536, %dma_start3A_1537] : memref<2x3x8x128xf32, #tpu.memory_space<vmem>> -> memref<1x1x8x128xf32, #tpu.memory_space<vmem>>
      %dma_start3A_1539 = tpu.memref_squeeze %dma_start3A_1538 : memref<1x1x8x128xf32, #tpu.memory_space<vmem>> -> memref<8x128xf32, #tpu.memory_space<vmem>>
      %dma_start3A_1540 = arith.constant 0 : i32
      %dma_start3A_1541 = tpu.memref_slice %arg4[%run_scoped3A_749, %add3A_744, %dma_start3A_1540] : memref<3x1024x128xf32, #tpu.memory_space<hbm>> -> memref<1x8x128xf32, #tpu.memory_space<hbm>>
      %dma_start3A_1542 = tpu.memref_squeeze %dma_start3A_1541 : memref<1x8x128xf32, #tpu.memory_space<hbm>> -> memref<8x128xf32, #tpu.memory_space<hbm>>
      tpu.enqueue_dma source(%dma_start3A_1542 : memref<8x128xf32, #tpu.memory_space<hbm>>) target(%dma_start3A_1539 : memref<8x128xf32, #tpu.memory_space<vmem>>) target_semaphore(%run_scoped3A_1528 : memref<!tpu.dma_semaphore, #tpu.memory_space<semaphore_mem>>)
      %dma_wait3A_1543 = arith.constant 0 : i32
      %dma_wait3A_1544 = arith.constant 0 : i32
      %dma_wait3A_1545 = tpu.memref_slice %arg8[%run_scoped3A_750, %run_scoped3A_751, %dma_wait3A_1543, %dma_wait3A_1544] : memref<2x3x8x128xf32, #tpu.memory_space<vmem>> -> memref<1x1x8x128xf32, #tpu.memory_space<vmem>>
      %dma_wait3A_1546 = tpu.memref_squeeze %dma_wait3A_1545 : memref<1x1x8x128xf32, #tpu.memory_space<vmem>> -> memref<8x128xf32, #tpu.memory_space<vmem>>
      %dma_wait3A_1547 = arith.constant 0 : i32
      %dma_wait3A_1548 = tpu.memref_slice %arg4[%run_scoped3A_749, %add3A_744, %dma_wait3A_1547] : memref<3x1024x128xf32, #tpu.memory_space<hbm>> -> memref<1x8x128xf32, #tpu.memory_space<hbm>>
      %dma_wait3A_1549 = tpu.memref_squeeze %dma_wait3A_1548 : memref<1x8x128xf32, #tpu.memory_space<hbm>> -> memref<8x128xf32, #tpu.memory_space<hbm>>
      %dma_wait3A_1550 = arith.constant 0 : i32
      %dma_wait3A_1551 = arith.constant 0 : i32
      %dma_wait3A_1552 = tpu.memref_slice %arg8[%run_scoped3A_750, %run_scoped3A_751, %dma_wait3A_1550, %dma_wait3A_1551] : memref<2x3x8x128xf32, #tpu.memory_space<vmem>> -> memref<1x1x8x128xf32, #tpu.memory_space<vmem>>
      %dma_wait3A_1553 = tpu.memref_squeeze %dma_wait3A_1552 : memref<1x1x8x128xf32, #tpu.memory_space<vmem>> -> memref<8x128xf32, #tpu.memory_space<vmem>>
      %dma_wait3A_1554 = arith.constant 0 : i32
      %dma_wait3A_1555 = tpu.memref_slice %arg4[%run_scoped3A_749, %add3A_744, %dma_wait3A_1554] : memref<3x1024x128xf32, #tpu.memory_space<hbm>> -> memref<1x8x128xf32, #tpu.memory_space<hbm>>
      %dma_wait3A_1556 = tpu.memref_squeeze %dma_wait3A_1555 : memref<1x8x128xf32, #tpu.memory_space<hbm>> -> memref<8x128xf32, #tpu.memory_space<hbm>>
      tpu.wait_dma2 semaphore(%run_scoped3A_1528 : memref<!tpu.dma_semaphore, #tpu.memory_space<semaphore_mem>>) src(%dma_wait3A_1556 : memref<8x128xf32, #tpu.memory_space<hbm>>) dst(%dma_wait3A_1553 : memref<8x128xf32, #tpu.memory_space<vmem>>)
      tpu.yield
    }) : () -> ()
    %run_scoped3A_752 = arith.constant 2 : i32
    %run_scoped3A_753 = arith.constant 0 : i32
    %run_scoped3A_754 = arith.constant 2 : i32
    "tpu.region"() ({
      %run_scoped3A_1528 = tpu.sem_alloc : memref<!tpu.dma_semaphore, #tpu.memory_space<semaphore_mem>>
      %dma_start3A_1529 = arith.constant 0 : i32
      %dma_start3A_1530 = arith.constant 0 : i32
      %dma_start3A_1531 = tpu.memref_slice %arg8[%run_scoped3A_753, %run_scoped3A_754, %dma_start3A_1529, %dma_start3A_1530] : memref<2x3x8x128xf32, #tpu.memory_space<vmem>> -> memref<1x1x8x128xf32, #tpu.memory_space<vmem>>
      %dma_start3A_1532 = tpu.memref_squeeze %dma_start3A_1531 : memref<1x1x8x128xf32, #tpu.memory_space<vmem>> -> memref<8x128xf32, #tpu.memory_space<vmem>>
      %dma_start3A_1533 = arith.constant 0 : i32
      %dma_start3A_1534 = tpu.memref_slice %arg4[%run_scoped3A_752, %add3A_744, %dma_start3A_1533] : memref<3x1024x128xf32, #tpu.memory_space<hbm>> -> memref<1x8x128xf32, #tpu.memory_space<hbm>>
      %dma_start3A_1535 = tpu.memref_squeeze %dma_start3A_1534 : memref<1x8x128xf32, #tpu.memory_space<hbm>> -> memref<8x128xf32, #tpu.memory_space<hbm>>
      %dma_start3A_1536 = arith.constant 0 : i32
      %dma_start3A_1537 = arith.constant 0 : i32
      %dma_start3A_1538 = tpu.memref_slice %arg8[%run_scoped3A_753, %run_scoped3A_754, %dma_start3A_1536, %dma_start3A_1537] : memref<2x3x8x128xf32, #tpu.memory_space<vmem>> -> memref<1x1x8x128xf32, #tpu.memory_space<vmem>>
      %dma_start3A_1539 = tpu.memref_squeeze %dma_start3A_1538 : memref<1x1x8x128xf32, #tpu.memory_space<vmem>> -> memref<8x128xf32, #tpu.memory_space<vmem>>
      %dma_start3A_1540 = arith.constant 0 : i32
      %dma_start3A_1541 = tpu.memref_slice %arg4[%run_scoped3A_752, %add3A_744, %dma_start3A_1540] : memref<3x1024x128xf32, #tpu.memory_space<hbm>> -> memref<1x8x128xf32, #tpu.memory_space<hbm>>
      %dma_start3A_1542 = tpu.memref_squeeze %dma_start3A_1541 : memref<1x8x128xf32, #tpu.memory_space<hbm>> -> memref<8x128xf32, #tpu.memory_space<hbm>>
      tpu.enqueue_dma source(%dma_start3A_1542 : memref<8x128xf32, #tpu.memory_space<hbm>>) target(%dma_start3A_1539 : memref<8x128xf32, #tpu.memory_space<vmem>>) target_semaphore(%run_scoped3A_1528 : memref<!tpu.dma_semaphore, #tpu.memory_space<semaphore_mem>>)
      %dma_wait3A_1543 = arith.constant 0 : i32
      %dma_wait3A_1544 = arith.constant 0 : i32
      %dma_wait3A_1545 = tpu.memref_slice %arg8[%run_scoped3A_753, %run_scoped3A_754, %dma_wait3A_1543, %dma_wait3A_1544] : memref<2x3x8x128xf32, #tpu.memory_space<vmem>> -> memref<1x1x8x128xf32, #tpu.memory_space<vmem>>
      %dma_wait3A_1546 = tpu.memref_squeeze %dma_wait3A_1545 : memref<1x1x8x128xf32, #tpu.memory_space<vmem>> -> memref<8x128xf32, #tpu.memory_space<vmem>>
      %dma_wait3A_1547 = arith.constant 0 : i32
      %dma_wait3A_1548 = tpu.memref_slice %arg4[%run_scoped3A_752, %add3A_744, %dma_wait3A_1547] : memref<3x1024x128xf32, #tpu.memory_space<hbm>> -> memref<1x8x128xf32, #tpu.memory_space<hbm>>
      %dma_wait3A_1549 = tpu.memref_squeeze %dma_wait3A_1548 : memref<1x8x128xf32, #tpu.memory_space<hbm>> -> memref<8x128xf32, #tpu.memory_space<hbm>>
      %dma_wait3A_1550 = arith.constant 0 : i32
      %dma_wait3A_1551 = arith.constant 0 : i32
      %dma_wait3A_1552 = tpu.memref_slice %arg8[%run_scoped3A_753, %run_scoped3A_754, %dma_wait3A_1550, %dma_wait3A_1551] : memref<2x3x8x128xf32, #tpu.memory_space<vmem>> -> memref<1x1x8x128xf32, #tpu.memory_space<vmem>>
      %dma_wait3A_1553 = tpu.memref_squeeze %dma_wait3A_1552 : memref<1x1x8x128xf32, #tpu.memory_space<vmem>> -> memref<8x128xf32, #tpu.memory_space<vmem>>
      %dma_wait3A_1554 = arith.constant 0 : i32
      %dma_wait3A_1555 = tpu.memref_slice %arg4[%run_scoped3A_752, %add3A_744, %dma_wait3A_1554] : memref<3x1024x128xf32, #tpu.memory_space<hbm>> -> memref<1x8x128xf32, #tpu.memory_space<hbm>>
      %dma_wait3A_1556 = tpu.memref_squeeze %dma_wait3A_1555 : memref<1x8x128xf32, #tpu.memory_space<hbm>> -> memref<8x128xf32, #tpu.memory_space<hbm>>
      tpu.wait_dma2 semaphore(%run_scoped3A_1528 : memref<!tpu.dma_semaphore, #tpu.memory_space<semaphore_mem>>) src(%dma_wait3A_1556 : memref<8x128xf32, #tpu.memory_space<hbm>>) dst(%dma_wait3A_1553 : memref<8x128xf32, #tpu.memory_space<vmem>>)
      tpu.yield
    }) : () -> ()
    %dma_start3A_755 = arith.constant 0 : i32
    %dma_start3A_756 = arith.constant 0 : i32
    %dma_start3A_757 = arith.constant 0 : i32
    %dma_start3A_758 = arith.constant 0 : i32
    %dma_start3A_759 = arith.constant 0 : i32
    %dma_start3A_760 = tpu.memref_slice %arg7[%dma_start3A_757, %dma_start3A_758, %dma_start3A_759] : memref<2x256x128xf32, #tpu.memory_space<vmem>> -> memref<1x128x128xf32, #tpu.memory_space<vmem>>
    %dma_start3A_761 = tpu.memref_squeeze %dma_start3A_760 : memref<1x128x128xf32, #tpu.memory_space<vmem>> -> memref<128x128xf32, #tpu.memory_space<vmem>>
    %dma_start3A_762 = arith.constant 0 : i32
    %dma_start3A_763 = tpu.memref_slice %arg6[%dma_start3A_755, %dma_start3A_756, %dma_start3A_762] : memref<2x8x128xi32, #tpu.memory_space<vmem>> -> memref<1x1x128xi32, #tpu.memory_space<vmem>>
    %dma_start3A_764 = tpu.memref_squeeze %dma_start3A_763 : memref<1x1x128xi32, #tpu.memory_space<vmem>> -> memref<128xi32, #tpu.memory_space<vmem>>
    %dma_start3A_765 = arith.constant 0 : i32
    %dma_start3A_766 = arith.constant 0 : i32
    %dma_start3A_767 = tpu.memref_slice %arg9[%dma_start3A_765, %dma_start3A_766] : memref<119x128xf32, #tpu.memory_space<vmem_shared>> -> memref<119x128xf32, #tpu.memory_space<vmem_shared>>
    tpu.enqueue_indirect_dma source(%dma_start3A_767 : memref<119x128xf32, #tpu.memory_space<vmem_shared>>) target(%dma_start3A_761 : memref<128x128xf32, #tpu.memory_space<vmem>>) offsets(%dma_start3A_764 : memref<128xi32, #tpu.memory_space<vmem>>) semaphore(%arg10 : memref<!tpu.dma_semaphore, #tpu.memory_space<semaphore_mem>>)
    %dma_start3A_768 = arith.constant 0 : i32
    %dma_start3A_769 = arith.constant 1 : i32
    %dma_start3A_770 = arith.constant 0 : i32
    %dma_start3A_771 = arith.constant 128 : i32
    %dma_start3A_772 = arith.constant 0 : i32
    %dma_start3A_773 = tpu.memref_slice %arg7[%dma_start3A_770, %dma_start3A_771, %dma_start3A_772] : memref<2x256x128xf32, #tpu.memory_space<vmem>> -> memref<1x128x128xf32, #tpu.memory_space<vmem>>
    %dma_start3A_774 = tpu.memref_squeeze %dma_start3A_773 : memref<1x128x128xf32, #tpu.memory_space<vmem>> -> memref<128x128xf32, #tpu.memory_space<vmem>>
    %dma_start3A_775 = arith.constant 0 : i32
    %dma_start3A_776 = tpu.memref_slice %arg6[%dma_start3A_768, %dma_start3A_769, %dma_start3A_775] : memref<2x8x128xi32, #tpu.memory_space<vmem>> -> memref<1x1x128xi32, #tpu.memory_space<vmem>>
    %dma_start3A_777 = tpu.memref_squeeze %dma_start3A_776 : memref<1x1x128xi32, #tpu.memory_space<vmem>> -> memref<128xi32, #tpu.memory_space<vmem>>
    %dma_start3A_778 = arith.constant 0 : i32
    %dma_start3A_779 = arith.constant 0 : i32
    %dma_start3A_780 = tpu.memref_slice %arg9[%dma_start3A_778, %dma_start3A_779] : memref<119x128xf32, #tpu.memory_space<vmem_shared>> -> memref<119x128xf32, #tpu.memory_space<vmem_shared>>
    tpu.enqueue_indirect_dma source(%dma_start3A_780 : memref<119x128xf32, #tpu.memory_space<vmem_shared>>) target(%dma_start3A_774 : memref<128x128xf32, #tpu.memory_space<vmem>>) offsets(%dma_start3A_777 : memref<128xi32, #tpu.memory_space<vmem>>) semaphore(%arg10 : memref<!tpu.dma_semaphore, #tpu.memory_space<semaphore_mem>>)
    %scan3A_781 = arith.constant 0 : i32
    %scan3A_782 = arith.constant 0 : i32
    %scan3A_783 = arith.constant 16 : i32
    %scan3A_784 = arith.addi %scan3A_782, %scan3A_783 : i32
    %scan3A_785 = arith.constant 1 : i32
    scf.for %scan3A_1528 = %scan3A_782 to %scan3A_784 step %scan3A_785  : i32 {
      %jit3A = arith.constant 8 : i32
      %div3A = arith.divsi %scan3A_1528, %jit3A : i32
      %sign3A = arith.constant 0 : i32
      %sign3A_1529 = arith.cmpi sgt, %scan3A_1528, %sign3A : i32
      %sign3A_1530 = arith.extui %sign3A_1529 : i1 to i32
      %sign3A_1531 = arith.constant 0 : i32
      %sign3A_1532 = arith.cmpi slt, %scan3A_1528, %sign3A_1531 : i32
      %sign3A_1533 = arith.extui %sign3A_1532 : i1 to i32
      %sign3A_1534 = arith.subi %sign3A_1530, %sign3A_1533 : i32
      %sign3A_1535 = arith.constant 0 : i32
      %sign3A_1536 = arith.cmpi sgt, %jit3A, %sign3A_1535 : i32
      %sign3A_1537 = arith.extui %sign3A_1536 : i1 to i32
      %sign3A_1538 = arith.constant 0 : i32
      %sign3A_1539 = arith.cmpi slt, %jit3A, %sign3A_1538 : i32
      %sign3A_1540 = arith.extui %sign3A_1539 : i1 to i32
      %sign3A_1541 = arith.subi %sign3A_1537, %sign3A_1540 : i32
      %ne3A = arith.cmpi ne, %sign3A_1534, %sign3A_1541 : i32
      %rem3A = arith.remsi %scan3A_1528, %jit3A : i32
      %ne3A_1542 = arith.constant 0 : i32
      %ne3A_1543 = arith.cmpi ne, %rem3A, %ne3A_1542 : i32
      %and3A = arith.andi %ne3A, %ne3A_1543 : i1
      %sub3A = arith.constant 1 : i32
      %sub3A_1544 = arith.subi %div3A, %sub3A : i32
      %select_n3A = arith.select %and3A, %sub3A_1544, %div3A : i32
      %add3A_1545 = arith.constant 6 : i32
      %add3A_1546 = arith.addi %add3A_1545, %select_n3A : i32
      %jit3A_1547 = arith.constant 8 : i32
      %eq3A_1548 = arith.constant 0 : i32
      %eq3A_1549 = arith.cmpi eq, %jit3A_1547, %eq3A_1548 : i32
      %jit3A_1550 = arith.constant 1 : i32
      %select_n3A_1551 = arith.select %eq3A_1549, %jit3A_1550, %jit3A_1547 : i32
      %rem3A_1552 = arith.remsi %scan3A_1528, %select_n3A_1551 : i32
      %ne3A_1553 = arith.constant 0 : i32
      %ne3A_1554 = arith.cmpi ne, %rem3A_1552, %ne3A_1553 : i32
      %lt3A = arith.constant 0 : i32
      %lt3A_1555 = arith.cmpi slt, %rem3A_1552, %lt3A : i32
      %lt3A_1556 = arith.constant 0 : i32
      %lt3A_1557 = arith.cmpi slt, %select_n3A_1551, %lt3A_1556 : i32
      %ne3A_1558 = arith.xori %lt3A_1555, %lt3A_1557 : i1
      %and3A_1559 = arith.andi %ne3A_1558, %ne3A_1554 : i1
      %add3A_1560 = arith.addi %rem3A_1552, %select_n3A_1551 : i32
      %select_n3A_1561 = arith.select %and3A_1559, %add3A_1560, %rem3A_1552 : i32
      %mul3A_1562 = arith.constant 16 : i32
      %mul3A_1563 = arith.muli %select_n3A_1561, %mul3A_1562 : i32
      %mul3A_1564 = arith.constant 16 : i32
      %mul3A_1565 = arith.muli %scan3A_1528, %mul3A_1564 : i32
      %add3A_1566 = vector.broadcast %mul3A_1565 : i32 to vector<16xi32>
      %add3A_1567 = arith.addi %iota3A, %add3A_1566 : vector<16xi32>
      %get3A = arith.constant 1 : i32
      %get3A_1568 = arith.constant 0 : i32
      %get3A_1569 = arith.index_cast %get3A : i32 to index
      %get3A_1570 = arith.index_cast %get3A_1568 : i32 to index
      %get3A_1571 = arith.index_cast %add3A_1546 : i32 to index
      %get3A_1572 = arith.index_cast %mul3A_1563 : i32 to index
      %get3A_1573 = tpu.vector_load %arg8[%get3A_1569, %get3A_1570, %get3A_1571, %get3A_1572] {strides = array<i32>} : memref<2x3x8x128xf32, #tpu.memory_space<vmem>>, vector<16xf32>,
      %scatter3A = arith.constant 1 : i32
      %scatter3A_1574 = arith.constant 0 : i32
      %scatter3A_1575 = arith.constant 0 : i32
      %scatter3A_1576 = tpu.memref_slice %arg7[%scatter3A, %scatter3A_1574, %scatter3A_1575] : memref<2x256x128xf32, #tpu.memory_space<vmem>> -> memref<1x256x128xf32, #tpu.memory_space<vmem>>
      %scatter3A_1577 = tpu.memref_squeeze %scatter3A_1576 : memref<1x256x128xf32, #tpu.memory_space<vmem>> -> memref<256x128xf32, #tpu.memory_space<vmem>>
      tpu.vector_store_idx %scatter3A_1577[%add3A_1567, %add3A_8], %get3A_1573 : memref<256x128xf32, #tpu.memory_space<vmem>>[vector<16xi32>, vector<16xi32>], vector<16xf32>,
      %get3A_1578 = arith.constant 1 : i32
      %get3A_1579 = arith.constant 1 : i32
      %get3A_1580 = arith.index_cast %get3A_1578 : i32 to index
      %get3A_1581 = arith.index_cast %get3A_1579 : i32 to index
      %get3A_1582 = arith.index_cast %add3A_1546 : i32 to index
      %get3A_1583 = arith.index_cast %mul3A_1563 : i32 to index
      %get3A_1584 = tpu.vector_load %arg8[%get3A_1580, %get3A_1581, %get3A_1582, %get3A_1583] {strides = array<i32>} : memref<2x3x8x128xf32, #tpu.memory_space<vmem>>, vector<16xf32>,
      %scatter3A_1585 = arith.constant 1 : i32
      %scatter3A_1586 = arith.constant 0 : i32
      %scatter3A_1587 = arith.constant 0 : i32
      %scatter3A_1588 = tpu.memref_slice %arg7[%scatter3A_1585, %scatter3A_1586, %scatter3A_1587] : memref<2x256x128xf32, #tpu.memory_space<vmem>> -> memref<1x256x128xf32, #tpu.memory_space<vmem>>
      %scatter3A_1589 = tpu.memref_squeeze %scatter3A_1588 : memref<1x256x128xf32, #tpu.memory_space<vmem>> -> memref<256x128xf32, #tpu.memory_space<vmem>>
      tpu.vector_store_idx %scatter3A_1589[%add3A_1567, %add3A_14], %get3A_1584 : memref<256x128xf32, #tpu.memory_space<vmem>>[vector<16xi32>, vector<16xi32>], vector<16xf32>,
      %get3A_1590 = arith.constant 1 : i32
      %get3A_1591 = arith.constant 2 : i32
      %get3A_1592 = arith.index_cast %get3A_1590 : i32 to index
      %get3A_1593 = arith.index_cast %get3A_1591 : i32 to index
      %get3A_1594 = arith.index_cast %add3A_1546 : i32 to index
      %get3A_1595 = arith.index_cast %mul3A_1563 : i32 to index
      %get3A_1596 = tpu.vector_load %arg8[%get3A_1592, %get3A_1593, %get3A_1594, %get3A_1595] {strides = array<i32>} : memref<2x3x8x128xf32, #tpu.memory_space<vmem>>, vector<16xf32>,
      %scatter3A_1597 = arith.constant 1 : i32
      %scatter3A_1598 = arith.constant 0 : i32
      %scatter3A_1599 = arith.constant 0 : i32
      %scatter3A_1600 = tpu.memref_slice %arg7[%scatter3A_1597, %scatter3A_1598, %scatter3A_1599] : memref<2x256x128xf32, #tpu.memory_space<vmem>> -> memref<1x256x128xf32, #tpu.memory_space<vmem>>
      %scatter3A_1601 = tpu.memref_squeeze %scatter3A_1600 : memref<1x256x128xf32, #tpu.memory_space<vmem>> -> memref<256x128xf32, #tpu.memory_space<vmem>>
      tpu.vector_store_idx %scatter3A_1601[%add3A_1567, %add3A_20], %get3A_1596 : memref<256x128xf32, #tpu.memory_space<vmem>>[vector<16xi32>, vector<16xi32>], vector<16xf32>,
    }
    %scan3A_786 = arith.constant 16 : i32
    %mul3A_787 = arith.constant 4096 : i32
    %mul3A_788 = arith.muli %add3A, %mul3A_787 : i32
    %add3A_789 = arith.constant 1792 : i32
    %add3A_790 = arith.addi %mul3A_788, %add3A_789 : i32
    %dma_start3A_791 = arith.constant 1 : i32
    %dma_start3A_792 = arith.constant 0 : i32
    %dma_start3A_793 = arith.constant 0 : i32
    %dma_start3A_794 = tpu.memref_slice %arg7[%dma_start3A_791, %dma_start3A_792, %dma_start3A_793] : memref<2x256x128xf32, #tpu.memory_space<vmem>> -> memref<1x256x128xf32, #tpu.memory_space<vmem>>
    %dma_start3A_795 = tpu.memref_squeeze %dma_start3A_794 : memref<1x256x128xf32, #tpu.memory_space<vmem>> -> memref<256x128xf32, #tpu.memory_space<vmem>>
    %dma_start3A_796 = arith.constant 0 : i32
    %dma_start3A_797 = tpu.memref_slice %arg5[%add3A_790, %dma_start3A_796] : memref<131072x128xf32, #tpu.memory_space<hbm>> -> memref<256x128xf32, #tpu.memory_space<hbm>>
    %dma_start3A_798 = arith.constant 0 : i32
    %dma_start3A_799 = tpu.memref_slice %arg5[%add3A_790, %dma_start3A_798] : memref<131072x128xf32, #tpu.memory_space<hbm>> -> memref<256x128xf32, #tpu.memory_space<hbm>>
    %dma_start3A_800 = arith.constant 0 : i32
    %dma_start3A_801 = arith.constant 0 : i32
    %dma_start3A_802 = tpu.memref_slice %arg7[%dma_start3A_791, %dma_start3A_800, %dma_start3A_801] : memref<2x256x128xf32, #tpu.memory_space<vmem>> -> memref<1x256x128xf32, #tpu.memory_space<vmem>>
    %dma_start3A_803 = tpu.memref_squeeze %dma_start3A_802 : memref<1x256x128xf32, #tpu.memory_space<vmem>> -> memref<256x128xf32, #tpu.memory_space<vmem>>
    tpu.enqueue_dma source(%dma_start3A_803 : memref<256x128xf32, #tpu.memory_space<vmem>>) target(%dma_start3A_799 : memref<256x128xf32, #tpu.memory_space<hbm>>) target_semaphore(%arg13 : memref<!tpu.dma_semaphore, #tpu.memory_space<semaphore_mem>>)
    %dma_wait3A_804 = arith.constant 0 : i32
    %dma_wait3A_805 = arith.constant 0 : i32
    %dma_wait3A_806 = arith.constant 0 : i32
    %dma_wait3A_807 = arith.constant 0 : i32
    %dma_wait3A_808 = arith.constant 0 : i32
    %dma_wait3A_809 = tpu.memref_slice %arg7[%dma_wait3A_806, %dma_wait3A_807, %dma_wait3A_808] : memref<2x256x128xf32, #tpu.memory_space<vmem>> -> memref<1x128x128xf32, #tpu.memory_space<vmem>>
    %dma_wait3A_810 = tpu.memref_squeeze %dma_wait3A_809 : memref<1x128x128xf32, #tpu.memory_space<vmem>> -> memref<128x128xf32, #tpu.memory_space<vmem>>
    %dma_wait3A_811 = arith.constant 0 : i32
    %dma_wait3A_812 = tpu.memref_slice %arg6[%dma_wait3A_804, %dma_wait3A_805, %dma_wait3A_811] : memref<2x8x128xi32, #tpu.memory_space<vmem>> -> memref<1x1x128xi32, #tpu.memory_space<vmem>>
    %dma_wait3A_813 = tpu.memref_squeeze %dma_wait3A_812 : memref<1x1x128xi32, #tpu.memory_space<vmem>> -> memref<128xi32, #tpu.memory_space<vmem>>
    %dma_wait3A_814 = arith.constant 0 : i32
    %dma_wait3A_815 = arith.constant 0 : i32
    %dma_wait3A_816 = tpu.memref_slice %arg9[%dma_wait3A_814, %dma_wait3A_815] : memref<119x128xf32, #tpu.memory_space<vmem_shared>> -> memref<119x128xf32, #tpu.memory_space<vmem_shared>>
    tpu.wait_indirect_dma semaphore(%arg10 : memref<!tpu.dma_semaphore, #tpu.memory_space<semaphore_mem>>) src(%dma_wait3A_816 : memref<119x128xf32, #tpu.memory_space<vmem_shared>>) dst(%dma_wait3A_810 : memref<128x128xf32, #tpu.memory_space<vmem>>)
    %dma_wait3A_817 = arith.constant 0 : i32
    %dma_wait3A_818 = arith.constant 1 : i32
    %dma_wait3A_819 = arith.constant 0 : i32
    %dma_wait3A_820 = arith.constant 128 : i32
    %dma_wait3A_821 = arith.constant 0 : i32
    %dma_wait3A_822 = tpu.memref_slice %arg7[%dma_wait3A_819, %dma_wait3A_820, %dma_wait3A_821] : memref<2x256x128xf32, #tpu.memory_space<vmem>> -> memref<1x128x128xf32, #tpu.memory_space<vmem>>
    %dma_wait3A_823 = tpu.memref_squeeze %dma_wait3A_822 : memref<1x128x128xf32, #tpu.memory_space<vmem>> -> memref<128x128xf32, #tpu.memory_space<vmem>>
    %dma_wait3A_824 = arith.constant 0 : i32
    %dma_wait3A_825 = tpu.memref_slice %arg6[%dma_wait3A_817, %dma_wait3A_818, %dma_wait3A_824] : memref<2x8x128xi32, #tpu.memory_space<vmem>> -> memref<1x1x128xi32, #tpu.memory_space<vmem>>
    %dma_wait3A_826 = tpu.memref_squeeze %dma_wait3A_825 : memref<1x1x128xi32, #tpu.memory_space<vmem>> -> memref<128xi32, #tpu.memory_space<vmem>>
    %dma_wait3A_827 = arith.constant 0 : i32
    %dma_wait3A_828 = arith.constant 0 : i32
    %dma_wait3A_829 = tpu.memref_slice %arg9[%dma_wait3A_827, %dma_wait3A_828] : memref<119x128xf32, #tpu.memory_space<vmem_shared>> -> memref<119x128xf32, #tpu.memory_space<vmem_shared>>
    tpu.wait_indirect_dma semaphore(%arg10 : memref<!tpu.dma_semaphore, #tpu.memory_space<semaphore_mem>>) src(%dma_wait3A_829 : memref<119x128xf32, #tpu.memory_space<vmem_shared>>) dst(%dma_wait3A_823 : memref<128x128xf32, #tpu.memory_space<vmem>>)
    %mul3A_830 = arith.constant 4096 : i32
    %mul3A_831 = arith.muli %add3A, %mul3A_830 : i32
    %add3A_832 = arith.constant 1792 : i32
    %add3A_833 = arith.addi %mul3A_831, %add3A_832 : i32
    %dma_wait3A_834 = arith.constant 1 : i32
    %dma_wait3A_835 = arith.constant 0 : i32
    %dma_wait3A_836 = arith.constant 0 : i32
    %dma_wait3A_837 = tpu.memref_slice %arg7[%dma_wait3A_834, %dma_wait3A_835, %dma_wait3A_836] : memref<2x256x128xf32, #tpu.memory_space<vmem>> -> memref<1x256x128xf32, #tpu.memory_space<vmem>>
    %dma_wait3A_838 = tpu.memref_squeeze %dma_wait3A_837 : memref<1x256x128xf32, #tpu.memory_space<vmem>> -> memref<256x128xf32, #tpu.memory_space<vmem>>
    %dma_wait3A_839 = arith.constant 0 : i32
    %dma_wait3A_840 = tpu.memref_slice %arg5[%add3A_833, %dma_wait3A_839] : memref<131072x128xf32, #tpu.memory_space<hbm>> -> memref<256x128xf32, #tpu.memory_space<hbm>>
    %dma_wait3A_841 = arith.constant 0 : i32
    %dma_wait3A_842 = tpu.memref_slice %arg5[%add3A_833, %dma_wait3A_841] : memref<131072x128xf32, #tpu.memory_space<hbm>> -> memref<256x128xf32, #tpu.memory_space<hbm>>
    %dma_wait3A_843 = arith.constant 0 : i32
    %dma_wait3A_844 = arith.constant 0 : i32
    %dma_wait3A_845 = tpu.memref_slice %arg7[%dma_wait3A_834, %dma_wait3A_843, %dma_wait3A_844] : memref<2x256x128xf32, #tpu.memory_space<vmem>> -> memref<1x256x128xf32, #tpu.memory_space<vmem>>
    %dma_wait3A_846 = tpu.memref_squeeze %dma_wait3A_845 : memref<1x256x128xf32, #tpu.memory_space<vmem>> -> memref<256x128xf32, #tpu.memory_space<vmem>>
    tpu.wait_dma2 semaphore(%arg13 : memref<!tpu.dma_semaphore, #tpu.memory_space<semaphore_mem>>) src(%dma_wait3A_846 : memref<256x128xf32, #tpu.memory_space<vmem>>) dst(%dma_wait3A_842 : memref<256x128xf32, #tpu.memory_space<hbm>>)
    %dma_start3A_847 = arith.constant 0 : i32
    %dma_start3A_848 = arith.constant 2 : i32
    %dma_start3A_849 = arith.constant 1 : i32
    %dma_start3A_850 = arith.constant 0 : i32
    %dma_start3A_851 = arith.constant 0 : i32
    %dma_start3A_852 = tpu.memref_slice %arg7[%dma_start3A_849, %dma_start3A_850, %dma_start3A_851] : memref<2x256x128xf32, #tpu.memory_space<vmem>> -> memref<1x128x128xf32, #tpu.memory_space<vmem>>
    %dma_start3A_853 = tpu.memref_squeeze %dma_start3A_852 : memref<1x128x128xf32, #tpu.memory_space<vmem>> -> memref<128x128xf32, #tpu.memory_space<vmem>>
    %dma_start3A_854 = arith.constant 0 : i32
    %dma_start3A_855 = tpu.memref_slice %arg6[%dma_start3A_847, %dma_start3A_848, %dma_start3A_854] : memref<2x8x128xi32, #tpu.memory_space<vmem>> -> memref<1x1x128xi32, #tpu.memory_space<vmem>>
    %dma_start3A_856 = tpu.memref_squeeze %dma_start3A_855 : memref<1x1x128xi32, #tpu.memory_space<vmem>> -> memref<128xi32, #tpu.memory_space<vmem>>
    %dma_start3A_857 = arith.constant 0 : i32
    %dma_start3A_858 = arith.constant 0 : i32
    %dma_start3A_859 = tpu.memref_slice %arg9[%dma_start3A_857, %dma_start3A_858] : memref<119x128xf32, #tpu.memory_space<vmem_shared>> -> memref<119x128xf32, #tpu.memory_space<vmem_shared>>
    tpu.enqueue_indirect_dma source(%dma_start3A_859 : memref<119x128xf32, #tpu.memory_space<vmem_shared>>) target(%dma_start3A_853 : memref<128x128xf32, #tpu.memory_space<vmem>>) offsets(%dma_start3A_856 : memref<128xi32, #tpu.memory_space<vmem>>) semaphore(%arg11 : memref<!tpu.dma_semaphore, #tpu.memory_space<semaphore_mem>>)
    %dma_start3A_860 = arith.constant 0 : i32
    %dma_start3A_861 = arith.constant 3 : i32
    %dma_start3A_862 = arith.constant 1 : i32
    %dma_start3A_863 = arith.constant 128 : i32
    %dma_start3A_864 = arith.constant 0 : i32
    %dma_start3A_865 = tpu.memref_slice %arg7[%dma_start3A_862, %dma_start3A_863, %dma_start3A_864] : memref<2x256x128xf32, #tpu.memory_space<vmem>> -> memref<1x128x128xf32, #tpu.memory_space<vmem>>
    %dma_start3A_866 = tpu.memref_squeeze %dma_start3A_865 : memref<1x128x128xf32, #tpu.memory_space<vmem>> -> memref<128x128xf32, #tpu.memory_space<vmem>>
    %dma_start3A_867 = arith.constant 0 : i32
    %dma_start3A_868 = tpu.memref_slice %arg6[%dma_start3A_860, %dma_start3A_861, %dma_start3A_867] : memref<2x8x128xi32, #tpu.memory_space<vmem>> -> memref<1x1x128xi32, #tpu.memory_space<vmem>>
    %dma_start3A_869 = tpu.memref_squeeze %dma_start3A_868 : memref<1x1x128xi32, #tpu.memory_space<vmem>> -> memref<128xi32, #tpu.memory_space<vmem>>
    %dma_start3A_870 = arith.constant 0 : i32
    %dma_start3A_871 = arith.constant 0 : i32
    %dma_start3A_872 = tpu.memref_slice %arg9[%dma_start3A_870, %dma_start3A_871] : memref<119x128xf32, #tpu.memory_space<vmem_shared>> -> memref<119x128xf32, #tpu.memory_space<vmem_shared>>
    tpu.enqueue_indirect_dma source(%dma_start3A_872 : memref<119x128xf32, #tpu.memory_space<vmem_shared>>) target(%dma_start3A_866 : memref<128x128xf32, #tpu.memory_space<vmem>>) offsets(%dma_start3A_869 : memref<128xi32, #tpu.memory_space<vmem>>) semaphore(%arg11 : memref<!tpu.dma_semaphore, #tpu.memory_space<semaphore_mem>>)
    %scan3A_873 = arith.constant 0 : i32
    %scan3A_874 = arith.constant 0 : i32
    %scan3A_875 = arith.constant 16 : i32
    %scan3A_876 = arith.addi %scan3A_874, %scan3A_875 : i32
    %scan3A_877 = arith.constant 1 : i32
    scf.for %scan3A_1528 = %scan3A_874 to %scan3A_876 step %scan3A_877  : i32 {
      %jit3A = arith.constant 8 : i32
      %div3A = arith.divsi %scan3A_1528, %jit3A : i32
      %sign3A = arith.constant 0 : i32
      %sign3A_1529 = arith.cmpi sgt, %scan3A_1528, %sign3A : i32
      %sign3A_1530 = arith.extui %sign3A_1529 : i1 to i32
      %sign3A_1531 = arith.constant 0 : i32
      %sign3A_1532 = arith.cmpi slt, %scan3A_1528, %sign3A_1531 : i32
      %sign3A_1533 = arith.extui %sign3A_1532 : i1 to i32
      %sign3A_1534 = arith.subi %sign3A_1530, %sign3A_1533 : i32
      %sign3A_1535 = arith.constant 0 : i32
      %sign3A_1536 = arith.cmpi sgt, %jit3A, %sign3A_1535 : i32
      %sign3A_1537 = arith.extui %sign3A_1536 : i1 to i32
      %sign3A_1538 = arith.constant 0 : i32
      %sign3A_1539 = arith.cmpi slt, %jit3A, %sign3A_1538 : i32
      %sign3A_1540 = arith.extui %sign3A_1539 : i1 to i32
      %sign3A_1541 = arith.subi %sign3A_1537, %sign3A_1540 : i32
      %ne3A = arith.cmpi ne, %sign3A_1534, %sign3A_1541 : i32
      %rem3A = arith.remsi %scan3A_1528, %jit3A : i32
      %ne3A_1542 = arith.constant 0 : i32
      %ne3A_1543 = arith.cmpi ne, %rem3A, %ne3A_1542 : i32
      %and3A = arith.andi %ne3A, %ne3A_1543 : i1
      %sub3A = arith.constant 1 : i32
      %sub3A_1544 = arith.subi %div3A, %sub3A : i32
      %select_n3A = arith.select %and3A, %sub3A_1544, %div3A : i32
      %add3A_1545 = arith.constant 0 : i32
      %add3A_1546 = arith.addi %add3A_1545, %select_n3A : i32
      %jit3A_1547 = arith.constant 8 : i32
      %eq3A_1548 = arith.constant 0 : i32
      %eq3A_1549 = arith.cmpi eq, %jit3A_1547, %eq3A_1548 : i32
      %jit3A_1550 = arith.constant 1 : i32
      %select_n3A_1551 = arith.select %eq3A_1549, %jit3A_1550, %jit3A_1547 : i32
      %rem3A_1552 = arith.remsi %scan3A_1528, %select_n3A_1551 : i32
      %ne3A_1553 = arith.constant 0 : i32
      %ne3A_1554 = arith.cmpi ne, %rem3A_1552, %ne3A_1553 : i32
      %lt3A = arith.constant 0 : i32
      %lt3A_1555 = arith.cmpi slt, %rem3A_1552, %lt3A : i32
      %lt3A_1556 = arith.constant 0 : i32
      %lt3A_1557 = arith.cmpi slt, %select_n3A_1551, %lt3A_1556 : i32
      %ne3A_1558 = arith.xori %lt3A_1555, %lt3A_1557 : i1
      %and3A_1559 = arith.andi %ne3A_1558, %ne3A_1554 : i1
      %add3A_1560 = arith.addi %rem3A_1552, %select_n3A_1551 : i32
      %select_n3A_1561 = arith.select %and3A_1559, %add3A_1560, %rem3A_1552 : i32
      %mul3A_1562 = arith.constant 16 : i32
      %mul3A_1563 = arith.muli %select_n3A_1561, %mul3A_1562 : i32
      %mul3A_1564 = arith.constant 16 : i32
      %mul3A_1565 = arith.muli %scan3A_1528, %mul3A_1564 : i32
      %add3A_1566 = vector.broadcast %mul3A_1565 : i32 to vector<16xi32>
      %add3A_1567 = arith.addi %iota3A, %add3A_1566 : vector<16xi32>
      %get3A = arith.constant 0 : i32
      %get3A_1568 = arith.constant 0 : i32
      %get3A_1569 = arith.index_cast %get3A : i32 to index
      %get3A_1570 = arith.index_cast %get3A_1568 : i32 to index
      %get3A_1571 = arith.index_cast %add3A_1546 : i32 to index
      %get3A_1572 = arith.index_cast %mul3A_1563 : i32 to index
      %get3A_1573 = tpu.vector_load %arg8[%get3A_1569, %get3A_1570, %get3A_1571, %get3A_1572] {strides = array<i32>} : memref<2x3x8x128xf32, #tpu.memory_space<vmem>>, vector<16xf32>,
      %scatter3A = arith.constant 0 : i32
      %scatter3A_1574 = arith.constant 0 : i32
      %scatter3A_1575 = arith.constant 0 : i32
      %scatter3A_1576 = tpu.memref_slice %arg7[%scatter3A, %scatter3A_1574, %scatter3A_1575] : memref<2x256x128xf32, #tpu.memory_space<vmem>> -> memref<1x256x128xf32, #tpu.memory_space<vmem>>
      %scatter3A_1577 = tpu.memref_squeeze %scatter3A_1576 : memref<1x256x128xf32, #tpu.memory_space<vmem>> -> memref<256x128xf32, #tpu.memory_space<vmem>>
      tpu.vector_store_idx %scatter3A_1577[%add3A_1567, %add3A_8], %get3A_1573 : memref<256x128xf32, #tpu.memory_space<vmem>>[vector<16xi32>, vector<16xi32>], vector<16xf32>,
      %get3A_1578 = arith.constant 0 : i32
      %get3A_1579 = arith.constant 1 : i32
      %get3A_1580 = arith.index_cast %get3A_1578 : i32 to index
      %get3A_1581 = arith.index_cast %get3A_1579 : i32 to index
      %get3A_1582 = arith.index_cast %add3A_1546 : i32 to index
      %get3A_1583 = arith.index_cast %mul3A_1563 : i32 to index
      %get3A_1584 = tpu.vector_load %arg8[%get3A_1580, %get3A_1581, %get3A_1582, %get3A_1583] {strides = array<i32>} : memref<2x3x8x128xf32, #tpu.memory_space<vmem>>, vector<16xf32>,
      %scatter3A_1585 = arith.constant 0 : i32
      %scatter3A_1586 = arith.constant 0 : i32
      %scatter3A_1587 = arith.constant 0 : i32
      %scatter3A_1588 = tpu.memref_slice %arg7[%scatter3A_1585, %scatter3A_1586, %scatter3A_1587] : memref<2x256x128xf32, #tpu.memory_space<vmem>> -> memref<1x256x128xf32, #tpu.memory_space<vmem>>
      %scatter3A_1589 = tpu.memref_squeeze %scatter3A_1588 : memref<1x256x128xf32, #tpu.memory_space<vmem>> -> memref<256x128xf32, #tpu.memory_space<vmem>>
      tpu.vector_store_idx %scatter3A_1589[%add3A_1567, %add3A_14], %get3A_1584 : memref<256x128xf32, #tpu.memory_space<vmem>>[vector<16xi32>, vector<16xi32>], vector<16xf32>,
      %get3A_1590 = arith.constant 0 : i32
      %get3A_1591 = arith.constant 2 : i32
      %get3A_1592 = arith.index_cast %get3A_1590 : i32 to index
      %get3A_1593 = arith.index_cast %get3A_1591 : i32 to index
      %get3A_1594 = arith.index_cast %add3A_1546 : i32 to index
      %get3A_1595 = arith.index_cast %mul3A_1563 : i32 to index
      %get3A_1596 = tpu.vector_load %arg8[%get3A_1592, %get3A_1593, %get3A_1594, %get3A_1595] {strides = array<i32>} : memref<2x3x8x128xf32, #tpu.memory_space<vmem>>, vector<16xf32>,
      %scatter3A_1597 = arith.constant 0 : i32
      %scatter3A_1598 = arith.constant 0 : i32
      %scatter3A_1599 = arith.constant 0 : i32
      %scatter3A_1600 = tpu.memref_slice %arg7[%scatter3A_1597, %scatter3A_1598, %scatter3A_1599] : memref<2x256x128xf32, #tpu.memory_space<vmem>> -> memref<1x256x128xf32, #tpu.memory_space<vmem>>
      %scatter3A_1601 = tpu.memref_squeeze %scatter3A_1600 : memref<1x256x128xf32, #tpu.memory_space<vmem>> -> memref<256x128xf32, #tpu.memory_space<vmem>>
      tpu.vector_store_idx %scatter3A_1601[%add3A_1567, %add3A_20], %get3A_1596 : memref<256x128xf32, #tpu.memory_space<vmem>>[vector<16xi32>, vector<16xi32>], vector<16xf32>,
    }
    %scan3A_878 = arith.constant 16 : i32
    %mul3A_879 = arith.constant 4096 : i32
    %mul3A_880 = arith.muli %add3A, %mul3A_879 : i32
    %add3A_881 = arith.constant 2048 : i32
    %add3A_882 = arith.addi %mul3A_880, %add3A_881 : i32
    %dma_start3A_883 = arith.constant 0 : i32
    %dma_start3A_884 = arith.constant 0 : i32
    %dma_start3A_885 = arith.constant 0 : i32
    %dma_start3A_886 = tpu.memref_slice %arg7[%dma_start3A_883, %dma_start3A_884, %dma_start3A_885] : memref<2x256x128xf32, #tpu.memory_space<vmem>> -> memref<1x256x128xf32, #tpu.memory_space<vmem>>
    %dma_start3A_887 = tpu.memref_squeeze %dma_start3A_886 : memref<1x256x128xf32, #tpu.memory_space<vmem>> -> memref<256x128xf32, #tpu.memory_space<vmem>>
    %dma_start3A_888 = arith.constant 0 : i32
    %dma_start3A_889 = tpu.memref_slice %arg5[%add3A_882, %dma_start3A_888] : memref<131072x128xf32, #tpu.memory_space<hbm>> -> memref<256x128xf32, #tpu.memory_space<hbm>>
    %dma_start3A_890 = arith.constant 0 : i32
    %dma_start3A_891 = tpu.memref_slice %arg5[%add3A_882, %dma_start3A_890] : memref<131072x128xf32, #tpu.memory_space<hbm>> -> memref<256x128xf32, #tpu.memory_space<hbm>>
    %dma_start3A_892 = arith.constant 0 : i32
    %dma_start3A_893 = arith.constant 0 : i32
    %dma_start3A_894 = tpu.memref_slice %arg7[%dma_start3A_883, %dma_start3A_892, %dma_start3A_893] : memref<2x256x128xf32, #tpu.memory_space<vmem>> -> memref<1x256x128xf32, #tpu.memory_space<vmem>>
    %dma_start3A_895 = tpu.memref_squeeze %dma_start3A_894 : memref<1x256x128xf32, #tpu.memory_space<vmem>> -> memref<256x128xf32, #tpu.memory_space<vmem>>
    tpu.enqueue_dma source(%dma_start3A_895 : memref<256x128xf32, #tpu.memory_space<vmem>>) target(%dma_start3A_891 : memref<256x128xf32, #tpu.memory_space<hbm>>) target_semaphore(%arg12 : memref<!tpu.dma_semaphore, #tpu.memory_space<semaphore_mem>>)
    %dma_wait3A_896 = arith.constant 0 : i32
    %dma_wait3A_897 = arith.constant 2 : i32
    %dma_wait3A_898 = arith.constant 1 : i32
    %dma_wait3A_899 = arith.constant 0 : i32
    %dma_wait3A_900 = arith.constant 0 : i32
    %dma_wait3A_901 = tpu.memref_slice %arg7[%dma_wait3A_898, %dma_wait3A_899, %dma_wait3A_900] : memref<2x256x128xf32, #tpu.memory_space<vmem>> -> memref<1x128x128xf32, #tpu.memory_space<vmem>>
    %dma_wait3A_902 = tpu.memref_squeeze %dma_wait3A_901 : memref<1x128x128xf32, #tpu.memory_space<vmem>> -> memref<128x128xf32, #tpu.memory_space<vmem>>
    %dma_wait3A_903 = arith.constant 0 : i32
    %dma_wait3A_904 = tpu.memref_slice %arg6[%dma_wait3A_896, %dma_wait3A_897, %dma_wait3A_903] : memref<2x8x128xi32, #tpu.memory_space<vmem>> -> memref<1x1x128xi32, #tpu.memory_space<vmem>>
    %dma_wait3A_905 = tpu.memref_squeeze %dma_wait3A_904 : memref<1x1x128xi32, #tpu.memory_space<vmem>> -> memref<128xi32, #tpu.memory_space<vmem>>
    %dma_wait3A_906 = arith.constant 0 : i32
    %dma_wait3A_907 = arith.constant 0 : i32
    %dma_wait3A_908 = tpu.memref_slice %arg9[%dma_wait3A_906, %dma_wait3A_907] : memref<119x128xf32, #tpu.memory_space<vmem_shared>> -> memref<119x128xf32, #tpu.memory_space<vmem_shared>>
    tpu.wait_indirect_dma semaphore(%arg11 : memref<!tpu.dma_semaphore, #tpu.memory_space<semaphore_mem>>) src(%dma_wait3A_908 : memref<119x128xf32, #tpu.memory_space<vmem_shared>>) dst(%dma_wait3A_902 : memref<128x128xf32, #tpu.memory_space<vmem>>)
    %dma_wait3A_909 = arith.constant 0 : i32
    %dma_wait3A_910 = arith.constant 3 : i32
    %dma_wait3A_911 = arith.constant 1 : i32
    %dma_wait3A_912 = arith.constant 128 : i32
    %dma_wait3A_913 = arith.constant 0 : i32
    %dma_wait3A_914 = tpu.memref_slice %arg7[%dma_wait3A_911, %dma_wait3A_912, %dma_wait3A_913] : memref<2x256x128xf32, #tpu.memory_space<vmem>> -> memref<1x128x128xf32, #tpu.memory_space<vmem>>
    %dma_wait3A_915 = tpu.memref_squeeze %dma_wait3A_914 : memref<1x128x128xf32, #tpu.memory_space<vmem>> -> memref<128x128xf32, #tpu.memory_space<vmem>>
    %dma_wait3A_916 = arith.constant 0 : i32
    %dma_wait3A_917 = tpu.memref_slice %arg6[%dma_wait3A_909, %dma_wait3A_910, %dma_wait3A_916] : memref<2x8x128xi32, #tpu.memory_space<vmem>> -> memref<1x1x128xi32, #tpu.memory_space<vmem>>
    %dma_wait3A_918 = tpu.memref_squeeze %dma_wait3A_917 : memref<1x1x128xi32, #tpu.memory_space<vmem>> -> memref<128xi32, #tpu.memory_space<vmem>>
    %dma_wait3A_919 = arith.constant 0 : i32
    %dma_wait3A_920 = arith.constant 0 : i32
    %dma_wait3A_921 = tpu.memref_slice %arg9[%dma_wait3A_919, %dma_wait3A_920] : memref<119x128xf32, #tpu.memory_space<vmem_shared>> -> memref<119x128xf32, #tpu.memory_space<vmem_shared>>
    tpu.wait_indirect_dma semaphore(%arg11 : memref<!tpu.dma_semaphore, #tpu.memory_space<semaphore_mem>>) src(%dma_wait3A_921 : memref<119x128xf32, #tpu.memory_space<vmem_shared>>) dst(%dma_wait3A_915 : memref<128x128xf32, #tpu.memory_space<vmem>>)
    %mul3A_922 = arith.constant 4096 : i32
    %mul3A_923 = arith.muli %add3A, %mul3A_922 : i32
    %add3A_924 = arith.constant 2048 : i32
    %add3A_925 = arith.addi %mul3A_923, %add3A_924 : i32
    %dma_wait3A_926 = arith.constant 0 : i32
    %dma_wait3A_927 = arith.constant 0 : i32
    %dma_wait3A_928 = arith.constant 0 : i32
    %dma_wait3A_929 = tpu.memref_slice %arg7[%dma_wait3A_926, %dma_wait3A_927, %dma_wait3A_928] : memref<2x256x128xf32, #tpu.memory_space<vmem>> -> memref<1x256x128xf32, #tpu.memory_space<vmem>>
    %dma_wait3A_930 = tpu.memref_squeeze %dma_wait3A_929 : memref<1x256x128xf32, #tpu.memory_space<vmem>> -> memref<256x128xf32, #tpu.memory_space<vmem>>
    %dma_wait3A_931 = arith.constant 0 : i32
    %dma_wait3A_932 = tpu.memref_slice %arg5[%add3A_925, %dma_wait3A_931] : memref<131072x128xf32, #tpu.memory_space<hbm>> -> memref<256x128xf32, #tpu.memory_space<hbm>>
    %dma_wait3A_933 = arith.constant 0 : i32
    %dma_wait3A_934 = tpu.memref_slice %arg5[%add3A_925, %dma_wait3A_933] : memref<131072x128xf32, #tpu.memory_space<hbm>> -> memref<256x128xf32, #tpu.memory_space<hbm>>
    %dma_wait3A_935 = arith.constant 0 : i32
    %dma_wait3A_936 = arith.constant 0 : i32
    %dma_wait3A_937 = tpu.memref_slice %arg7[%dma_wait3A_926, %dma_wait3A_935, %dma_wait3A_936] : memref<2x256x128xf32, #tpu.memory_space<vmem>> -> memref<1x256x128xf32, #tpu.memory_space<vmem>>
    %dma_wait3A_938 = tpu.memref_squeeze %dma_wait3A_937 : memref<1x256x128xf32, #tpu.memory_space<vmem>> -> memref<256x128xf32, #tpu.memory_space<vmem>>
    tpu.wait_dma2 semaphore(%arg12 : memref<!tpu.dma_semaphore, #tpu.memory_space<semaphore_mem>>) src(%dma_wait3A_938 : memref<256x128xf32, #tpu.memory_space<vmem>>) dst(%dma_wait3A_934 : memref<256x128xf32, #tpu.memory_space<hbm>>)
    %dma_start3A_939 = arith.constant 0 : i32
    %dma_start3A_940 = arith.constant 4 : i32
    %dma_start3A_941 = arith.constant 0 : i32
    %dma_start3A_942 = arith.constant 0 : i32
    %dma_start3A_943 = arith.constant 0 : i32
    %dma_start3A_944 = tpu.memref_slice %arg7[%dma_start3A_941, %dma_start3A_942, %dma_start3A_943] : memref<2x256x128xf32, #tpu.memory_space<vmem>> -> memref<1x128x128xf32, #tpu.memory_space<vmem>>
    %dma_start3A_945 = tpu.memref_squeeze %dma_start3A_944 : memref<1x128x128xf32, #tpu.memory_space<vmem>> -> memref<128x128xf32, #tpu.memory_space<vmem>>
    %dma_start3A_946 = arith.constant 0 : i32
    %dma_start3A_947 = tpu.memref_slice %arg6[%dma_start3A_939, %dma_start3A_940, %dma_start3A_946] : memref<2x8x128xi32, #tpu.memory_space<vmem>> -> memref<1x1x128xi32, #tpu.memory_space<vmem>>
    %dma_start3A_948 = tpu.memref_squeeze %dma_start3A_947 : memref<1x1x128xi32, #tpu.memory_space<vmem>> -> memref<128xi32, #tpu.memory_space<vmem>>
    %dma_start3A_949 = arith.constant 0 : i32
    %dma_start3A_950 = arith.constant 0 : i32
    %dma_start3A_951 = tpu.memref_slice %arg9[%dma_start3A_949, %dma_start3A_950] : memref<119x128xf32, #tpu.memory_space<vmem_shared>> -> memref<119x128xf32, #tpu.memory_space<vmem_shared>>
    tpu.enqueue_indirect_dma source(%dma_start3A_951 : memref<119x128xf32, #tpu.memory_space<vmem_shared>>) target(%dma_start3A_945 : memref<128x128xf32, #tpu.memory_space<vmem>>) offsets(%dma_start3A_948 : memref<128xi32, #tpu.memory_space<vmem>>) semaphore(%arg10 : memref<!tpu.dma_semaphore, #tpu.memory_space<semaphore_mem>>)
    %dma_start3A_952 = arith.constant 0 : i32
    %dma_start3A_953 = arith.constant 5 : i32
    %dma_start3A_954 = arith.constant 0 : i32
    %dma_start3A_955 = arith.constant 128 : i32
    %dma_start3A_956 = arith.constant 0 : i32
    %dma_start3A_957 = tpu.memref_slice %arg7[%dma_start3A_954, %dma_start3A_955, %dma_start3A_956] : memref<2x256x128xf32, #tpu.memory_space<vmem>> -> memref<1x128x128xf32, #tpu.memory_space<vmem>>
    %dma_start3A_958 = tpu.memref_squeeze %dma_start3A_957 : memref<1x128x128xf32, #tpu.memory_space<vmem>> -> memref<128x128xf32, #tpu.memory_space<vmem>>
    %dma_start3A_959 = arith.constant 0 : i32
    %dma_start3A_960 = tpu.memref_slice %arg6[%dma_start3A_952, %dma_start3A_953, %dma_start3A_959] : memref<2x8x128xi32, #tpu.memory_space<vmem>> -> memref<1x1x128xi32, #tpu.memory_space<vmem>>
    %dma_start3A_961 = tpu.memref_squeeze %dma_start3A_960 : memref<1x1x128xi32, #tpu.memory_space<vmem>> -> memref<128xi32, #tpu.memory_space<vmem>>
    %dma_start3A_962 = arith.constant 0 : i32
    %dma_start3A_963 = arith.constant 0 : i32
    %dma_start3A_964 = tpu.memref_slice %arg9[%dma_start3A_962, %dma_start3A_963] : memref<119x128xf32, #tpu.memory_space<vmem_shared>> -> memref<119x128xf32, #tpu.memory_space<vmem_shared>>
    tpu.enqueue_indirect_dma source(%dma_start3A_964 : memref<119x128xf32, #tpu.memory_space<vmem_shared>>) target(%dma_start3A_958 : memref<128x128xf32, #tpu.memory_space<vmem>>) offsets(%dma_start3A_961 : memref<128xi32, #tpu.memory_space<vmem>>) semaphore(%arg10 : memref<!tpu.dma_semaphore, #tpu.memory_space<semaphore_mem>>)
    %scan3A_965 = arith.constant 0 : i32
    %scan3A_966 = arith.constant 0 : i32
    %scan3A_967 = arith.constant 16 : i32
    %scan3A_968 = arith.addi %scan3A_966, %scan3A_967 : i32
    %scan3A_969 = arith.constant 1 : i32
    scf.for %scan3A_1528 = %scan3A_966 to %scan3A_968 step %scan3A_969  : i32 {
      %jit3A = arith.constant 8 : i32
      %div3A = arith.divsi %scan3A_1528, %jit3A : i32
      %sign3A = arith.constant 0 : i32
      %sign3A_1529 = arith.cmpi sgt, %scan3A_1528, %sign3A : i32
      %sign3A_1530 = arith.extui %sign3A_1529 : i1 to i32
      %sign3A_1531 = arith.constant 0 : i32
      %sign3A_1532 = arith.cmpi slt, %scan3A_1528, %sign3A_1531 : i32
      %sign3A_1533 = arith.extui %sign3A_1532 : i1 to i32
      %sign3A_1534 = arith.subi %sign3A_1530, %sign3A_1533 : i32
      %sign3A_1535 = arith.constant 0 : i32
      %sign3A_1536 = arith.cmpi sgt, %jit3A, %sign3A_1535 : i32
      %sign3A_1537 = arith.extui %sign3A_1536 : i1 to i32
      %sign3A_1538 = arith.constant 0 : i32
      %sign3A_1539 = arith.cmpi slt, %jit3A, %sign3A_1538 : i32
      %sign3A_1540 = arith.extui %sign3A_1539 : i1 to i32
      %sign3A_1541 = arith.subi %sign3A_1537, %sign3A_1540 : i32
      %ne3A = arith.cmpi ne, %sign3A_1534, %sign3A_1541 : i32
      %rem3A = arith.remsi %scan3A_1528, %jit3A : i32
      %ne3A_1542 = arith.constant 0 : i32
      %ne3A_1543 = arith.cmpi ne, %rem3A, %ne3A_1542 : i32
      %and3A = arith.andi %ne3A, %ne3A_1543 : i1
      %sub3A = arith.constant 1 : i32
      %sub3A_1544 = arith.subi %div3A, %sub3A : i32
      %select_n3A = arith.select %and3A, %sub3A_1544, %div3A : i32
      %add3A_1545 = arith.constant 2 : i32
      %add3A_1546 = arith.addi %add3A_1545, %select_n3A : i32
      %jit3A_1547 = arith.constant 8 : i32
      %eq3A_1548 = arith.constant 0 : i32
      %eq3A_1549 = arith.cmpi eq, %jit3A_1547, %eq3A_1548 : i32
      %jit3A_1550 = arith.constant 1 : i32
      %select_n3A_1551 = arith.select %eq3A_1549, %jit3A_1550, %jit3A_1547 : i32
      %rem3A_1552 = arith.remsi %scan3A_1528, %select_n3A_1551 : i32
      %ne3A_1553 = arith.constant 0 : i32
      %ne3A_1554 = arith.cmpi ne, %rem3A_1552, %ne3A_1553 : i32
      %lt3A = arith.constant 0 : i32
      %lt3A_1555 = arith.cmpi slt, %rem3A_1552, %lt3A : i32
      %lt3A_1556 = arith.constant 0 : i32
      %lt3A_1557 = arith.cmpi slt, %select_n3A_1551, %lt3A_1556 : i32
      %ne3A_1558 = arith.xori %lt3A_1555, %lt3A_1557 : i1
      %and3A_1559 = arith.andi %ne3A_1558, %ne3A_1554 : i1
      %add3A_1560 = arith.addi %rem3A_1552, %select_n3A_1551 : i32
      %select_n3A_1561 = arith.select %and3A_1559, %add3A_1560, %rem3A_1552 : i32
      %mul3A_1562 = arith.constant 16 : i32
      %mul3A_1563 = arith.muli %select_n3A_1561, %mul3A_1562 : i32
      %mul3A_1564 = arith.constant 16 : i32
      %mul3A_1565 = arith.muli %scan3A_1528, %mul3A_1564 : i32
      %add3A_1566 = vector.broadcast %mul3A_1565 : i32 to vector<16xi32>
      %add3A_1567 = arith.addi %iota3A, %add3A_1566 : vector<16xi32>
      %get3A = arith.constant 0 : i32
      %get3A_1568 = arith.constant 0 : i32
      %get3A_1569 = arith.index_cast %get3A : i32 to index
      %get3A_1570 = arith.index_cast %get3A_1568 : i32 to index
      %get3A_1571 = arith.index_cast %add3A_1546 : i32 to index
      %get3A_1572 = arith.index_cast %mul3A_1563 : i32 to index
      %get3A_1573 = tpu.vector_load %arg8[%get3A_1569, %get3A_1570, %get3A_1571, %get3A_1572] {strides = array<i32>} : memref<2x3x8x128xf32, #tpu.memory_space<vmem>>, vector<16xf32>,
      %scatter3A = arith.constant 1 : i32
      %scatter3A_1574 = arith.constant 0 : i32
      %scatter3A_1575 = arith.constant 0 : i32
      %scatter3A_1576 = tpu.memref_slice %arg7[%scatter3A, %scatter3A_1574, %scatter3A_1575] : memref<2x256x128xf32, #tpu.memory_space<vmem>> -> memref<1x256x128xf32, #tpu.memory_space<vmem>>
      %scatter3A_1577 = tpu.memref_squeeze %scatter3A_1576 : memref<1x256x128xf32, #tpu.memory_space<vmem>> -> memref<256x128xf32, #tpu.memory_space<vmem>>
      tpu.vector_store_idx %scatter3A_1577[%add3A_1567, %add3A_8], %get3A_1573 : memref<256x128xf32, #tpu.memory_space<vmem>>[vector<16xi32>, vector<16xi32>], vector<16xf32>,
      %get3A_1578 = arith.constant 0 : i32
      %get3A_1579 = arith.constant 1 : i32
      %get3A_1580 = arith.index_cast %get3A_1578 : i32 to index
      %get3A_1581 = arith.index_cast %get3A_1579 : i32 to index
      %get3A_1582 = arith.index_cast %add3A_1546 : i32 to index
      %get3A_1583 = arith.index_cast %mul3A_1563 : i32 to index
      %get3A_1584 = tpu.vector_load %arg8[%get3A_1580, %get3A_1581, %get3A_1582, %get3A_1583] {strides = array<i32>} : memref<2x3x8x128xf32, #tpu.memory_space<vmem>>, vector<16xf32>,
      %scatter3A_1585 = arith.constant 1 : i32
      %scatter3A_1586 = arith.constant 0 : i32
      %scatter3A_1587 = arith.constant 0 : i32
      %scatter3A_1588 = tpu.memref_slice %arg7[%scatter3A_1585, %scatter3A_1586, %scatter3A_1587] : memref<2x256x128xf32, #tpu.memory_space<vmem>> -> memref<1x256x128xf32, #tpu.memory_space<vmem>>
      %scatter3A_1589 = tpu.memref_squeeze %scatter3A_1588 : memref<1x256x128xf32, #tpu.memory_space<vmem>> -> memref<256x128xf32, #tpu.memory_space<vmem>>
      tpu.vector_store_idx %scatter3A_1589[%add3A_1567, %add3A_14], %get3A_1584 : memref<256x128xf32, #tpu.memory_space<vmem>>[vector<16xi32>, vector<16xi32>], vector<16xf32>,
      %get3A_1590 = arith.constant 0 : i32
      %get3A_1591 = arith.constant 2 : i32
      %get3A_1592 = arith.index_cast %get3A_1590 : i32 to index
      %get3A_1593 = arith.index_cast %get3A_1591 : i32 to index
      %get3A_1594 = arith.index_cast %add3A_1546 : i32 to index
      %get3A_1595 = arith.index_cast %mul3A_1563 : i32 to index
      %get3A_1596 = tpu.vector_load %arg8[%get3A_1592, %get3A_1593, %get3A_1594, %get3A_1595] {strides = array<i32>} : memref<2x3x8x128xf32, #tpu.memory_space<vmem>>, vector<16xf32>,
      %scatter3A_1597 = arith.constant 1 : i32
      %scatter3A_1598 = arith.constant 0 : i32
      %scatter3A_1599 = arith.constant 0 : i32
      %scatter3A_1600 = tpu.memref_slice %arg7[%scatter3A_1597, %scatter3A_1598, %scatter3A_1599] : memref<2x256x128xf32, #tpu.memory_space<vmem>> -> memref<1x256x128xf32, #tpu.memory_space<vmem>>
      %scatter3A_1601 = tpu.memref_squeeze %scatter3A_1600 : memref<1x256x128xf32, #tpu.memory_space<vmem>> -> memref<256x128xf32, #tpu.memory_space<vmem>>
      tpu.vector_store_idx %scatter3A_1601[%add3A_1567, %add3A_20], %get3A_1596 : memref<256x128xf32, #tpu.memory_space<vmem>>[vector<16xi32>, vector<16xi32>], vector<16xf32>,
    }
    %scan3A_970 = arith.constant 16 : i32
    %mul3A_971 = arith.constant 4096 : i32
    %mul3A_972 = arith.muli %add3A, %mul3A_971 : i32
    %add3A_973 = arith.constant 2304 : i32
    %add3A_974 = arith.addi %mul3A_972, %add3A_973 : i32
    %dma_start3A_975 = arith.constant 1 : i32
    %dma_start3A_976 = arith.constant 0 : i32
    %dma_start3A_977 = arith.constant 0 : i32
    %dma_start3A_978 = tpu.memref_slice %arg7[%dma_start3A_975, %dma_start3A_976, %dma_start3A_977] : memref<2x256x128xf32, #tpu.memory_space<vmem>> -> memref<1x256x128xf32, #tpu.memory_space<vmem>>
    %dma_start3A_979 = tpu.memref_squeeze %dma_start3A_978 : memref<1x256x128xf32, #tpu.memory_space<vmem>> -> memref<256x128xf32, #tpu.memory_space<vmem>>
    %dma_start3A_980 = arith.constant 0 : i32
    %dma_start3A_981 = tpu.memref_slice %arg5[%add3A_974, %dma_start3A_980] : memref<131072x128xf32, #tpu.memory_space<hbm>> -> memref<256x128xf32, #tpu.memory_space<hbm>>
    %dma_start3A_982 = arith.constant 0 : i32
    %dma_start3A_983 = tpu.memref_slice %arg5[%add3A_974, %dma_start3A_982] : memref<131072x128xf32, #tpu.memory_space<hbm>> -> memref<256x128xf32, #tpu.memory_space<hbm>>
    %dma_start3A_984 = arith.constant 0 : i32
    %dma_start3A_985 = arith.constant 0 : i32
    %dma_start3A_986 = tpu.memref_slice %arg7[%dma_start3A_975, %dma_start3A_984, %dma_start3A_985] : memref<2x256x128xf32, #tpu.memory_space<vmem>> -> memref<1x256x128xf32, #tpu.memory_space<vmem>>
    %dma_start3A_987 = tpu.memref_squeeze %dma_start3A_986 : memref<1x256x128xf32, #tpu.memory_space<vmem>> -> memref<256x128xf32, #tpu.memory_space<vmem>>
    tpu.enqueue_dma source(%dma_start3A_987 : memref<256x128xf32, #tpu.memory_space<vmem>>) target(%dma_start3A_983 : memref<256x128xf32, #tpu.memory_space<hbm>>) target_semaphore(%arg13 : memref<!tpu.dma_semaphore, #tpu.memory_space<semaphore_mem>>)
    %dma_wait3A_988 = arith.constant 0 : i32
    %dma_wait3A_989 = arith.constant 4 : i32
    %dma_wait3A_990 = arith.constant 0 : i32
    %dma_wait3A_991 = arith.constant 0 : i32
    %dma_wait3A_992 = arith.constant 0 : i32
    %dma_wait3A_993 = tpu.memref_slice %arg7[%dma_wait3A_990, %dma_wait3A_991, %dma_wait3A_992] : memref<2x256x128xf32, #tpu.memory_space<vmem>> -> memref<1x128x128xf32, #tpu.memory_space<vmem>>
    %dma_wait3A_994 = tpu.memref_squeeze %dma_wait3A_993 : memref<1x128x128xf32, #tpu.memory_space<vmem>> -> memref<128x128xf32, #tpu.memory_space<vmem>>
    %dma_wait3A_995 = arith.constant 0 : i32
    %dma_wait3A_996 = tpu.memref_slice %arg6[%dma_wait3A_988, %dma_wait3A_989, %dma_wait3A_995] : memref<2x8x128xi32, #tpu.memory_space<vmem>> -> memref<1x1x128xi32, #tpu.memory_space<vmem>>
    %dma_wait3A_997 = tpu.memref_squeeze %dma_wait3A_996 : memref<1x1x128xi32, #tpu.memory_space<vmem>> -> memref<128xi32, #tpu.memory_space<vmem>>
    %dma_wait3A_998 = arith.constant 0 : i32
    %dma_wait3A_999 = arith.constant 0 : i32
    %dma_wait3A_1000 = tpu.memref_slice %arg9[%dma_wait3A_998, %dma_wait3A_999] : memref<119x128xf32, #tpu.memory_space<vmem_shared>> -> memref<119x128xf32, #tpu.memory_space<vmem_shared>>
    tpu.wait_indirect_dma semaphore(%arg10 : memref<!tpu.dma_semaphore, #tpu.memory_space<semaphore_mem>>) src(%dma_wait3A_1000 : memref<119x128xf32, #tpu.memory_space<vmem_shared>>) dst(%dma_wait3A_994 : memref<128x128xf32, #tpu.memory_space<vmem>>)
    %dma_wait3A_1001 = arith.constant 0 : i32
    %dma_wait3A_1002 = arith.constant 5 : i32
    %dma_wait3A_1003 = arith.constant 0 : i32
    %dma_wait3A_1004 = arith.constant 128 : i32
    %dma_wait3A_1005 = arith.constant 0 : i32
    %dma_wait3A_1006 = tpu.memref_slice %arg7[%dma_wait3A_1003, %dma_wait3A_1004, %dma_wait3A_1005] : memref<2x256x128xf32, #tpu.memory_space<vmem>> -> memref<1x128x128xf32, #tpu.memory_space<vmem>>
    %dma_wait3A_1007 = tpu.memref_squeeze %dma_wait3A_1006 : memref<1x128x128xf32, #tpu.memory_space<vmem>> -> memref<128x128xf32, #tpu.memory_space<vmem>>
    %dma_wait3A_1008 = arith.constant 0 : i32
    %dma_wait3A_1009 = tpu.memref_slice %arg6[%dma_wait3A_1001, %dma_wait3A_1002, %dma_wait3A_1008] : memref<2x8x128xi32, #tpu.memory_space<vmem>> -> memref<1x1x128xi32, #tpu.memory_space<vmem>>
    %dma_wait3A_1010 = tpu.memref_squeeze %dma_wait3A_1009 : memref<1x1x128xi32, #tpu.memory_space<vmem>> -> memref<128xi32, #tpu.memory_space<vmem>>
    %dma_wait3A_1011 = arith.constant 0 : i32
    %dma_wait3A_1012 = arith.constant 0 : i32
    %dma_wait3A_1013 = tpu.memref_slice %arg9[%dma_wait3A_1011, %dma_wait3A_1012] : memref<119x128xf32, #tpu.memory_space<vmem_shared>> -> memref<119x128xf32, #tpu.memory_space<vmem_shared>>
    tpu.wait_indirect_dma semaphore(%arg10 : memref<!tpu.dma_semaphore, #tpu.memory_space<semaphore_mem>>) src(%dma_wait3A_1013 : memref<119x128xf32, #tpu.memory_space<vmem_shared>>) dst(%dma_wait3A_1007 : memref<128x128xf32, #tpu.memory_space<vmem>>)
    %mul3A_1014 = arith.constant 4096 : i32
    %mul3A_1015 = arith.muli %add3A, %mul3A_1014 : i32
    %add3A_1016 = arith.constant 2304 : i32
    %add3A_1017 = arith.addi %mul3A_1015, %add3A_1016 : i32
    %dma_wait3A_1018 = arith.constant 1 : i32
    %dma_wait3A_1019 = arith.constant 0 : i32
    %dma_wait3A_1020 = arith.constant 0 : i32
    %dma_wait3A_1021 = tpu.memref_slice %arg7[%dma_wait3A_1018, %dma_wait3A_1019, %dma_wait3A_1020] : memref<2x256x128xf32, #tpu.memory_space<vmem>> -> memref<1x256x128xf32, #tpu.memory_space<vmem>>
    %dma_wait3A_1022 = tpu.memref_squeeze %dma_wait3A_1021 : memref<1x256x128xf32, #tpu.memory_space<vmem>> -> memref<256x128xf32, #tpu.memory_space<vmem>>
    %dma_wait3A_1023 = arith.constant 0 : i32
    %dma_wait3A_1024 = tpu.memref_slice %arg5[%add3A_1017, %dma_wait3A_1023] : memref<131072x128xf32, #tpu.memory_space<hbm>> -> memref<256x128xf32, #tpu.memory_space<hbm>>
    %dma_wait3A_1025 = arith.constant 0 : i32
    %dma_wait3A_1026 = tpu.memref_slice %arg5[%add3A_1017, %dma_wait3A_1025] : memref<131072x128xf32, #tpu.memory_space<hbm>> -> memref<256x128xf32, #tpu.memory_space<hbm>>
    %dma_wait3A_1027 = arith.constant 0 : i32
    %dma_wait3A_1028 = arith.constant 0 : i32
    %dma_wait3A_1029 = tpu.memref_slice %arg7[%dma_wait3A_1018, %dma_wait3A_1027, %dma_wait3A_1028] : memref<2x256x128xf32, #tpu.memory_space<vmem>> -> memref<1x256x128xf32, #tpu.memory_space<vmem>>
    %dma_wait3A_1030 = tpu.memref_squeeze %dma_wait3A_1029 : memref<1x256x128xf32, #tpu.memory_space<vmem>> -> memref<256x128xf32, #tpu.memory_space<vmem>>
    tpu.wait_dma2 semaphore(%arg13 : memref<!tpu.dma_semaphore, #tpu.memory_space<semaphore_mem>>) src(%dma_wait3A_1030 : memref<256x128xf32, #tpu.memory_space<vmem>>) dst(%dma_wait3A_1026 : memref<256x128xf32, #tpu.memory_space<hbm>>)
    %dma_start3A_1031 = arith.constant 0 : i32
    %dma_start3A_1032 = arith.constant 6 : i32
    %dma_start3A_1033 = arith.constant 1 : i32
    %dma_start3A_1034 = arith.constant 0 : i32
    %dma_start3A_1035 = arith.constant 0 : i32
    %dma_start3A_1036 = tpu.memref_slice %arg7[%dma_start3A_1033, %dma_start3A_1034, %dma_start3A_1035] : memref<2x256x128xf32, #tpu.memory_space<vmem>> -> memref<1x128x128xf32, #tpu.memory_space<vmem>>
    %dma_start3A_1037 = tpu.memref_squeeze %dma_start3A_1036 : memref<1x128x128xf32, #tpu.memory_space<vmem>> -> memref<128x128xf32, #tpu.memory_space<vmem>>
    %dma_start3A_1038 = arith.constant 0 : i32
    %dma_start3A_1039 = tpu.memref_slice %arg6[%dma_start3A_1031, %dma_start3A_1032, %dma_start3A_1038] : memref<2x8x128xi32, #tpu.memory_space<vmem>> -> memref<1x1x128xi32, #tpu.memory_space<vmem>>
    %dma_start3A_1040 = tpu.memref_squeeze %dma_start3A_1039 : memref<1x1x128xi32, #tpu.memory_space<vmem>> -> memref<128xi32, #tpu.memory_space<vmem>>
    %dma_start3A_1041 = arith.constant 0 : i32
    %dma_start3A_1042 = arith.constant 0 : i32
    %dma_start3A_1043 = tpu.memref_slice %arg9[%dma_start3A_1041, %dma_start3A_1042] : memref<119x128xf32, #tpu.memory_space<vmem_shared>> -> memref<119x128xf32, #tpu.memory_space<vmem_shared>>
    tpu.enqueue_indirect_dma source(%dma_start3A_1043 : memref<119x128xf32, #tpu.memory_space<vmem_shared>>) target(%dma_start3A_1037 : memref<128x128xf32, #tpu.memory_space<vmem>>) offsets(%dma_start3A_1040 : memref<128xi32, #tpu.memory_space<vmem>>) semaphore(%arg11 : memref<!tpu.dma_semaphore, #tpu.memory_space<semaphore_mem>>)
    %dma_start3A_1044 = arith.constant 0 : i32
    %dma_start3A_1045 = arith.constant 7 : i32
    %dma_start3A_1046 = arith.constant 1 : i32
    %dma_start3A_1047 = arith.constant 128 : i32
    %dma_start3A_1048 = arith.constant 0 : i32
    %dma_start3A_1049 = tpu.memref_slice %arg7[%dma_start3A_1046, %dma_start3A_1047, %dma_start3A_1048] : memref<2x256x128xf32, #tpu.memory_space<vmem>> -> memref<1x128x128xf32, #tpu.memory_space<vmem>>
    %dma_start3A_1050 = tpu.memref_squeeze %dma_start3A_1049 : memref<1x128x128xf32, #tpu.memory_space<vmem>> -> memref<128x128xf32, #tpu.memory_space<vmem>>
    %dma_start3A_1051 = arith.constant 0 : i32
    %dma_start3A_1052 = tpu.memref_slice %arg6[%dma_start3A_1044, %dma_start3A_1045, %dma_start3A_1051] : memref<2x8x128xi32, #tpu.memory_space<vmem>> -> memref<1x1x128xi32, #tpu.memory_space<vmem>>
    %dma_start3A_1053 = tpu.memref_squeeze %dma_start3A_1052 : memref<1x1x128xi32, #tpu.memory_space<vmem>> -> memref<128xi32, #tpu.memory_space<vmem>>
    %dma_start3A_1054 = arith.constant 0 : i32
    %dma_start3A_1055 = arith.constant 0 : i32
    %dma_start3A_1056 = tpu.memref_slice %arg9[%dma_start3A_1054, %dma_start3A_1055] : memref<119x128xf32, #tpu.memory_space<vmem_shared>> -> memref<119x128xf32, #tpu.memory_space<vmem_shared>>
    tpu.enqueue_indirect_dma source(%dma_start3A_1056 : memref<119x128xf32, #tpu.memory_space<vmem_shared>>) target(%dma_start3A_1050 : memref<128x128xf32, #tpu.memory_space<vmem>>) offsets(%dma_start3A_1053 : memref<128xi32, #tpu.memory_space<vmem>>) semaphore(%arg11 : memref<!tpu.dma_semaphore, #tpu.memory_space<semaphore_mem>>)
    %scan3A_1057 = arith.constant 0 : i32
    %scan3A_1058 = arith.constant 0 : i32
    %scan3A_1059 = arith.constant 16 : i32
    %scan3A_1060 = arith.addi %scan3A_1058, %scan3A_1059 : i32
    %scan3A_1061 = arith.constant 1 : i32
    scf.for %scan3A_1528 = %scan3A_1058 to %scan3A_1060 step %scan3A_1061  : i32 {
      %jit3A = arith.constant 8 : i32
      %div3A = arith.divsi %scan3A_1528, %jit3A : i32
      %sign3A = arith.constant 0 : i32
      %sign3A_1529 = arith.cmpi sgt, %scan3A_1528, %sign3A : i32
      %sign3A_1530 = arith.extui %sign3A_1529 : i1 to i32
      %sign3A_1531 = arith.constant 0 : i32
      %sign3A_1532 = arith.cmpi slt, %scan3A_1528, %sign3A_1531 : i32
      %sign3A_1533 = arith.extui %sign3A_1532 : i1 to i32
      %sign3A_1534 = arith.subi %sign3A_1530, %sign3A_1533 : i32
      %sign3A_1535 = arith.constant 0 : i32
      %sign3A_1536 = arith.cmpi sgt, %jit3A, %sign3A_1535 : i32
      %sign3A_1537 = arith.extui %sign3A_1536 : i1 to i32
      %sign3A_1538 = arith.constant 0 : i32
      %sign3A_1539 = arith.cmpi slt, %jit3A, %sign3A_1538 : i32
      %sign3A_1540 = arith.extui %sign3A_1539 : i1 to i32
      %sign3A_1541 = arith.subi %sign3A_1537, %sign3A_1540 : i32
      %ne3A = arith.cmpi ne, %sign3A_1534, %sign3A_1541 : i32
      %rem3A = arith.remsi %scan3A_1528, %jit3A : i32
      %ne3A_1542 = arith.constant 0 : i32
      %ne3A_1543 = arith.cmpi ne, %rem3A, %ne3A_1542 : i32
      %and3A = arith.andi %ne3A, %ne3A_1543 : i1
      %sub3A = arith.constant 1 : i32
      %sub3A_1544 = arith.subi %div3A, %sub3A : i32
      %select_n3A = arith.select %and3A, %sub3A_1544, %div3A : i32
      %add3A_1545 = arith.constant 4 : i32
      %add3A_1546 = arith.addi %add3A_1545, %select_n3A : i32
      %jit3A_1547 = arith.constant 8 : i32
      %eq3A_1548 = arith.constant 0 : i32
      %eq3A_1549 = arith.cmpi eq, %jit3A_1547, %eq3A_1548 : i32
      %jit3A_1550 = arith.constant 1 : i32
      %select_n3A_1551 = arith.select %eq3A_1549, %jit3A_1550, %jit3A_1547 : i32
      %rem3A_1552 = arith.remsi %scan3A_1528, %select_n3A_1551 : i32
      %ne3A_1553 = arith.constant 0 : i32
      %ne3A_1554 = arith.cmpi ne, %rem3A_1552, %ne3A_1553 : i32
      %lt3A = arith.constant 0 : i32
      %lt3A_1555 = arith.cmpi slt, %rem3A_1552, %lt3A : i32
      %lt3A_1556 = arith.constant 0 : i32
      %lt3A_1557 = arith.cmpi slt, %select_n3A_1551, %lt3A_1556 : i32
      %ne3A_1558 = arith.xori %lt3A_1555, %lt3A_1557 : i1
      %and3A_1559 = arith.andi %ne3A_1558, %ne3A_1554 : i1
      %add3A_1560 = arith.addi %rem3A_1552, %select_n3A_1551 : i32
      %select_n3A_1561 = arith.select %and3A_1559, %add3A_1560, %rem3A_1552 : i32
      %mul3A_1562 = arith.constant 16 : i32
      %mul3A_1563 = arith.muli %select_n3A_1561, %mul3A_1562 : i32
      %mul3A_1564 = arith.constant 16 : i32
      %mul3A_1565 = arith.muli %scan3A_1528, %mul3A_1564 : i32
      %add3A_1566 = vector.broadcast %mul3A_1565 : i32 to vector<16xi32>
      %add3A_1567 = arith.addi %iota3A, %add3A_1566 : vector<16xi32>
      %get3A = arith.constant 0 : i32
      %get3A_1568 = arith.constant 0 : i32
      %get3A_1569 = arith.index_cast %get3A : i32 to index
      %get3A_1570 = arith.index_cast %get3A_1568 : i32 to index
      %get3A_1571 = arith.index_cast %add3A_1546 : i32 to index
      %get3A_1572 = arith.index_cast %mul3A_1563 : i32 to index
      %get3A_1573 = tpu.vector_load %arg8[%get3A_1569, %get3A_1570, %get3A_1571, %get3A_1572] {strides = array<i32>} : memref<2x3x8x128xf32, #tpu.memory_space<vmem>>, vector<16xf32>,
      %scatter3A = arith.constant 0 : i32
      %scatter3A_1574 = arith.constant 0 : i32
      %scatter3A_1575 = arith.constant 0 : i32
      %scatter3A_1576 = tpu.memref_slice %arg7[%scatter3A, %scatter3A_1574, %scatter3A_1575] : memref<2x256x128xf32, #tpu.memory_space<vmem>> -> memref<1x256x128xf32, #tpu.memory_space<vmem>>
      %scatter3A_1577 = tpu.memref_squeeze %scatter3A_1576 : memref<1x256x128xf32, #tpu.memory_space<vmem>> -> memref<256x128xf32, #tpu.memory_space<vmem>>
      tpu.vector_store_idx %scatter3A_1577[%add3A_1567, %add3A_8], %get3A_1573 : memref<256x128xf32, #tpu.memory_space<vmem>>[vector<16xi32>, vector<16xi32>], vector<16xf32>,
      %get3A_1578 = arith.constant 0 : i32
      %get3A_1579 = arith.constant 1 : i32
      %get3A_1580 = arith.index_cast %get3A_1578 : i32 to index
      %get3A_1581 = arith.index_cast %get3A_1579 : i32 to index
      %get3A_1582 = arith.index_cast %add3A_1546 : i32 to index
      %get3A_1583 = arith.index_cast %mul3A_1563 : i32 to index
      %get3A_1584 = tpu.vector_load %arg8[%get3A_1580, %get3A_1581, %get3A_1582, %get3A_1583] {strides = array<i32>} : memref<2x3x8x128xf32, #tpu.memory_space<vmem>>, vector<16xf32>,
      %scatter3A_1585 = arith.constant 0 : i32
      %scatter3A_1586 = arith.constant 0 : i32
      %scatter3A_1587 = arith.constant 0 : i32
      %scatter3A_1588 = tpu.memref_slice %arg7[%scatter3A_1585, %scatter3A_1586, %scatter3A_1587] : memref<2x256x128xf32, #tpu.memory_space<vmem>> -> memref<1x256x128xf32, #tpu.memory_space<vmem>>
      %scatter3A_1589 = tpu.memref_squeeze %scatter3A_1588 : memref<1x256x128xf32, #tpu.memory_space<vmem>> -> memref<256x128xf32, #tpu.memory_space<vmem>>
      tpu.vector_store_idx %scatter3A_1589[%add3A_1567, %add3A_14], %get3A_1584 : memref<256x128xf32, #tpu.memory_space<vmem>>[vector<16xi32>, vector<16xi32>], vector<16xf32>,
      %get3A_1590 = arith.constant 0 : i32
      %get3A_1591 = arith.constant 2 : i32
      %get3A_1592 = arith.index_cast %get3A_1590 : i32 to index
      %get3A_1593 = arith.index_cast %get3A_1591 : i32 to index
      %get3A_1594 = arith.index_cast %add3A_1546 : i32 to index
      %get3A_1595 = arith.index_cast %mul3A_1563 : i32 to index
      %get3A_1596 = tpu.vector_load %arg8[%get3A_1592, %get3A_1593, %get3A_1594, %get3A_1595] {strides = array<i32>} : memref<2x3x8x128xf32, #tpu.memory_space<vmem>>, vector<16xf32>,
      %scatter3A_1597 = arith.constant 0 : i32
      %scatter3A_1598 = arith.constant 0 : i32
      %scatter3A_1599 = arith.constant 0 : i32
      %scatter3A_1600 = tpu.memref_slice %arg7[%scatter3A_1597, %scatter3A_1598, %scatter3A_1599] : memref<2x256x128xf32, #tpu.memory_space<vmem>> -> memref<1x256x128xf32, #tpu.memory_space<vmem>>
      %scatter3A_1601 = tpu.memref_squeeze %scatter3A_1600 : memref<1x256x128xf32, #tpu.memory_space<vmem>> -> memref<256x128xf32, #tpu.memory_space<vmem>>
      tpu.vector_store_idx %scatter3A_1601[%add3A_1567, %add3A_20], %get3A_1596 : memref<256x128xf32, #tpu.memory_space<vmem>>[vector<16xi32>, vector<16xi32>], vector<16xf32>,
    }
    %scan3A_1062 = arith.constant 16 : i32
    %mul3A_1063 = arith.constant 4096 : i32
    %mul3A_1064 = arith.muli %add3A, %mul3A_1063 : i32
    %add3A_1065 = arith.constant 2560 : i32
    %add3A_1066 = arith.addi %mul3A_1064, %add3A_1065 : i32
    %dma_start3A_1067 = arith.constant 0 : i32
    %dma_start3A_1068 = arith.constant 0 : i32
    %dma_start3A_1069 = arith.constant 0 : i32
    %dma_start3A_1070 = tpu.memref_slice %arg7[%dma_start3A_1067, %dma_start3A_1068, %dma_start3A_1069] : memref<2x256x128xf32, #tpu.memory_space<vmem>> -> memref<1x256x128xf32, #tpu.memory_space<vmem>>
    %dma_start3A_1071 = tpu.memref_squeeze %dma_start3A_1070 : memref<1x256x128xf32, #tpu.memory_space<vmem>> -> memref<256x128xf32, #tpu.memory_space<vmem>>
    %dma_start3A_1072 = arith.constant 0 : i32
    %dma_start3A_1073 = tpu.memref_slice %arg5[%add3A_1066, %dma_start3A_1072] : memref<131072x128xf32, #tpu.memory_space<hbm>> -> memref<256x128xf32, #tpu.memory_space<hbm>>
    %dma_start3A_1074 = arith.constant 0 : i32
    %dma_start3A_1075 = tpu.memref_slice %arg5[%add3A_1066, %dma_start3A_1074] : memref<131072x128xf32, #tpu.memory_space<hbm>> -> memref<256x128xf32, #tpu.memory_space<hbm>>
    %dma_start3A_1076 = arith.constant 0 : i32
    %dma_start3A_1077 = arith.constant 0 : i32
    %dma_start3A_1078 = tpu.memref_slice %arg7[%dma_start3A_1067, %dma_start3A_1076, %dma_start3A_1077] : memref<2x256x128xf32, #tpu.memory_space<vmem>> -> memref<1x256x128xf32, #tpu.memory_space<vmem>>
    %dma_start3A_1079 = tpu.memref_squeeze %dma_start3A_1078 : memref<1x256x128xf32, #tpu.memory_space<vmem>> -> memref<256x128xf32, #tpu.memory_space<vmem>>
    tpu.enqueue_dma source(%dma_start3A_1079 : memref<256x128xf32, #tpu.memory_space<vmem>>) target(%dma_start3A_1075 : memref<256x128xf32, #tpu.memory_space<hbm>>) target_semaphore(%arg12 : memref<!tpu.dma_semaphore, #tpu.memory_space<semaphore_mem>>)
    %dma_wait3A_1080 = arith.constant 0 : i32
    %dma_wait3A_1081 = arith.constant 6 : i32
    %dma_wait3A_1082 = arith.constant 1 : i32
    %dma_wait3A_1083 = arith.constant 0 : i32
    %dma_wait3A_1084 = arith.constant 0 : i32
    %dma_wait3A_1085 = tpu.memref_slice %arg7[%dma_wait3A_1082, %dma_wait3A_1083, %dma_wait3A_1084] : memref<2x256x128xf32, #tpu.memory_space<vmem>> -> memref<1x128x128xf32, #tpu.memory_space<vmem>>
    %dma_wait3A_1086 = tpu.memref_squeeze %dma_wait3A_1085 : memref<1x128x128xf32, #tpu.memory_space<vmem>> -> memref<128x128xf32, #tpu.memory_space<vmem>>
    %dma_wait3A_1087 = arith.constant 0 : i32
    %dma_wait3A_1088 = tpu.memref_slice %arg6[%dma_wait3A_1080, %dma_wait3A_1081, %dma_wait3A_1087] : memref<2x8x128xi32, #tpu.memory_space<vmem>> -> memref<1x1x128xi32, #tpu.memory_space<vmem>>
    %dma_wait3A_1089 = tpu.memref_squeeze %dma_wait3A_1088 : memref<1x1x128xi32, #tpu.memory_space<vmem>> -> memref<128xi32, #tpu.memory_space<vmem>>
    %dma_wait3A_1090 = arith.constant 0 : i32
    %dma_wait3A_1091 = arith.constant 0 : i32
    %dma_wait3A_1092 = tpu.memref_slice %arg9[%dma_wait3A_1090, %dma_wait3A_1091] : memref<119x128xf32, #tpu.memory_space<vmem_shared>> -> memref<119x128xf32, #tpu.memory_space<vmem_shared>>
    tpu.wait_indirect_dma semaphore(%arg11 : memref<!tpu.dma_semaphore, #tpu.memory_space<semaphore_mem>>) src(%dma_wait3A_1092 : memref<119x128xf32, #tpu.memory_space<vmem_shared>>) dst(%dma_wait3A_1086 : memref<128x128xf32, #tpu.memory_space<vmem>>)
    %dma_wait3A_1093 = arith.constant 0 : i32
    %dma_wait3A_1094 = arith.constant 7 : i32
    %dma_wait3A_1095 = arith.constant 1 : i32
    %dma_wait3A_1096 = arith.constant 128 : i32
    %dma_wait3A_1097 = arith.constant 0 : i32
    %dma_wait3A_1098 = tpu.memref_slice %arg7[%dma_wait3A_1095, %dma_wait3A_1096, %dma_wait3A_1097] : memref<2x256x128xf32, #tpu.memory_space<vmem>> -> memref<1x128x128xf32, #tpu.memory_space<vmem>>
    %dma_wait3A_1099 = tpu.memref_squeeze %dma_wait3A_1098 : memref<1x128x128xf32, #tpu.memory_space<vmem>> -> memref<128x128xf32, #tpu.memory_space<vmem>>
    %dma_wait3A_1100 = arith.constant 0 : i32
    %dma_wait3A_1101 = tpu.memref_slice %arg6[%dma_wait3A_1093, %dma_wait3A_1094, %dma_wait3A_1100] : memref<2x8x128xi32, #tpu.memory_space<vmem>> -> memref<1x1x128xi32, #tpu.memory_space<vmem>>
    %dma_wait3A_1102 = tpu.memref_squeeze %dma_wait3A_1101 : memref<1x1x128xi32, #tpu.memory_space<vmem>> -> memref<128xi32, #tpu.memory_space<vmem>>
    %dma_wait3A_1103 = arith.constant 0 : i32
    %dma_wait3A_1104 = arith.constant 0 : i32
    %dma_wait3A_1105 = tpu.memref_slice %arg9[%dma_wait3A_1103, %dma_wait3A_1104] : memref<119x128xf32, #tpu.memory_space<vmem_shared>> -> memref<119x128xf32, #tpu.memory_space<vmem_shared>>
    tpu.wait_indirect_dma semaphore(%arg11 : memref<!tpu.dma_semaphore, #tpu.memory_space<semaphore_mem>>) src(%dma_wait3A_1105 : memref<119x128xf32, #tpu.memory_space<vmem_shared>>) dst(%dma_wait3A_1099 : memref<128x128xf32, #tpu.memory_space<vmem>>)
    %mul3A_1106 = arith.constant 4096 : i32
    %mul3A_1107 = arith.muli %add3A, %mul3A_1106 : i32
    %add3A_1108 = arith.constant 2560 : i32
    %add3A_1109 = arith.addi %mul3A_1107, %add3A_1108 : i32
    %dma_wait3A_1110 = arith.constant 0 : i32
    %dma_wait3A_1111 = arith.constant 0 : i32
    %dma_wait3A_1112 = arith.constant 0 : i32
    %dma_wait3A_1113 = tpu.memref_slice %arg7[%dma_wait3A_1110, %dma_wait3A_1111, %dma_wait3A_1112] : memref<2x256x128xf32, #tpu.memory_space<vmem>> -> memref<1x256x128xf32, #tpu.memory_space<vmem>>
    %dma_wait3A_1114 = tpu.memref_squeeze %dma_wait3A_1113 : memref<1x256x128xf32, #tpu.memory_space<vmem>> -> memref<256x128xf32, #tpu.memory_space<vmem>>
    %dma_wait3A_1115 = arith.constant 0 : i32
    %dma_wait3A_1116 = tpu.memref_slice %arg5[%add3A_1109, %dma_wait3A_1115] : memref<131072x128xf32, #tpu.memory_space<hbm>> -> memref<256x128xf32, #tpu.memory_space<hbm>>
    %dma_wait3A_1117 = arith.constant 0 : i32
    %dma_wait3A_1118 = tpu.memref_slice %arg5[%add3A_1109, %dma_wait3A_1117] : memref<131072x128xf32, #tpu.memory_space<hbm>> -> memref<256x128xf32, #tpu.memory_space<hbm>>
    %dma_wait3A_1119 = arith.constant 0 : i32
    %dma_wait3A_1120 = arith.constant 0 : i32
    %dma_wait3A_1121 = tpu.memref_slice %arg7[%dma_wait3A_1110, %dma_wait3A_1119, %dma_wait3A_1120] : memref<2x256x128xf32, #tpu.memory_space<vmem>> -> memref<1x256x128xf32, #tpu.memory_space<vmem>>
    %dma_wait3A_1122 = tpu.memref_squeeze %dma_wait3A_1121 : memref<1x256x128xf32, #tpu.memory_space<vmem>> -> memref<256x128xf32, #tpu.memory_space<vmem>>
    tpu.wait_dma2 semaphore(%arg12 : memref<!tpu.dma_semaphore, #tpu.memory_space<semaphore_mem>>) src(%dma_wait3A_1122 : memref<256x128xf32, #tpu.memory_space<vmem>>) dst(%dma_wait3A_1118 : memref<256x128xf32, #tpu.memory_space<hbm>>)
    %mul3A_1123 = arith.constant 32 : i32
    %mul3A_1124 = arith.muli %add3A, %mul3A_1123 : i32
    %add3A_1125 = arith.constant 24 : i32
    %add3A_1126 = arith.addi %mul3A_1124, %add3A_1125 : i32
    %run_scoped3A_1127 = arith.constant 1 : i32
    "tpu.region"() ({
      %run_scoped3A_1528 = tpu.sem_alloc : memref<!tpu.dma_semaphore, #tpu.memory_space<semaphore_mem>>
      %dma_start3A_1529 = arith.constant 0 : i32
      %dma_start3A_1530 = arith.constant 0 : i32
      %dma_start3A_1531 = tpu.memref_slice %arg6[%run_scoped3A_1127, %dma_start3A_1529, %dma_start3A_1530] : memref<2x8x128xi32, #tpu.memory_space<vmem>> -> memref<1x8x128xi32, #tpu.memory_space<vmem>>
      %dma_start3A_1532 = tpu.memref_squeeze %dma_start3A_1531 : memref<1x8x128xi32, #tpu.memory_space<vmem>> -> memref<8x128xi32, #tpu.memory_space<vmem>>
      %dma_start3A_1533 = arith.constant 0 : i32
      %dma_start3A_1534 = tpu.memref_slice %arg3[%add3A_1126, %dma_start3A_1533] : memref<1024x128xi32, #tpu.memory_space<hbm>> -> memref<8x128xi32, #tpu.memory_space<hbm>>
      %dma_start3A_1535 = arith.constant 0 : i32
      %dma_start3A_1536 = arith.constant 0 : i32
      %dma_start3A_1537 = tpu.memref_slice %arg6[%run_scoped3A_1127, %dma_start3A_1535, %dma_start3A_1536] : memref<2x8x128xi32, #tpu.memory_space<vmem>> -> memref<1x8x128xi32, #tpu.memory_space<vmem>>
      %dma_start3A_1538 = tpu.memref_squeeze %dma_start3A_1537 : memref<1x8x128xi32, #tpu.memory_space<vmem>> -> memref<8x128xi32, #tpu.memory_space<vmem>>
      %dma_start3A_1539 = arith.constant 0 : i32
      %dma_start3A_1540 = tpu.memref_slice %arg3[%add3A_1126, %dma_start3A_1539] : memref<1024x128xi32, #tpu.memory_space<hbm>> -> memref<8x128xi32, #tpu.memory_space<hbm>>
      tpu.enqueue_dma source(%dma_start3A_1540 : memref<8x128xi32, #tpu.memory_space<hbm>>) target(%dma_start3A_1538 : memref<8x128xi32, #tpu.memory_space<vmem>>) target_semaphore(%run_scoped3A_1528 : memref<!tpu.dma_semaphore, #tpu.memory_space<semaphore_mem>>)
      %dma_wait3A_1541 = arith.constant 0 : i32
      %dma_wait3A_1542 = arith.constant 0 : i32
      %dma_wait3A_1543 = tpu.memref_slice %arg6[%run_scoped3A_1127, %dma_wait3A_1541, %dma_wait3A_1542] : memref<2x8x128xi32, #tpu.memory_space<vmem>> -> memref<1x8x128xi32, #tpu.memory_space<vmem>>
      %dma_wait3A_1544 = tpu.memref_squeeze %dma_wait3A_1543 : memref<1x8x128xi32, #tpu.memory_space<vmem>> -> memref<8x128xi32, #tpu.memory_space<vmem>>
      %dma_wait3A_1545 = arith.constant 0 : i32
      %dma_wait3A_1546 = tpu.memref_slice %arg3[%add3A_1126, %dma_wait3A_1545] : memref<1024x128xi32, #tpu.memory_space<hbm>> -> memref<8x128xi32, #tpu.memory_space<hbm>>
      %dma_wait3A_1547 = arith.constant 0 : i32
      %dma_wait3A_1548 = arith.constant 0 : i32
      %dma_wait3A_1549 = tpu.memref_slice %arg6[%run_scoped3A_1127, %dma_wait3A_1547, %dma_wait3A_1548] : memref<2x8x128xi32, #tpu.memory_space<vmem>> -> memref<1x8x128xi32, #tpu.memory_space<vmem>>
      %dma_wait3A_1550 = tpu.memref_squeeze %dma_wait3A_1549 : memref<1x8x128xi32, #tpu.memory_space<vmem>> -> memref<8x128xi32, #tpu.memory_space<vmem>>
      %dma_wait3A_1551 = arith.constant 0 : i32
      %dma_wait3A_1552 = tpu.memref_slice %arg3[%add3A_1126, %dma_wait3A_1551] : memref<1024x128xi32, #tpu.memory_space<hbm>> -> memref<8x128xi32, #tpu.memory_space<hbm>>
      tpu.wait_dma2 semaphore(%run_scoped3A_1528 : memref<!tpu.dma_semaphore, #tpu.memory_space<semaphore_mem>>) src(%dma_wait3A_1552 : memref<8x128xi32, #tpu.memory_space<hbm>>) dst(%dma_wait3A_1550 : memref<8x128xi32, #tpu.memory_space<vmem>>)
      tpu.yield
    }) : () -> ()
    %run_scoped3A_1128 = arith.constant 0 : i32
    %run_scoped3A_1129 = arith.constant 1 : i32
    %run_scoped3A_1130 = arith.constant 0 : i32
    "tpu.region"() ({
      %run_scoped3A_1528 = tpu.sem_alloc : memref<!tpu.dma_semaphore, #tpu.memory_space<semaphore_mem>>
      %dma_start3A_1529 = arith.constant 0 : i32
      %dma_start3A_1530 = arith.constant 0 : i32
      %dma_start3A_1531 = tpu.memref_slice %arg8[%run_scoped3A_1129, %run_scoped3A_1130, %dma_start3A_1529, %dma_start3A_1530] : memref<2x3x8x128xf32, #tpu.memory_space<vmem>> -> memref<1x1x8x128xf32, #tpu.memory_space<vmem>>
      %dma_start3A_1532 = tpu.memref_squeeze %dma_start3A_1531 : memref<1x1x8x128xf32, #tpu.memory_space<vmem>> -> memref<8x128xf32, #tpu.memory_space<vmem>>
      %dma_start3A_1533 = arith.constant 0 : i32
      %dma_start3A_1534 = tpu.memref_slice %arg4[%run_scoped3A_1128, %add3A_1126, %dma_start3A_1533] : memref<3x1024x128xf32, #tpu.memory_space<hbm>> -> memref<1x8x128xf32, #tpu.memory_space<hbm>>
      %dma_start3A_1535 = tpu.memref_squeeze %dma_start3A_1534 : memref<1x8x128xf32, #tpu.memory_space<hbm>> -> memref<8x128xf32, #tpu.memory_space<hbm>>
      %dma_start3A_1536 = arith.constant 0 : i32
      %dma_start3A_1537 = arith.constant 0 : i32
      %dma_start3A_1538 = tpu.memref_slice %arg8[%run_scoped3A_1129, %run_scoped3A_1130, %dma_start3A_1536, %dma_start3A_1537] : memref<2x3x8x128xf32, #tpu.memory_space<vmem>> -> memref<1x1x8x128xf32, #tpu.memory_space<vmem>>
      %dma_start3A_1539 = tpu.memref_squeeze %dma_start3A_1538 : memref<1x1x8x128xf32, #tpu.memory_space<vmem>> -> memref<8x128xf32, #tpu.memory_space<vmem>>
      %dma_start3A_1540 = arith.constant 0 : i32
      %dma_start3A_1541 = tpu.memref_slice %arg4[%run_scoped3A_1128, %add3A_1126, %dma_start3A_1540] : memref<3x1024x128xf32, #tpu.memory_space<hbm>> -> memref<1x8x128xf32, #tpu.memory_space<hbm>>
      %dma_start3A_1542 = tpu.memref_squeeze %dma_start3A_1541 : memref<1x8x128xf32, #tpu.memory_space<hbm>> -> memref<8x128xf32, #tpu.memory_space<hbm>>
      tpu.enqueue_dma source(%dma_start3A_1542 : memref<8x128xf32, #tpu.memory_space<hbm>>) target(%dma_start3A_1539 : memref<8x128xf32, #tpu.memory_space<vmem>>) target_semaphore(%run_scoped3A_1528 : memref<!tpu.dma_semaphore, #tpu.memory_space<semaphore_mem>>)
      %dma_wait3A_1543 = arith.constant 0 : i32
      %dma_wait3A_1544 = arith.constant 0 : i32
      %dma_wait3A_1545 = tpu.memref_slice %arg8[%run_scoped3A_1129, %run_scoped3A_1130, %dma_wait3A_1543, %dma_wait3A_1544] : memref<2x3x8x128xf32, #tpu.memory_space<vmem>> -> memref<1x1x8x128xf32, #tpu.memory_space<vmem>>
      %dma_wait3A_1546 = tpu.memref_squeeze %dma_wait3A_1545 : memref<1x1x8x128xf32, #tpu.memory_space<vmem>> -> memref<8x128xf32, #tpu.memory_space<vmem>>
      %dma_wait3A_1547 = arith.constant 0 : i32
      %dma_wait3A_1548 = tpu.memref_slice %arg4[%run_scoped3A_1128, %add3A_1126, %dma_wait3A_1547] : memref<3x1024x128xf32, #tpu.memory_space<hbm>> -> memref<1x8x128xf32, #tpu.memory_space<hbm>>
      %dma_wait3A_1549 = tpu.memref_squeeze %dma_wait3A_1548 : memref<1x8x128xf32, #tpu.memory_space<hbm>> -> memref<8x128xf32, #tpu.memory_space<hbm>>
      %dma_wait3A_1550 = arith.constant 0 : i32
      %dma_wait3A_1551 = arith.constant 0 : i32
      %dma_wait3A_1552 = tpu.memref_slice %arg8[%run_scoped3A_1129, %run_scoped3A_1130, %dma_wait3A_1550, %dma_wait3A_1551] : memref<2x3x8x128xf32, #tpu.memory_space<vmem>> -> memref<1x1x8x128xf32, #tpu.memory_space<vmem>>
      %dma_wait3A_1553 = tpu.memref_squeeze %dma_wait3A_1552 : memref<1x1x8x128xf32, #tpu.memory_space<vmem>> -> memref<8x128xf32, #tpu.memory_space<vmem>>
      %dma_wait3A_1554 = arith.constant 0 : i32
      %dma_wait3A_1555 = tpu.memref_slice %arg4[%run_scoped3A_1128, %add3A_1126, %dma_wait3A_1554] : memref<3x1024x128xf32, #tpu.memory_space<hbm>> -> memref<1x8x128xf32, #tpu.memory_space<hbm>>
      %dma_wait3A_1556 = tpu.memref_squeeze %dma_wait3A_1555 : memref<1x8x128xf32, #tpu.memory_space<hbm>> -> memref<8x128xf32, #tpu.memory_space<hbm>>
      tpu.wait_dma2 semaphore(%run_scoped3A_1528 : memref<!tpu.dma_semaphore, #tpu.memory_space<semaphore_mem>>) src(%dma_wait3A_1556 : memref<8x128xf32, #tpu.memory_space<hbm>>) dst(%dma_wait3A_1553 : memref<8x128xf32, #tpu.memory_space<vmem>>)
      tpu.yield
    }) : () -> ()
    %run_scoped3A_1131 = arith.constant 1 : i32
    %run_scoped3A_1132 = arith.constant 1 : i32
    %run_scoped3A_1133 = arith.constant 1 : i32
    "tpu.region"() ({
      %run_scoped3A_1528 = tpu.sem_alloc : memref<!tpu.dma_semaphore, #tpu.memory_space<semaphore_mem>>
      %dma_start3A_1529 = arith.constant 0 : i32
      %dma_start3A_1530 = arith.constant 0 : i32
      %dma_start3A_1531 = tpu.memref_slice %arg8[%run_scoped3A_1132, %run_scoped3A_1133, %dma_start3A_1529, %dma_start3A_1530] : memref<2x3x8x128xf32, #tpu.memory_space<vmem>> -> memref<1x1x8x128xf32, #tpu.memory_space<vmem>>
      %dma_start3A_1532 = tpu.memref_squeeze %dma_start3A_1531 : memref<1x1x8x128xf32, #tpu.memory_space<vmem>> -> memref<8x128xf32, #tpu.memory_space<vmem>>
      %dma_start3A_1533 = arith.constant 0 : i32
      %dma_start3A_1534 = tpu.memref_slice %arg4[%run_scoped3A_1131, %add3A_1126, %dma_start3A_1533] : memref<3x1024x128xf32, #tpu.memory_space<hbm>> -> memref<1x8x128xf32, #tpu.memory_space<hbm>>
      %dma_start3A_1535 = tpu.memref_squeeze %dma_start3A_1534 : memref<1x8x128xf32, #tpu.memory_space<hbm>> -> memref<8x128xf32, #tpu.memory_space<hbm>>
      %dma_start3A_1536 = arith.constant 0 : i32
      %dma_start3A_1537 = arith.constant 0 : i32
      %dma_start3A_1538 = tpu.memref_slice %arg8[%run_scoped3A_1132, %run_scoped3A_1133, %dma_start3A_1536, %dma_start3A_1537] : memref<2x3x8x128xf32, #tpu.memory_space<vmem>> -> memref<1x1x8x128xf32, #tpu.memory_space<vmem>>
      %dma_start3A_1539 = tpu.memref_squeeze %dma_start3A_1538 : memref<1x1x8x128xf32, #tpu.memory_space<vmem>> -> memref<8x128xf32, #tpu.memory_space<vmem>>
      %dma_start3A_1540 = arith.constant 0 : i32
      %dma_start3A_1541 = tpu.memref_slice %arg4[%run_scoped3A_1131, %add3A_1126, %dma_start3A_1540] : memref<3x1024x128xf32, #tpu.memory_space<hbm>> -> memref<1x8x128xf32, #tpu.memory_space<hbm>>
      %dma_start3A_1542 = tpu.memref_squeeze %dma_start3A_1541 : memref<1x8x128xf32, #tpu.memory_space<hbm>> -> memref<8x128xf32, #tpu.memory_space<hbm>>
      tpu.enqueue_dma source(%dma_start3A_1542 : memref<8x128xf32, #tpu.memory_space<hbm>>) target(%dma_start3A_1539 : memref<8x128xf32, #tpu.memory_space<vmem>>) target_semaphore(%run_scoped3A_1528 : memref<!tpu.dma_semaphore, #tpu.memory_space<semaphore_mem>>)
      %dma_wait3A_1543 = arith.constant 0 : i32
      %dma_wait3A_1544 = arith.constant 0 : i32
      %dma_wait3A_1545 = tpu.memref_slice %arg8[%run_scoped3A_1132, %run_scoped3A_1133, %dma_wait3A_1543, %dma_wait3A_1544] : memref<2x3x8x128xf32, #tpu.memory_space<vmem>> -> memref<1x1x8x128xf32, #tpu.memory_space<vmem>>
      %dma_wait3A_1546 = tpu.memref_squeeze %dma_wait3A_1545 : memref<1x1x8x128xf32, #tpu.memory_space<vmem>> -> memref<8x128xf32, #tpu.memory_space<vmem>>
      %dma_wait3A_1547 = arith.constant 0 : i32
      %dma_wait3A_1548 = tpu.memref_slice %arg4[%run_scoped3A_1131, %add3A_1126, %dma_wait3A_1547] : memref<3x1024x128xf32, #tpu.memory_space<hbm>> -> memref<1x8x128xf32, #tpu.memory_space<hbm>>
      %dma_wait3A_1549 = tpu.memref_squeeze %dma_wait3A_1548 : memref<1x8x128xf32, #tpu.memory_space<hbm>> -> memref<8x128xf32, #tpu.memory_space<hbm>>
      %dma_wait3A_1550 = arith.constant 0 : i32
      %dma_wait3A_1551 = arith.constant 0 : i32
      %dma_wait3A_1552 = tpu.memref_slice %arg8[%run_scoped3A_1132, %run_scoped3A_1133, %dma_wait3A_1550, %dma_wait3A_1551] : memref<2x3x8x128xf32, #tpu.memory_space<vmem>> -> memref<1x1x8x128xf32, #tpu.memory_space<vmem>>
      %dma_wait3A_1553 = tpu.memref_squeeze %dma_wait3A_1552 : memref<1x1x8x128xf32, #tpu.memory_space<vmem>> -> memref<8x128xf32, #tpu.memory_space<vmem>>
      %dma_wait3A_1554 = arith.constant 0 : i32
      %dma_wait3A_1555 = tpu.memref_slice %arg4[%run_scoped3A_1131, %add3A_1126, %dma_wait3A_1554] : memref<3x1024x128xf32, #tpu.memory_space<hbm>> -> memref<1x8x128xf32, #tpu.memory_space<hbm>>
      %dma_wait3A_1556 = tpu.memref_squeeze %dma_wait3A_1555 : memref<1x8x128xf32, #tpu.memory_space<hbm>> -> memref<8x128xf32, #tpu.memory_space<hbm>>
      tpu.wait_dma2 semaphore(%run_scoped3A_1528 : memref<!tpu.dma_semaphore, #tpu.memory_space<semaphore_mem>>) src(%dma_wait3A_1556 : memref<8x128xf32, #tpu.memory_space<hbm>>) dst(%dma_wait3A_1553 : memref<8x128xf32, #tpu.memory_space<vmem>>)
      tpu.yield
    }) : () -> ()
    %run_scoped3A_1134 = arith.constant 2 : i32
    %run_scoped3A_1135 = arith.constant 1 : i32
    %run_scoped3A_1136 = arith.constant 2 : i32
    "tpu.region"() ({
      %run_scoped3A_1528 = tpu.sem_alloc : memref<!tpu.dma_semaphore, #tpu.memory_space<semaphore_mem>>
      %dma_start3A_1529 = arith.constant 0 : i32
      %dma_start3A_1530 = arith.constant 0 : i32
      %dma_start3A_1531 = tpu.memref_slice %arg8[%run_scoped3A_1135, %run_scoped3A_1136, %dma_start3A_1529, %dma_start3A_1530] : memref<2x3x8x128xf32, #tpu.memory_space<vmem>> -> memref<1x1x8x128xf32, #tpu.memory_space<vmem>>
      %dma_start3A_1532 = tpu.memref_squeeze %dma_start3A_1531 : memref<1x1x8x128xf32, #tpu.memory_space<vmem>> -> memref<8x128xf32, #tpu.memory_space<vmem>>
      %dma_start3A_1533 = arith.constant 0 : i32
      %dma_start3A_1534 = tpu.memref_slice %arg4[%run_scoped3A_1134, %add3A_1126, %dma_start3A_1533] : memref<3x1024x128xf32, #tpu.memory_space<hbm>> -> memref<1x8x128xf32, #tpu.memory_space<hbm>>
      %dma_start3A_1535 = tpu.memref_squeeze %dma_start3A_1534 : memref<1x8x128xf32, #tpu.memory_space<hbm>> -> memref<8x128xf32, #tpu.memory_space<hbm>>
      %dma_start3A_1536 = arith.constant 0 : i32
      %dma_start3A_1537 = arith.constant 0 : i32
      %dma_start3A_1538 = tpu.memref_slice %arg8[%run_scoped3A_1135, %run_scoped3A_1136, %dma_start3A_1536, %dma_start3A_1537] : memref<2x3x8x128xf32, #tpu.memory_space<vmem>> -> memref<1x1x8x128xf32, #tpu.memory_space<vmem>>
      %dma_start3A_1539 = tpu.memref_squeeze %dma_start3A_1538 : memref<1x1x8x128xf32, #tpu.memory_space<vmem>> -> memref<8x128xf32, #tpu.memory_space<vmem>>
      %dma_start3A_1540 = arith.constant 0 : i32
      %dma_start3A_1541 = tpu.memref_slice %arg4[%run_scoped3A_1134, %add3A_1126, %dma_start3A_1540] : memref<3x1024x128xf32, #tpu.memory_space<hbm>> -> memref<1x8x128xf32, #tpu.memory_space<hbm>>
      %dma_start3A_1542 = tpu.memref_squeeze %dma_start3A_1541 : memref<1x8x128xf32, #tpu.memory_space<hbm>> -> memref<8x128xf32, #tpu.memory_space<hbm>>
      tpu.enqueue_dma source(%dma_start3A_1542 : memref<8x128xf32, #tpu.memory_space<hbm>>) target(%dma_start3A_1539 : memref<8x128xf32, #tpu.memory_space<vmem>>) target_semaphore(%run_scoped3A_1528 : memref<!tpu.dma_semaphore, #tpu.memory_space<semaphore_mem>>)
      %dma_wait3A_1543 = arith.constant 0 : i32
      %dma_wait3A_1544 = arith.constant 0 : i32
      %dma_wait3A_1545 = tpu.memref_slice %arg8[%run_scoped3A_1135, %run_scoped3A_1136, %dma_wait3A_1543, %dma_wait3A_1544] : memref<2x3x8x128xf32, #tpu.memory_space<vmem>> -> memref<1x1x8x128xf32, #tpu.memory_space<vmem>>
      %dma_wait3A_1546 = tpu.memref_squeeze %dma_wait3A_1545 : memref<1x1x8x128xf32, #tpu.memory_space<vmem>> -> memref<8x128xf32, #tpu.memory_space<vmem>>
      %dma_wait3A_1547 = arith.constant 0 : i32
      %dma_wait3A_1548 = tpu.memref_slice %arg4[%run_scoped3A_1134, %add3A_1126, %dma_wait3A_1547] : memref<3x1024x128xf32, #tpu.memory_space<hbm>> -> memref<1x8x128xf32, #tpu.memory_space<hbm>>
      %dma_wait3A_1549 = tpu.memref_squeeze %dma_wait3A_1548 : memref<1x8x128xf32, #tpu.memory_space<hbm>> -> memref<8x128xf32, #tpu.memory_space<hbm>>
      %dma_wait3A_1550 = arith.constant 0 : i32
      %dma_wait3A_1551 = arith.constant 0 : i32
      %dma_wait3A_1552 = tpu.memref_slice %arg8[%run_scoped3A_1135, %run_scoped3A_1136, %dma_wait3A_1550, %dma_wait3A_1551] : memref<2x3x8x128xf32, #tpu.memory_space<vmem>> -> memref<1x1x8x128xf32, #tpu.memory_space<vmem>>
      %dma_wait3A_1553 = tpu.memref_squeeze %dma_wait3A_1552 : memref<1x1x8x128xf32, #tpu.memory_space<vmem>> -> memref<8x128xf32, #tpu.memory_space<vmem>>
      %dma_wait3A_1554 = arith.constant 0 : i32
      %dma_wait3A_1555 = tpu.memref_slice %arg4[%run_scoped3A_1134, %add3A_1126, %dma_wait3A_1554] : memref<3x1024x128xf32, #tpu.memory_space<hbm>> -> memref<1x8x128xf32, #tpu.memory_space<hbm>>
      %dma_wait3A_1556 = tpu.memref_squeeze %dma_wait3A_1555 : memref<1x8x128xf32, #tpu.memory_space<hbm>> -> memref<8x128xf32, #tpu.memory_space<hbm>>
      tpu.wait_dma2 semaphore(%run_scoped3A_1528 : memref<!tpu.dma_semaphore, #tpu.memory_space<semaphore_mem>>) src(%dma_wait3A_1556 : memref<8x128xf32, #tpu.memory_space<hbm>>) dst(%dma_wait3A_1553 : memref<8x128xf32, #tpu.memory_space<vmem>>)
      tpu.yield
    }) : () -> ()
    %dma_start3A_1137 = arith.constant 1 : i32
    %dma_start3A_1138 = arith.constant 0 : i32
    %dma_start3A_1139 = arith.constant 0 : i32
    %dma_start3A_1140 = arith.constant 0 : i32
    %dma_start3A_1141 = arith.constant 0 : i32
    %dma_start3A_1142 = tpu.memref_slice %arg7[%dma_start3A_1139, %dma_start3A_1140, %dma_start3A_1141] : memref<2x256x128xf32, #tpu.memory_space<vmem>> -> memref<1x128x128xf32, #tpu.memory_space<vmem>>
    %dma_start3A_1143 = tpu.memref_squeeze %dma_start3A_1142 : memref<1x128x128xf32, #tpu.memory_space<vmem>> -> memref<128x128xf32, #tpu.memory_space<vmem>>
    %dma_start3A_1144 = arith.constant 0 : i32
    %dma_start3A_1145 = tpu.memref_slice %arg6[%dma_start3A_1137, %dma_start3A_1138, %dma_start3A_1144] : memref<2x8x128xi32, #tpu.memory_space<vmem>> -> memref<1x1x128xi32, #tpu.memory_space<vmem>>
    %dma_start3A_1146 = tpu.memref_squeeze %dma_start3A_1145 : memref<1x1x128xi32, #tpu.memory_space<vmem>> -> memref<128xi32, #tpu.memory_space<vmem>>
    %dma_start3A_1147 = arith.constant 0 : i32
    %dma_start3A_1148 = arith.constant 0 : i32
    %dma_start3A_1149 = tpu.memref_slice %arg9[%dma_start3A_1147, %dma_start3A_1148] : memref<119x128xf32, #tpu.memory_space<vmem_shared>> -> memref<119x128xf32, #tpu.memory_space<vmem_shared>>
    tpu.enqueue_indirect_dma source(%dma_start3A_1149 : memref<119x128xf32, #tpu.memory_space<vmem_shared>>) target(%dma_start3A_1143 : memref<128x128xf32, #tpu.memory_space<vmem>>) offsets(%dma_start3A_1146 : memref<128xi32, #tpu.memory_space<vmem>>) semaphore(%arg10 : memref<!tpu.dma_semaphore, #tpu.memory_space<semaphore_mem>>)
    %dma_start3A_1150 = arith.constant 1 : i32
    %dma_start3A_1151 = arith.constant 1 : i32
    %dma_start3A_1152 = arith.constant 0 : i32
    %dma_start3A_1153 = arith.constant 128 : i32
    %dma_start3A_1154 = arith.constant 0 : i32
    %dma_start3A_1155 = tpu.memref_slice %arg7[%dma_start3A_1152, %dma_start3A_1153, %dma_start3A_1154] : memref<2x256x128xf32, #tpu.memory_space<vmem>> -> memref<1x128x128xf32, #tpu.memory_space<vmem>>
    %dma_start3A_1156 = tpu.memref_squeeze %dma_start3A_1155 : memref<1x128x128xf32, #tpu.memory_space<vmem>> -> memref<128x128xf32, #tpu.memory_space<vmem>>
    %dma_start3A_1157 = arith.constant 0 : i32
    %dma_start3A_1158 = tpu.memref_slice %arg6[%dma_start3A_1150, %dma_start3A_1151, %dma_start3A_1157] : memref<2x8x128xi32, #tpu.memory_space<vmem>> -> memref<1x1x128xi32, #tpu.memory_space<vmem>>
    %dma_start3A_1159 = tpu.memref_squeeze %dma_start3A_1158 : memref<1x1x128xi32, #tpu.memory_space<vmem>> -> memref<128xi32, #tpu.memory_space<vmem>>
    %dma_start3A_1160 = arith.constant 0 : i32
    %dma_start3A_1161 = arith.constant 0 : i32
    %dma_start3A_1162 = tpu.memref_slice %arg9[%dma_start3A_1160, %dma_start3A_1161] : memref<119x128xf32, #tpu.memory_space<vmem_shared>> -> memref<119x128xf32, #tpu.memory_space<vmem_shared>>
    tpu.enqueue_indirect_dma source(%dma_start3A_1162 : memref<119x128xf32, #tpu.memory_space<vmem_shared>>) target(%dma_start3A_1156 : memref<128x128xf32, #tpu.memory_space<vmem>>) offsets(%dma_start3A_1159 : memref<128xi32, #tpu.memory_space<vmem>>) semaphore(%arg10 : memref<!tpu.dma_semaphore, #tpu.memory_space<semaphore_mem>>)
    %scan3A_1163 = arith.constant 0 : i32
    %scan3A_1164 = arith.constant 0 : i32
    %scan3A_1165 = arith.constant 16 : i32
    %scan3A_1166 = arith.addi %scan3A_1164, %scan3A_1165 : i32
    %scan3A_1167 = arith.constant 1 : i32
    scf.for %scan3A_1528 = %scan3A_1164 to %scan3A_1166 step %scan3A_1167  : i32 {
      %jit3A = arith.constant 8 : i32
      %div3A = arith.divsi %scan3A_1528, %jit3A : i32
      %sign3A = arith.constant 0 : i32
      %sign3A_1529 = arith.cmpi sgt, %scan3A_1528, %sign3A : i32
      %sign3A_1530 = arith.extui %sign3A_1529 : i1 to i32
      %sign3A_1531 = arith.constant 0 : i32
      %sign3A_1532 = arith.cmpi slt, %scan3A_1528, %sign3A_1531 : i32
      %sign3A_1533 = arith.extui %sign3A_1532 : i1 to i32
      %sign3A_1534 = arith.subi %sign3A_1530, %sign3A_1533 : i32
      %sign3A_1535 = arith.constant 0 : i32
      %sign3A_1536 = arith.cmpi sgt, %jit3A, %sign3A_1535 : i32
      %sign3A_1537 = arith.extui %sign3A_1536 : i1 to i32
      %sign3A_1538 = arith.constant 0 : i32
      %sign3A_1539 = arith.cmpi slt, %jit3A, %sign3A_1538 : i32
      %sign3A_1540 = arith.extui %sign3A_1539 : i1 to i32
      %sign3A_1541 = arith.subi %sign3A_1537, %sign3A_1540 : i32
      %ne3A = arith.cmpi ne, %sign3A_1534, %sign3A_1541 : i32
      %rem3A = arith.remsi %scan3A_1528, %jit3A : i32
      %ne3A_1542 = arith.constant 0 : i32
      %ne3A_1543 = arith.cmpi ne, %rem3A, %ne3A_1542 : i32
      %and3A = arith.andi %ne3A, %ne3A_1543 : i1
      %sub3A = arith.constant 1 : i32
      %sub3A_1544 = arith.subi %div3A, %sub3A : i32
      %select_n3A = arith.select %and3A, %sub3A_1544, %div3A : i32
      %add3A_1545 = arith.constant 6 : i32
      %add3A_1546 = arith.addi %add3A_1545, %select_n3A : i32
      %jit3A_1547 = arith.constant 8 : i32
      %eq3A_1548 = arith.constant 0 : i32
      %eq3A_1549 = arith.cmpi eq, %jit3A_1547, %eq3A_1548 : i32
      %jit3A_1550 = arith.constant 1 : i32
      %select_n3A_1551 = arith.select %eq3A_1549, %jit3A_1550, %jit3A_1547 : i32
      %rem3A_1552 = arith.remsi %scan3A_1528, %select_n3A_1551 : i32
      %ne3A_1553 = arith.constant 0 : i32
      %ne3A_1554 = arith.cmpi ne, %rem3A_1552, %ne3A_1553 : i32
      %lt3A = arith.constant 0 : i32
      %lt3A_1555 = arith.cmpi slt, %rem3A_1552, %lt3A : i32
      %lt3A_1556 = arith.constant 0 : i32
      %lt3A_1557 = arith.cmpi slt, %select_n3A_1551, %lt3A_1556 : i32
      %ne3A_1558 = arith.xori %lt3A_1555, %lt3A_1557 : i1
      %and3A_1559 = arith.andi %ne3A_1558, %ne3A_1554 : i1
      %add3A_1560 = arith.addi %rem3A_1552, %select_n3A_1551 : i32
      %select_n3A_1561 = arith.select %and3A_1559, %add3A_1560, %rem3A_1552 : i32
      %mul3A_1562 = arith.constant 16 : i32
      %mul3A_1563 = arith.muli %select_n3A_1561, %mul3A_1562 : i32
      %mul3A_1564 = arith.constant 16 : i32
      %mul3A_1565 = arith.muli %scan3A_1528, %mul3A_1564 : i32
      %add3A_1566 = vector.broadcast %mul3A_1565 : i32 to vector<16xi32>
      %add3A_1567 = arith.addi %iota3A, %add3A_1566 : vector<16xi32>
      %get3A = arith.constant 0 : i32
      %get3A_1568 = arith.constant 0 : i32
      %get3A_1569 = arith.index_cast %get3A : i32 to index
      %get3A_1570 = arith.index_cast %get3A_1568 : i32 to index
      %get3A_1571 = arith.index_cast %add3A_1546 : i32 to index
      %get3A_1572 = arith.index_cast %mul3A_1563 : i32 to index
      %get3A_1573 = tpu.vector_load %arg8[%get3A_1569, %get3A_1570, %get3A_1571, %get3A_1572] {strides = array<i32>} : memref<2x3x8x128xf32, #tpu.memory_space<vmem>>, vector<16xf32>,
      %scatter3A = arith.constant 1 : i32
      %scatter3A_1574 = arith.constant 0 : i32
      %scatter3A_1575 = arith.constant 0 : i32
      %scatter3A_1576 = tpu.memref_slice %arg7[%scatter3A, %scatter3A_1574, %scatter3A_1575] : memref<2x256x128xf32, #tpu.memory_space<vmem>> -> memref<1x256x128xf32, #tpu.memory_space<vmem>>
      %scatter3A_1577 = tpu.memref_squeeze %scatter3A_1576 : memref<1x256x128xf32, #tpu.memory_space<vmem>> -> memref<256x128xf32, #tpu.memory_space<vmem>>
      tpu.vector_store_idx %scatter3A_1577[%add3A_1567, %add3A_8], %get3A_1573 : memref<256x128xf32, #tpu.memory_space<vmem>>[vector<16xi32>, vector<16xi32>], vector<16xf32>,
      %get3A_1578 = arith.constant 0 : i32
      %get3A_1579 = arith.constant 1 : i32
      %get3A_1580 = arith.index_cast %get3A_1578 : i32 to index
      %get3A_1581 = arith.index_cast %get3A_1579 : i32 to index
      %get3A_1582 = arith.index_cast %add3A_1546 : i32 to index
      %get3A_1583 = arith.index_cast %mul3A_1563 : i32 to index
      %get3A_1584 = tpu.vector_load %arg8[%get3A_1580, %get3A_1581, %get3A_1582, %get3A_1583] {strides = array<i32>} : memref<2x3x8x128xf32, #tpu.memory_space<vmem>>, vector<16xf32>,
      %scatter3A_1585 = arith.constant 1 : i32
      %scatter3A_1586 = arith.constant 0 : i32
      %scatter3A_1587 = arith.constant 0 : i32
      %scatter3A_1588 = tpu.memref_slice %arg7[%scatter3A_1585, %scatter3A_1586, %scatter3A_1587] : memref<2x256x128xf32, #tpu.memory_space<vmem>> -> memref<1x256x128xf32, #tpu.memory_space<vmem>>
      %scatter3A_1589 = tpu.memref_squeeze %scatter3A_1588 : memref<1x256x128xf32, #tpu.memory_space<vmem>> -> memref<256x128xf32, #tpu.memory_space<vmem>>
      tpu.vector_store_idx %scatter3A_1589[%add3A_1567, %add3A_14], %get3A_1584 : memref<256x128xf32, #tpu.memory_space<vmem>>[vector<16xi32>, vector<16xi32>], vector<16xf32>,
      %get3A_1590 = arith.constant 0 : i32
      %get3A_1591 = arith.constant 2 : i32
      %get3A_1592 = arith.index_cast %get3A_1590 : i32 to index
      %get3A_1593 = arith.index_cast %get3A_1591 : i32 to index
      %get3A_1594 = arith.index_cast %add3A_1546 : i32 to index
      %get3A_1595 = arith.index_cast %mul3A_1563 : i32 to index
      %get3A_1596 = tpu.vector_load %arg8[%get3A_1592, %get3A_1593, %get3A_1594, %get3A_1595] {strides = array<i32>} : memref<2x3x8x128xf32, #tpu.memory_space<vmem>>, vector<16xf32>,
      %scatter3A_1597 = arith.constant 1 : i32
      %scatter3A_1598 = arith.constant 0 : i32
      %scatter3A_1599 = arith.constant 0 : i32
      %scatter3A_1600 = tpu.memref_slice %arg7[%scatter3A_1597, %scatter3A_1598, %scatter3A_1599] : memref<2x256x128xf32, #tpu.memory_space<vmem>> -> memref<1x256x128xf32, #tpu.memory_space<vmem>>
      %scatter3A_1601 = tpu.memref_squeeze %scatter3A_1600 : memref<1x256x128xf32, #tpu.memory_space<vmem>> -> memref<256x128xf32, #tpu.memory_space<vmem>>
      tpu.vector_store_idx %scatter3A_1601[%add3A_1567, %add3A_20], %get3A_1596 : memref<256x128xf32, #tpu.memory_space<vmem>>[vector<16xi32>, vector<16xi32>], vector<16xf32>,
    }
    %scan3A_1168 = arith.constant 16 : i32
    %mul3A_1169 = arith.constant 4096 : i32
    %mul3A_1170 = arith.muli %add3A, %mul3A_1169 : i32
    %add3A_1171 = arith.constant 2816 : i32
    %add3A_1172 = arith.addi %mul3A_1170, %add3A_1171 : i32
    %dma_start3A_1173 = arith.constant 1 : i32
    %dma_start3A_1174 = arith.constant 0 : i32
    %dma_start3A_1175 = arith.constant 0 : i32
    %dma_start3A_1176 = tpu.memref_slice %arg7[%dma_start3A_1173, %dma_start3A_1174, %dma_start3A_1175] : memref<2x256x128xf32, #tpu.memory_space<vmem>> -> memref<1x256x128xf32, #tpu.memory_space<vmem>>
    %dma_start3A_1177 = tpu.memref_squeeze %dma_start3A_1176 : memref<1x256x128xf32, #tpu.memory_space<vmem>> -> memref<256x128xf32, #tpu.memory_space<vmem>>
    %dma_start3A_1178 = arith.constant 0 : i32
    %dma_start3A_1179 = tpu.memref_slice %arg5[%add3A_1172, %dma_start3A_1178] : memref<131072x128xf32, #tpu.memory_space<hbm>> -> memref<256x128xf32, #tpu.memory_space<hbm>>
    %dma_start3A_1180 = arith.constant 0 : i32
    %dma_start3A_1181 = tpu.memref_slice %arg5[%add3A_1172, %dma_start3A_1180] : memref<131072x128xf32, #tpu.memory_space<hbm>> -> memref<256x128xf32, #tpu.memory_space<hbm>>
    %dma_start3A_1182 = arith.constant 0 : i32
    %dma_start3A_1183 = arith.constant 0 : i32
    %dma_start3A_1184 = tpu.memref_slice %arg7[%dma_start3A_1173, %dma_start3A_1182, %dma_start3A_1183] : memref<2x256x128xf32, #tpu.memory_space<vmem>> -> memref<1x256x128xf32, #tpu.memory_space<vmem>>
    %dma_start3A_1185 = tpu.memref_squeeze %dma_start3A_1184 : memref<1x256x128xf32, #tpu.memory_space<vmem>> -> memref<256x128xf32, #tpu.memory_space<vmem>>
    tpu.enqueue_dma source(%dma_start3A_1185 : memref<256x128xf32, #tpu.memory_space<vmem>>) target(%dma_start3A_1181 : memref<256x128xf32, #tpu.memory_space<hbm>>) target_semaphore(%arg13 : memref<!tpu.dma_semaphore, #tpu.memory_space<semaphore_mem>>)
    %dma_wait3A_1186 = arith.constant 1 : i32
    %dma_wait3A_1187 = arith.constant 0 : i32
    %dma_wait3A_1188 = arith.constant 0 : i32
    %dma_wait3A_1189 = arith.constant 0 : i32
    %dma_wait3A_1190 = arith.constant 0 : i32
    %dma_wait3A_1191 = tpu.memref_slice %arg7[%dma_wait3A_1188, %dma_wait3A_1189, %dma_wait3A_1190] : memref<2x256x128xf32, #tpu.memory_space<vmem>> -> memref<1x128x128xf32, #tpu.memory_space<vmem>>
    %dma_wait3A_1192 = tpu.memref_squeeze %dma_wait3A_1191 : memref<1x128x128xf32, #tpu.memory_space<vmem>> -> memref<128x128xf32, #tpu.memory_space<vmem>>
    %dma_wait3A_1193 = arith.constant 0 : i32
    %dma_wait3A_1194 = tpu.memref_slice %arg6[%dma_wait3A_1186, %dma_wait3A_1187, %dma_wait3A_1193] : memref<2x8x128xi32, #tpu.memory_space<vmem>> -> memref<1x1x128xi32, #tpu.memory_space<vmem>>
    %dma_wait3A_1195 = tpu.memref_squeeze %dma_wait3A_1194 : memref<1x1x128xi32, #tpu.memory_space<vmem>> -> memref<128xi32, #tpu.memory_space<vmem>>
    %dma_wait3A_1196 = arith.constant 0 : i32
    %dma_wait3A_1197 = arith.constant 0 : i32
    %dma_wait3A_1198 = tpu.memref_slice %arg9[%dma_wait3A_1196, %dma_wait3A_1197] : memref<119x128xf32, #tpu.memory_space<vmem_shared>> -> memref<119x128xf32, #tpu.memory_space<vmem_shared>>
    tpu.wait_indirect_dma semaphore(%arg10 : memref<!tpu.dma_semaphore, #tpu.memory_space<semaphore_mem>>) src(%dma_wait3A_1198 : memref<119x128xf32, #tpu.memory_space<vmem_shared>>) dst(%dma_wait3A_1192 : memref<128x128xf32, #tpu.memory_space<vmem>>)
    %dma_wait3A_1199 = arith.constant 1 : i32
    %dma_wait3A_1200 = arith.constant 1 : i32
    %dma_wait3A_1201 = arith.constant 0 : i32
    %dma_wait3A_1202 = arith.constant 128 : i32
    %dma_wait3A_1203 = arith.constant 0 : i32
    %dma_wait3A_1204 = tpu.memref_slice %arg7[%dma_wait3A_1201, %dma_wait3A_1202, %dma_wait3A_1203] : memref<2x256x128xf32, #tpu.memory_space<vmem>> -> memref<1x128x128xf32, #tpu.memory_space<vmem>>
    %dma_wait3A_1205 = tpu.memref_squeeze %dma_wait3A_1204 : memref<1x128x128xf32, #tpu.memory_space<vmem>> -> memref<128x128xf32, #tpu.memory_space<vmem>>
    %dma_wait3A_1206 = arith.constant 0 : i32
    %dma_wait3A_1207 = tpu.memref_slice %arg6[%dma_wait3A_1199, %dma_wait3A_1200, %dma_wait3A_1206] : memref<2x8x128xi32, #tpu.memory_space<vmem>> -> memref<1x1x128xi32, #tpu.memory_space<vmem>>
    %dma_wait3A_1208 = tpu.memref_squeeze %dma_wait3A_1207 : memref<1x1x128xi32, #tpu.memory_space<vmem>> -> memref<128xi32, #tpu.memory_space<vmem>>
    %dma_wait3A_1209 = arith.constant 0 : i32
    %dma_wait3A_1210 = arith.constant 0 : i32
    %dma_wait3A_1211 = tpu.memref_slice %arg9[%dma_wait3A_1209, %dma_wait3A_1210] : memref<119x128xf32, #tpu.memory_space<vmem_shared>> -> memref<119x128xf32, #tpu.memory_space<vmem_shared>>
    tpu.wait_indirect_dma semaphore(%arg10 : memref<!tpu.dma_semaphore, #tpu.memory_space<semaphore_mem>>) src(%dma_wait3A_1211 : memref<119x128xf32, #tpu.memory_space<vmem_shared>>) dst(%dma_wait3A_1205 : memref<128x128xf32, #tpu.memory_space<vmem>>)
    %mul3A_1212 = arith.constant 4096 : i32
    %mul3A_1213 = arith.muli %add3A, %mul3A_1212 : i32
    %add3A_1214 = arith.constant 2816 : i32
    %add3A_1215 = arith.addi %mul3A_1213, %add3A_1214 : i32
    %dma_wait3A_1216 = arith.constant 1 : i32
    %dma_wait3A_1217 = arith.constant 0 : i32
    %dma_wait3A_1218 = arith.constant 0 : i32
    %dma_wait3A_1219 = tpu.memref_slice %arg7[%dma_wait3A_1216, %dma_wait3A_1217, %dma_wait3A_1218] : memref<2x256x128xf32, #tpu.memory_space<vmem>> -> memref<1x256x128xf32, #tpu.memory_space<vmem>>
    %dma_wait3A_1220 = tpu.memref_squeeze %dma_wait3A_1219 : memref<1x256x128xf32, #tpu.memory_space<vmem>> -> memref<256x128xf32, #tpu.memory_space<vmem>>
    %dma_wait3A_1221 = arith.constant 0 : i32
    %dma_wait3A_1222 = tpu.memref_slice %arg5[%add3A_1215, %dma_wait3A_1221] : memref<131072x128xf32, #tpu.memory_space<hbm>> -> memref<256x128xf32, #tpu.memory_space<hbm>>
    %dma_wait3A_1223 = arith.constant 0 : i32
    %dma_wait3A_1224 = tpu.memref_slice %arg5[%add3A_1215, %dma_wait3A_1223] : memref<131072x128xf32, #tpu.memory_space<hbm>> -> memref<256x128xf32, #tpu.memory_space<hbm>>
    %dma_wait3A_1225 = arith.constant 0 : i32
    %dma_wait3A_1226 = arith.constant 0 : i32
    %dma_wait3A_1227 = tpu.memref_slice %arg7[%dma_wait3A_1216, %dma_wait3A_1225, %dma_wait3A_1226] : memref<2x256x128xf32, #tpu.memory_space<vmem>> -> memref<1x256x128xf32, #tpu.memory_space<vmem>>
    %dma_wait3A_1228 = tpu.memref_squeeze %dma_wait3A_1227 : memref<1x256x128xf32, #tpu.memory_space<vmem>> -> memref<256x128xf32, #tpu.memory_space<vmem>>
    tpu.wait_dma2 semaphore(%arg13 : memref<!tpu.dma_semaphore, #tpu.memory_space<semaphore_mem>>) src(%dma_wait3A_1228 : memref<256x128xf32, #tpu.memory_space<vmem>>) dst(%dma_wait3A_1224 : memref<256x128xf32, #tpu.memory_space<hbm>>)
    %dma_start3A_1229 = arith.constant 1 : i32
    %dma_start3A_1230 = arith.constant 2 : i32
    %dma_start3A_1231 = arith.constant 1 : i32
    %dma_start3A_1232 = arith.constant 0 : i32
    %dma_start3A_1233 = arith.constant 0 : i32
    %dma_start3A_1234 = tpu.memref_slice %arg7[%dma_start3A_1231, %dma_start3A_1232, %dma_start3A_1233] : memref<2x256x128xf32, #tpu.memory_space<vmem>> -> memref<1x128x128xf32, #tpu.memory_space<vmem>>
    %dma_start3A_1235 = tpu.memref_squeeze %dma_start3A_1234 : memref<1x128x128xf32, #tpu.memory_space<vmem>> -> memref<128x128xf32, #tpu.memory_space<vmem>>
    %dma_start3A_1236 = arith.constant 0 : i32
    %dma_start3A_1237 = tpu.memref_slice %arg6[%dma_start3A_1229, %dma_start3A_1230, %dma_start3A_1236] : memref<2x8x128xi32, #tpu.memory_space<vmem>> -> memref<1x1x128xi32, #tpu.memory_space<vmem>>
    %dma_start3A_1238 = tpu.memref_squeeze %dma_start3A_1237 : memref<1x1x128xi32, #tpu.memory_space<vmem>> -> memref<128xi32, #tpu.memory_space<vmem>>
    %dma_start3A_1239 = arith.constant 0 : i32
    %dma_start3A_1240 = arith.constant 0 : i32
    %dma_start3A_1241 = tpu.memref_slice %arg9[%dma_start3A_1239, %dma_start3A_1240] : memref<119x128xf32, #tpu.memory_space<vmem_shared>> -> memref<119x128xf32, #tpu.memory_space<vmem_shared>>
    tpu.enqueue_indirect_dma source(%dma_start3A_1241 : memref<119x128xf32, #tpu.memory_space<vmem_shared>>) target(%dma_start3A_1235 : memref<128x128xf32, #tpu.memory_space<vmem>>) offsets(%dma_start3A_1238 : memref<128xi32, #tpu.memory_space<vmem>>) semaphore(%arg11 : memref<!tpu.dma_semaphore, #tpu.memory_space<semaphore_mem>>)
    %dma_start3A_1242 = arith.constant 1 : i32
    %dma_start3A_1243 = arith.constant 3 : i32
    %dma_start3A_1244 = arith.constant 1 : i32
    %dma_start3A_1245 = arith.constant 128 : i32
    %dma_start3A_1246 = arith.constant 0 : i32
    %dma_start3A_1247 = tpu.memref_slice %arg7[%dma_start3A_1244, %dma_start3A_1245, %dma_start3A_1246] : memref<2x256x128xf32, #tpu.memory_space<vmem>> -> memref<1x128x128xf32, #tpu.memory_space<vmem>>
    %dma_start3A_1248 = tpu.memref_squeeze %dma_start3A_1247 : memref<1x128x128xf32, #tpu.memory_space<vmem>> -> memref<128x128xf32, #tpu.memory_space<vmem>>
    %dma_start3A_1249 = arith.constant 0 : i32
    %dma_start3A_1250 = tpu.memref_slice %arg6[%dma_start3A_1242, %dma_start3A_1243, %dma_start3A_1249] : memref<2x8x128xi32, #tpu.memory_space<vmem>> -> memref<1x1x128xi32, #tpu.memory_space<vmem>>
    %dma_start3A_1251 = tpu.memref_squeeze %dma_start3A_1250 : memref<1x1x128xi32, #tpu.memory_space<vmem>> -> memref<128xi32, #tpu.memory_space<vmem>>
    %dma_start3A_1252 = arith.constant 0 : i32
    %dma_start3A_1253 = arith.constant 0 : i32
    %dma_start3A_1254 = tpu.memref_slice %arg9[%dma_start3A_1252, %dma_start3A_1253] : memref<119x128xf32, #tpu.memory_space<vmem_shared>> -> memref<119x128xf32, #tpu.memory_space<vmem_shared>>
    tpu.enqueue_indirect_dma source(%dma_start3A_1254 : memref<119x128xf32, #tpu.memory_space<vmem_shared>>) target(%dma_start3A_1248 : memref<128x128xf32, #tpu.memory_space<vmem>>) offsets(%dma_start3A_1251 : memref<128xi32, #tpu.memory_space<vmem>>) semaphore(%arg11 : memref<!tpu.dma_semaphore, #tpu.memory_space<semaphore_mem>>)
    %scan3A_1255 = arith.constant 0 : i32
    %scan3A_1256 = arith.constant 0 : i32
    %scan3A_1257 = arith.constant 16 : i32
    %scan3A_1258 = arith.addi %scan3A_1256, %scan3A_1257 : i32
    %scan3A_1259 = arith.constant 1 : i32
    scf.for %scan3A_1528 = %scan3A_1256 to %scan3A_1258 step %scan3A_1259  : i32 {
      %jit3A = arith.constant 8 : i32
      %div3A = arith.divsi %scan3A_1528, %jit3A : i32
      %sign3A = arith.constant 0 : i32
      %sign3A_1529 = arith.cmpi sgt, %scan3A_1528, %sign3A : i32
      %sign3A_1530 = arith.extui %sign3A_1529 : i1 to i32
      %sign3A_1531 = arith.constant 0 : i32
      %sign3A_1532 = arith.cmpi slt, %scan3A_1528, %sign3A_1531 : i32
      %sign3A_1533 = arith.extui %sign3A_1532 : i1 to i32
      %sign3A_1534 = arith.subi %sign3A_1530, %sign3A_1533 : i32
      %sign3A_1535 = arith.constant 0 : i32
      %sign3A_1536 = arith.cmpi sgt, %jit3A, %sign3A_1535 : i32
      %sign3A_1537 = arith.extui %sign3A_1536 : i1 to i32
      %sign3A_1538 = arith.constant 0 : i32
      %sign3A_1539 = arith.cmpi slt, %jit3A, %sign3A_1538 : i32
      %sign3A_1540 = arith.extui %sign3A_1539 : i1 to i32
      %sign3A_1541 = arith.subi %sign3A_1537, %sign3A_1540 : i32
      %ne3A = arith.cmpi ne, %sign3A_1534, %sign3A_1541 : i32
      %rem3A = arith.remsi %scan3A_1528, %jit3A : i32
      %ne3A_1542 = arith.constant 0 : i32
      %ne3A_1543 = arith.cmpi ne, %rem3A, %ne3A_1542 : i32
      %and3A = arith.andi %ne3A, %ne3A_1543 : i1
      %sub3A = arith.constant 1 : i32
      %sub3A_1544 = arith.subi %div3A, %sub3A : i32
      %select_n3A = arith.select %and3A, %sub3A_1544, %div3A : i32
      %add3A_1545 = arith.constant 0 : i32
      %add3A_1546 = arith.addi %add3A_1545, %select_n3A : i32
      %jit3A_1547 = arith.constant 8 : i32
      %eq3A_1548 = arith.constant 0 : i32
      %eq3A_1549 = arith.cmpi eq, %jit3A_1547, %eq3A_1548 : i32
      %jit3A_1550 = arith.constant 1 : i32
      %select_n3A_1551 = arith.select %eq3A_1549, %jit3A_1550, %jit3A_1547 : i32
      %rem3A_1552 = arith.remsi %scan3A_1528, %select_n3A_1551 : i32
      %ne3A_1553 = arith.constant 0 : i32
      %ne3A_1554 = arith.cmpi ne, %rem3A_1552, %ne3A_1553 : i32
      %lt3A = arith.constant 0 : i32
      %lt3A_1555 = arith.cmpi slt, %rem3A_1552, %lt3A : i32
      %lt3A_1556 = arith.constant 0 : i32
      %lt3A_1557 = arith.cmpi slt, %select_n3A_1551, %lt3A_1556 : i32
      %ne3A_1558 = arith.xori %lt3A_1555, %lt3A_1557 : i1
      %and3A_1559 = arith.andi %ne3A_1558, %ne3A_1554 : i1
      %add3A_1560 = arith.addi %rem3A_1552, %select_n3A_1551 : i32
      %select_n3A_1561 = arith.select %and3A_1559, %add3A_1560, %rem3A_1552 : i32
      %mul3A_1562 = arith.constant 16 : i32
      %mul3A_1563 = arith.muli %select_n3A_1561, %mul3A_1562 : i32
      %mul3A_1564 = arith.constant 16 : i32
      %mul3A_1565 = arith.muli %scan3A_1528, %mul3A_1564 : i32
      %add3A_1566 = vector.broadcast %mul3A_1565 : i32 to vector<16xi32>
      %add3A_1567 = arith.addi %iota3A, %add3A_1566 : vector<16xi32>
      %get3A = arith.constant 1 : i32
      %get3A_1568 = arith.constant 0 : i32
      %get3A_1569 = arith.index_cast %get3A : i32 to index
      %get3A_1570 = arith.index_cast %get3A_1568 : i32 to index
      %get3A_1571 = arith.index_cast %add3A_1546 : i32 to index
      %get3A_1572 = arith.index_cast %mul3A_1563 : i32 to index
      %get3A_1573 = tpu.vector_load %arg8[%get3A_1569, %get3A_1570, %get3A_1571, %get3A_1572] {strides = array<i32>} : memref<2x3x8x128xf32, #tpu.memory_space<vmem>>, vector<16xf32>,
      %scatter3A = arith.constant 0 : i32
      %scatter3A_1574 = arith.constant 0 : i32
      %scatter3A_1575 = arith.constant 0 : i32
      %scatter3A_1576 = tpu.memref_slice %arg7[%scatter3A, %scatter3A_1574, %scatter3A_1575] : memref<2x256x128xf32, #tpu.memory_space<vmem>> -> memref<1x256x128xf32, #tpu.memory_space<vmem>>
      %scatter3A_1577 = tpu.memref_squeeze %scatter3A_1576 : memref<1x256x128xf32, #tpu.memory_space<vmem>> -> memref<256x128xf32, #tpu.memory_space<vmem>>
      tpu.vector_store_idx %scatter3A_1577[%add3A_1567, %add3A_8], %get3A_1573 : memref<256x128xf32, #tpu.memory_space<vmem>>[vector<16xi32>, vector<16xi32>], vector<16xf32>,
      %get3A_1578 = arith.constant 1 : i32
      %get3A_1579 = arith.constant 1 : i32
      %get3A_1580 = arith.index_cast %get3A_1578 : i32 to index
      %get3A_1581 = arith.index_cast %get3A_1579 : i32 to index
      %get3A_1582 = arith.index_cast %add3A_1546 : i32 to index
      %get3A_1583 = arith.index_cast %mul3A_1563 : i32 to index
      %get3A_1584 = tpu.vector_load %arg8[%get3A_1580, %get3A_1581, %get3A_1582, %get3A_1583] {strides = array<i32>} : memref<2x3x8x128xf32, #tpu.memory_space<vmem>>, vector<16xf32>,
      %scatter3A_1585 = arith.constant 0 : i32
      %scatter3A_1586 = arith.constant 0 : i32
      %scatter3A_1587 = arith.constant 0 : i32
      %scatter3A_1588 = tpu.memref_slice %arg7[%scatter3A_1585, %scatter3A_1586, %scatter3A_1587] : memref<2x256x128xf32, #tpu.memory_space<vmem>> -> memref<1x256x128xf32, #tpu.memory_space<vmem>>
      %scatter3A_1589 = tpu.memref_squeeze %scatter3A_1588 : memref<1x256x128xf32, #tpu.memory_space<vmem>> -> memref<256x128xf32, #tpu.memory_space<vmem>>
      tpu.vector_store_idx %scatter3A_1589[%add3A_1567, %add3A_14], %get3A_1584 : memref<256x128xf32, #tpu.memory_space<vmem>>[vector<16xi32>, vector<16xi32>], vector<16xf32>,
      %get3A_1590 = arith.constant 1 : i32
      %get3A_1591 = arith.constant 2 : i32
      %get3A_1592 = arith.index_cast %get3A_1590 : i32 to index
      %get3A_1593 = arith.index_cast %get3A_1591 : i32 to index
      %get3A_1594 = arith.index_cast %add3A_1546 : i32 to index
      %get3A_1595 = arith.index_cast %mul3A_1563 : i32 to index
      %get3A_1596 = tpu.vector_load %arg8[%get3A_1592, %get3A_1593, %get3A_1594, %get3A_1595] {strides = array<i32>} : memref<2x3x8x128xf32, #tpu.memory_space<vmem>>, vector<16xf32>,
      %scatter3A_1597 = arith.constant 0 : i32
      %scatter3A_1598 = arith.constant 0 : i32
      %scatter3A_1599 = arith.constant 0 : i32
      %scatter3A_1600 = tpu.memref_slice %arg7[%scatter3A_1597, %scatter3A_1598, %scatter3A_1599] : memref<2x256x128xf32, #tpu.memory_space<vmem>> -> memref<1x256x128xf32, #tpu.memory_space<vmem>>
      %scatter3A_1601 = tpu.memref_squeeze %scatter3A_1600 : memref<1x256x128xf32, #tpu.memory_space<vmem>> -> memref<256x128xf32, #tpu.memory_space<vmem>>
      tpu.vector_store_idx %scatter3A_1601[%add3A_1567, %add3A_20], %get3A_1596 : memref<256x128xf32, #tpu.memory_space<vmem>>[vector<16xi32>, vector<16xi32>], vector<16xf32>,
    }
    %scan3A_1260 = arith.constant 16 : i32
    %mul3A_1261 = arith.constant 4096 : i32
    %mul3A_1262 = arith.muli %add3A, %mul3A_1261 : i32
    %add3A_1263 = arith.constant 3072 : i32
    %add3A_1264 = arith.addi %mul3A_1262, %add3A_1263 : i32
    %dma_start3A_1265 = arith.constant 0 : i32
    %dma_start3A_1266 = arith.constant 0 : i32
    %dma_start3A_1267 = arith.constant 0 : i32
    %dma_start3A_1268 = tpu.memref_slice %arg7[%dma_start3A_1265, %dma_start3A_1266, %dma_start3A_1267] : memref<2x256x128xf32, #tpu.memory_space<vmem>> -> memref<1x256x128xf32, #tpu.memory_space<vmem>>
    %dma_start3A_1269 = tpu.memref_squeeze %dma_start3A_1268 : memref<1x256x128xf32, #tpu.memory_space<vmem>> -> memref<256x128xf32, #tpu.memory_space<vmem>>
    %dma_start3A_1270 = arith.constant 0 : i32
    %dma_start3A_1271 = tpu.memref_slice %arg5[%add3A_1264, %dma_start3A_1270] : memref<131072x128xf32, #tpu.memory_space<hbm>> -> memref<256x128xf32, #tpu.memory_space<hbm>>
    %dma_start3A_1272 = arith.constant 0 : i32
    %dma_start3A_1273 = tpu.memref_slice %arg5[%add3A_1264, %dma_start3A_1272] : memref<131072x128xf32, #tpu.memory_space<hbm>> -> memref<256x128xf32, #tpu.memory_space<hbm>>
    %dma_start3A_1274 = arith.constant 0 : i32
    %dma_start3A_1275 = arith.constant 0 : i32
    %dma_start3A_1276 = tpu.memref_slice %arg7[%dma_start3A_1265, %dma_start3A_1274, %dma_start3A_1275] : memref<2x256x128xf32, #tpu.memory_space<vmem>> -> memref<1x256x128xf32, #tpu.memory_space<vmem>>
    %dma_start3A_1277 = tpu.memref_squeeze %dma_start3A_1276 : memref<1x256x128xf32, #tpu.memory_space<vmem>> -> memref<256x128xf32, #tpu.memory_space<vmem>>
    tpu.enqueue_dma source(%dma_start3A_1277 : memref<256x128xf32, #tpu.memory_space<vmem>>) target(%dma_start3A_1273 : memref<256x128xf32, #tpu.memory_space<hbm>>) target_semaphore(%arg12 : memref<!tpu.dma_semaphore, #tpu.memory_space<semaphore_mem>>)
    %dma_wait3A_1278 = arith.constant 1 : i32
    %dma_wait3A_1279 = arith.constant 2 : i32
    %dma_wait3A_1280 = arith.constant 1 : i32
    %dma_wait3A_1281 = arith.constant 0 : i32
    %dma_wait3A_1282 = arith.constant 0 : i32
    %dma_wait3A_1283 = tpu.memref_slice %arg7[%dma_wait3A_1280, %dma_wait3A_1281, %dma_wait3A_1282] : memref<2x256x128xf32, #tpu.memory_space<vmem>> -> memref<1x128x128xf32, #tpu.memory_space<vmem>>
    %dma_wait3A_1284 = tpu.memref_squeeze %dma_wait3A_1283 : memref<1x128x128xf32, #tpu.memory_space<vmem>> -> memref<128x128xf32, #tpu.memory_space<vmem>>
    %dma_wait3A_1285 = arith.constant 0 : i32
    %dma_wait3A_1286 = tpu.memref_slice %arg6[%dma_wait3A_1278, %dma_wait3A_1279, %dma_wait3A_1285] : memref<2x8x128xi32, #tpu.memory_space<vmem>> -> memref<1x1x128xi32, #tpu.memory_space<vmem>>
    %dma_wait3A_1287 = tpu.memref_squeeze %dma_wait3A_1286 : memref<1x1x128xi32, #tpu.memory_space<vmem>> -> memref<128xi32, #tpu.memory_space<vmem>>
    %dma_wait3A_1288 = arith.constant 0 : i32
    %dma_wait3A_1289 = arith.constant 0 : i32
    %dma_wait3A_1290 = tpu.memref_slice %arg9[%dma_wait3A_1288, %dma_wait3A_1289] : memref<119x128xf32, #tpu.memory_space<vmem_shared>> -> memref<119x128xf32, #tpu.memory_space<vmem_shared>>
    tpu.wait_indirect_dma semaphore(%arg11 : memref<!tpu.dma_semaphore, #tpu.memory_space<semaphore_mem>>) src(%dma_wait3A_1290 : memref<119x128xf32, #tpu.memory_space<vmem_shared>>) dst(%dma_wait3A_1284 : memref<128x128xf32, #tpu.memory_space<vmem>>)
    %dma_wait3A_1291 = arith.constant 1 : i32
    %dma_wait3A_1292 = arith.constant 3 : i32
    %dma_wait3A_1293 = arith.constant 1 : i32
    %dma_wait3A_1294 = arith.constant 128 : i32
    %dma_wait3A_1295 = arith.constant 0 : i32
    %dma_wait3A_1296 = tpu.memref_slice %arg7[%dma_wait3A_1293, %dma_wait3A_1294, %dma_wait3A_1295] : memref<2x256x128xf32, #tpu.memory_space<vmem>> -> memref<1x128x128xf32, #tpu.memory_space<vmem>>
    %dma_wait3A_1297 = tpu.memref_squeeze %dma_wait3A_1296 : memref<1x128x128xf32, #tpu.memory_space<vmem>> -> memref<128x128xf32, #tpu.memory_space<vmem>>
    %dma_wait3A_1298 = arith.constant 0 : i32
    %dma_wait3A_1299 = tpu.memref_slice %arg6[%dma_wait3A_1291, %dma_wait3A_1292, %dma_wait3A_1298] : memref<2x8x128xi32, #tpu.memory_space<vmem>> -> memref<1x1x128xi32, #tpu.memory_space<vmem>>
    %dma_wait3A_1300 = tpu.memref_squeeze %dma_wait3A_1299 : memref<1x1x128xi32, #tpu.memory_space<vmem>> -> memref<128xi32, #tpu.memory_space<vmem>>
    %dma_wait3A_1301 = arith.constant 0 : i32
    %dma_wait3A_1302 = arith.constant 0 : i32
    %dma_wait3A_1303 = tpu.memref_slice %arg9[%dma_wait3A_1301, %dma_wait3A_1302] : memref<119x128xf32, #tpu.memory_space<vmem_shared>> -> memref<119x128xf32, #tpu.memory_space<vmem_shared>>
    tpu.wait_indirect_dma semaphore(%arg11 : memref<!tpu.dma_semaphore, #tpu.memory_space<semaphore_mem>>) src(%dma_wait3A_1303 : memref<119x128xf32, #tpu.memory_space<vmem_shared>>) dst(%dma_wait3A_1297 : memref<128x128xf32, #tpu.memory_space<vmem>>)
    %mul3A_1304 = arith.constant 4096 : i32
    %mul3A_1305 = arith.muli %add3A, %mul3A_1304 : i32
    %add3A_1306 = arith.constant 3072 : i32
    %add3A_1307 = arith.addi %mul3A_1305, %add3A_1306 : i32
    %dma_wait3A_1308 = arith.constant 0 : i32
    %dma_wait3A_1309 = arith.constant 0 : i32
    %dma_wait3A_1310 = arith.constant 0 : i32
    %dma_wait3A_1311 = tpu.memref_slice %arg7[%dma_wait3A_1308, %dma_wait3A_1309, %dma_wait3A_1310] : memref<2x256x128xf32, #tpu.memory_space<vmem>> -> memref<1x256x128xf32, #tpu.memory_space<vmem>>
    %dma_wait3A_1312 = tpu.memref_squeeze %dma_wait3A_1311 : memref<1x256x128xf32, #tpu.memory_space<vmem>> -> memref<256x128xf32, #tpu.memory_space<vmem>>
    %dma_wait3A_1313 = arith.constant 0 : i32
    %dma_wait3A_1314 = tpu.memref_slice %arg5[%add3A_1307, %dma_wait3A_1313] : memref<131072x128xf32, #tpu.memory_space<hbm>> -> memref<256x128xf32, #tpu.memory_space<hbm>>
    %dma_wait3A_1315 = arith.constant 0 : i32
    %dma_wait3A_1316 = tpu.memref_slice %arg5[%add3A_1307, %dma_wait3A_1315] : memref<131072x128xf32, #tpu.memory_space<hbm>> -> memref<256x128xf32, #tpu.memory_space<hbm>>
    %dma_wait3A_1317 = arith.constant 0 : i32
    %dma_wait3A_1318 = arith.constant 0 : i32
    %dma_wait3A_1319 = tpu.memref_slice %arg7[%dma_wait3A_1308, %dma_wait3A_1317, %dma_wait3A_1318] : memref<2x256x128xf32, #tpu.memory_space<vmem>> -> memref<1x256x128xf32, #tpu.memory_space<vmem>>
    %dma_wait3A_1320 = tpu.memref_squeeze %dma_wait3A_1319 : memref<1x256x128xf32, #tpu.memory_space<vmem>> -> memref<256x128xf32, #tpu.memory_space<vmem>>
    tpu.wait_dma2 semaphore(%arg12 : memref<!tpu.dma_semaphore, #tpu.memory_space<semaphore_mem>>) src(%dma_wait3A_1320 : memref<256x128xf32, #tpu.memory_space<vmem>>) dst(%dma_wait3A_1316 : memref<256x128xf32, #tpu.memory_space<hbm>>)
    %dma_start3A_1321 = arith.constant 1 : i32
    %dma_start3A_1322 = arith.constant 4 : i32
    %dma_start3A_1323 = arith.constant 0 : i32
    %dma_start3A_1324 = arith.constant 0 : i32
    %dma_start3A_1325 = arith.constant 0 : i32
    %dma_start3A_1326 = tpu.memref_slice %arg7[%dma_start3A_1323, %dma_start3A_1324, %dma_start3A_1325] : memref<2x256x128xf32, #tpu.memory_space<vmem>> -> memref<1x128x128xf32, #tpu.memory_space<vmem>>
    %dma_start3A_1327 = tpu.memref_squeeze %dma_start3A_1326 : memref<1x128x128xf32, #tpu.memory_space<vmem>> -> memref<128x128xf32, #tpu.memory_space<vmem>>
    %dma_start3A_1328 = arith.constant 0 : i32
    %dma_start3A_1329 = tpu.memref_slice %arg6[%dma_start3A_1321, %dma_start3A_1322, %dma_start3A_1328] : memref<2x8x128xi32, #tpu.memory_space<vmem>> -> memref<1x1x128xi32, #tpu.memory_space<vmem>>
    %dma_start3A_1330 = tpu.memref_squeeze %dma_start3A_1329 : memref<1x1x128xi32, #tpu.memory_space<vmem>> -> memref<128xi32, #tpu.memory_space<vmem>>
    %dma_start3A_1331 = arith.constant 0 : i32
    %dma_start3A_1332 = arith.constant 0 : i32
    %dma_start3A_1333 = tpu.memref_slice %arg9[%dma_start3A_1331, %dma_start3A_1332] : memref<119x128xf32, #tpu.memory_space<vmem_shared>> -> memref<119x128xf32, #tpu.memory_space<vmem_shared>>
    tpu.enqueue_indirect_dma source(%dma_start3A_1333 : memref<119x128xf32, #tpu.memory_space<vmem_shared>>) target(%dma_start3A_1327 : memref<128x128xf32, #tpu.memory_space<vmem>>) offsets(%dma_start3A_1330 : memref<128xi32, #tpu.memory_space<vmem>>) semaphore(%arg10 : memref<!tpu.dma_semaphore, #tpu.memory_space<semaphore_mem>>)
    %dma_start3A_1334 = arith.constant 1 : i32
    %dma_start3A_1335 = arith.constant 5 : i32
    %dma_start3A_1336 = arith.constant 0 : i32
    %dma_start3A_1337 = arith.constant 128 : i32
    %dma_start3A_1338 = arith.constant 0 : i32
    %dma_start3A_1339 = tpu.memref_slice %arg7[%dma_start3A_1336, %dma_start3A_1337, %dma_start3A_1338] : memref<2x256x128xf32, #tpu.memory_space<vmem>> -> memref<1x128x128xf32, #tpu.memory_space<vmem>>
    %dma_start3A_1340 = tpu.memref_squeeze %dma_start3A_1339 : memref<1x128x128xf32, #tpu.memory_space<vmem>> -> memref<128x128xf32, #tpu.memory_space<vmem>>
    %dma_start3A_1341 = arith.constant 0 : i32
    %dma_start3A_1342 = tpu.memref_slice %arg6[%dma_start3A_1334, %dma_start3A_1335, %dma_start3A_1341] : memref<2x8x128xi32, #tpu.memory_space<vmem>> -> memref<1x1x128xi32, #tpu.memory_space<vmem>>
    %dma_start3A_1343 = tpu.memref_squeeze %dma_start3A_1342 : memref<1x1x128xi32, #tpu.memory_space<vmem>> -> memref<128xi32, #tpu.memory_space<vmem>>
    %dma_start3A_1344 = arith.constant 0 : i32
    %dma_start3A_1345 = arith.constant 0 : i32
    %dma_start3A_1346 = tpu.memref_slice %arg9[%dma_start3A_1344, %dma_start3A_1345] : memref<119x128xf32, #tpu.memory_space<vmem_shared>> -> memref<119x128xf32, #tpu.memory_space<vmem_shared>>
    tpu.enqueue_indirect_dma source(%dma_start3A_1346 : memref<119x128xf32, #tpu.memory_space<vmem_shared>>) target(%dma_start3A_1340 : memref<128x128xf32, #tpu.memory_space<vmem>>) offsets(%dma_start3A_1343 : memref<128xi32, #tpu.memory_space<vmem>>) semaphore(%arg10 : memref<!tpu.dma_semaphore, #tpu.memory_space<semaphore_mem>>)
    %scan3A_1347 = arith.constant 0 : i32
    %scan3A_1348 = arith.constant 0 : i32
    %scan3A_1349 = arith.constant 16 : i32
    %scan3A_1350 = arith.addi %scan3A_1348, %scan3A_1349 : i32
    %scan3A_1351 = arith.constant 1 : i32
    scf.for %scan3A_1528 = %scan3A_1348 to %scan3A_1350 step %scan3A_1351  : i32 {
      %jit3A = arith.constant 8 : i32
      %div3A = arith.divsi %scan3A_1528, %jit3A : i32
      %sign3A = arith.constant 0 : i32
      %sign3A_1529 = arith.cmpi sgt, %scan3A_1528, %sign3A : i32
      %sign3A_1530 = arith.extui %sign3A_1529 : i1 to i32
      %sign3A_1531 = arith.constant 0 : i32
      %sign3A_1532 = arith.cmpi slt, %scan3A_1528, %sign3A_1531 : i32
      %sign3A_1533 = arith.extui %sign3A_1532 : i1 to i32
      %sign3A_1534 = arith.subi %sign3A_1530, %sign3A_1533 : i32
      %sign3A_1535 = arith.constant 0 : i32
      %sign3A_1536 = arith.cmpi sgt, %jit3A, %sign3A_1535 : i32
      %sign3A_1537 = arith.extui %sign3A_1536 : i1 to i32
      %sign3A_1538 = arith.constant 0 : i32
      %sign3A_1539 = arith.cmpi slt, %jit3A, %sign3A_1538 : i32
      %sign3A_1540 = arith.extui %sign3A_1539 : i1 to i32
      %sign3A_1541 = arith.subi %sign3A_1537, %sign3A_1540 : i32
      %ne3A = arith.cmpi ne, %sign3A_1534, %sign3A_1541 : i32
      %rem3A = arith.remsi %scan3A_1528, %jit3A : i32
      %ne3A_1542 = arith.constant 0 : i32
      %ne3A_1543 = arith.cmpi ne, %rem3A, %ne3A_1542 : i32
      %and3A = arith.andi %ne3A, %ne3A_1543 : i1
      %sub3A = arith.constant 1 : i32
      %sub3A_1544 = arith.subi %div3A, %sub3A : i32
      %select_n3A = arith.select %and3A, %sub3A_1544, %div3A : i32
      %add3A_1545 = arith.constant 2 : i32
      %add3A_1546 = arith.addi %add3A_1545, %select_n3A : i32
      %jit3A_1547 = arith.constant 8 : i32
      %eq3A_1548 = arith.constant 0 : i32
      %eq3A_1549 = arith.cmpi eq, %jit3A_1547, %eq3A_1548 : i32
      %jit3A_1550 = arith.constant 1 : i32
      %select_n3A_1551 = arith.select %eq3A_1549, %jit3A_1550, %jit3A_1547 : i32
      %rem3A_1552 = arith.remsi %scan3A_1528, %select_n3A_1551 : i32
      %ne3A_1553 = arith.constant 0 : i32
      %ne3A_1554 = arith.cmpi ne, %rem3A_1552, %ne3A_1553 : i32
      %lt3A = arith.constant 0 : i32
      %lt3A_1555 = arith.cmpi slt, %rem3A_1552, %lt3A : i32
      %lt3A_1556 = arith.constant 0 : i32
      %lt3A_1557 = arith.cmpi slt, %select_n3A_1551, %lt3A_1556 : i32
      %ne3A_1558 = arith.xori %lt3A_1555, %lt3A_1557 : i1
      %and3A_1559 = arith.andi %ne3A_1558, %ne3A_1554 : i1
      %add3A_1560 = arith.addi %rem3A_1552, %select_n3A_1551 : i32
      %select_n3A_1561 = arith.select %and3A_1559, %add3A_1560, %rem3A_1552 : i32
      %mul3A_1562 = arith.constant 16 : i32
      %mul3A_1563 = arith.muli %select_n3A_1561, %mul3A_1562 : i32
      %mul3A_1564 = arith.constant 16 : i32
      %mul3A_1565 = arith.muli %scan3A_1528, %mul3A_1564 : i32
      %add3A_1566 = vector.broadcast %mul3A_1565 : i32 to vector<16xi32>
      %add3A_1567 = arith.addi %iota3A, %add3A_1566 : vector<16xi32>
      %get3A = arith.constant 1 : i32
      %get3A_1568 = arith.constant 0 : i32
      %get3A_1569 = arith.index_cast %get3A : i32 to index
      %get3A_1570 = arith.index_cast %get3A_1568 : i32 to index
      %get3A_1571 = arith.index_cast %add3A_1546 : i32 to index
      %get3A_1572 = arith.index_cast %mul3A_1563 : i32 to index
      %get3A_1573 = tpu.vector_load %arg8[%get3A_1569, %get3A_1570, %get3A_1571, %get3A_1572] {strides = array<i32>} : memref<2x3x8x128xf32, #tpu.memory_space<vmem>>, vector<16xf32>,
      %scatter3A = arith.constant 1 : i32
      %scatter3A_1574 = arith.constant 0 : i32
      %scatter3A_1575 = arith.constant 0 : i32
      %scatter3A_1576 = tpu.memref_slice %arg7[%scatter3A, %scatter3A_1574, %scatter3A_1575] : memref<2x256x128xf32, #tpu.memory_space<vmem>> -> memref<1x256x128xf32, #tpu.memory_space<vmem>>
      %scatter3A_1577 = tpu.memref_squeeze %scatter3A_1576 : memref<1x256x128xf32, #tpu.memory_space<vmem>> -> memref<256x128xf32, #tpu.memory_space<vmem>>
      tpu.vector_store_idx %scatter3A_1577[%add3A_1567, %add3A_8], %get3A_1573 : memref<256x128xf32, #tpu.memory_space<vmem>>[vector<16xi32>, vector<16xi32>], vector<16xf32>,
      %get3A_1578 = arith.constant 1 : i32
      %get3A_1579 = arith.constant 1 : i32
      %get3A_1580 = arith.index_cast %get3A_1578 : i32 to index
      %get3A_1581 = arith.index_cast %get3A_1579 : i32 to index
      %get3A_1582 = arith.index_cast %add3A_1546 : i32 to index
      %get3A_1583 = arith.index_cast %mul3A_1563 : i32 to index
      %get3A_1584 = tpu.vector_load %arg8[%get3A_1580, %get3A_1581, %get3A_1582, %get3A_1583] {strides = array<i32>} : memref<2x3x8x128xf32, #tpu.memory_space<vmem>>, vector<16xf32>,
      %scatter3A_1585 = arith.constant 1 : i32
      %scatter3A_1586 = arith.constant 0 : i32
      %scatter3A_1587 = arith.constant 0 : i32
      %scatter3A_1588 = tpu.memref_slice %arg7[%scatter3A_1585, %scatter3A_1586, %scatter3A_1587] : memref<2x256x128xf32, #tpu.memory_space<vmem>> -> memref<1x256x128xf32, #tpu.memory_space<vmem>>
      %scatter3A_1589 = tpu.memref_squeeze %scatter3A_1588 : memref<1x256x128xf32, #tpu.memory_space<vmem>> -> memref<256x128xf32, #tpu.memory_space<vmem>>
      tpu.vector_store_idx %scatter3A_1589[%add3A_1567, %add3A_14], %get3A_1584 : memref<256x128xf32, #tpu.memory_space<vmem>>[vector<16xi32>, vector<16xi32>], vector<16xf32>,
      %get3A_1590 = arith.constant 1 : i32
      %get3A_1591 = arith.constant 2 : i32
      %get3A_1592 = arith.index_cast %get3A_1590 : i32 to index
      %get3A_1593 = arith.index_cast %get3A_1591 : i32 to index
      %get3A_1594 = arith.index_cast %add3A_1546 : i32 to index
      %get3A_1595 = arith.index_cast %mul3A_1563 : i32 to index
      %get3A_1596 = tpu.vector_load %arg8[%get3A_1592, %get3A_1593, %get3A_1594, %get3A_1595] {strides = array<i32>} : memref<2x3x8x128xf32, #tpu.memory_space<vmem>>, vector<16xf32>,
      %scatter3A_1597 = arith.constant 1 : i32
      %scatter3A_1598 = arith.constant 0 : i32
      %scatter3A_1599 = arith.constant 0 : i32
      %scatter3A_1600 = tpu.memref_slice %arg7[%scatter3A_1597, %scatter3A_1598, %scatter3A_1599] : memref<2x256x128xf32, #tpu.memory_space<vmem>> -> memref<1x256x128xf32, #tpu.memory_space<vmem>>
      %scatter3A_1601 = tpu.memref_squeeze %scatter3A_1600 : memref<1x256x128xf32, #tpu.memory_space<vmem>> -> memref<256x128xf32, #tpu.memory_space<vmem>>
      tpu.vector_store_idx %scatter3A_1601[%add3A_1567, %add3A_20], %get3A_1596 : memref<256x128xf32, #tpu.memory_space<vmem>>[vector<16xi32>, vector<16xi32>], vector<16xf32>,
    }
    %scan3A_1352 = arith.constant 16 : i32
    %mul3A_1353 = arith.constant 4096 : i32
    %mul3A_1354 = arith.muli %add3A, %mul3A_1353 : i32
    %add3A_1355 = arith.constant 3328 : i32
    %add3A_1356 = arith.addi %mul3A_1354, %add3A_1355 : i32
    %dma_start3A_1357 = arith.constant 1 : i32
    %dma_start3A_1358 = arith.constant 0 : i32
    %dma_start3A_1359 = arith.constant 0 : i32
    %dma_start3A_1360 = tpu.memref_slice %arg7[%dma_start3A_1357, %dma_start3A_1358, %dma_start3A_1359] : memref<2x256x128xf32, #tpu.memory_space<vmem>> -> memref<1x256x128xf32, #tpu.memory_space<vmem>>
    %dma_start3A_1361 = tpu.memref_squeeze %dma_start3A_1360 : memref<1x256x128xf32, #tpu.memory_space<vmem>> -> memref<256x128xf32, #tpu.memory_space<vmem>>
    %dma_start3A_1362 = arith.constant 0 : i32
    %dma_start3A_1363 = tpu.memref_slice %arg5[%add3A_1356, %dma_start3A_1362] : memref<131072x128xf32, #tpu.memory_space<hbm>> -> memref<256x128xf32, #tpu.memory_space<hbm>>
    %dma_start3A_1364 = arith.constant 0 : i32
    %dma_start3A_1365 = tpu.memref_slice %arg5[%add3A_1356, %dma_start3A_1364] : memref<131072x128xf32, #tpu.memory_space<hbm>> -> memref<256x128xf32, #tpu.memory_space<hbm>>
    %dma_start3A_1366 = arith.constant 0 : i32
    %dma_start3A_1367 = arith.constant 0 : i32
    %dma_start3A_1368 = tpu.memref_slice %arg7[%dma_start3A_1357, %dma_start3A_1366, %dma_start3A_1367] : memref<2x256x128xf32, #tpu.memory_space<vmem>> -> memref<1x256x128xf32, #tpu.memory_space<vmem>>
    %dma_start3A_1369 = tpu.memref_squeeze %dma_start3A_1368 : memref<1x256x128xf32, #tpu.memory_space<vmem>> -> memref<256x128xf32, #tpu.memory_space<vmem>>
    tpu.enqueue_dma source(%dma_start3A_1369 : memref<256x128xf32, #tpu.memory_space<vmem>>) target(%dma_start3A_1365 : memref<256x128xf32, #tpu.memory_space<hbm>>) target_semaphore(%arg13 : memref<!tpu.dma_semaphore, #tpu.memory_space<semaphore_mem>>)
    %dma_wait3A_1370 = arith.constant 1 : i32
    %dma_wait3A_1371 = arith.constant 4 : i32
    %dma_wait3A_1372 = arith.constant 0 : i32
    %dma_wait3A_1373 = arith.constant 0 : i32
    %dma_wait3A_1374 = arith.constant 0 : i32
    %dma_wait3A_1375 = tpu.memref_slice %arg7[%dma_wait3A_1372, %dma_wait3A_1373, %dma_wait3A_1374] : memref<2x256x128xf32, #tpu.memory_space<vmem>> -> memref<1x128x128xf32, #tpu.memory_space<vmem>>
    %dma_wait3A_1376 = tpu.memref_squeeze %dma_wait3A_1375 : memref<1x128x128xf32, #tpu.memory_space<vmem>> -> memref<128x128xf32, #tpu.memory_space<vmem>>
    %dma_wait3A_1377 = arith.constant 0 : i32
    %dma_wait3A_1378 = tpu.memref_slice %arg6[%dma_wait3A_1370, %dma_wait3A_1371, %dma_wait3A_1377] : memref<2x8x128xi32, #tpu.memory_space<vmem>> -> memref<1x1x128xi32, #tpu.memory_space<vmem>>
    %dma_wait3A_1379 = tpu.memref_squeeze %dma_wait3A_1378 : memref<1x1x128xi32, #tpu.memory_space<vmem>> -> memref<128xi32, #tpu.memory_space<vmem>>
    %dma_wait3A_1380 = arith.constant 0 : i32
    %dma_wait3A_1381 = arith.constant 0 : i32
    %dma_wait3A_1382 = tpu.memref_slice %arg9[%dma_wait3A_1380, %dma_wait3A_1381] : memref<119x128xf32, #tpu.memory_space<vmem_shared>> -> memref<119x128xf32, #tpu.memory_space<vmem_shared>>
    tpu.wait_indirect_dma semaphore(%arg10 : memref<!tpu.dma_semaphore, #tpu.memory_space<semaphore_mem>>) src(%dma_wait3A_1382 : memref<119x128xf32, #tpu.memory_space<vmem_shared>>) dst(%dma_wait3A_1376 : memref<128x128xf32, #tpu.memory_space<vmem>>)
    %dma_wait3A_1383 = arith.constant 1 : i32
    %dma_wait3A_1384 = arith.constant 5 : i32
    %dma_wait3A_1385 = arith.constant 0 : i32
    %dma_wait3A_1386 = arith.constant 128 : i32
    %dma_wait3A_1387 = arith.constant 0 : i32
    %dma_wait3A_1388 = tpu.memref_slice %arg7[%dma_wait3A_1385, %dma_wait3A_1386, %dma_wait3A_1387] : memref<2x256x128xf32, #tpu.memory_space<vmem>> -> memref<1x128x128xf32, #tpu.memory_space<vmem>>
    %dma_wait3A_1389 = tpu.memref_squeeze %dma_wait3A_1388 : memref<1x128x128xf32, #tpu.memory_space<vmem>> -> memref<128x128xf32, #tpu.memory_space<vmem>>
    %dma_wait3A_1390 = arith.constant 0 : i32
    %dma_wait3A_1391 = tpu.memref_slice %arg6[%dma_wait3A_1383, %dma_wait3A_1384, %dma_wait3A_1390] : memref<2x8x128xi32, #tpu.memory_space<vmem>> -> memref<1x1x128xi32, #tpu.memory_space<vmem>>
    %dma_wait3A_1392 = tpu.memref_squeeze %dma_wait3A_1391 : memref<1x1x128xi32, #tpu.memory_space<vmem>> -> memref<128xi32, #tpu.memory_space<vmem>>
    %dma_wait3A_1393 = arith.constant 0 : i32
    %dma_wait3A_1394 = arith.constant 0 : i32
    %dma_wait3A_1395 = tpu.memref_slice %arg9[%dma_wait3A_1393, %dma_wait3A_1394] : memref<119x128xf32, #tpu.memory_space<vmem_shared>> -> memref<119x128xf32, #tpu.memory_space<vmem_shared>>
    tpu.wait_indirect_dma semaphore(%arg10 : memref<!tpu.dma_semaphore, #tpu.memory_space<semaphore_mem>>) src(%dma_wait3A_1395 : memref<119x128xf32, #tpu.memory_space<vmem_shared>>) dst(%dma_wait3A_1389 : memref<128x128xf32, #tpu.memory_space<vmem>>)
    %mul3A_1396 = arith.constant 4096 : i32
    %mul3A_1397 = arith.muli %add3A, %mul3A_1396 : i32
    %add3A_1398 = arith.constant 3328 : i32
    %add3A_1399 = arith.addi %mul3A_1397, %add3A_1398 : i32
    %dma_wait3A_1400 = arith.constant 1 : i32
    %dma_wait3A_1401 = arith.constant 0 : i32
    %dma_wait3A_1402 = arith.constant 0 : i32
    %dma_wait3A_1403 = tpu.memref_slice %arg7[%dma_wait3A_1400, %dma_wait3A_1401, %dma_wait3A_1402] : memref<2x256x128xf32, #tpu.memory_space<vmem>> -> memref<1x256x128xf32, #tpu.memory_space<vmem>>
    %dma_wait3A_1404 = tpu.memref_squeeze %dma_wait3A_1403 : memref<1x256x128xf32, #tpu.memory_space<vmem>> -> memref<256x128xf32, #tpu.memory_space<vmem>>
    %dma_wait3A_1405 = arith.constant 0 : i32
    %dma_wait3A_1406 = tpu.memref_slice %arg5[%add3A_1399, %dma_wait3A_1405] : memref<131072x128xf32, #tpu.memory_space<hbm>> -> memref<256x128xf32, #tpu.memory_space<hbm>>
    %dma_wait3A_1407 = arith.constant 0 : i32
    %dma_wait3A_1408 = tpu.memref_slice %arg5[%add3A_1399, %dma_wait3A_1407] : memref<131072x128xf32, #tpu.memory_space<hbm>> -> memref<256x128xf32, #tpu.memory_space<hbm>>
    %dma_wait3A_1409 = arith.constant 0 : i32
    %dma_wait3A_1410 = arith.constant 0 : i32
    %dma_wait3A_1411 = tpu.memref_slice %arg7[%dma_wait3A_1400, %dma_wait3A_1409, %dma_wait3A_1410] : memref<2x256x128xf32, #tpu.memory_space<vmem>> -> memref<1x256x128xf32, #tpu.memory_space<vmem>>
    %dma_wait3A_1412 = tpu.memref_squeeze %dma_wait3A_1411 : memref<1x256x128xf32, #tpu.memory_space<vmem>> -> memref<256x128xf32, #tpu.memory_space<vmem>>
    tpu.wait_dma2 semaphore(%arg13 : memref<!tpu.dma_semaphore, #tpu.memory_space<semaphore_mem>>) src(%dma_wait3A_1412 : memref<256x128xf32, #tpu.memory_space<vmem>>) dst(%dma_wait3A_1408 : memref<256x128xf32, #tpu.memory_space<hbm>>)
    %dma_start3A_1413 = arith.constant 1 : i32
    %dma_start3A_1414 = arith.constant 6 : i32
    %dma_start3A_1415 = arith.constant 1 : i32
    %dma_start3A_1416 = arith.constant 0 : i32
    %dma_start3A_1417 = arith.constant 0 : i32
    %dma_start3A_1418 = tpu.memref_slice %arg7[%dma_start3A_1415, %dma_start3A_1416, %dma_start3A_1417] : memref<2x256x128xf32, #tpu.memory_space<vmem>> -> memref<1x128x128xf32, #tpu.memory_space<vmem>>
    %dma_start3A_1419 = tpu.memref_squeeze %dma_start3A_1418 : memref<1x128x128xf32, #tpu.memory_space<vmem>> -> memref<128x128xf32, #tpu.memory_space<vmem>>
    %dma_start3A_1420 = arith.constant 0 : i32
    %dma_start3A_1421 = tpu.memref_slice %arg6[%dma_start3A_1413, %dma_start3A_1414, %dma_start3A_1420] : memref<2x8x128xi32, #tpu.memory_space<vmem>> -> memref<1x1x128xi32, #tpu.memory_space<vmem>>
    %dma_start3A_1422 = tpu.memref_squeeze %dma_start3A_1421 : memref<1x1x128xi32, #tpu.memory_space<vmem>> -> memref<128xi32, #tpu.memory_space<vmem>>
    %dma_start3A_1423 = arith.constant 0 : i32
    %dma_start3A_1424 = arith.constant 0 : i32
    %dma_start3A_1425 = tpu.memref_slice %arg9[%dma_start3A_1423, %dma_start3A_1424] : memref<119x128xf32, #tpu.memory_space<vmem_shared>> -> memref<119x128xf32, #tpu.memory_space<vmem_shared>>
    tpu.enqueue_indirect_dma source(%dma_start3A_1425 : memref<119x128xf32, #tpu.memory_space<vmem_shared>>) target(%dma_start3A_1419 : memref<128x128xf32, #tpu.memory_space<vmem>>) offsets(%dma_start3A_1422 : memref<128xi32, #tpu.memory_space<vmem>>) semaphore(%arg11 : memref<!tpu.dma_semaphore, #tpu.memory_space<semaphore_mem>>)
    %dma_start3A_1426 = arith.constant 1 : i32
    %dma_start3A_1427 = arith.constant 7 : i32
    %dma_start3A_1428 = arith.constant 1 : i32
    %dma_start3A_1429 = arith.constant 128 : i32
    %dma_start3A_1430 = arith.constant 0 : i32
    %dma_start3A_1431 = tpu.memref_slice %arg7[%dma_start3A_1428, %dma_start3A_1429, %dma_start3A_1430] : memref<2x256x128xf32, #tpu.memory_space<vmem>> -> memref<1x128x128xf32, #tpu.memory_space<vmem>>
    %dma_start3A_1432 = tpu.memref_squeeze %dma_start3A_1431 : memref<1x128x128xf32, #tpu.memory_space<vmem>> -> memref<128x128xf32, #tpu.memory_space<vmem>>
    %dma_start3A_1433 = arith.constant 0 : i32
    %dma_start3A_1434 = tpu.memref_slice %arg6[%dma_start3A_1426, %dma_start3A_1427, %dma_start3A_1433] : memref<2x8x128xi32, #tpu.memory_space<vmem>> -> memref<1x1x128xi32, #tpu.memory_space<vmem>>
    %dma_start3A_1435 = tpu.memref_squeeze %dma_start3A_1434 : memref<1x1x128xi32, #tpu.memory_space<vmem>> -> memref<128xi32, #tpu.memory_space<vmem>>
    %dma_start3A_1436 = arith.constant 0 : i32
    %dma_start3A_1437 = arith.constant 0 : i32
    %dma_start3A_1438 = tpu.memref_slice %arg9[%dma_start3A_1436, %dma_start3A_1437] : memref<119x128xf32, #tpu.memory_space<vmem_shared>> -> memref<119x128xf32, #tpu.memory_space<vmem_shared>>
    tpu.enqueue_indirect_dma source(%dma_start3A_1438 : memref<119x128xf32, #tpu.memory_space<vmem_shared>>) target(%dma_start3A_1432 : memref<128x128xf32, #tpu.memory_space<vmem>>) offsets(%dma_start3A_1435 : memref<128xi32, #tpu.memory_space<vmem>>) semaphore(%arg11 : memref<!tpu.dma_semaphore, #tpu.memory_space<semaphore_mem>>)
    %scan3A_1439 = arith.constant 0 : i32
    %scan3A_1440 = arith.constant 0 : i32
    %scan3A_1441 = arith.constant 16 : i32
    %scan3A_1442 = arith.addi %scan3A_1440, %scan3A_1441 : i32
    %scan3A_1443 = arith.constant 1 : i32
    scf.for %scan3A_1528 = %scan3A_1440 to %scan3A_1442 step %scan3A_1443  : i32 {
      %jit3A = arith.constant 8 : i32
      %div3A = arith.divsi %scan3A_1528, %jit3A : i32
      %sign3A = arith.constant 0 : i32
      %sign3A_1529 = arith.cmpi sgt, %scan3A_1528, %sign3A : i32
      %sign3A_1530 = arith.extui %sign3A_1529 : i1 to i32
      %sign3A_1531 = arith.constant 0 : i32
      %sign3A_1532 = arith.cmpi slt, %scan3A_1528, %sign3A_1531 : i32
      %sign3A_1533 = arith.extui %sign3A_1532 : i1 to i32
      %sign3A_1534 = arith.subi %sign3A_1530, %sign3A_1533 : i32
      %sign3A_1535 = arith.constant 0 : i32
      %sign3A_1536 = arith.cmpi sgt, %jit3A, %sign3A_1535 : i32
      %sign3A_1537 = arith.extui %sign3A_1536 : i1 to i32
      %sign3A_1538 = arith.constant 0 : i32
      %sign3A_1539 = arith.cmpi slt, %jit3A, %sign3A_1538 : i32
      %sign3A_1540 = arith.extui %sign3A_1539 : i1 to i32
      %sign3A_1541 = arith.subi %sign3A_1537, %sign3A_1540 : i32
      %ne3A = arith.cmpi ne, %sign3A_1534, %sign3A_1541 : i32
      %rem3A = arith.remsi %scan3A_1528, %jit3A : i32
      %ne3A_1542 = arith.constant 0 : i32
      %ne3A_1543 = arith.cmpi ne, %rem3A, %ne3A_1542 : i32
      %and3A = arith.andi %ne3A, %ne3A_1543 : i1
      %sub3A = arith.constant 1 : i32
      %sub3A_1544 = arith.subi %div3A, %sub3A : i32
      %select_n3A = arith.select %and3A, %sub3A_1544, %div3A : i32
      %add3A_1545 = arith.constant 4 : i32
      %add3A_1546 = arith.addi %add3A_1545, %select_n3A : i32
      %jit3A_1547 = arith.constant 8 : i32
      %eq3A_1548 = arith.constant 0 : i32
      %eq3A_1549 = arith.cmpi eq, %jit3A_1547, %eq3A_1548 : i32
      %jit3A_1550 = arith.constant 1 : i32
      %select_n3A_1551 = arith.select %eq3A_1549, %jit3A_1550, %jit3A_1547 : i32
      %rem3A_1552 = arith.remsi %scan3A_1528, %select_n3A_1551 : i32
      %ne3A_1553 = arith.constant 0 : i32
      %ne3A_1554 = arith.cmpi ne, %rem3A_1552, %ne3A_1553 : i32
      %lt3A = arith.constant 0 : i32
      %lt3A_1555 = arith.cmpi slt, %rem3A_1552, %lt3A : i32
      %lt3A_1556 = arith.constant 0 : i32
      %lt3A_1557 = arith.cmpi slt, %select_n3A_1551, %lt3A_1556 : i32
      %ne3A_1558 = arith.xori %lt3A_1555, %lt3A_1557 : i1
      %and3A_1559 = arith.andi %ne3A_1558, %ne3A_1554 : i1
      %add3A_1560 = arith.addi %rem3A_1552, %select_n3A_1551 : i32
      %select_n3A_1561 = arith.select %and3A_1559, %add3A_1560, %rem3A_1552 : i32
      %mul3A_1562 = arith.constant 16 : i32
      %mul3A_1563 = arith.muli %select_n3A_1561, %mul3A_1562 : i32
      %mul3A_1564 = arith.constant 16 : i32
      %mul3A_1565 = arith.muli %scan3A_1528, %mul3A_1564 : i32
      %add3A_1566 = vector.broadcast %mul3A_1565 : i32 to vector<16xi32>
      %add3A_1567 = arith.addi %iota3A, %add3A_1566 : vector<16xi32>
      %get3A = arith.constant 1 : i32
      %get3A_1568 = arith.constant 0 : i32
      %get3A_1569 = arith.index_cast %get3A : i32 to index
      %get3A_1570 = arith.index_cast %get3A_1568 : i32 to index
      %get3A_1571 = arith.index_cast %add3A_1546 : i32 to index
      %get3A_1572 = arith.index_cast %mul3A_1563 : i32 to index
      %get3A_1573 = tpu.vector_load %arg8[%get3A_1569, %get3A_1570, %get3A_1571, %get3A_1572] {strides = array<i32>} : memref<2x3x8x128xf32, #tpu.memory_space<vmem>>, vector<16xf32>,
      %scatter3A = arith.constant 0 : i32
      %scatter3A_1574 = arith.constant 0 : i32
      %scatter3A_1575 = arith.constant 0 : i32
      %scatter3A_1576 = tpu.memref_slice %arg7[%scatter3A, %scatter3A_1574, %scatter3A_1575] : memref<2x256x128xf32, #tpu.memory_space<vmem>> -> memref<1x256x128xf32, #tpu.memory_space<vmem>>
      %scatter3A_1577 = tpu.memref_squeeze %scatter3A_1576 : memref<1x256x128xf32, #tpu.memory_space<vmem>> -> memref<256x128xf32, #tpu.memory_space<vmem>>
      tpu.vector_store_idx %scatter3A_1577[%add3A_1567, %add3A_8], %get3A_1573 : memref<256x128xf32, #tpu.memory_space<vmem>>[vector<16xi32>, vector<16xi32>], vector<16xf32>,
      %get3A_1578 = arith.constant 1 : i32
      %get3A_1579 = arith.constant 1 : i32
      %get3A_1580 = arith.index_cast %get3A_1578 : i32 to index
      %get3A_1581 = arith.index_cast %get3A_1579 : i32 to index
      %get3A_1582 = arith.index_cast %add3A_1546 : i32 to index
      %get3A_1583 = arith.index_cast %mul3A_1563 : i32 to index
      %get3A_1584 = tpu.vector_load %arg8[%get3A_1580, %get3A_1581, %get3A_1582, %get3A_1583] {strides = array<i32>} : memref<2x3x8x128xf32, #tpu.memory_space<vmem>>, vector<16xf32>,
      %scatter3A_1585 = arith.constant 0 : i32
      %scatter3A_1586 = arith.constant 0 : i32
      %scatter3A_1587 = arith.constant 0 : i32
      %scatter3A_1588 = tpu.memref_slice %arg7[%scatter3A_1585, %scatter3A_1586, %scatter3A_1587] : memref<2x256x128xf32, #tpu.memory_space<vmem>> -> memref<1x256x128xf32, #tpu.memory_space<vmem>>
      %scatter3A_1589 = tpu.memref_squeeze %scatter3A_1588 : memref<1x256x128xf32, #tpu.memory_space<vmem>> -> memref<256x128xf32, #tpu.memory_space<vmem>>
      tpu.vector_store_idx %scatter3A_1589[%add3A_1567, %add3A_14], %get3A_1584 : memref<256x128xf32, #tpu.memory_space<vmem>>[vector<16xi32>, vector<16xi32>], vector<16xf32>,
      %get3A_1590 = arith.constant 1 : i32
      %get3A_1591 = arith.constant 2 : i32
      %get3A_1592 = arith.index_cast %get3A_1590 : i32 to index
      %get3A_1593 = arith.index_cast %get3A_1591 : i32 to index
      %get3A_1594 = arith.index_cast %add3A_1546 : i32 to index
      %get3A_1595 = arith.index_cast %mul3A_1563 : i32 to index
      %get3A_1596 = tpu.vector_load %arg8[%get3A_1592, %get3A_1593, %get3A_1594, %get3A_1595] {strides = array<i32>} : memref<2x3x8x128xf32, #tpu.memory_space<vmem>>, vector<16xf32>,
      %scatter3A_1597 = arith.constant 0 : i32
      %scatter3A_1598 = arith.constant 0 : i32
      %scatter3A_1599 = arith.constant 0 : i32
      %scatter3A_1600 = tpu.memref_slice %arg7[%scatter3A_1597, %scatter3A_1598, %scatter3A_1599] : memref<2x256x128xf32, #tpu.memory_space<vmem>> -> memref<1x256x128xf32, #tpu.memory_space<vmem>>
      %scatter3A_1601 = tpu.memref_squeeze %scatter3A_1600 : memref<1x256x128xf32, #tpu.memory_space<vmem>> -> memref<256x128xf32, #tpu.memory_space<vmem>>
      tpu.vector_store_idx %scatter3A_1601[%add3A_1567, %add3A_20], %get3A_1596 : memref<256x128xf32, #tpu.memory_space<vmem>>[vector<16xi32>, vector<16xi32>], vector<16xf32>,
    }
    %scan3A_1444 = arith.constant 16 : i32
    %mul3A_1445 = arith.constant 4096 : i32
    %mul3A_1446 = arith.muli %add3A, %mul3A_1445 : i32
    %add3A_1447 = arith.constant 3584 : i32
    %add3A_1448 = arith.addi %mul3A_1446, %add3A_1447 : i32
    %dma_start3A_1449 = arith.constant 0 : i32
    %dma_start3A_1450 = arith.constant 0 : i32
    %dma_start3A_1451 = arith.constant 0 : i32
    %dma_start3A_1452 = tpu.memref_slice %arg7[%dma_start3A_1449, %dma_start3A_1450, %dma_start3A_1451] : memref<2x256x128xf32, #tpu.memory_space<vmem>> -> memref<1x256x128xf32, #tpu.memory_space<vmem>>
    %dma_start3A_1453 = tpu.memref_squeeze %dma_start3A_1452 : memref<1x256x128xf32, #tpu.memory_space<vmem>> -> memref<256x128xf32, #tpu.memory_space<vmem>>
    %dma_start3A_1454 = arith.constant 0 : i32
    %dma_start3A_1455 = tpu.memref_slice %arg5[%add3A_1448, %dma_start3A_1454] : memref<131072x128xf32, #tpu.memory_space<hbm>> -> memref<256x128xf32, #tpu.memory_space<hbm>>
    %dma_start3A_1456 = arith.constant 0 : i32
    %dma_start3A_1457 = tpu.memref_slice %arg5[%add3A_1448, %dma_start3A_1456] : memref<131072x128xf32, #tpu.memory_space<hbm>> -> memref<256x128xf32, #tpu.memory_space<hbm>>
    %dma_start3A_1458 = arith.constant 0 : i32
    %dma_start3A_1459 = arith.constant 0 : i32
    %dma_start3A_1460 = tpu.memref_slice %arg7[%dma_start3A_1449, %dma_start3A_1458, %dma_start3A_1459] : memref<2x256x128xf32, #tpu.memory_space<vmem>> -> memref<1x256x128xf32, #tpu.memory_space<vmem>>
    %dma_start3A_1461 = tpu.memref_squeeze %dma_start3A_1460 : memref<1x256x128xf32, #tpu.memory_space<vmem>> -> memref<256x128xf32, #tpu.memory_space<vmem>>
    tpu.enqueue_dma source(%dma_start3A_1461 : memref<256x128xf32, #tpu.memory_space<vmem>>) target(%dma_start3A_1457 : memref<256x128xf32, #tpu.memory_space<hbm>>) target_semaphore(%arg12 : memref<!tpu.dma_semaphore, #tpu.memory_space<semaphore_mem>>)
    %dma_wait3A_1462 = arith.constant 1 : i32
    %dma_wait3A_1463 = arith.constant 6 : i32
    %dma_wait3A_1464 = arith.constant 1 : i32
    %dma_wait3A_1465 = arith.constant 0 : i32
    %dma_wait3A_1466 = arith.constant 0 : i32
    %dma_wait3A_1467 = tpu.memref_slice %arg7[%dma_wait3A_1464, %dma_wait3A_1465, %dma_wait3A_1466] : memref<2x256x128xf32, #tpu.memory_space<vmem>> -> memref<1x128x128xf32, #tpu.memory_space<vmem>>
    %dma_wait3A_1468 = tpu.memref_squeeze %dma_wait3A_1467 : memref<1x128x128xf32, #tpu.memory_space<vmem>> -> memref<128x128xf32, #tpu.memory_space<vmem>>
    %dma_wait3A_1469 = arith.constant 0 : i32
    %dma_wait3A_1470 = tpu.memref_slice %arg6[%dma_wait3A_1462, %dma_wait3A_1463, %dma_wait3A_1469] : memref<2x8x128xi32, #tpu.memory_space<vmem>> -> memref<1x1x128xi32, #tpu.memory_space<vmem>>
    %dma_wait3A_1471 = tpu.memref_squeeze %dma_wait3A_1470 : memref<1x1x128xi32, #tpu.memory_space<vmem>> -> memref<128xi32, #tpu.memory_space<vmem>>
    %dma_wait3A_1472 = arith.constant 0 : i32
    %dma_wait3A_1473 = arith.constant 0 : i32
    %dma_wait3A_1474 = tpu.memref_slice %arg9[%dma_wait3A_1472, %dma_wait3A_1473] : memref<119x128xf32, #tpu.memory_space<vmem_shared>> -> memref<119x128xf32, #tpu.memory_space<vmem_shared>>
    tpu.wait_indirect_dma semaphore(%arg11 : memref<!tpu.dma_semaphore, #tpu.memory_space<semaphore_mem>>) src(%dma_wait3A_1474 : memref<119x128xf32, #tpu.memory_space<vmem_shared>>) dst(%dma_wait3A_1468 : memref<128x128xf32, #tpu.memory_space<vmem>>)
    %dma_wait3A_1475 = arith.constant 1 : i32
    %dma_wait3A_1476 = arith.constant 7 : i32
    %dma_wait3A_1477 = arith.constant 1 : i32
    %dma_wait3A_1478 = arith.constant 128 : i32
    %dma_wait3A_1479 = arith.constant 0 : i32
    %dma_wait3A_1480 = tpu.memref_slice %arg7[%dma_wait3A_1477, %dma_wait3A_1478, %dma_wait3A_1479] : memref<2x256x128xf32, #tpu.memory_space<vmem>> -> memref<1x128x128xf32, #tpu.memory_space<vmem>>
    %dma_wait3A_1481 = tpu.memref_squeeze %dma_wait3A_1480 : memref<1x128x128xf32, #tpu.memory_space<vmem>> -> memref<128x128xf32, #tpu.memory_space<vmem>>
    %dma_wait3A_1482 = arith.constant 0 : i32
    %dma_wait3A_1483 = tpu.memref_slice %arg6[%dma_wait3A_1475, %dma_wait3A_1476, %dma_wait3A_1482] : memref<2x8x128xi32, #tpu.memory_space<vmem>> -> memref<1x1x128xi32, #tpu.memory_space<vmem>>
    %dma_wait3A_1484 = tpu.memref_squeeze %dma_wait3A_1483 : memref<1x1x128xi32, #tpu.memory_space<vmem>> -> memref<128xi32, #tpu.memory_space<vmem>>
    %dma_wait3A_1485 = arith.constant 0 : i32
    %dma_wait3A_1486 = arith.constant 0 : i32
    %dma_wait3A_1487 = tpu.memref_slice %arg9[%dma_wait3A_1485, %dma_wait3A_1486] : memref<119x128xf32, #tpu.memory_space<vmem_shared>> -> memref<119x128xf32, #tpu.memory_space<vmem_shared>>
    tpu.wait_indirect_dma semaphore(%arg11 : memref<!tpu.dma_semaphore, #tpu.memory_space<semaphore_mem>>) src(%dma_wait3A_1487 : memref<119x128xf32, #tpu.memory_space<vmem_shared>>) dst(%dma_wait3A_1481 : memref<128x128xf32, #tpu.memory_space<vmem>>)
    %scan3A_1488 = arith.constant 0 : i32
    %scan3A_1489 = arith.constant 0 : i32
    %scan3A_1490 = arith.constant 16 : i32
    %scan3A_1491 = arith.addi %scan3A_1489, %scan3A_1490 : i32
    %scan3A_1492 = arith.constant 1 : i32
    scf.for %scan3A_1528 = %scan3A_1489 to %scan3A_1491 step %scan3A_1492  : i32 {
      %jit3A = arith.constant 8 : i32
      %div3A = arith.divsi %scan3A_1528, %jit3A : i32
      %sign3A = arith.constant 0 : i32
      %sign3A_1529 = arith.cmpi sgt, %scan3A_1528, %sign3A : i32
      %sign3A_1530 = arith.extui %sign3A_1529 : i1 to i32
      %sign3A_1531 = arith.constant 0 : i32
      %sign3A_1532 = arith.cmpi slt, %scan3A_1528, %sign3A_1531 : i32
      %sign3A_1533 = arith.extui %sign3A_1532 : i1 to i32
      %sign3A_1534 = arith.subi %sign3A_1530, %sign3A_1533 : i32
      %sign3A_1535 = arith.constant 0 : i32
      %sign3A_1536 = arith.cmpi sgt, %jit3A, %sign3A_1535 : i32
      %sign3A_1537 = arith.extui %sign3A_1536 : i1 to i32
      %sign3A_1538 = arith.constant 0 : i32
      %sign3A_1539 = arith.cmpi slt, %jit3A, %sign3A_1538 : i32
      %sign3A_1540 = arith.extui %sign3A_1539 : i1 to i32
      %sign3A_1541 = arith.subi %sign3A_1537, %sign3A_1540 : i32
      %ne3A = arith.cmpi ne, %sign3A_1534, %sign3A_1541 : i32
      %rem3A = arith.remsi %scan3A_1528, %jit3A : i32
      %ne3A_1542 = arith.constant 0 : i32
      %ne3A_1543 = arith.cmpi ne, %rem3A, %ne3A_1542 : i32
      %and3A = arith.andi %ne3A, %ne3A_1543 : i1
      %sub3A = arith.constant 1 : i32
      %sub3A_1544 = arith.subi %div3A, %sub3A : i32
      %select_n3A = arith.select %and3A, %sub3A_1544, %div3A : i32
      %add3A_1545 = arith.constant 6 : i32
      %add3A_1546 = arith.addi %add3A_1545, %select_n3A : i32
      %jit3A_1547 = arith.constant 8 : i32
      %eq3A_1548 = arith.constant 0 : i32
      %eq3A_1549 = arith.cmpi eq, %jit3A_1547, %eq3A_1548 : i32
      %jit3A_1550 = arith.constant 1 : i32
      %select_n3A_1551 = arith.select %eq3A_1549, %jit3A_1550, %jit3A_1547 : i32
      %rem3A_1552 = arith.remsi %scan3A_1528, %select_n3A_1551 : i32
      %ne3A_1553 = arith.constant 0 : i32
      %ne3A_1554 = arith.cmpi ne, %rem3A_1552, %ne3A_1553 : i32
      %lt3A = arith.constant 0 : i32
      %lt3A_1555 = arith.cmpi slt, %rem3A_1552, %lt3A : i32
      %lt3A_1556 = arith.constant 0 : i32
      %lt3A_1557 = arith.cmpi slt, %select_n3A_1551, %lt3A_1556 : i32
      %ne3A_1558 = arith.xori %lt3A_1555, %lt3A_1557 : i1
      %and3A_1559 = arith.andi %ne3A_1558, %ne3A_1554 : i1
      %add3A_1560 = arith.addi %rem3A_1552, %select_n3A_1551 : i32
      %select_n3A_1561 = arith.select %and3A_1559, %add3A_1560, %rem3A_1552 : i32
      %mul3A_1562 = arith.constant 16 : i32
      %mul3A_1563 = arith.muli %select_n3A_1561, %mul3A_1562 : i32
      %mul3A_1564 = arith.constant 16 : i32
      %mul3A_1565 = arith.muli %scan3A_1528, %mul3A_1564 : i32
      %add3A_1566 = vector.broadcast %mul3A_1565 : i32 to vector<16xi32>
      %add3A_1567 = arith.addi %iota3A, %add3A_1566 : vector<16xi32>
      %get3A = arith.constant 1 : i32
      %get3A_1568 = arith.constant 0 : i32
      %get3A_1569 = arith.index_cast %get3A : i32 to index
      %get3A_1570 = arith.index_cast %get3A_1568 : i32 to index
      %get3A_1571 = arith.index_cast %add3A_1546 : i32 to index
      %get3A_1572 = arith.index_cast %mul3A_1563 : i32 to index
      %get3A_1573 = tpu.vector_load %arg8[%get3A_1569, %get3A_1570, %get3A_1571, %get3A_1572] {strides = array<i32>} : memref<2x3x8x128xf32, #tpu.memory_space<vmem>>, vector<16xf32>,
      %scatter3A = arith.constant 1 : i32
      %scatter3A_1574 = arith.constant 0 : i32
      %scatter3A_1575 = arith.constant 0 : i32
      %scatter3A_1576 = tpu.memref_slice %arg7[%scatter3A, %scatter3A_1574, %scatter3A_1575] : memref<2x256x128xf32, #tpu.memory_space<vmem>> -> memref<1x256x128xf32, #tpu.memory_space<vmem>>
      %scatter3A_1577 = tpu.memref_squeeze %scatter3A_1576 : memref<1x256x128xf32, #tpu.memory_space<vmem>> -> memref<256x128xf32, #tpu.memory_space<vmem>>
      tpu.vector_store_idx %scatter3A_1577[%add3A_1567, %add3A_8], %get3A_1573 : memref<256x128xf32, #tpu.memory_space<vmem>>[vector<16xi32>, vector<16xi32>], vector<16xf32>,
      %get3A_1578 = arith.constant 1 : i32
      %get3A_1579 = arith.constant 1 : i32
      %get3A_1580 = arith.index_cast %get3A_1578 : i32 to index
      %get3A_1581 = arith.index_cast %get3A_1579 : i32 to index
      %get3A_1582 = arith.index_cast %add3A_1546 : i32 to index
      %get3A_1583 = arith.index_cast %mul3A_1563 : i32 to index
      %get3A_1584 = tpu.vector_load %arg8[%get3A_1580, %get3A_1581, %get3A_1582, %get3A_1583] {strides = array<i32>} : memref<2x3x8x128xf32, #tpu.memory_space<vmem>>, vector<16xf32>,
      %scatter3A_1585 = arith.constant 1 : i32
      %scatter3A_1586 = arith.constant 0 : i32
      %scatter3A_1587 = arith.constant 0 : i32
      %scatter3A_1588 = tpu.memref_slice %arg7[%scatter3A_1585, %scatter3A_1586, %scatter3A_1587] : memref<2x256x128xf32, #tpu.memory_space<vmem>> -> memref<1x256x128xf32, #tpu.memory_space<vmem>>
      %scatter3A_1589 = tpu.memref_squeeze %scatter3A_1588 : memref<1x256x128xf32, #tpu.memory_space<vmem>> -> memref<256x128xf32, #tpu.memory_space<vmem>>
      tpu.vector_store_idx %scatter3A_1589[%add3A_1567, %add3A_14], %get3A_1584 : memref<256x128xf32, #tpu.memory_space<vmem>>[vector<16xi32>, vector<16xi32>], vector<16xf32>,
      %get3A_1590 = arith.constant 1 : i32
      %get3A_1591 = arith.constant 2 : i32
      %get3A_1592 = arith.index_cast %get3A_1590 : i32 to index
      %get3A_1593 = arith.index_cast %get3A_1591 : i32 to index
      %get3A_1594 = arith.index_cast %add3A_1546 : i32 to index
      %get3A_1595 = arith.index_cast %mul3A_1563 : i32 to index
      %get3A_1596 = tpu.vector_load %arg8[%get3A_1592, %get3A_1593, %get3A_1594, %get3A_1595] {strides = array<i32>} : memref<2x3x8x128xf32, #tpu.memory_space<vmem>>, vector<16xf32>,
      %scatter3A_1597 = arith.constant 1 : i32
      %scatter3A_1598 = arith.constant 0 : i32
      %scatter3A_1599 = arith.constant 0 : i32
      %scatter3A_1600 = tpu.memref_slice %arg7[%scatter3A_1597, %scatter3A_1598, %scatter3A_1599] : memref<2x256x128xf32, #tpu.memory_space<vmem>> -> memref<1x256x128xf32, #tpu.memory_space<vmem>>
      %scatter3A_1601 = tpu.memref_squeeze %scatter3A_1600 : memref<1x256x128xf32, #tpu.memory_space<vmem>> -> memref<256x128xf32, #tpu.memory_space<vmem>>
      tpu.vector_store_idx %scatter3A_1601[%add3A_1567, %add3A_20], %get3A_1596 : memref<256x128xf32, #tpu.memory_space<vmem>>[vector<16xi32>, vector<16xi32>], vector<16xf32>,
    }
    %scan3A_1493 = arith.constant 16 : i32
    %mul3A_1494 = arith.constant 4096 : i32
    %mul3A_1495 = arith.muli %add3A, %mul3A_1494 : i32
    %add3A_1496 = arith.constant 3840 : i32
    %add3A_1497 = arith.addi %mul3A_1495, %add3A_1496 : i32
    %dma_start3A_1498 = arith.constant 1 : i32
    %dma_start3A_1499 = arith.constant 0 : i32
    %dma_start3A_1500 = arith.constant 0 : i32
    %dma_start3A_1501 = tpu.memref_slice %arg7[%dma_start3A_1498, %dma_start3A_1499, %dma_start3A_1500] : memref<2x256x128xf32, #tpu.memory_space<vmem>> -> memref<1x256x128xf32, #tpu.memory_space<vmem>>
    %dma_start3A_1502 = tpu.memref_squeeze %dma_start3A_1501 : memref<1x256x128xf32, #tpu.memory_space<vmem>> -> memref<256x128xf32, #tpu.memory_space<vmem>>
    %dma_start3A_1503 = arith.constant 0 : i32
    %dma_start3A_1504 = tpu.memref_slice %arg5[%add3A_1497, %dma_start3A_1503] : memref<131072x128xf32, #tpu.memory_space<hbm>> -> memref<256x128xf32, #tpu.memory_space<hbm>>
    %dma_start3A_1505 = arith.constant 0 : i32
    %dma_start3A_1506 = tpu.memref_slice %arg5[%add3A_1497, %dma_start3A_1505] : memref<131072x128xf32, #tpu.memory_space<hbm>> -> memref<256x128xf32, #tpu.memory_space<hbm>>
    %dma_start3A_1507 = arith.constant 0 : i32
    %dma_start3A_1508 = arith.constant 0 : i32
    %dma_start3A_1509 = tpu.memref_slice %arg7[%dma_start3A_1498, %dma_start3A_1507, %dma_start3A_1508] : memref<2x256x128xf32, #tpu.memory_space<vmem>> -> memref<1x256x128xf32, #tpu.memory_space<vmem>>
    %dma_start3A_1510 = tpu.memref_squeeze %dma_start3A_1509 : memref<1x256x128xf32, #tpu.memory_space<vmem>> -> memref<256x128xf32, #tpu.memory_space<vmem>>
    tpu.enqueue_dma source(%dma_start3A_1510 : memref<256x128xf32, #tpu.memory_space<vmem>>) target(%dma_start3A_1506 : memref<256x128xf32, #tpu.memory_space<hbm>>) target_semaphore(%arg13 : memref<!tpu.dma_semaphore, #tpu.memory_space<semaphore_mem>>)
    %mul3A_1511 = arith.constant 4096 : i32
    %mul3A_1512 = arith.muli %add3A, %mul3A_1511 : i32
    %add3A_1513 = arith.constant 3840 : i32
    %add3A_1514 = arith.addi %mul3A_1512, %add3A_1513 : i32
    %dma_wait3A_1515 = arith.constant 1 : i32
    %dma_wait3A_1516 = arith.constant 0 : i32
    %dma_wait3A_1517 = arith.constant 0 : i32
    %dma_wait3A_1518 = tpu.memref_slice %arg7[%dma_wait3A_1515, %dma_wait3A_1516, %dma_wait3A_1517] : memref<2x256x128xf32, #tpu.memory_space<vmem>> -> memref<1x256x128xf32, #tpu.memory_space<vmem>>
    %dma_wait3A_1519 = tpu.memref_squeeze %dma_wait3A_1518 : memref<1x256x128xf32, #tpu.memory_space<vmem>> -> memref<256x128xf32, #tpu.memory_space<vmem>>
    %dma_wait3A_1520 = arith.constant 0 : i32
    %dma_wait3A_1521 = tpu.memref_slice %arg5[%add3A_1514, %dma_wait3A_1520] : memref<131072x128xf32, #tpu.memory_space<hbm>> -> memref<256x128xf32, #tpu.memory_space<hbm>>
    %dma_wait3A_1522 = arith.constant 0 : i32
    %dma_wait3A_1523 = tpu.memref_slice %arg5[%add3A_1514, %dma_wait3A_1522] : memref<131072x128xf32, #tpu.memory_space<hbm>> -> memref<256x128xf32, #tpu.memory_space<hbm>>
    %dma_wait3A_1524 = arith.constant 0 : i32
    %dma_wait3A_1525 = arith.constant 0 : i32
    %dma_wait3A_1526 = tpu.memref_slice %arg7[%dma_wait3A_1515, %dma_wait3A_1524, %dma_wait3A_1525] : memref<2x256x128xf32, #tpu.memory_space<vmem>> -> memref<1x256x128xf32, #tpu.memory_space<vmem>>
    %dma_wait3A_1527 = tpu.memref_squeeze %dma_wait3A_1526 : memref<1x256x128xf32, #tpu.memory_space<vmem>> -> memref<256x128xf32, #tpu.memory_space<vmem>>
    tpu.wait_dma2 semaphore(%arg13 : memref<!tpu.dma_semaphore, #tpu.memory_space<semaphore_mem>>) src(%dma_wait3A_1527 : memref<256x128xf32, #tpu.memory_space<vmem>>) dst(%dma_wait3A_1523 : memref<256x128xf32, #tpu.memory_space<hbm>>)
    return
  }
}

</mosaic_0001>

<sc_bundles>
// kernel: kernel.3.cloned.1.call-start
scs
__scs_entry_jumppad:
0x0: {  	(pc) =	sbr.rel $0x88, $3  }
0x1: {  	(tag) =	ssettag $0x0;
	lr =	simm.s32 $0x1  }
0x2: {  	[smem:$0x3F9E] =	sst lr;
	_ =	strace $0xD0000000  }
0x3: {  	_ = 	snop  }
0x4: {  	_ = 	snop  }
0x5: {  	_ = 	snop  }
0x6: {  	_ = 	snop  }
0x7: {  	_ = 	snop  }
__scs_overlays_trampoline_lowered:
0x8: {  	[smem:$0x3FAD] =	sst s0  }
0x9: {  	[smem:$0x3FAE] =	sst s1  }
0xa: {  	[smem:$0x3FAF] =	sst s2  }
0xb: {  	[smem:$0x3FB0] =	sst s3  }
0xc: {  	[smem:$0x3FB1] =	sst s4  }
0xd: {  	[smem:$0x3FB2] =	sst s5  }
0xe: {  	[smem:$0x3FB3] =	sst s6  }
0xf: {  	[smem:$0x3FB4] =	sst s7  }
0x10: {  	[smem:$0x3FB5] =	sst s8  }
0x11: {  	[smem:$0x3FB6] =	sst s9;
	s0 =	simm.s32 @!p0 $0x0  }
0x12: {  	s1 =	sld [smem:$0x3F9C];
	s0 =	simm.s32 @p0 $0x1  }
0x13: {  	[smem:$0x3FB7] =	sst s0;
	s0 =	simm.s32 @!p1 $0x0  }
0x14: {  	s2 =	sld [smem:$0x3F9B];
	s0 =	simm.s32 @p1 $0x1  }
0x15: {  	[smem:$0x3FB8] =	sst s0;
	s0 =	simm.s32 @!p2 $0x0  }
0x16: {  	s3 =	sld [smem:$0x3FDB];
	s0 =	simm.s32 @p2 $0x1  }
0x17: {  	s4 =	simm.s32 $0x1BF5;
	[smem:$0x3FBA] =	sst s0  }
0x18: {  	s0 =	sld [smem:$0x3F9D];
	_ =	swait.ge [sflag:s4], $0x0  }
0x19: {  	s7 =	sld [smem:$0x3F9E]  }
0x1a: {  	s8 =	sadd.s32 $0xFFFFE003, lr  }
0x1b: {  	s9 =	sadd.s32 $0xFFFFFEF7, lr;
	s5 =	simm.s32 $0xFFFFFFFF;
	p2 =	slt.u32 s8, $0xFFFFF086  }
0x1c: {  	p1 =	slt.u32 s9, $0xF7A;
	s5 =	simm.s32 @!p2 $0x0  }
0x1d: {  	s5 =	simm.s32 @p1 $0x1;
	p0 =	seq.s32 s7, s2  }
0x1e: {  	s7 =	smul.u32 @!p0 $0xF7A, s2;
	p2 =	seq.s32 @!p0 s5, $0x0  }
0x1f: {  	s9 =	smul.u32 $0xF7A, s1;
	s8 =	simm.s32 @!p0 $0x1BF5;
	p2 =	por !p2, p0  }
0x20: {  	[sflag:s8] =	ssyncset.s32 @!p0 $0xFFFFF086;
	s6 =	sadd.s32 @!p0 s3, s7;
	s7 =	simm.s32 @!p0 $0x108  }
0x21: {  	s3 =	sadd.s32 s3, s9;
	s6 =	sadd.s32 @!p0 $0x88, s6;
	s7 =	simm.s32 @p2 $0x1082  }
0x22: {  	[simem:s7], [sflag:s8] =	dma.local @!p0 [hbm:s6], $0xF7A  }
0x23: {  	s9 =	sor.u32 $0xD0000000, s2;
	s6 =	simm.s32 $0x108;
	_ =	swait.ge @!p0 [sflag:s8], $0x0  }
0x24: {  	s3 =	sadd.s32 $0x88, s3;
	s6 =	simm.s32 @!p1 $0x1082;
	[sflag:s4] =	ssyncset.s32 $0xFFFFF086  }
0x25: {  	[simem:s6], [sflag:s4] =	dma.local [hbm:s3], $0xF7A  }
0x26: {  	[smem:$0x3F9E] =	sst s1;
	(tag) =	ssettag s2;
	_ =	strace s9  }
0x27: {  	s1 =	sld [smem:$0x3FAE]  }
0x28: {  	s2 =	sld [smem:$0x3FAF]  }
0x29: {  	s4 =	sld [smem:$0x3FB1]  }
0x2a: {  	p0 =	seq.s32 s5, $0x0;
	s5 =	sld [smem:$0x3FB2]  }
0x2b: {  	s6 =	sld [smem:$0x3FB3]  }
0x2c: {  	s7 =	sld [smem:$0x3FB4]  }
0x2d: {  	s3 =	simm.s32 $0x108;
	s8 =	sld [smem:$0x3FB5]  }
0x2e: {  	s3 =	simm.s32 @!p0 $0x1082;
	s9 =	sld [smem:$0x3FB6]  }
0x2f: {  	lr =	sadd.s32 s0, s3;
	s0 =	sld [smem:$0x3FAD]  }
0x30: {  	s3 =	sld [smem:$0x3FB0]  }
0x31: {  	[smem:$0x3FB9] =	sst s10  }
0x32: {  	s10 =	sld [smem:$0x3FB7];
	_ =	sdelay $0x3  }
0x33: {  	p0 =	seq.s32 s10, $0x1;
	s10 =	sld [smem:$0x3FB9];
	_ =	sdelay $0x3  }
0x34: {  	[smem:$0x3FB9] =	sst s10  }
0x35: {  	s10 =	sld [smem:$0x3FB8];
	_ =	sdelay $0x3  }
0x36: {  	p1 =	seq.s32 s10, $0x1;
	s10 =	sld [smem:$0x3FB9];
	_ =	sdelay $0x3  }
0x37: {  	[smem:$0x3FB9] =	sst s10  }
0x38: {  	s10 =	sld [smem:$0x3FBA]  }
0x39: {  	_ = 	snop;
	(pc) =	sbr.ind lr, $3  }
0x3a: {  	_ = 	snop  }
0x3b: {  	_ = 	snop  }
0x3c: {  	p2 =	seq.s32 s10, $0x1;
	s10 =	sld [smem:$0x3FB9]  }
0x3d: {  	_ =	shalt  }
0x3e: {  	_ =	shalt  }
0x3f: {  	_ =	shalt  }
0x40: {  	_ =	shalt  }
0x41: {  	_ =	shalt  }
0x42: {  	_ =	shalt  }
0x43: {  	_ =	shalt  }
0x44: {  	_ =	shalt  }
0x45: {  	_ =	shalt  }
0x46: {  	_ =	shalt  }
0x47: {  	_ =	shalt  }
0x48: {  	_ =	shalt  }
0x49: {  	_ =	shalt  }
0x4a: {  	_ =	shalt  }
0x4b: {  	_ =	shalt  }
0x4c: {  	_ =	shalt  }
0x4d: {  	_ =	shalt  }
0x4e: {  	_ =	shalt  }
0x4f: {  	_ =	shalt  }
0x50: {  	_ =	shalt  }
0x51: {  	_ =	shalt  }
0x52: {  	_ =	shalt  }
0x53: {  	_ =	shalt  }
0x54: {  	_ =	shalt  }
0x55: {  	_ =	shalt  }
0x56: {  	_ =	shalt  }
0x57: {  	_ =	shalt  }
0x58: {  	_ =	shalt  }
0x59: {  	_ =	shalt  }
0x5a: {  	_ =	shalt  }
0x5b: {  	_ =	shalt  }
0x5c: {  	_ =	shalt  }
0x5d: {  	_ =	shalt  }
0x5e: {  	_ =	shalt  }
0x5f: {  	_ =	shalt  }
0x60: {  	_ =	shalt  }
0x61: {  	_ =	shalt  }
0x62: {  	_ =	shalt  }
0x63: {  	_ =	shalt  }
0x64: {  	_ =	shalt  }
0x65: {  	_ =	shalt  }
0x66: {  	_ =	shalt  }
0x67: {  	_ =	shalt  }
0x68: {  	_ =	shalt  }
0x69: {  	_ =	shalt  }
0x6a: {  	_ =	shalt  }
0x6b: {  	_ =	shalt  }
0x6c: {  	_ =	shalt  }
0x6d: {  	_ =	shalt  }
0x6e: {  	_ =	shalt  }
0x6f: {  	_ =	shalt  }
0x70: {  	_ =	shalt  }
0x71: {  	_ =	shalt  }
0x72: {  	_ =	shalt  }
0x73: {  	_ =	shalt  }
0x74: {  	_ =	shalt  }
0x75: {  	_ =	shalt  }
0x76: {  	_ =	shalt  }
0x77: {  	_ =	shalt  }
0x78: {  	_ =	shalt  }
0x79: {  	_ =	shalt  }
0x7a: {  	_ =	shalt  }
0x7b: {  	_ =	shalt  }
0x7c: {  	_ =	shalt  }
0x7d: {  	_ =	shalt  }
0x7e: {  	_ =	shalt  }
0x7f: {  	_ =	shalt  }
0x80: {  	_ =	shalt  }
0x81: {  	_ =	shalt  }
0x82: {  	_ =	shalt  }
0x83: {  	_ =	shalt  }
0x84: {  	_ =	shalt  }
0x85: {  	_ =	shalt  }
0x86: {  	_ =	shalt  }
0x87: {  	_ =	shalt  }
.Lfunc_end0:
.L_simem_size_0:
called_computation_lowered:
.L_overlay_start_0:
0x88: {  	s2 =	sld [smem:$0x3FD9]  }
0x89: {  	s3 =	sld [smem:$0x3FFE];
	_ =	sdelay $0x1  }
0x8a: {  	s1 =	srdreg.scid  }
0x8b: {  	s0 =	sand.u32 $0x1, s1  }
0x8c: {  	s17 =	sshll.u32 s0, $0xA;
	s2 =	sadd.s32 s3, s2  }
0x8d: {  	s2 =	sadd.s32 s2, s17  }
0x8e: {  	[smem:$0x3FC5] =	sst s2  }
0x8f: {  	_ = 	snop  }
0x90: {  	s2 =	sld [smem:$0x3FC9]  }
0x91: {  	s18 =	sld [smem:$0x3FC8]  }
0x92: {  	s4 =	sld [smem:$0x3FD0];
	(tm) =	ssettm $0x1  }
0x93: {  	s5 =	sld [smem:$0x3FFB];
	_ =	sdelay $0x3  }
0x94: {  	_ =	strace s5  }
0x95: {  	s5 =	sld [smem:$0x3FFC];
	_ =	sdelay $0x3  }
0x96: {  	_ =	strace s5  }
0x97: {  	s5 =	sld [smem:$0x3FFD];
	_ =	sdelay $0x3  }
0x98: {  	_ =	strace s5  }
0x99: {  	_ =	strace $0x8FFFFFFF  }
0x9a: {  	s19 =	sld [smem:$0x3FDB];
	_ =	sdelay $0x1  }
0x9b: {  	s6 =	simm.s32 $_scs_section_size  }
0x9c: {  	s7 =	simm.s32 $_size__tile_overlayer_lowered;
	s8 =	simm.s32 $_tile_overlayer_lowered  }
0x9d: {  	s22 =	simm.s32 $0x1BFF;
	s21 =	sshll.u32 s8, $0x1;
	s5 =	sadd.s32 s6, s19  }
0x9e: {  	s9 =	simm.s32 $0x0;
	s20 =	sshll.u32 s7, $0x1;
	s7 =	sadd.s32 s21, s5  }
0x9f: {  	[timem:s9], [sflag:s22] =	dma.local [hbm:s7], s20  }
0xa0: {  	_ =	swait.ge [sflag:s22], s20  }
0xa1: {  	s6 =	ssub.s32 $0x0, s20;
	[sflag:s22] =	ssyncset.done $0x0  }
0xa2: {  	[sflag:s22] =	ssyncadd.s32 s6;
	_ =	sdelay $0x1  }
0xa3: {  	s23 =	simm.s32 $0x1B8B  }
0xa4: {  	_ =	swait.ge [sflag:s23], $0x1  }
0xa5: {  	[sflag:s23] =	ssyncset.done $0x0  }
0xa6: {  	s25 =	simm.s32 $0x1B8E;
	s24 =	sld [smem:$0x3FFE];
	[sflag:s23] =	ssyncadd.s32 $0xFFFFFFFF  }
0xa7: {  	s26 =	simm.s32 $execute0_lowered;
	[smem:$0x3FD2] =	sst s25  }
0xa8: {  	s7 =	sshll.u32 s26, $0x1;
	_ =	strace $0x80000046;
	[dreg:$0x1] =	wrdreg $0xFFFFFFFF  }
0xa9: {  	s28 =	simm.s32 $_size_execute0_lowered;
	s5 =	sadd.s32 s5, s7;
	[dreg:$0x0] =	wrdreg $0x0  }
0xaa: {  	s7 =	sshll.u32 s28, $0x1;
	[dreg:$0x2] =	wrdreg s5  }
0xab: {  	[dreg:$0x3] =	wrdreg s7  }
0xac: {  	[dreg:$0x4] =	wrdreg $0xC0  }
0xad: {  	_ =	task [dreg:s9], $0x5FFFF  }
0xae: {  	[dreg:$0x1] =	wrdreg $0xFFFFFFFF  }
0xaf: {  	[dreg:$0x0] =	wrdreg $0x60  }
0xb0: {  	[dreg:$0x2] =	wrdreg s24  }
0xb1: {  	[dreg:$0x3] =	wrdreg s18  }
0xb2: {  	[dreg:$0x4] =	wrdreg s2  }
0xb3: {  	[dreg:$0x5] =	wrdreg s4  }
0xb4: {  	[dreg:$0x6] =	wrdreg $0x120000  }
0xb5: {  	[dreg:$0x7] =	wrdreg $0x9  }
0xb6: {  	_ =	task.clear_ibuf [dreg:s9], $0x8FFFF;
	_ =	strace $0x90000046  }
0xb7: {  	s29 =	simm.s32 $0x9;
	_ =	strace $0x80000048  }
0xb8: {  	_ =	swait.ge [sflag:s29], $0x1  }
0xb9: {  	[sflag:s29] =	ssyncadd.s32 $0xFFFFFFFF  }
0xba: {  	_ =	strace $0x90000048  }
0xbb: {  	_ =	sfence  }
0xbc: {  	s30 =	sld [smem:$0x0];
	_ =	sdelay $0x2  }
0xbd: {  	s31 =	sshll.u32 s1, $0xD;
	s1 =	sshrl.u32 s1, $0x2  }
0xbe: {  	s3 =	sand.u32 $0x4000, s31;
	s1 =	sadd.s32 s1, s30  }
0xbf: {  	s0 =	sor.u32 s3, s0;
	s1 =	sshll.u32 s1, $0x11  }
0xc0: {  	s0 =	sor.u32 s1, s0  }
0xc1: {  	s0 =	sadd.s32 $0x8F2B, s0  }
0xc2: {  	[sflag:s0] =	ssyncadd.remote.s32 $0x1  }
0xc3: {  	_ =	sfence.sel $0xFFFF  }
0xc4: {  	[dreg:$0x0] =	wrdreg $0xFFFFFFFF;
	(pc) =	sbr.abs _section_cstart, $3  }
0xc5: {  	[dreg:$0x1] =	wrdreg $0xFFFFFFFF  }
0xc6: {  	_ =	task.clear_ibuf [dreg:s9], $0x2FFFF;
	_ =	strace $0x9FFFFFFF  }
0xc7: {  	(tm) =	ssettm $0x7FFFFFFF  }
tec
execute0_lowered:
.L_overlay_start_1:
0x0: {  	(tag) =	ssettag $0x1  }
0x1: {  	s0 =	rddreg [dreg:$0x0]  }
0x2: {  	s3 =	rddreg [dreg:$0x1]  }
0x3: {  	s4 =	rddreg [dreg:$0x2]  }
0x4: {  	s6 =	rddreg [dreg:$0x3]  }
0x5: {  	s1 =	rddreg [dreg:$0x4];
	s5 =	srdreg.scid  }
0x6: {  	s2 =	simm.s32 $0x0;
	s7 =	stileid.u32;
	s5 =	sand.u32 $0x1, s5  }
0x7: {  	[smem:$0x7FF] =	sst s2;
	s9 =	sshll.u32 s7, $0x1;
	s0 =	sadd.s32 $0x400, s0  }
0x8: {  	s8 =	ssub.s32 $0x2, s5;
	_ =	strace $0x80000047;
	s9 =	sor.u32 s5, s9  }
0x9: {  	[dreg:$0x6] =	wrdreg s0;
	s10 =	sshrl.u32 s8, $0x1;
	s15 =	sshll.u32 s9, $0x9  }
0xa: {  	s17 =	sshll.u32 s9, $0x10;
	s16 =	sadd.s32 s3, s15;
	s5 =	sadd.s32 s4, s15  }
0xb: {  	s0 =	ssub.s32 s8, s10;
	[dreg:$0x7] =	wrdreg s16;
	s18 =	sadd.s32 $0x4000, s5  }
0xc: {  	s8 =	sadd.s32 s6, s17;
	s19 =	sadd.s32 $0x8000, s5;
	[dreg:$0x8] =	wrdreg s18  }
0xd: {  	s6 =	sadd.s32 $0x1000, s8;
	[dreg:$0x9] =	wrdreg s19  }
0xe: {  	s21 =	sor.u32 $0x80, s15;
	s20 =	sadd.s32 $0x2000, s8;
	[dreg:$0xa] =	wrdreg s6  }
0xf: {  	s22 =	sadd.s32 s3, s21;
	[dreg:$0xb] =	wrdreg s20  }
0x10: {  	s23 =	sadd.s32 $0x4080, s5;
	[dreg:$0xc] =	wrdreg s22  }
0x11: {  	s24 =	sadd.s32 $0x8080, s5;
	[dreg:$0xe] =	wrdreg s23  }
0x12: {  	s25 =	sadd.s32 $0x3000, s8;
	[dreg:$0xf] =	wrdreg s24  }
0x13: {  	s26 =	sadd.s32 $0x4000, s8;
	[dreg:$0x10] =	wrdreg s25  }
0x14: {  	s28 =	simm.s32 $0x11C00;
	s9 =	sadd.s32 $0x5000, s8;
	[dreg:$0x11] =	wrdreg s26  }
0x15: {  	s12 =	sor.u32 $0x100, s15;
	s11 =	sadd.s32 $0x6000, s8;
	[dreg:$0x12] =	wrdreg s9  }
0x16: {  	s14 =	sor.u32 $0x180, s15;
	s13 =	sadd.s32 s3, s12;
	[dreg:$0x13] =	wrdreg s11  }
0x17: {  	s29 =	simm.s32 $0x480;
	s3 =	sadd.s32 s3, s14;
	[dreg:$0x14] =	wrdreg s13  }
0x18: {  	s30 =	simm.s32 $0x500;
	s15 =	sadd.s32 s4, s14;
	[dreg:$0x16] =	wrdreg s3  }
0x19: {  	s31 =	simm.s32 $0x580;
	s16 =	sadd.s32 $0x4100, s5;
	[dreg:$0x17] =	wrdreg s15  }
0x1a: {  	p0 =	sne.s32 s7, $0x0;
	s17 =	sadd.s32 $0x8100, s5;
	[dreg:$0x18] =	wrdreg s16  }
0x1b: {  	s10 =	simm.s32 $0x5;
	s0 =	smax.u32 s0, $0x1;
	[dreg:$0x19] =	wrdreg s17  }
0x1c: {  	s7 =	sadd.s32 $0xE000, s8;
	s6 =	sadd.s32 s4, s21;
	[dreg:$0x1a] =	wrdreg s0  }
0x1d: {  	s14 =	simm.s32 $0x80;
	s18 =	sadd.s32 $0x7000, s8;
	[dreg:$0xd] =	wrdreg s6  }
0x1e: {  	s19 =	sadd.s32 $0x8000, s8;
	s20 =	sadd.s32 $0x9000, s8;
	[dreg:$0x1b] =	wrdreg s18  }
0x1f: {  	s21 =	sadd.s32 $0xA000, s8;
	s22 =	sadd.s32 $0x4180, s5;
	[dreg:$0x1c] =	wrdreg s19  }
0x20: {  	s23 =	sadd.s32 $0x8180, s5;
	s24 =	sadd.s32 $0xB000, s8;
	[dreg:$0x1d] =	wrdreg s20  }
0x21: {  	s25 =	sadd.s32 $0xC000, s8;
	s26 =	sadd.s32 $0xD000, s8;
	[dreg:$0x1e] =	wrdreg s21  }
0x22: {  	s9 =	sadd.s32 $0xF000, s8;
	s15 =	simm.s32 $0x800;
	[dreg:$0x1f] =	wrdreg s22  }
0x23: {  	s16 =	simm.s32 $0x4800;
	s17 =	simm.s32 $0x1;
	[smem:$0x7FA] =	sst s23  }
0x24: {  	s13 =	simm.s32 $0x3;
	s11 =	simm.s32 $0x11800;
	[smem:$0x7FB] =	sst s24  }
0x25: {  	s0 =	simm.s32 $0x680;
	s3 =	simm.s32 $0x780;
	[smem:$0x7FC] =	sst s25  }
0x26: {  	s6 =	sadd.s32 s4, s12;
	[smem:$0x7FD] =	sst s26;
	s19 =	simm.s32 $0x8800  }
0x27: {  	s20 =	simm.s32 $0xC800;
	s12 =	simm.s32 $0x2;
	s23 =	simm.s32 $0x4  }
0x28: {  	v0 =	vlaneseq.u32;
	s25 =	simm.s32 $0x400;
	s26 =	simm.s32 $0x11400;
	s21 =	simm.s32 $0x600  }
0x29: {  	v0 =	vmul.u32 $0x80, v0;
	s22 =	simm.s32 $0x700;
	s4 =	simm.s32 $0x0;
	[dreg:$0x15] =	wrdreg s6  }
.LBB2_1:
0x2a: {  	s6 =	sshrl.u32 @!p0 s1, $0x3;
	s24 =	simm.s32 @!p0 $0x1C05;
	s18 =	rddreg [dreg:$0x6]  }
0x2b: {  	[spmem:s6], [sflag:s24] =	dma.local @!p0 [hbm:s18], $0x770  }
0x2c: {  	s6 =	simm.s32 @!p0 $0x5  }
0x2d: {  	_ =	swait.ge @!p0 [sflag:s6], $0x770  }
0x2e: {  	[sflag:s6] =	ssyncset.done @!p0 $0x0  }
0x2f: {  	[sflag:s6] =	ssyncadd.s32 @!p0 $0xFFFFF890  }
0x30: {  	[bflag:$0x0] =	sbarrier.arrive $0xFFFF  }
0x31: {  	s18 =	rddreg [dreg:$0x7]  }
0x32: {  	[tilespmem:s2], [sflag:$0x5] =	stream.linear.gather [hbm4b:s18+s2], $0x400, $0x38;
	[tilespmem:$0x123B8] =	vst v63  }
0x33: {  	_ =	swait.ge [sflag:s10], $0x400  }
0x34: {  	[sflag:s10] =	ssyncset.done $0x0  }
0x35: {  	s24 =	simm.s32 $0x10800;
	[sflag:s10] =	ssyncadd.s32 $0xFFFFFC00  }
0x36: {  	[tilespmem:s24], [sflag:$0x5] =	stream.linear.gather [hbm4b:s5+s2], $0x400, $0x38;
	[tilespmem:$0x123B8] =	vst v63  }
0x37: {  	_ =	swait.ge [sflag:s10], $0x400  }
0x38: {  	[sflag:s10] =	ssyncset.done $0x0  }
0x39: {  	s24 =	simm.s32 $0x10C00;
	s18 =	rddreg [dreg:$0x8];
	[sflag:s10] =	ssyncadd.s32 $0xFFFFFC00  }
0x3a: {  	[tilespmem:s24], [sflag:$0x5] =	stream.linear.gather [hbm4b:s18+s2], $0x400, $0x38;
	[tilespmem:$0x123B8] =	vst v63  }
0x3b: {  	_ =	swait.ge [sflag:s10], $0x400  }
0x3c: {  	[sflag:s10] =	ssyncset.done $0x0  }
0x3d: {  	s24 =	simm.s32 $0x11000;
	s18 =	rddreg [dreg:$0x9];
	[sflag:s10] =	ssyncadd.s32 $0xFFFFFC00  }
0x3e: {  	[tilespmem:s24], [sflag:$0x5] =	stream.linear.gather [hbm4b:s18+s2], $0x400, $0x38;
	[tilespmem:$0x123B8] =	vst v63  }
0x3f: {  	_ =	swait.ge [sflag:s10], $0x400  }
0x40: {  	[sflag:s10] =	ssyncset.done $0x0  }
0x41: {  	[sflag:s10] =	ssyncadd.s32 $0xFFFFFC00  }
0x42: {  	[tilespmem:s15], [sflag:$0x1] =	stream.indirect.gather [spmem:s1], $0x80, s2, s14, $0xb8;
	[tilespmem:$0x123B8] =	vst v63  }
0x43: {  	_ = 	snop  }
0x44: {  	[tilespmem:s16], [sflag:$0x1] =	stream.indirect.gather [spmem:s1], $0x80, s14, s14, $0xb8;
	[tilespmem:$0x123B8] =	vst v63  }
0x45: {  	_ =	swait.ge [sflag:s17], $0x4000  }
0x46: {  	[sflag:s17] =	ssyncset.done $0x0  }
0x47: {  	[sflag:s17] =	ssyncadd.s32 $0xFFFFC000  }
0x48: {  	_ =	swait.ge [sflag:s17], $0x4000  }
0x49: {  	[sflag:s17] =	ssyncset.done $0x0  }
0x4a: {  	s18 =	simm.s32 $0x100;
	[sflag:s17] =	ssyncadd.s32 $0xFFFFC000  }
0x4b: {  	[tilespmem:s19], [sflag:$0x2] =	stream.indirect.gather [spmem:s1], $0x80, s18, s14, $0xb8;
	[tilespmem:$0x123B8] =	vst v63  }
0x4c: {  	v1 =	vmov s2;
	s24 =	simm.s32 $0x180;
	s18 =	sand.u32 $0xF0, s2  }
0x4d: {  	v1 =	vshll.u32 v1, $0x7;
	[tilespmem:s20], [sflag:$0x2] =	stream.indirect.gather [spmem:s1], $0x80, s24, s14, $0xb8;
	[tilespmem:$0x123B8] =	vst v63  }
0x4e: {  	v3 =	vor.u32 v0, v1;
	v2 =	vld [tilespmem:s18+$0x10800];
	_ =	sdelay $0x4  }
0x4f: {  	[tilespmem:v3+s15+$0x0] =	vst.idx.msk $0xffff, v2  }
0x50: {  	v2 =	vor.u32 $0x1, v3;
	v1 =	vld [tilespmem:s18+$0x10C00];
	_ =	sdelay $0x4  }
0x51: {  	[tilespmem:v2+s15+$0x0] =	vst.idx.msk $0xffff, v1  }
0x52: {  	v2 =	vor.u32 $0x2, v3;
	v1 =	vld [tilespmem:s18+$0x11000];
	_ =	sdelay $0x2  }
0x53: {  	s24 =	simm.s32 $0x10  }
0x54: {  	s6 =	simm.s32 $0x20;
	v3 =	vmov s24  }
.LBB2_2:
0x55: {  	p1 =	sne.s32 s6, $0xF0;
	v3 =	vshll.u32 v3, $0x7;
	s18 =	sand.u32 $0xF0, s24;
	[tilespmem:v2+s15+$0x0] =	vst.idx.msk $0xffff, v1;
	s24 =	smov.u32 s6  }
0x56: {  	v1 =	vld [tilespmem:s18+$0x10800];
	v2 =	vor.u32 v0, v3;
	_ =	sdelay $0x4  }
0x57: {  	[tilespmem:v2+s15+$0x0] =	vst.idx.msk $0xffff, v1  }
0x58: {  	v3 =	vor.u32 $0x1, v2;
	v1 =	vld [tilespmem:s18+$0x10C00];
	_ =	sdelay $0x4  }
0x59: {  	[tilespmem:v3+s15+$0x0] =	vst.idx.msk $0xffff, v1  }
.Ltmp0:
0x5a: {  	v2 =	vor.u32 $0x2, v2;
	v1 =	vld [tilespmem:s18+$0x11000];
	(pc) =	sbr.rel @p1 .LBB2_2-.Ltmp0, $2  }
0x5b: {  	_ =	sdelay $0x2  }
0x5c: {  	s6 =	sadd.s32 $0x10, s6;
	v3 =	vmov s24  }
0x5d: {  	_ =	sdelay $0x3  }
0x5e: {  	v3 =	vshll.u32 v3, $0x7;
	s6 =	sand.u32 $0xF0, s24;
	[tilespmem:v2+s15+$0x0] =	vst.idx.msk $0xffff, v1  }
0x5f: {  	v1 =	vld [tilespmem:s6+$0x10800];
	v2 =	vor.u32 v0, v3;
	_ =	sdelay $0x4  }
0x60: {  	[tilespmem:v2+s15+$0x0] =	vst.idx.msk $0xffff, v1  }
0x61: {  	v3 =	vor.u32 $0x1, v2;
	v1 =	vld [tilespmem:s6+$0x10C00];
	_ =	sdelay $0x4  }
0x62: {  	[tilespmem:v3+s15+$0x0] =	vst.idx.msk $0xffff, v1  }
0x63: {  	v2 =	vor.u32 $0x2, v2;
	v1 =	vld [tilespmem:s6+$0x11000];
	_ =	sdelay $0x4  }
0x64: {  	s6 =	simm.s32 $0x0;
	[tilespmem:v2+s15+$0x0] =	vst.idx.msk $0xffff, v1  }
0x65: {  	[hbm4b:s8+s6] =	stream.linear.scatter [tilespmem:s15], [sflag:$0x3], $0x8000, $0x38;
	[tilespmem:$0x123B8] =	vst v63  }
0x66: {  	_ =	swait.ge [sflag:s12], $0x4000  }
0x67: {  	[sflag:s12] =	ssyncset.done $0x0  }
0x68: {  	[sflag:s12] =	ssyncadd.s32 $0xFFFFC000  }
0x69: {  	_ =	swait.ge [sflag:s12], $0x4000  }
0x6a: {  	[sflag:s12] =	ssyncset.done $0x0  }
0x6b: {  	[sflag:s12] =	ssyncadd.s32 $0xFFFFC000  }
0x6c: {  	_ =	swait.ge [sflag:s13], $0x8000  }
0x6d: {  	[sflag:s13] =	ssyncset.done $0x0  }
0x6e: {  	s18 =	simm.s32 $0x200;
	[sflag:s13] =	ssyncadd.s32 $0xFFFF8000  }
0x6f: {  	[tilespmem:s15], [sflag:$0x1] =	stream.indirect.gather [spmem:s1], $0x80, s18, s14, $0xb8;
	[tilespmem:$0x123B8] =	vst v63  }
0x70: {  	s24 =	simm.s32 $0x280;
	v1 =	vmov s6;
	s6 =	sand.u32 $0xF0, s6  }
0x71: {  	v1 =	vshll.u32 v1, $0x7;
	[tilespmem:s16], [sflag:$0x1] =	stream.indirect.gather [spmem:s1], $0x80, s24, s14, $0xb8;
	[tilespmem:$0x123B8] =	vst v63  }
0x72: {  	v3 =	vor.u32 v0, v1;
	v2 =	vld [tilespmem:s6+$0x10900];
	_ =	sdelay $0x4  }
0x73: {  	[tilespmem:v3+s19+$0x0] =	vst.idx.msk $0xffff, v2  }
0x74: {  	v2 =	vor.u32 $0x1, v3;
	v1 =	vld [tilespmem:s6+$0x10D00];
	_ =	sdelay $0x4  }
0x75: {  	[tilespmem:v2+s19+$0x0] =	vst.idx.msk $0xffff, v1  }
0x76: {  	v2 =	vor.u32 $0x2, v3;
	v1 =	vld [tilespmem:s6+$0x11100];
	_ =	sdelay $0x2  }
0x77: {  	s24 =	simm.s32 $0x10  }
0x78: {  	v3 =	vmov s24;
	s6 =	simm.s32 $0x20  }
.LBB2_4:
0x79: {  	p1 =	sne.s32 s6, $0xF0;
	v3 =	vshll.u32 v3, $0x7;
	s18 =	sand.u32 $0xF0, s24;
	[tilespmem:v2+s19+$0x0] =	vst.idx.msk $0xffff, v1;
	s24 =	smov.u32 s6  }
0x7a: {  	v1 =	vld [tilespmem:s18+$0x10900];
	v2 =	vor.u32 v0, v3;
	_ =	sdelay $0x4  }
0x7b: {  	[tilespmem:v2+s19+$0x0] =	vst.idx.msk $0xffff, v1  }
0x7c: {  	v3 =	vor.u32 $0x1, v2;
	v1 =	vld [tilespmem:s18+$0x10D00];
	_ =	sdelay $0x4  }
0x7d: {  	[tilespmem:v3+s19+$0x0] =	vst.idx.msk $0xffff, v1  }
.Ltmp1:
0x7e: {  	v2 =	vor.u32 $0x2, v2;
	v1 =	vld [tilespmem:s18+$0x11100];
	(pc) =	sbr.rel @p1 .LBB2_4-.Ltmp1, $2  }
0x7f: {  	_ =	sdelay $0x2  }
0x80: {  	s6 =	sadd.s32 $0x10, s6;
	v3 =	vmov s24  }
0x81: {  	_ =	sdelay $0x3  }
0x82: {  	v3 =	vshll.u32 v3, $0x7;
	s6 =	sand.u32 $0xF0, s24;
	[tilespmem:v2+s19+$0x0] =	vst.idx.msk $0xffff, v1  }
0x83: {  	v1 =	vld [tilespmem:s6+$0x10900];
	v2 =	vor.u32 v0, v3;
	_ =	sdelay $0x4  }
0x84: {  	[tilespmem:v2+s19+$0x0] =	vst.idx.msk $0xffff, v1  }
0x85: {  	v3 =	vor.u32 $0x1, v2;
	v1 =	vld [tilespmem:s6+$0x10D00];
	_ =	sdelay $0x4  }
0x86: {  	[tilespmem:v3+s19+$0x0] =	vst.idx.msk $0xffff, v1  }
0x87: {  	v2 =	vor.u32 $0x2, v2;
	v1 =	vld [tilespmem:s6+$0x11100];
	_ =	sdelay $0x4  }
0x88: {  	s18 =	rddreg [dreg:$0xa];
	s6 =	simm.s32 $0x0;
	[tilespmem:v2+s19+$0x0] =	vst.idx.msk $0xffff, v1  }
0x89: {  	[hbm4b:s18+s6] =	stream.linear.scatter [tilespmem:s19], [sflag:$0x4], $0x8000, $0x38;
	[tilespmem:$0x123B8] =	vst v63  }
0x8a: {  	_ =	swait.ge [sflag:s17], $0x4000  }
0x8b: {  	[sflag:s17] =	ssyncset.done $0x0  }
0x8c: {  	[sflag:s17] =	ssyncadd.s32 $0xFFFFC000  }
0x8d: {  	_ =	swait.ge [sflag:s17], $0x4000  }
0x8e: {  	[sflag:s17] =	ssyncset.done $0x0  }
0x8f: {  	[sflag:s17] =	ssyncadd.s32 $0xFFFFC000  }
0x90: {  	_ =	swait.ge [sflag:s23], $0x8000  }
0x91: {  	[sflag:s23] =	ssyncset.done $0x0  }
0x92: {  	s24 =	simm.s32 $0x300;
	[sflag:s23] =	ssyncadd.s32 $0xFFFF8000  }
0x93: {  	[tilespmem:s19], [sflag:$0x2] =	stream.indirect.gather [spmem:s1], $0x80, s24, s14, $0xb8;
	[tilespmem:$0x123B8] =	vst v63  }
0x94: {  	v1 =	vmov s6;
	s6 =	sand.u32 $0xF0, s6;
	s24 =	simm.s32 $0x380  }
0x95: {  	v1 =	vshll.u32 v1, $0x7;
	[tilespmem:s20], [sflag:$0x2] =	stream.indirect.gather [spmem:s1], $0x80, s24, s14, $0xb8;
	[tilespmem:$0x123B8] =	vst v63  }
0x96: {  	v3 =	vor.u32 v0, v1;
	v2 =	vld [tilespmem:s6+$0x10A00];
	_ =	sdelay $0x4  }
0x97: {  	[tilespmem:v3+s15+$0x0] =	vst.idx.msk $0xffff, v2  }
0x98: {  	v2 =	vor.u32 $0x1, v3;
	v1 =	vld [tilespmem:s6+$0x10E00];
	_ =	sdelay $0x4  }
0x99: {  	[tilespmem:v2+s15+$0x0] =	vst.idx.msk $0xffff, v1  }
0x9a: {  	v2 =	vor.u32 $0x2, v3;
	v1 =	vld [tilespmem:s6+$0x11200];
	_ =	sdelay $0x2  }
0x9b: {  	s24 =	simm.s32 $0x10  }
0x9c: {  	v3 =	vmov s24;
	s6 =	simm.s32 $0x20  }
.LBB2_6:
0x9d: {  	p1 =	sne.s32 s6, $0xF0;
	v3 =	vshll.u32 v3, $0x7;
	s18 =	sand.u32 $0xF0, s24;
	[tilespmem:v2+s15+$0x0] =	vst.idx.msk $0xffff, v1;
	s24 =	smov.u32 s6  }
0x9e: {  	v1 =	vld [tilespmem:s18+$0x10A00];
	v2 =	vor.u32 v0, v3;
	_ =	sdelay $0x4  }
0x9f: {  	[tilespmem:v2+s15+$0x0] =	vst.idx.msk $0xffff, v1  }
0xa0: {  	v3 =	vor.u32 $0x1, v2;
	v1 =	vld [tilespmem:s18+$0x10E00];
	_ =	sdelay $0x4  }
0xa1: {  	[tilespmem:v3+s15+$0x0] =	vst.idx.msk $0xffff, v1  }
.Ltmp2:
0xa2: {  	v2 =	vor.u32 $0x2, v2;
	v1 =	vld [tilespmem:s18+$0x11200];
	(pc) =	sbr.rel @p1 .LBB2_6-.Ltmp2, $2  }
0xa3: {  	_ =	sdelay $0x2  }
0xa4: {  	s6 =	sadd.s32 $0x10, s6;
	v3 =	vmov s24  }
0xa5: {  	_ =	sdelay $0x3  }
0xa6: {  	v3 =	vshll.u32 v3, $0x7;
	s6 =	sand.u32 $0xF0, s24;
	[tilespmem:v2+s15+$0x0] =	vst.idx.msk $0xffff, v1  }
0xa7: {  	v1 =	vld [tilespmem:s6+$0x10A00];
	v2 =	vor.u32 v0, v3;
	_ =	sdelay $0x4  }
0xa8: {  	[tilespmem:v2+s15+$0x0] =	vst.idx.msk $0xffff, v1  }
0xa9: {  	v3 =	vor.u32 $0x1, v2;
	v1 =	vld [tilespmem:s6+$0x10E00];
	_ =	sdelay $0x4  }
0xaa: {  	[tilespmem:v3+s15+$0x0] =	vst.idx.msk $0xffff, v1  }
0xab: {  	v2 =	vor.u32 $0x2, v2;
	v1 =	vld [tilespmem:s6+$0x11200];
	_ =	sdelay $0x4  }
0xac: {  	s18 =	rddreg [dreg:$0xb];
	s6 =	simm.s32 $0x0;
	[tilespmem:v2+s15+$0x0] =	vst.idx.msk $0xffff, v1  }
0xad: {  	[hbm4b:s18+s6] =	stream.linear.scatter [tilespmem:s15], [sflag:$0x3], $0x8000, $0x38;
	[tilespmem:$0x123B8] =	vst v63  }
0xae: {  	_ =	swait.ge [sflag:s12], $0x4000  }
0xaf: {  	[sflag:s12] =	ssyncset.done $0x0  }
0xb0: {  	[sflag:s12] =	ssyncadd.s32 $0xFFFFC000  }
0xb1: {  	_ =	swait.ge [sflag:s12], $0x4000  }
0xb2: {  	[sflag:s12] =	ssyncset.done $0x0  }
0xb3: {  	[sflag:s12] =	ssyncadd.s32 $0xFFFFC000  }
0xb4: {  	_ =	swait.ge [sflag:s13], $0x8000  }
0xb5: {  	[sflag:s13] =	ssyncset.done $0x0  }
0xb6: {  	s24 =	rddreg [dreg:$0xc];
	[sflag:s13] =	ssyncadd.s32 $0xFFFF8000  }
0xb7: {  	[tilespmem:s25], [sflag:$0x5] =	stream.linear.gather [hbm4b:s24+s6], $0x400, $0x38;
	[tilespmem:$0x123B8] =	vst v63  }
0xb8: {  	_ =	swait.ge [sflag:s10], $0x400  }
0xb9: {  	[sflag:s10] =	ssyncset.done $0x0  }
0xba: {  	s24 =	rddreg [dreg:$0xd];
	[sflag:s10] =	ssyncadd.s32 $0xFFFFFC00  }
0xbb: {  	[tilespmem:s26], [sflag:$0x5] =	stream.linear.gather [hbm4b:s24+s6], $0x400, $0x38;
	[tilespmem:$0x123B8] =	vst v63  }
0xbc: {  	_ =	swait.ge [sflag:s10], $0x400  }
0xbd: {  	[sflag:s10] =	ssyncset.done $0x0  }
0xbe: {  	s24 =	rddreg [dreg:$0xe];
	[sflag:s10] =	ssyncadd.s32 $0xFFFFFC00  }
0xbf: {  	[tilespmem:s11], [sflag:$0x5] =	stream.linear.gather [hbm4b:s24+s6], $0x400, $0x38;
	[tilespmem:$0x123B8] =	vst v63  }
0xc0: {  	_ =	swait.ge [sflag:s10], $0x400  }
0xc1: {  	[sflag:s10] =	ssyncset.done $0x0  }
0xc2: {  	s24 =	rddreg [dreg:$0xf];
	[sflag:s10] =	ssyncadd.s32 $0xFFFFFC00  }
0xc3: {  	[tilespmem:s28], [sflag:$0x5] =	stream.linear.gather [hbm4b:s24+s6], $0x400, $0x38;
	[tilespmem:$0x123B8] =	vst v63  }
0xc4: {  	_ =	swait.ge [sflag:s10], $0x400  }
0xc5: {  	[sflag:s10] =	ssyncset.done $0x0  }
0xc6: {  	[sflag:s10] =	ssyncadd.s32 $0xFFFFFC00  }
0xc7: {  	[tilespmem:s15], [sflag:$0x1] =	stream.indirect.gather [spmem:s1], $0x80, s25, s14, $0xb8;
	[tilespmem:$0x123B8] =	vst v63  }
0xc8: {  	v1 =	vmov s6;
	s6 =	sand.u32 $0xF0, s6  }
0xc9: {  	v1 =	vshll.u32 v1, $0x7;
	[tilespmem:s16], [sflag:$0x1] =	stream.indirect.gather [spmem:s1], $0x80, s29, s14, $0xb8;
	[tilespmem:$0x123B8] =	vst v63  }
0xca: {  	v3 =	vor.u32 v0, v1;
	v2 =	vld [tilespmem:s6+$0x10B00];
	_ =	sdelay $0x4  }
0xcb: {  	[tilespmem:v3+s19+$0x0] =	vst.idx.msk $0xffff, v2  }
0xcc: {  	v2 =	vor.u32 $0x1, v3;
	v1 =	vld [tilespmem:s6+$0x10F00];
	_ =	sdelay $0x4  }
0xcd: {  	[tilespmem:v2+s19+$0x0] =	vst.idx.msk $0xffff, v1  }
0xce: {  	v2 =	vor.u32 $0x2, v3;
	v1 =	vld [tilespmem:s6+$0x11300];
	_ =	sdelay $0x2  }
0xcf: {  	s24 =	simm.s32 $0x10  }
0xd0: {  	v3 =	vmov s24;
	s6 =	simm.s32 $0x20  }
.LBB2_8:
0xd1: {  	p1 =	sne.s32 s6, $0xF0;
	v3 =	vshll.u32 v3, $0x7;
	s18 =	sand.u32 $0xF0, s24;
	[tilespmem:v2+s19+$0x0] =	vst.idx.msk $0xffff, v1;
	s24 =	smov.u32 s6  }
0xd2: {  	v1 =	vld [tilespmem:s18+$0x10B00];
	v2 =	vor.u32 v0, v3;
	_ =	sdelay $0x4  }
0xd3: {  	[tilespmem:v2+s19+$0x0] =	vst.idx.msk $0xffff, v1  }
0xd4: {  	v3 =	vor.u32 $0x1, v2;
	v1 =	vld [tilespmem:s18+$0x10F00];
	_ =	sdelay $0x4  }
0xd5: {  	[tilespmem:v3+s19+$0x0] =	vst.idx.msk $0xffff, v1  }
.Ltmp3:
0xd6: {  	v2 =	vor.u32 $0x2, v2;
	v1 =	vld [tilespmem:s18+$0x11300];
	(pc) =	sbr.rel @p1 .LBB2_8-.Ltmp3, $2  }
0xd7: {  	_ =	sdelay $0x2  }
0xd8: {  	s6 =	sadd.s32 $0x10, s6;
	v3 =	vmov s24  }
0xd9: {  	_ =	sdelay $0x3  }
0xda: {  	v3 =	vshll.u32 v3, $0x7;
	s6 =	sand.u32 $0xF0, s24;
	[tilespmem:v2+s19+$0x0] =	vst.idx.msk $0xffff, v1  }
0xdb: {  	v1 =	vld [tilespmem:s6+$0x10B00];
	v2 =	vor.u32 v0, v3;
	_ =	sdelay $0x4  }
0xdc: {  	[tilespmem:v2+s19+$0x0] =	vst.idx.msk $0xffff, v1  }
0xdd: {  	v3 =	vor.u32 $0x1, v2;
	v1 =	vld [tilespmem:s6+$0x10F00];
	_ =	sdelay $0x4  }
0xde: {  	[tilespmem:v3+s19+$0x0] =	vst.idx.msk $0xffff, v1  }
0xdf: {  	v2 =	vor.u32 $0x2, v2;
	v1 =	vld [tilespmem:s6+$0x11300];
	_ =	sdelay $0x4  }
0xe0: {  	s24 =	simm.s32 $0x0;
	s18 =	rddreg [dreg:$0x10];
	[tilespmem:v2+s19+$0x0] =	vst.idx.msk $0xffff, v1  }
0xe1: {  	[hbm4b:s18+s24] =	stream.linear.scatter [tilespmem:s19], [sflag:$0x4], $0x8000, $0x38;
	[tilespmem:$0x123B8] =	vst v63  }
0xe2: {  	_ =	swait.ge [sflag:s17], $0x4000  }
0xe3: {  	[sflag:s17] =	ssyncset.done $0x0  }
0xe4: {  	[sflag:s17] =	ssyncadd.s32 $0xFFFFC000  }
0xe5: {  	_ =	swait.ge [sflag:s17], $0x4000  }
0xe6: {  	[sflag:s17] =	ssyncset.done $0x0  }
0xe7: {  	[sflag:s17] =	ssyncadd.s32 $0xFFFFC000  }
0xe8: {  	_ =	swait.ge [sflag:s23], $0x8000  }
0xe9: {  	[sflag:s23] =	ssyncset.done $0x0  }
0xea: {  	[sflag:s23] =	ssyncadd.s32 $0xFFFF8000  }
0xeb: {  	[tilespmem:s19], [sflag:$0x2] =	stream.indirect.gather [spmem:s1], $0x80, s30, s14, $0xb8;
	[tilespmem:$0x123B8] =	vst v63  }
0xec: {  	s6 =	sand.u32 $0xF0, s24;
	v1 =	vmov s24  }
0xed: {  	v1 =	vshll.u32 v1, $0x7;
	[tilespmem:s20], [sflag:$0x2] =	stream.indirect.gather [spmem:s1], $0x80, s31, s14, $0xb8;
	[tilespmem:$0x123B8] =	vst v63  }
0xee: {  	v3 =	vor.u32 v0, v1;
	v2 =	vld [tilespmem:s6+$0x11400];
	_ =	sdelay $0x4  }
0xef: {  	[tilespmem:v3+s15+$0x0] =	vst.idx.msk $0xffff, v2  }
0xf0: {  	v2 =	vor.u32 $0x1, v3;
	v1 =	vld [tilespmem:s6+$0x11800];
	_ =	sdelay $0x4  }
0xf1: {  	[tilespmem:v2+s15+$0x0] =	vst.idx.msk $0xffff, v1  }
0xf2: {  	v2 =	vor.u32 $0x2, v3;
	v1 =	vld [tilespmem:s6+$0x11C00];
	_ =	sdelay $0x2  }
0xf3: {  	s24 =	simm.s32 $0x10  }
0xf4: {  	v3 =	vmov s24;
	s6 =	simm.s32 $0x20  }
.LBB2_10:
0xf5: {  	p1 =	sne.s32 s6, $0xF0;
	v3 =	vshll.u32 v3, $0x7;
	s18 =	sand.u32 $0xF0, s24;
	[tilespmem:v2+s15+$0x0] =	vst.idx.msk $0xffff, v1;
	s24 =	smov.u32 s6  }
0xf6: {  	v1 =	vld [tilespmem:s18+$0x11400];
	v2 =	vor.u32 v0, v3;
	_ =	sdelay $0x4  }
0xf7: {  	[tilespmem:v2+s15+$0x0] =	vst.idx.msk $0xffff, v1  }
0xf8: {  	v3 =	vor.u32 $0x1, v2;
	v1 =	vld [tilespmem:s18+$0x11800];
	_ =	sdelay $0x4  }
0xf9: {  	[tilespmem:v3+s15+$0x0] =	vst.idx.msk $0xffff, v1  }
.Ltmp4:
0xfa: {  	v2 =	vor.u32 $0x2, v2;
	v1 =	vld [tilespmem:s18+$0x11C00];
	(pc) =	sbr.rel @p1 .LBB2_10-.Ltmp4, $2  }
0xfb: {  	_ =	sdelay $0x2  }
0xfc: {  	s6 =	sadd.s32 $0x10, s6;
	v3 =	vmov s24  }
0xfd: {  	_ =	sdelay $0x3  }
0xfe: {  	v3 =	vshll.u32 v3, $0x7;
	s6 =	sand.u32 $0xF0, s24;
	[tilespmem:v2+s15+$0x0] =	vst.idx.msk $0xffff, v1  }
0xff: {  	v1 =	vld [tilespmem:s6+$0x11400];
	v2 =	vor.u32 v0, v3;
	_ =	sdelay $0x4  }
0x100: {  	[tilespmem:v2+s15+$0x0] =	vst.idx.msk $0xffff, v1  }
0x101: {  	v3 =	vor.u32 $0x1, v2;
	v1 =	vld [tilespmem:s6+$0x11800];
	_ =	sdelay $0x4  }
0x102: {  	[tilespmem:v3+s15+$0x0] =	vst.idx.msk $0xffff, v1  }
0x103: {  	v2 =	vor.u32 $0x2, v2;
	v1 =	vld [tilespmem:s6+$0x11C00];
	_ =	sdelay $0x4  }
0x104: {  	s24 =	simm.s32 $0x0;
	s18 =	rddreg [dreg:$0x11];
	[tilespmem:v2+s15+$0x0] =	vst.idx.msk $0xffff, v1  }
0x105: {  	[hbm4b:s18+s24] =	stream.linear.scatter [tilespmem:s15], [sflag:$0x3], $0x8000, $0x38;
	[tilespmem:$0x123B8] =	vst v63  }
0x106: {  	_ =	swait.ge [sflag:s12], $0x4000  }
0x107: {  	[sflag:s12] =	ssyncset.done $0x0  }
0x108: {  	[sflag:s12] =	ssyncadd.s32 $0xFFFFC000  }
0x109: {  	_ =	swait.ge [sflag:s12], $0x4000  }
0x10a: {  	[sflag:s12] =	ssyncset.done $0x0  }
0x10b: {  	[sflag:s12] =	ssyncadd.s32 $0xFFFFC000  }
0x10c: {  	_ =	swait.ge [sflag:s13], $0x8000  }
0x10d: {  	[sflag:s13] =	ssyncset.done $0x0  }
0x10e: {  	[sflag:s13] =	ssyncadd.s32 $0xFFFF8000  }
0x10f: {  	[tilespmem:s15], [sflag:$0x1] =	stream.indirect.gather [spmem:s1], $0x80, s21, s14, $0xb8;
	[tilespmem:$0x123B8] =	vst v63  }
0x110: {  	s6 =	sand.u32 $0xF0, s24;
	v1 =	vmov s24  }
0x111: {  	v1 =	vshll.u32 v1, $0x7;
	[tilespmem:s16], [sflag:$0x1] =	stream.indirect.gather [spmem:s1], $0x80, s0, s14, $0xb8;
	[tilespmem:$0x123B8] =	vst v63  }
0x112: {  	v3 =	vor.u32 v0, v1;
	v2 =	vld [tilespmem:s6+$0x11500];
	_ =	sdelay $0x4  }
0x113: {  	[tilespmem:v3+s19+$0x0] =	vst.idx.msk $0xffff, v2  }
0x114: {  	v2 =	vor.u32 $0x1, v3;
	v1 =	vld [tilespmem:s6+$0x11900];
	_ =	sdelay $0x4  }
0x115: {  	[tilespmem:v2+s19+$0x0] =	vst.idx.msk $0xffff, v1  }
0x116: {  	v2 =	vor.u32 $0x2, v3;
	v1 =	vld [tilespmem:s6+$0x11D00];
	_ =	sdelay $0x2  }
0x117: {  	s24 =	simm.s32 $0x10  }
0x118: {  	v3 =	vmov s24;
	s6 =	simm.s32 $0x20  }
.LBB2_12:
0x119: {  	p1 =	sne.s32 s6, $0xF0;
	v3 =	vshll.u32 v3, $0x7;
	s18 =	sand.u32 $0xF0, s24;
	[tilespmem:v2+s19+$0x0] =	vst.idx.msk $0xffff, v1;
	s24 =	smov.u32 s6  }
0x11a: {  	v1 =	vld [tilespmem:s18+$0x11500];
	v2 =	vor.u32 v0, v3;
	_ =	sdelay $0x4  }
0x11b: {  	[tilespmem:v2+s19+$0x0] =	vst.idx.msk $0xffff, v1  }
0x11c: {  	v3 =	vor.u32 $0x1, v2;
	v1 =	vld [tilespmem:s18+$0x11900];
	_ =	sdelay $0x4  }
0x11d: {  	[tilespmem:v3+s19+$0x0] =	vst.idx.msk $0xffff, v1  }
.Ltmp5:
0x11e: {  	v2 =	vor.u32 $0x2, v2;
	v1 =	vld [tilespmem:s18+$0x11D00];
	(pc) =	sbr.rel @p1 .LBB2_12-.Ltmp5, $2  }
0x11f: {  	_ =	sdelay $0x2  }
0x120: {  	s6 =	sadd.s32 $0x10, s6;
	v3 =	vmov s24  }
0x121: {  	_ =	sdelay $0x3  }
0x122: {  	v3 =	vshll.u32 v3, $0x7;
	s6 =	sand.u32 $0xF0, s24;
	[tilespmem:v2+s19+$0x0] =	vst.idx.msk $0xffff, v1  }
0x123: {  	v1 =	vld [tilespmem:s6+$0x11500];
	v2 =	vor.u32 v0, v3;
	_ =	sdelay $0x4  }
0x124: {  	[tilespmem:v2+s19+$0x0] =	vst.idx.msk $0xffff, v1  }
0x125: {  	v3 =	vor.u32 $0x1, v2;
	v1 =	vld [tilespmem:s6+$0x11900];
	_ =	sdelay $0x4  }
0x126: {  	[tilespmem:v3+s19+$0x0] =	vst.idx.msk $0xffff, v1  }
0x127: {  	v2 =	vor.u32 $0x2, v2;
	v1 =	vld [tilespmem:s6+$0x11D00];
	_ =	sdelay $0x4  }
0x128: {  	s24 =	simm.s32 $0x0;
	s18 =	rddreg [dreg:$0x12];
	[tilespmem:v2+s19+$0x0] =	vst.idx.msk $0xffff, v1  }
0x129: {  	[hbm4b:s18+s24] =	stream.linear.scatter [tilespmem:s19], [sflag:$0x4], $0x8000, $0x38;
	[tilespmem:$0x123B8] =	vst v63  }
0x12a: {  	_ =	swait.ge [sflag:s17], $0x4000  }
0x12b: {  	[sflag:s17] =	ssyncset.done $0x0  }
0x12c: {  	[sflag:s17] =	ssyncadd.s32 $0xFFFFC000  }
0x12d: {  	_ =	swait.ge [sflag:s17], $0x4000  }
0x12e: {  	[sflag:s17] =	ssyncset.done $0x0  }
0x12f: {  	[sflag:s17] =	ssyncadd.s32 $0xFFFFC000  }
0x130: {  	_ =	swait.ge [sflag:s23], $0x8000  }
0x131: {  	[sflag:s23] =	ssyncset.done $0x0  }
0x132: {  	[sflag:s23] =	ssyncadd.s32 $0xFFFF8000  }
0x133: {  	[tilespmem:s19], [sflag:$0x2] =	stream.indirect.gather [spmem:s1], $0x80, s22, s14, $0xb8;
	[tilespmem:$0x123B8] =	vst v63  }
0x134: {  	s6 =	sand.u32 $0xF0, s24;
	v1 =	vmov s24  }
0x135: {  	v1 =	vshll.u32 v1, $0x7;
	[tilespmem:s20], [sflag:$0x2] =	stream.indirect.gather [spmem:s1], $0x80, s3, s14, $0xb8;
	[tilespmem:$0x123B8] =	vst v63  }
0x136: {  	v3 =	vor.u32 v0, v1;
	v2 =	vld [tilespmem:s6+$0x11600];
	_ =	sdelay $0x4  }
0x137: {  	[tilespmem:v3+s15+$0x0] =	vst.idx.msk $0xffff, v2  }
0x138: {  	v2 =	vor.u32 $0x1, v3;
	v1 =	vld [tilespmem:s6+$0x11A00];
	_ =	sdelay $0x4  }
0x139: {  	[tilespmem:v2+s15+$0x0] =	vst.idx.msk $0xffff, v1  }
0x13a: {  	v2 =	vor.u32 $0x2, v3;
	v1 =	vld [tilespmem:s6+$0x11E00];
	_ =	sdelay $0x2  }
0x13b: {  	s24 =	simm.s32 $0x10  }
0x13c: {  	v3 =	vmov s24;
	s6 =	simm.s32 $0x20  }
.LBB2_14:
0x13d: {  	p1 =	sne.s32 s6, $0xF0;
	v3 =	vshll.u32 v3, $0x7;
	s18 =	sand.u32 $0xF0, s24;
	[tilespmem:v2+s15+$0x0] =	vst.idx.msk $0xffff, v1;
	s24 =	smov.u32 s6  }
0x13e: {  	v1 =	vld [tilespmem:s18+$0x11600];
	v2 =	vor.u32 v0, v3;
	_ =	sdelay $0x4  }
0x13f: {  	[tilespmem:v2+s15+$0x0] =	vst.idx.msk $0xffff, v1  }
0x140: {  	v3 =	vor.u32 $0x1, v2;
	v1 =	vld [tilespmem:s18+$0x11A00];
	_ =	sdelay $0x4  }
0x141: {  	[tilespmem:v3+s15+$0x0] =	vst.idx.msk $0xffff, v1  }
.Ltmp6:
0x142: {  	v2 =	vor.u32 $0x2, v2;
	v1 =	vld [tilespmem:s18+$0x11E00];
	(pc) =	sbr.rel @p1 .LBB2_14-.Ltmp6, $2  }
0x143: {  	_ =	sdelay $0x2  }
0x144: {  	s6 =	sadd.s32 $0x10, s6;
	v3 =	vmov s24  }
0x145: {  	_ =	sdelay $0x3  }
0x146: {  	v3 =	vshll.u32 v3, $0x7;
	s6 =	sand.u32 $0xF0, s24;
	[tilespmem:v2+s15+$0x0] =	vst.idx.msk $0xffff, v1  }
0x147: {  	v1 =	vld [tilespmem:s6+$0x11600];
	v2 =	vor.u32 v0, v3;
	_ =	sdelay $0x4  }
0x148: {  	[tilespmem:v2+s15+$0x0] =	vst.idx.msk $0xffff, v1  }
0x149: {  	v3 =	vor.u32 $0x1, v2;
	v1 =	vld [tilespmem:s6+$0x11A00];
	_ =	sdelay $0x4  }
0x14a: {  	[tilespmem:v3+s15+$0x0] =	vst.idx.msk $0xffff, v1  }
0x14b: {  	v2 =	vor.u32 $0x2, v2;
	v1 =	vld [tilespmem:s6+$0x11E00];
	_ =	sdelay $0x4  }
0x14c: {  	s18 =	rddreg [dreg:$0x13];
	s6 =	simm.s32 $0x0;
	[tilespmem:v2+s15+$0x0] =	vst.idx.msk $0xffff, v1  }
0x14d: {  	[hbm4b:s18+s6] =	stream.linear.scatter [tilespmem:s15], [sflag:$0x3], $0x8000, $0x38;
	[tilespmem:$0x123B8] =	vst v63  }
0x14e: {  	_ =	swait.ge [sflag:s12], $0x4000  }
0x14f: {  	[sflag:s12] =	ssyncset.done $0x0  }
0x150: {  	[sflag:s12] =	ssyncadd.s32 $0xFFFFC000  }
0x151: {  	_ =	swait.ge [sflag:s12], $0x4000  }
0x152: {  	[sflag:s12] =	ssyncset.done $0x0  }
0x153: {  	[sflag:s12] =	ssyncadd.s32 $0xFFFFC000  }
0x154: {  	_ =	swait.ge [sflag:s13], $0x8000  }
0x155: {  	[sflag:s13] =	ssyncset.done $0x0  }
0x156: {  	s24 =	rddreg [dreg:$0x14];
	[sflag:s13] =	ssyncadd.s32 $0xFFFF8000  }
0x157: {  	[tilespmem:s6], [sflag:$0x5] =	stream.linear.gather [hbm4b:s24+s6], $0x400, $0x38;
	[tilespmem:$0x123B8] =	vst v63  }
0x158: {  	_ =	swait.ge [sflag:s10], $0x400  }
0x159: {  	[sflag:s10] =	ssyncset.done $0x0  }
0x15a: {  	s24 =	simm.s32 $0x10800;
	s18 =	rddreg [dreg:$0x15];
	[sflag:s10] =	ssyncadd.s32 $0xFFFFFC00  }
0x15b: {  	[tilespmem:s24], [sflag:$0x5] =	stream.linear.gather [hbm4b:s18+s6], $0x400, $0x38;
	[tilespmem:$0x123B8] =	vst v63  }
0x15c: {  	_ =	swait.ge [sflag:s10], $0x400  }
0x15d: {  	[sflag:s10] =	ssyncset.done $0x0  }
0x15e: {  	s24 =	simm.s32 $0x10C00;
	s18 =	rddreg [dreg:$0x18];
	[sflag:s10] =	ssyncadd.s32 $0xFFFFFC00  }
0x15f: {  	[tilespmem:s24], [sflag:$0x5] =	stream.linear.gather [hbm4b:s18+s6], $0x400, $0x38;
	[tilespmem:$0x123B8] =	vst v63  }
0x160: {  	_ =	swait.ge [sflag:s10], $0x400  }
0x161: {  	[sflag:s10] =	ssyncset.done $0x0  }
0x162: {  	s24 =	simm.s32 $0x11000;
	s18 =	rddreg [dreg:$0x19];
	[sflag:s10] =	ssyncadd.s32 $0xFFFFFC00  }
0x163: {  	[tilespmem:s24], [sflag:$0x5] =	stream.linear.gather [hbm4b:s18+s6], $0x400, $0x38;
	[tilespmem:$0x123B8] =	vst v63  }
0x164: {  	_ =	swait.ge [sflag:s10], $0x400  }
0x165: {  	[sflag:s10] =	ssyncset.done $0x0  }
0x166: {  	[sflag:s10] =	ssyncadd.s32 $0xFFFFFC00  }
0x167: {  	[tilespmem:s15], [sflag:$0x1] =	stream.indirect.gather [spmem:s1], $0x80, s6, s14, $0xb8;
	[tilespmem:$0x123B8] =	vst v63  }
0x168: {  	v1 =	vmov s6;
	s6 =	sand.u32 $0xF0, s6  }
0x169: {  	v1 =	vshll.u32 v1, $0x7;
	[tilespmem:s16], [sflag:$0x1] =	stream.indirect.gather [spmem:s1], $0x80, s14, s14, $0xb8;
	[tilespmem:$0x123B8] =	vst v63  }
0x16a: {  	v3 =	vor.u32 v0, v1;
	v2 =	vld [tilespmem:s6+$0x11700];
	_ =	sdelay $0x4  }
0x16b: {  	[tilespmem:v3+s19+$0x0] =	vst.idx.msk $0xffff, v2  }
0x16c: {  	v2 =	vor.u32 $0x1, v3;
	v1 =	vld [tilespmem:s6+$0x11B00];
	_ =	sdelay $0x4  }
0x16d: {  	[tilespmem:v2+s19+$0x0] =	vst.idx.msk $0xffff, v1  }
0x16e: {  	v2 =	vor.u32 $0x2, v3;
	v1 =	vld [tilespmem:s6+$0x11F00];
	_ =	sdelay $0x2  }
0x16f: {  	s24 =	simm.s32 $0x10  }
0x170: {  	v3 =	vmov s24;
	s6 =	simm.s32 $0x20  }
.LBB2_16:
0x171: {  	p1 =	sne.s32 s6, $0xF0;
	v3 =	vshll.u32 v3, $0x7;
	s18 =	sand.u32 $0xF0, s24;
	[tilespmem:v2+s19+$0x0] =	vst.idx.msk $0xffff, v1;
	s24 =	smov.u32 s6  }
0x172: {  	v1 =	vld [tilespmem:s18+$0x11700];
	v2 =	vor.u32 v0, v3;
	_ =	sdelay $0x4  }
0x173: {  	[tilespmem:v2+s19+$0x0] =	vst.idx.msk $0xffff, v1  }
0x174: {  	v3 =	vor.u32 $0x1, v2;
	v1 =	vld [tilespmem:s18+$0x11B00];
	_ =	sdelay $0x4  }
0x175: {  	[tilespmem:v3+s19+$0x0] =	vst.idx.msk $0xffff, v1  }
.Ltmp7:
0x176: {  	v2 =	vor.u32 $0x2, v2;
	v1 =	vld [tilespmem:s18+$0x11F00];
	(pc) =	sbr.rel @p1 .LBB2_16-.Ltmp7, $2  }
0x177: {  	_ =	sdelay $0x2  }
0x178: {  	s6 =	sadd.s32 $0x10, s6;
	v3 =	vmov s24  }
0x179: {  	_ =	sdelay $0x3  }
0x17a: {  	v3 =	vshll.u32 v3, $0x7;
	s6 =	sand.u32 $0xF0, s24;
	[tilespmem:v2+s19+$0x0] =	vst.idx.msk $0xffff, v1  }
0x17b: {  	v1 =	vld [tilespmem:s6+$0x11700];
	v2 =	vor.u32 v0, v3;
	_ =	sdelay $0x4  }
0x17c: {  	[tilespmem:v2+s19+$0x0] =	vst.idx.msk $0xffff, v1  }
0x17d: {  	v3 =	vor.u32 $0x1, v2;
	v1 =	vld [tilespmem:s6+$0x11B00];
	_ =	sdelay $0x4  }
0x17e: {  	[tilespmem:v3+s19+$0x0] =	vst.idx.msk $0xffff, v1  }
0x17f: {  	v2 =	vor.u32 $0x2, v2;
	v1 =	vld [tilespmem:s6+$0x11F00];
	_ =	sdelay $0x4  }
0x180: {  	s18 =	rddreg [dreg:$0x1b];
	s6 =	simm.s32 $0x0;
	[tilespmem:v2+s19+$0x0] =	vst.idx.msk $0xffff, v1  }
0x181: {  	[hbm4b:s18+s6] =	stream.linear.scatter [tilespmem:s19], [sflag:$0x4], $0x8000, $0x38;
	[tilespmem:$0x123B8] =	vst v63  }
0x182: {  	_ =	swait.ge [sflag:s17], $0x4000  }
0x183: {  	[sflag:s17] =	ssyncset.done $0x0  }
0x184: {  	[sflag:s17] =	ssyncadd.s32 $0xFFFFC000  }
0x185: {  	_ =	swait.ge [sflag:s17], $0x4000  }
0x186: {  	[sflag:s17] =	ssyncset.done $0x0  }
0x187: {  	[sflag:s17] =	ssyncadd.s32 $0xFFFFC000  }
0x188: {  	_ =	swait.ge [sflag:s23], $0x8000  }
0x189: {  	[sflag:s23] =	ssyncset.done $0x0  }
0x18a: {  	s24 =	simm.s32 $0x100;
	[sflag:s23] =	ssyncadd.s32 $0xFFFF8000  }
0x18b: {  	[tilespmem:s19], [sflag:$0x2] =	stream.indirect.gather [spmem:s1], $0x80, s24, s14, $0xb8;
	[tilespmem:$0x123B8] =	vst v63  }
0x18c: {  	v1 =	vmov s6;
	s6 =	sand.u32 $0xF0, s6;
	s24 =	simm.s32 $0x180  }
0x18d: {  	v1 =	vshll.u32 v1, $0x7;
	[tilespmem:s20], [sflag:$0x2] =	stream.indirect.gather [spmem:s1], $0x80, s24, s14, $0xb8;
	[tilespmem:$0x123B8] =	vst v63  }
0x18e: {  	v3 =	vor.u32 v0, v1;
	v2 =	vld [tilespmem:s6+$0x10800];
	_ =	sdelay $0x4  }
0x18f: {  	[tilespmem:v3+s15+$0x0] =	vst.idx.msk $0xffff, v2  }
0x190: {  	v2 =	vor.u32 $0x1, v3;
	v1 =	vld [tilespmem:s6+$0x10C00];
	_ =	sdelay $0x4  }
0x191: {  	[tilespmem:v2+s15+$0x0] =	vst.idx.msk $0xffff, v1  }
0x192: {  	v2 =	vor.u32 $0x2, v3;
	v1 =	vld [tilespmem:s6+$0x11000];
	_ =	sdelay $0x2  }
0x193: {  	s24 =	simm.s32 $0x10  }
0x194: {  	v3 =	vmov s24;
	s6 =	simm.s32 $0x20  }
.LBB2_18:
0x195: {  	p1 =	sne.s32 s6, $0xF0;
	v3 =	vshll.u32 v3, $0x7;
	s18 =	sand.u32 $0xF0, s24;
	[tilespmem:v2+s15+$0x0] =	vst.idx.msk $0xffff, v1;
	s24 =	smov.u32 s6  }
0x196: {  	v1 =	vld [tilespmem:s18+$0x10800];
	v2 =	vor.u32 v0, v3;
	_ =	sdelay $0x4  }
0x197: {  	[tilespmem:v2+s15+$0x0] =	vst.idx.msk $0xffff, v1  }
0x198: {  	v3 =	vor.u32 $0x1, v2;
	v1 =	vld [tilespmem:s18+$0x10C00];
	_ =	sdelay $0x4  }
0x199: {  	[tilespmem:v3+s15+$0x0] =	vst.idx.msk $0xffff, v1  }
.Ltmp8:
0x19a: {  	v2 =	vor.u32 $0x2, v2;
	v1 =	vld [tilespmem:s18+$0x11000];
	(pc) =	sbr.rel @p1 .LBB2_18-.Ltmp8, $2  }
0x19b: {  	_ =	sdelay $0x2  }
0x19c: {  	s6 =	sadd.s32 $0x10, s6;
	v3 =	vmov s24  }
0x19d: {  	_ =	sdelay $0x3  }
0x19e: {  	v3 =	vshll.u32 v3, $0x7;
	s6 =	sand.u32 $0xF0, s24;
	[tilespmem:v2+s15+$0x0] =	vst.idx.msk $0xffff, v1  }
0x19f: {  	v1 =	vld [tilespmem:s6+$0x10800];
	v2 =	vor.u32 v0, v3;
	_ =	sdelay $0x4  }
0x1a0: {  	[tilespmem:v2+s15+$0x0] =	vst.idx.msk $0xffff, v1  }
0x1a1: {  	v3 =	vor.u32 $0x1, v2;
	v1 =	vld [tilespmem:s6+$0x10C00];
	_ =	sdelay $0x4  }
0x1a2: {  	[tilespmem:v3+s15+$0x0] =	vst.idx.msk $0xffff, v1  }
0x1a3: {  	v2 =	vor.u32 $0x2, v2;
	v1 =	vld [tilespmem:s6+$0x11000];
	_ =	sdelay $0x4  }
0x1a4: {  	s18 =	rddreg [dreg:$0x1c];
	s6 =	simm.s32 $0x0;
	[tilespmem:v2+s15+$0x0] =	vst.idx.msk $0xffff, v1  }
0x1a5: {  	[hbm4b:s18+s6] =	stream.linear.scatter [tilespmem:s15], [sflag:$0x3], $0x8000, $0x38;
	[tilespmem:$0x123B8] =	vst v63  }
0x1a6: {  	_ =	swait.ge [sflag:s12], $0x4000  }
0x1a7: {  	[sflag:s12] =	ssyncset.done $0x0  }
0x1a8: {  	[sflag:s12] =	ssyncadd.s32 $0xFFFFC000  }
0x1a9: {  	_ =	swait.ge [sflag:s12], $0x4000  }
0x1aa: {  	[sflag:s12] =	ssyncset.done $0x0  }
0x1ab: {  	[sflag:s12] =	ssyncadd.s32 $0xFFFFC000  }
0x1ac: {  	_ =	swait.ge [sflag:s13], $0x8000  }
0x1ad: {  	[sflag:s13] =	ssyncset.done $0x0  }
0x1ae: {  	s24 =	simm.s32 $0x200;
	[sflag:s13] =	ssyncadd.s32 $0xFFFF8000  }
0x1af: {  	[tilespmem:s15], [sflag:$0x1] =	stream.indirect.gather [spmem:s1], $0x80, s24, s14, $0xb8;
	[tilespmem:$0x123B8] =	vst v63  }
0x1b0: {  	v1 =	vmov s6;
	s6 =	sand.u32 $0xF0, s6;
	s24 =	simm.s32 $0x280  }
0x1b1: {  	v1 =	vshll.u32 v1, $0x7;
	[tilespmem:s16], [sflag:$0x1] =	stream.indirect.gather [spmem:s1], $0x80, s24, s14, $0xb8;
	[tilespmem:$0x123B8] =	vst v63  }
0x1b2: {  	v3 =	vor.u32 v0, v1;
	v2 =	vld [tilespmem:s6+$0x10900];
	_ =	sdelay $0x4  }
0x1b3: {  	[tilespmem:v3+s19+$0x0] =	vst.idx.msk $0xffff, v2  }
0x1b4: {  	v2 =	vor.u32 $0x1, v3;
	v1 =	vld [tilespmem:s6+$0x10D00];
	_ =	sdelay $0x4  }
0x1b5: {  	[tilespmem:v2+s19+$0x0] =	vst.idx.msk $0xffff, v1  }
0x1b6: {  	v2 =	vor.u32 $0x2, v3;
	v1 =	vld [tilespmem:s6+$0x11100];
	_ =	sdelay $0x2  }
0x1b7: {  	s24 =	simm.s32 $0x10  }
0x1b8: {  	v3 =	vmov s24;
	s6 =	simm.s32 $0x20  }
.LBB2_20:
0x1b9: {  	p1 =	sne.s32 s6, $0xF0;
	v3 =	vshll.u32 v3, $0x7;
	s18 =	sand.u32 $0xF0, s24;
	[tilespmem:v2+s19+$0x0] =	vst.idx.msk $0xffff, v1;
	s24 =	smov.u32 s6  }
0x1ba: {  	v1 =	vld [tilespmem:s18+$0x10900];
	v2 =	vor.u32 v0, v3;
	_ =	sdelay $0x4  }
0x1bb: {  	[tilespmem:v2+s19+$0x0] =	vst.idx.msk $0xffff, v1  }
0x1bc: {  	v3 =	vor.u32 $0x1, v2;
	v1 =	vld [tilespmem:s18+$0x10D00];
	_ =	sdelay $0x4  }
0x1bd: {  	[tilespmem:v3+s19+$0x0] =	vst.idx.msk $0xffff, v1  }
.Ltmp9:
0x1be: {  	v2 =	vor.u32 $0x2, v2;
	v1 =	vld [tilespmem:s18+$0x11100];
	(pc) =	sbr.rel @p1 .LBB2_20-.Ltmp9, $2  }
0x1bf: {  	_ =	sdelay $0x2  }
0x1c0: {  	s6 =	sadd.s32 $0x10, s6;
	v3 =	vmov s24  }
0x1c1: {  	_ =	sdelay $0x3  }
0x1c2: {  	v3 =	vshll.u32 v3, $0x7;
	s6 =	sand.u32 $0xF0, s24;
	[tilespmem:v2+s19+$0x0] =	vst.idx.msk $0xffff, v1  }
0x1c3: {  	v1 =	vld [tilespmem:s6+$0x10900];
	v2 =	vor.u32 v0, v3;
	_ =	sdelay $0x4  }
0x1c4: {  	[tilespmem:v2+s19+$0x0] =	vst.idx.msk $0xffff, v1  }
0x1c5: {  	v3 =	vor.u32 $0x1, v2;
	v1 =	vld [tilespmem:s6+$0x10D00];
	_ =	sdelay $0x4  }
0x1c6: {  	[tilespmem:v3+s19+$0x0] =	vst.idx.msk $0xffff, v1  }
0x1c7: {  	v2 =	vor.u32 $0x2, v2;
	v1 =	vld [tilespmem:s6+$0x11100];
	_ =	sdelay $0x4  }
0x1c8: {  	s18 =	rddreg [dreg:$0x1d];
	s6 =	simm.s32 $0x0;
	[tilespmem:v2+s19+$0x0] =	vst.idx.msk $0xffff, v1  }
0x1c9: {  	[hbm4b:s18+s6] =	stream.linear.scatter [tilespmem:s19], [sflag:$0x4], $0x8000, $0x38;
	[tilespmem:$0x123B8] =	vst v63  }
0x1ca: {  	_ =	swait.ge [sflag:s17], $0x4000  }
0x1cb: {  	[sflag:s17] =	ssyncset.done $0x0  }
0x1cc: {  	[sflag:s17] =	ssyncadd.s32 $0xFFFFC000  }
0x1cd: {  	_ =	swait.ge [sflag:s17], $0x4000  }
0x1ce: {  	[sflag:s17] =	ssyncset.done $0x0  }
0x1cf: {  	[sflag:s17] =	ssyncadd.s32 $0xFFFFC000  }
0x1d0: {  	_ =	swait.ge [sflag:s23], $0x8000  }
0x1d1: {  	[sflag:s23] =	ssyncset.done $0x0  }
0x1d2: {  	s24 =	simm.s32 $0x300;
	[sflag:s23] =	ssyncadd.s32 $0xFFFF8000  }
0x1d3: {  	[tilespmem:s19], [sflag:$0x2] =	stream.indirect.gather [spmem:s1], $0x80, s24, s14, $0xb8;
	[tilespmem:$0x123B8] =	vst v63  }
0x1d4: {  	v1 =	vmov s6;
	s6 =	sand.u32 $0xF0, s6;
	s24 =	simm.s32 $0x380  }
0x1d5: {  	v1 =	vshll.u32 v1, $0x7;
	[tilespmem:s20], [sflag:$0x2] =	stream.indirect.gather [spmem:s1], $0x80, s24, s14, $0xb8;
	[tilespmem:$0x123B8] =	vst v63  }
0x1d6: {  	v3 =	vor.u32 v0, v1;
	v2 =	vld [tilespmem:s6+$0x10A00];
	_ =	sdelay $0x4  }
0x1d7: {  	[tilespmem:v3+s15+$0x0] =	vst.idx.msk $0xffff, v2  }
0x1d8: {  	v2 =	vor.u32 $0x1, v3;
	v1 =	vld [tilespmem:s6+$0x10E00];
	_ =	sdelay $0x4  }
0x1d9: {  	[tilespmem:v2+s15+$0x0] =	vst.idx.msk $0xffff, v1  }
0x1da: {  	v2 =	vor.u32 $0x2, v3;
	v1 =	vld [tilespmem:s6+$0x11200];
	_ =	sdelay $0x2  }
0x1db: {  	s24 =	simm.s32 $0x10  }
0x1dc: {  	v3 =	vmov s24;
	s6 =	simm.s32 $0x20  }
.LBB2_22:
0x1dd: {  	p1 =	sne.s32 s6, $0xF0;
	v3 =	vshll.u32 v3, $0x7;
	s18 =	sand.u32 $0xF0, s24;
	[tilespmem:v2+s15+$0x0] =	vst.idx.msk $0xffff, v1;
	s24 =	smov.u32 s6  }
0x1de: {  	v1 =	vld [tilespmem:s18+$0x10A00];
	v2 =	vor.u32 v0, v3;
	_ =	sdelay $0x4  }
0x1df: {  	[tilespmem:v2+s15+$0x0] =	vst.idx.msk $0xffff, v1  }
0x1e0: {  	v3 =	vor.u32 $0x1, v2;
	v1 =	vld [tilespmem:s18+$0x10E00];
	_ =	sdelay $0x4  }
0x1e1: {  	[tilespmem:v3+s15+$0x0] =	vst.idx.msk $0xffff, v1  }
.Ltmp10:
0x1e2: {  	v2 =	vor.u32 $0x2, v2;
	v1 =	vld [tilespmem:s18+$0x11200];
	(pc) =	sbr.rel @p1 .LBB2_22-.Ltmp10, $2  }
0x1e3: {  	_ =	sdelay $0x2  }
0x1e4: {  	s6 =	sadd.s32 $0x10, s6;
	v3 =	vmov s24  }
0x1e5: {  	_ =	sdelay $0x3  }
0x1e6: {  	v3 =	vshll.u32 v3, $0x7;
	s6 =	sand.u32 $0xF0, s24;
	[tilespmem:v2+s15+$0x0] =	vst.idx.msk $0xffff, v1  }
0x1e7: {  	v1 =	vld [tilespmem:s6+$0x10A00];
	v2 =	vor.u32 v0, v3;
	_ =	sdelay $0x4  }
0x1e8: {  	[tilespmem:v2+s15+$0x0] =	vst.idx.msk $0xffff, v1  }
0x1e9: {  	v3 =	vor.u32 $0x1, v2;
	v1 =	vld [tilespmem:s6+$0x10E00];
	_ =	sdelay $0x4  }
0x1ea: {  	[tilespmem:v3+s15+$0x0] =	vst.idx.msk $0xffff, v1  }
0x1eb: {  	v2 =	vor.u32 $0x2, v2;
	v1 =	vld [tilespmem:s6+$0x11200];
	_ =	sdelay $0x4  }
0x1ec: {  	s18 =	rddreg [dreg:$0x1e];
	s6 =	simm.s32 $0x0;
	[tilespmem:v2+s15+$0x0] =	vst.idx.msk $0xffff, v1  }
0x1ed: {  	[hbm4b:s18+s6] =	stream.linear.scatter [tilespmem:s15], [sflag:$0x3], $0x8000, $0x38;
	[tilespmem:$0x123B8] =	vst v63  }
0x1ee: {  	_ =	swait.ge [sflag:s12], $0x4000  }
0x1ef: {  	[sflag:s12] =	ssyncset.done $0x0  }
0x1f0: {  	[sflag:s12] =	ssyncadd.s32 $0xFFFFC000  }
0x1f1: {  	_ =	swait.ge [sflag:s12], $0x4000  }
0x1f2: {  	[sflag:s12] =	ssyncset.done $0x0  }
0x1f3: {  	[sflag:s12] =	ssyncadd.s32 $0xFFFFC000  }
0x1f4: {  	_ =	swait.ge [sflag:s13], $0x8000  }
0x1f5: {  	[sflag:s13] =	ssyncset.done $0x0  }
0x1f6: {  	s24 =	rddreg [dreg:$0x16];
	[sflag:s13] =	ssyncadd.s32 $0xFFFF8000  }
0x1f7: {  	[tilespmem:s25], [sflag:$0x5] =	stream.linear.gather [hbm4b:s24+s6], $0x400, $0x38;
	[tilespmem:$0x123B8] =	vst v63  }
0x1f8: {  	_ =	swait.ge [sflag:s10], $0x400  }
0x1f9: {  	[sflag:s10] =	ssyncset.done $0x0  }
0x1fa: {  	s24 =	rddreg [dreg:$0x17];
	[sflag:s10] =	ssyncadd.s32 $0xFFFFFC00  }
0x1fb: {  	[tilespmem:s26], [sflag:$0x5] =	stream.linear.gather [hbm4b:s24+s6], $0x400, $0x38;
	[tilespmem:$0x123B8] =	vst v63  }
0x1fc: {  	_ =	swait.ge [sflag:s10], $0x400  }
0x1fd: {  	[sflag:s10] =	ssyncset.done $0x0  }
0x1fe: {  	s24 =	rddreg [dreg:$0x1f];
	[sflag:s10] =	ssyncadd.s32 $0xFFFFFC00  }
0x1ff: {  	[tilespmem:s11], [sflag:$0x5] =	stream.linear.gather [hbm4b:s24+s6], $0x400, $0x38;
	[tilespmem:$0x123B8] =	vst v63  }
0x200: {  	_ =	swait.ge [sflag:s10], $0x400  }
0x201: {  	s24 =	sld [smem:$0x7FA]  }
0x202: {  	[sflag:s10] =	ssyncset.done $0x0  }
0x203: {  	[sflag:s10] =	ssyncadd.s32 $0xFFFFFC00  }
0x204: {  	[tilespmem:s28], [sflag:$0x5] =	stream.linear.gather [hbm4b:s24+s6], $0x400, $0x38;
	[tilespmem:$0x123B8] =	vst v63  }
0x205: {  	_ =	swait.ge [sflag:s10], $0x400  }
0x206: {  	[sflag:s10] =	ssyncset.done $0x0  }
0x207: {  	[sflag:s10] =	ssyncadd.s32 $0xFFFFFC00  }
0x208: {  	[tilespmem:s15], [sflag:$0x1] =	stream.indirect.gather [spmem:s1], $0x80, s25, s14, $0xb8;
	[tilespmem:$0x123B8] =	vst v63  }
0x209: {  	v1 =	vmov s6;
	s6 =	sand.u32 $0xF0, s6  }
0x20a: {  	v1 =	vshll.u32 v1, $0x7;
	[tilespmem:s16], [sflag:$0x1] =	stream.indirect.gather [spmem:s1], $0x80, s29, s14, $0xb8;
	[tilespmem:$0x123B8] =	vst v63  }
0x20b: {  	v3 =	vor.u32 v0, v1;
	v2 =	vld [tilespmem:s6+$0x10B00];
	_ =	sdelay $0x4  }
0x20c: {  	[tilespmem:v3+s19+$0x0] =	vst.idx.msk $0xffff, v2  }
0x20d: {  	v2 =	vor.u32 $0x1, v3;
	v1 =	vld [tilespmem:s6+$0x10F00];
	_ =	sdelay $0x4  }
0x20e: {  	[tilespmem:v2+s19+$0x0] =	vst.idx.msk $0xffff, v1  }
0x20f: {  	v2 =	vor.u32 $0x2, v3;
	v1 =	vld [tilespmem:s6+$0x11300];
	_ =	sdelay $0x2  }
0x210: {  	s24 =	simm.s32 $0x10  }
0x211: {  	v3 =	vmov s24;
	s6 =	simm.s32 $0x20  }
.LBB2_24:
0x212: {  	p1 =	sne.s32 s6, $0xF0;
	v3 =	vshll.u32 v3, $0x7;
	s18 =	sand.u32 $0xF0, s24;
	[tilespmem:v2+s19+$0x0] =	vst.idx.msk $0xffff, v1;
	s24 =	smov.u32 s6  }
0x213: {  	v1 =	vld [tilespmem:s18+$0x10B00];
	v2 =	vor.u32 v0, v3;
	_ =	sdelay $0x4  }
0x214: {  	[tilespmem:v2+s19+$0x0] =	vst.idx.msk $0xffff, v1  }
0x215: {  	v3 =	vor.u32 $0x1, v2;
	v1 =	vld [tilespmem:s18+$0x10F00];
	_ =	sdelay $0x4  }
0x216: {  	[tilespmem:v3+s19+$0x0] =	vst.idx.msk $0xffff, v1  }
.Ltmp11:
0x217: {  	v2 =	vor.u32 $0x2, v2;
	v1 =	vld [tilespmem:s18+$0x11300];
	(pc) =	sbr.rel @p1 .LBB2_24-.Ltmp11, $2  }
0x218: {  	_ =	sdelay $0x2  }
0x219: {  	s6 =	sadd.s32 $0x10, s6;
	v3 =	vmov s24  }
0x21a: {  	_ =	sdelay $0x3  }
0x21b: {  	v3 =	vshll.u32 v3, $0x7;
	s6 =	sand.u32 $0xF0, s24;
	[tilespmem:v2+s19+$0x0] =	vst.idx.msk $0xffff, v1  }
0x21c: {  	v1 =	vld [tilespmem:s6+$0x10B00];
	v2 =	vor.u32 v0, v3;
	_ =	sdelay $0x4  }
0x21d: {  	[tilespmem:v2+s19+$0x0] =	vst.idx.msk $0xffff, v1  }
0x21e: {  	v3 =	vor.u32 $0x1, v2;
	v1 =	vld [tilespmem:s6+$0x10F00];
	_ =	sdelay $0x4  }
0x21f: {  	[tilespmem:v3+s19+$0x0] =	vst.idx.msk $0xffff, v1  }
0x220: {  	v2 =	vor.u32 $0x2, v2;
	v1 =	vld [tilespmem:s6+$0x11300];
	_ =	sdelay $0x2  }
0x221: {  	s18 =	sld [smem:$0x7FB];
	_ =	sdelay $0x1  }
0x222: {  	s24 =	simm.s32 $0x0;
	[tilespmem:v2+s19+$0x0] =	vst.idx.msk $0xffff, v1  }
0x223: {  	[hbm4b:s18+s24] =	stream.linear.scatter [tilespmem:s19], [sflag:$0x4], $0x8000, $0x38;
	[tilespmem:$0x123B8] =	vst v63  }
0x224: {  	_ =	swait.ge [sflag:s17], $0x4000  }
0x225: {  	[sflag:s17] =	ssyncset.done $0x0  }
0x226: {  	[sflag:s17] =	ssyncadd.s32 $0xFFFFC000  }
0x227: {  	_ =	swait.ge [sflag:s17], $0x4000  }
0x228: {  	[sflag:s17] =	ssyncset.done $0x0  }
0x229: {  	[sflag:s17] =	ssyncadd.s32 $0xFFFFC000  }
0x22a: {  	_ =	swait.ge [sflag:s23], $0x8000  }
0x22b: {  	[sflag:s23] =	ssyncset.done $0x0  }
0x22c: {  	[sflag:s23] =	ssyncadd.s32 $0xFFFF8000  }
0x22d: {  	[tilespmem:s19], [sflag:$0x2] =	stream.indirect.gather [spmem:s1], $0x80, s30, s14, $0xb8;
	[tilespmem:$0x123B8] =	vst v63  }
0x22e: {  	s6 =	sand.u32 $0xF0, s24;
	v1 =	vmov s24  }
0x22f: {  	v1 =	vshll.u32 v1, $0x7;
	[tilespmem:s20], [sflag:$0x2] =	stream.indirect.gather [spmem:s1], $0x80, s31, s14, $0xb8;
	[tilespmem:$0x123B8] =	vst v63  }
0x230: {  	v3 =	vor.u32 v0, v1;
	v2 =	vld [tilespmem:s6+$0x11400];
	_ =	sdelay $0x4  }
0x231: {  	[tilespmem:v3+s15+$0x0] =	vst.idx.msk $0xffff, v2  }
0x232: {  	v2 =	vor.u32 $0x1, v3;
	v1 =	vld [tilespmem:s6+$0x11800];
	_ =	sdelay $0x4  }
0x233: {  	[tilespmem:v2+s15+$0x0] =	vst.idx.msk $0xffff, v1  }
0x234: {  	v2 =	vor.u32 $0x2, v3;
	v1 =	vld [tilespmem:s6+$0x11C00];
	_ =	sdelay $0x2  }
0x235: {  	s24 =	simm.s32 $0x10  }
0x236: {  	v3 =	vmov s24;
	s6 =	simm.s32 $0x20  }
.LBB2_26:
0x237: {  	p1 =	sne.s32 s6, $0xF0;
	v3 =	vshll.u32 v3, $0x7;
	s18 =	sand.u32 $0xF0, s24;
	[tilespmem:v2+s15+$0x0] =	vst.idx.msk $0xffff, v1;
	s24 =	smov.u32 s6  }
0x238: {  	v1 =	vld [tilespmem:s18+$0x11400];
	v2 =	vor.u32 v0, v3;
	_ =	sdelay $0x4  }
0x239: {  	[tilespmem:v2+s15+$0x0] =	vst.idx.msk $0xffff, v1  }
0x23a: {  	v3 =	vor.u32 $0x1, v2;
	v1 =	vld [tilespmem:s18+$0x11800];
	_ =	sdelay $0x4  }
0x23b: {  	[tilespmem:v3+s15+$0x0] =	vst.idx.msk $0xffff, v1  }
.Ltmp12:
0x23c: {  	v2 =	vor.u32 $0x2, v2;
	v1 =	vld [tilespmem:s18+$0x11C00];
	(pc) =	sbr.rel @p1 .LBB2_26-.Ltmp12, $2  }
0x23d: {  	_ =	sdelay $0x2  }
0x23e: {  	s6 =	sadd.s32 $0x10, s6;
	v3 =	vmov s24  }
0x23f: {  	_ =	sdelay $0x3  }
0x240: {  	v3 =	vshll.u32 v3, $0x7;
	s6 =	sand.u32 $0xF0, s24;
	[tilespmem:v2+s15+$0x0] =	vst.idx.msk $0xffff, v1  }
0x241: {  	v1 =	vld [tilespmem:s6+$0x11400];
	v2 =	vor.u32 v0, v3;
	_ =	sdelay $0x4  }
0x242: {  	[tilespmem:v2+s15+$0x0] =	vst.idx.msk $0xffff, v1  }
0x243: {  	v3 =	vor.u32 $0x1, v2;
	v1 =	vld [tilespmem:s6+$0x11800];
	_ =	sdelay $0x4  }
0x244: {  	[tilespmem:v3+s15+$0x0] =	vst.idx.msk $0xffff, v1  }
0x245: {  	v2 =	vor.u32 $0x2, v2;
	v1 =	vld [tilespmem:s6+$0x11C00];
	_ =	sdelay $0x2  }
0x246: {  	s18 =	sld [smem:$0x7FC];
	_ =	sdelay $0x1  }
0x247: {  	s24 =	simm.s32 $0x0;
	[tilespmem:v2+s15+$0x0] =	vst.idx.msk $0xffff, v1  }
0x248: {  	[hbm4b:s18+s24] =	stream.linear.scatter [tilespmem:s15], [sflag:$0x3], $0x8000, $0x38;
	[tilespmem:$0x123B8] =	vst v63  }
0x249: {  	_ =	swait.ge [sflag:s12], $0x4000  }
0x24a: {  	[sflag:s12] =	ssyncset.done $0x0  }
0x24b: {  	[sflag:s12] =	ssyncadd.s32 $0xFFFFC000  }
0x24c: {  	_ =	swait.ge [sflag:s12], $0x4000  }
0x24d: {  	[sflag:s12] =	ssyncset.done $0x0  }
0x24e: {  	[sflag:s12] =	ssyncadd.s32 $0xFFFFC000  }
0x24f: {  	_ =	swait.ge [sflag:s13], $0x8000  }
0x250: {  	[sflag:s13] =	ssyncset.done $0x0  }
0x251: {  	[sflag:s13] =	ssyncadd.s32 $0xFFFF8000  }
0x252: {  	[tilespmem:s15], [sflag:$0x1] =	stream.indirect.gather [spmem:s1], $0x80, s21, s14, $0xb8;
	[tilespmem:$0x123B8] =	vst v63  }
0x253: {  	s6 =	sand.u32 $0xF0, s24;
	v1 =	vmov s24  }
0x254: {  	v1 =	vshll.u32 v1, $0x7;
	[tilespmem:s16], [sflag:$0x1] =	stream.indirect.gather [spmem:s1], $0x80, s0, s14, $0xb8;
	[tilespmem:$0x123B8] =	vst v63  }
0x255: {  	v3 =	vor.u32 v0, v1;
	v2 =	vld [tilespmem:s6+$0x11500];
	_ =	sdelay $0x4  }
0x256: {  	[tilespmem:v3+s19+$0x0] =	vst.idx.msk $0xffff, v2  }
0x257: {  	v2 =	vor.u32 $0x1, v3;
	v1 =	vld [tilespmem:s6+$0x11900];
	_ =	sdelay $0x4  }
0x258: {  	[tilespmem:v2+s19+$0x0] =	vst.idx.msk $0xffff, v1  }
0x259: {  	v2 =	vor.u32 $0x2, v3;
	v1 =	vld [tilespmem:s6+$0x11D00];
	_ =	sdelay $0x2  }
0x25a: {  	s24 =	simm.s32 $0x10  }
0x25b: {  	v3 =	vmov s24;
	s6 =	simm.s32 $0x20  }
.LBB2_28:
0x25c: {  	p1 =	sne.s32 s6, $0xF0;
	v3 =	vshll.u32 v3, $0x7;
	s18 =	sand.u32 $0xF0, s24;
	[tilespmem:v2+s19+$0x0] =	vst.idx.msk $0xffff, v1;
	s24 =	smov.u32 s6  }
0x25d: {  	v1 =	vld [tilespmem:s18+$0x11500];
	v2 =	vor.u32 v0, v3;
	_ =	sdelay $0x4  }
0x25e: {  	[tilespmem:v2+s19+$0x0] =	vst.idx.msk $0xffff, v1  }
0x25f: {  	v3 =	vor.u32 $0x1, v2;
	v1 =	vld [tilespmem:s18+$0x11900];
	_ =	sdelay $0x4  }
0x260: {  	[tilespmem:v3+s19+$0x0] =	vst.idx.msk $0xffff, v1  }
.Ltmp13:
0x261: {  	v2 =	vor.u32 $0x2, v2;
	v1 =	vld [tilespmem:s18+$0x11D00];
	(pc) =	sbr.rel @p1 .LBB2_28-.Ltmp13, $2  }
0x262: {  	_ =	sdelay $0x2  }
0x263: {  	s6 =	sadd.s32 $0x10, s6;
	v3 =	vmov s24  }
0x264: {  	_ =	sdelay $0x3  }
0x265: {  	v3 =	vshll.u32 v3, $0x7;
	s6 =	sand.u32 $0xF0, s24;
	[tilespmem:v2+s19+$0x0] =	vst.idx.msk $0xffff, v1  }
0x266: {  	v1 =	vld [tilespmem:s6+$0x11500];
	v2 =	vor.u32 v0, v3;
	_ =	sdelay $0x4  }
0x267: {  	[tilespmem:v2+s19+$0x0] =	vst.idx.msk $0xffff, v1  }
0x268: {  	v3 =	vor.u32 $0x1, v2;
	v1 =	vld [tilespmem:s6+$0x11900];
	_ =	sdelay $0x4  }
0x269: {  	[tilespmem:v3+s19+$0x0] =	vst.idx.msk $0xffff, v1  }
0x26a: {  	v2 =	vor.u32 $0x2, v2;
	v1 =	vld [tilespmem:s6+$0x11D00];
	_ =	sdelay $0x2  }
0x26b: {  	s18 =	sld [smem:$0x7FD];
	_ =	sdelay $0x1  }
0x26c: {  	s24 =	simm.s32 $0x0;
	[tilespmem:v2+s19+$0x0] =	vst.idx.msk $0xffff, v1  }
0x26d: {  	[hbm4b:s18+s24] =	stream.linear.scatter [tilespmem:s19], [sflag:$0x4], $0x8000, $0x38;
	[tilespmem:$0x123B8] =	vst v63  }
0x26e: {  	_ =	swait.ge [sflag:s17], $0x4000  }
0x26f: {  	[sflag:s17] =	ssyncset.done $0x0  }
0x270: {  	[sflag:s17] =	ssyncadd.s32 $0xFFFFC000  }
0x271: {  	_ =	swait.ge [sflag:s17], $0x4000  }
0x272: {  	[sflag:s17] =	ssyncset.done $0x0  }
0x273: {  	[sflag:s17] =	ssyncadd.s32 $0xFFFFC000  }
0x274: {  	_ =	swait.ge [sflag:s23], $0x8000  }
0x275: {  	[sflag:s23] =	ssyncset.done $0x0  }
0x276: {  	[sflag:s23] =	ssyncadd.s32 $0xFFFF8000  }
0x277: {  	[tilespmem:s19], [sflag:$0x2] =	stream.indirect.gather [spmem:s1], $0x80, s22, s14, $0xb8;
	[tilespmem:$0x123B8] =	vst v63  }
0x278: {  	s6 =	sand.u32 $0xF0, s24;
	v1 =	vmov s24  }
0x279: {  	v1 =	vshll.u32 v1, $0x7;
	[tilespmem:s20], [sflag:$0x2] =	stream.indirect.gather [spmem:s1], $0x80, s3, s14, $0xb8;
	[tilespmem:$0x123B8] =	vst v63  }
0x27a: {  	v3 =	vor.u32 v0, v1;
	v2 =	vld [tilespmem:s6+$0x11600];
	_ =	sdelay $0x4  }
0x27b: {  	[tilespmem:v3+s15+$0x0] =	vst.idx.msk $0xffff, v2  }
0x27c: {  	v2 =	vor.u32 $0x1, v3;
	v1 =	vld [tilespmem:s6+$0x11A00];
	_ =	sdelay $0x4  }
0x27d: {  	[tilespmem:v2+s15+$0x0] =	vst.idx.msk $0xffff, v1  }
0x27e: {  	v2 =	vor.u32 $0x2, v3;
	v1 =	vld [tilespmem:s6+$0x11E00];
	_ =	sdelay $0x2  }
0x27f: {  	s24 =	simm.s32 $0x10  }
0x280: {  	v3 =	vmov s24;
	s6 =	simm.s32 $0x20  }
.LBB2_30:
0x281: {  	p1 =	sne.s32 s6, $0xF0;
	v3 =	vshll.u32 v3, $0x7;
	s18 =	sand.u32 $0xF0, s24;
	[tilespmem:v2+s15+$0x0] =	vst.idx.msk $0xffff, v1;
	s24 =	smov.u32 s6  }
0x282: {  	v1 =	vld [tilespmem:s18+$0x11600];
	v2 =	vor.u32 v0, v3;
	_ =	sdelay $0x4  }
0x283: {  	[tilespmem:v2+s15+$0x0] =	vst.idx.msk $0xffff, v1  }
0x284: {  	v3 =	vor.u32 $0x1, v2;
	v1 =	vld [tilespmem:s18+$0x11A00];
	_ =	sdelay $0x4  }
0x285: {  	[tilespmem:v3+s15+$0x0] =	vst.idx.msk $0xffff, v1  }
.Ltmp14:
0x286: {  	v2 =	vor.u32 $0x2, v2;
	v1 =	vld [tilespmem:s18+$0x11E00];
	(pc) =	sbr.rel @p1 .LBB2_30-.Ltmp14, $2  }
0x287: {  	_ =	sdelay $0x2  }
0x288: {  	s6 =	sadd.s32 $0x10, s6;
	v3 =	vmov s24  }
0x289: {  	_ =	sdelay $0x3  }
0x28a: {  	v3 =	vshll.u32 v3, $0x7;
	s6 =	sand.u32 $0xF0, s24;
	[tilespmem:v2+s15+$0x0] =	vst.idx.msk $0xffff, v1  }
0x28b: {  	v1 =	vld [tilespmem:s6+$0x11600];
	v2 =	vor.u32 v0, v3;
	_ =	sdelay $0x4  }
0x28c: {  	[tilespmem:v2+s15+$0x0] =	vst.idx.msk $0xffff, v1  }
0x28d: {  	v3 =	vor.u32 $0x1, v2;
	v1 =	vld [tilespmem:s6+$0x11A00];
	_ =	sdelay $0x4  }
0x28e: {  	[tilespmem:v3+s15+$0x0] =	vst.idx.msk $0xffff, v1  }
0x28f: {  	v2 =	vor.u32 $0x2, v2;
	v1 =	vld [tilespmem:s6+$0x11E00];
	_ =	sdelay $0x4  }
0x290: {  	s24 =	simm.s32 $0x0;
	[tilespmem:v2+s15+$0x0] =	vst.idx.msk $0xffff, v1  }
0x291: {  	[hbm4b:s7+s24] =	stream.linear.scatter [tilespmem:s15], [sflag:$0x3], $0x8000, $0x38;
	[tilespmem:$0x123B8] =	vst v63  }
0x292: {  	_ =	swait.ge [sflag:s12], $0x4000  }
0x293: {  	[sflag:s12] =	ssyncset.done $0x0  }
0x294: {  	[sflag:s12] =	ssyncadd.s32 $0xFFFFC000  }
0x295: {  	_ =	swait.ge [sflag:s12], $0x4000  }
0x296: {  	v1 =	vmov s24;
	[sflag:s12] =	ssyncset.done $0x0  }
0x297: {  	s6 =	sand.u32 $0xF0, s24;
	v1 =	vshll.u32 v1, $0x7;
	[sflag:s12] =	ssyncadd.s32 $0xFFFFC000  }
0x298: {  	v3 =	vor.u32 v0, v1;
	v2 =	vld [tilespmem:s6+$0x11700];
	_ =	sdelay $0x4  }
0x299: {  	[tilespmem:v3+s19+$0x0] =	vst.idx.msk $0xffff, v2  }
0x29a: {  	v2 =	vor.u32 $0x1, v3;
	v1 =	vld [tilespmem:s6+$0x11B00];
	_ =	sdelay $0x4  }
0x29b: {  	[tilespmem:v2+s19+$0x0] =	vst.idx.msk $0xffff, v1  }
0x29c: {  	v2 =	vor.u32 $0x2, v3;
	v1 =	vld [tilespmem:s6+$0x11F00];
	_ =	sdelay $0x2  }
0x29d: {  	s24 =	simm.s32 $0x10  }
0x29e: {  	v3 =	vmov s24;
	s6 =	simm.s32 $0x20  }
.LBB2_32:
0x29f: {  	p1 =	sne.s32 s6, $0xF0;
	v3 =	vshll.u32 v3, $0x7;
	s18 =	sand.u32 $0xF0, s24;
	[tilespmem:v2+s19+$0x0] =	vst.idx.msk $0xffff, v1;
	s24 =	smov.u32 s6  }
0x2a0: {  	v1 =	vld [tilespmem:s18+$0x11700];
	v2 =	vor.u32 v0, v3;
	_ =	sdelay $0x4  }
0x2a1: {  	[tilespmem:v2+s19+$0x0] =	vst.idx.msk $0xffff, v1  }
0x2a2: {  	v3 =	vor.u32 $0x1, v2;
	v1 =	vld [tilespmem:s18+$0x11B00];
	_ =	sdelay $0x4  }
0x2a3: {  	[tilespmem:v3+s19+$0x0] =	vst.idx.msk $0xffff, v1  }
.Ltmp15:
0x2a4: {  	v2 =	vor.u32 $0x2, v2;
	v1 =	vld [tilespmem:s18+$0x11F00];
	(pc) =	sbr.rel @p1 .LBB2_32-.Ltmp15, $2  }
0x2a5: {  	_ =	sdelay $0x2  }
0x2a6: {  	s6 =	sadd.s32 $0x10, s6;
	v3 =	vmov s24  }
0x2a7: {  	_ =	sdelay $0x3  }
0x2a8: {  	v3 =	vshll.u32 v3, $0x7;
	s6 =	sand.u32 $0xF0, s24;
	[tilespmem:v2+s19+$0x0] =	vst.idx.msk $0xffff, v1  }
0x2a9: {  	v1 =	vld [tilespmem:s6+$0x11700];
	v2 =	vor.u32 v0, v3;
	_ =	sdelay $0x4  }
0x2aa: {  	[tilespmem:v2+s19+$0x0] =	vst.idx.msk $0xffff, v1  }
0x2ab: {  	v3 =	vor.u32 $0x1, v2;
	v1 =	vld [tilespmem:s6+$0x11B00];
	_ =	sdelay $0x4  }
0x2ac: {  	[tilespmem:v3+s19+$0x0] =	vst.idx.msk $0xffff, v1  }
0x2ad: {  	v2 =	vor.u32 $0x2, v2;
	v1 =	vld [tilespmem:s6+$0x11F00];
	_ =	sdelay $0x4  }
0x2ae: {  	[tilespmem:v2+s19+$0x0] =	vst.idx.msk $0xffff, v1  }
0x2af: {  	[hbm4b:s9+s2] =	stream.linear.scatter [tilespmem:s19], [sflag:$0x4], $0x8000, $0x38;
	[tilespmem:$0x123B8] =	vst v63  }
0x2b0: {  	_ =	swait.ge [sflag:s23], $0x8000  }
0x2b1: {  	s4 =	sadd.s32 $0x1, s4;
	s24 =	rddreg [dreg:$0x1a]  }
0x2b2: {  	p1 =	sne.s32 s4, s24  }
.Ltmp16:
0x2b3: {  	_ = 	snop;
	(pc) =	sbr.rel @p1 .LBB2_1-.Ltmp16, $3  }
0x2b4: {  	_ =	sdelay $0x1  }
0x2b5: {  	[sflag:s23] =	ssyncset.done $0x0  }
0x2b6: {  	[sflag:s23] =	ssyncadd.s32 $0xFFFF8000  }
0x2b7: {  	_ =	sfence.sel $0x180000  }
0x2b8: {  	[bflag:$0x0] =	sbarrier.arrive $0xFFFF  }
0x2b9: {  	_ =	strace $0x90000047  }
0x2ba: {  	[bflag:$0x2] =	sbarrier.arrive $0xFFFF  }
0x2bb: {  	s0 =	rddreg [dreg:$0x5]  }
0x2bc: {  	s0 =	sadd.s32 @!p0 $0x100000, s0  }
0x2bd: {  	[sflag:s0] =	ssyncadd.tile.s32 @!p0 $0x1;
	_ =	shalt  }
.Lfunc_end2:
_tile_overlayer_lowered:
.L_overlay_start_2:
0x2be: {  	(tag) =	ssettag $0x2  }
0x2bf: {  	s0 =	rddreg [dreg:$0x0];
	s2 =	stileid.u32  }
0x2c0: {  	s1 =	rddreg [dreg:$0x1];
	p0 =	sne.s32 s2, $0x0  }
0x2c1: {  	s3 =	rddreg [dreg:$0x2];
	[bflag:$0x3] =	sbarrier.arrive $0xFFFF;
	s2 =	simm.s32 @!p0 $0x1C05  }
0x2c2: {  	[timem:s3], [sflag:s2] =	dma.local @!p0 [hbm:s0], s1  }
0x2c3: {  	s0 =	simm.s32 @!p0 $0x5  }
0x2c4: {  	_ =	swait.ge @!p0 [sflag:s0], s1  }
0x2c5: {  	s1 =	ssub.s32 @!p0 $0x0, s1;
	[sflag:s0] =	ssyncset.done @!p0 $0x0  }
0x2c6: {  	[sflag:s0] =	ssyncadd.s32 @!p0 s1  }
0x2c7: {  	[bflag:$0x3] =	sbarrier.arrive $0xFFFF  }
0x2c8: {  	_ =	shalt  }

</sc_bundles>
